<compile_context>
chip_gen: v7x
topology: tpu7x:2x2x1
jax: 0.10.2.dev20260603
libtpu: 0.0.44.dev20260713+nightly
codegen_flags: <defaults>
</compile_context>

<pallas_src>
import functools

import jax
import jax.numpy as jnp
from jax import lax
from jax.experimental import pallas as pl
from jax.experimental.pallas import tpu as pltpu
from jax.experimental.pallas import tpu_sc as plsc

N = 10000
E = 320000
D = 128
CHUNK = 128
NC, NS = 2, 16
NJ = 79
NCHUNKP = NC * NS * NJ
EPAD = NCHUNKP * CHUNK - E
NPAD = 10240
DPT = NPAD // NS

BN = 1000
GRID = N // BN

_MESH = plsc.VectorSubcoreMesh(
    core_axis_name="c", subcore_axis_name="s", num_cores=NC, num_subcores=NS)


def _zero_1d(ref, n):
    for j in range(n // 16):
        ref[pl.ds(16 * j, 16)] = jnp.zeros((16,), jnp.float32)


def _deg_body(ei_hbm, out_hbm, idxb, ones_v, zbuf, sem_s, acc):
    c = lax.axis_index("c")
    s = lax.axis_index("s")
    w = c * NS + s
    for j in range(8):
        ones_v[pl.ds(16 * j, 16)] = jnp.ones((16,), jnp.float32)
    _zero_1d(zbuf, DPT)
    pltpu.sync_copy(zbuf, acc.at[pl.ds(s * DPT, DPT)])
    pltpu.sync_copy(ei_hbm.at[pl.ds(w * NJ, NJ)], idxb)
    plsc.subcore_barrier()

    def body(j, carry):
        cp = pltpu.async_copy(ones_v, acc.at[idxb.at[j, 1]], sem_s, add=True)
        return carry

    lax.fori_loop(0, NJ, body, 0)

    def drain(j, carry):
        pltpu.make_async_copy(ones_v, acc.at[idxb.at[j, 1]], sem_s).wait()
        return carry

    lax.fori_loop(0, NJ, drain, 0)
    plsc.subcore_barrier()
    pltpu.sync_copy(acc.at[pl.ds(s * DPT, DPT)],
                    out_hbm.at[c, pl.ds(s * DPT, DPT)])


_deg_call = pl.kernel(
    _deg_body,
    out_type=jax.ShapeDtypeStruct((NC, NPAD), jnp.float32),
    mesh=_MESH,
    scratch_types=[
        pltpu.VMEM((NJ, 2, CHUNK), jnp.int32),
        pltpu.VMEM((CHUNK,), jnp.float32),
        pltpu.VMEM((DPT,), jnp.float32),
        pltpu.SemaphoreType.DMA,
        pltpu.VMEM_SHARED((NPAD,), jnp.float32),
    ],
)


NJ0 = 109
NJ1 = 2 * NJ - NJ0


def _make_agg(ntab, with_flags=False):

    def body(*refs):
        gs = refs[:ntab]
        ei_hbm = refs[ntab]
        out_hbm = refs[ntab + 1]
        idxr, rows, zbuf, sem_i, sem_g, sem_s, acc = refs[ntab + 2:]
        c = lax.axis_index("c")
        s = lax.axis_index("s")
        w = c * NS + s

        def zrow(i, carry):
            for j in range(8):
                zbuf[i, pl.ds(16 * j, 16)] = jnp.zeros((16,), jnp.float32)
            return carry

        lax.fori_loop(0, 64, zrow, 0)

        for t in range(ntab):
            for k in range(DPT // 64):
                pltpu.sync_copy(zbuf, acc.at[pl.ds(s * DPT + k * 64, 64)])
            plsc.subcore_barrier()
            g = gs[t]

            def _sweep(g=g):
                njc = jnp.where(c == 0, NJ0, NJ1)
                cb = jnp.where(c == 0, s, NS * NJ0 + s)
                pltpu.sync_copy(ei_hbm.at[cb], idxr.at[0])
                pltpu.async_copy(g.at[idxr.at[0, 0]], rows.at[0], sem_g)
                pltpu.async_copy(ei_hbm.at[cb + NS], idxr.at[1], sem_i)

                def body_j(j, carry, g=g):
                    b = lax.rem(j, 2)
                    nb = 1 - b
                    sl1 = lax.rem(j + 1, 3)
                    sl2 = lax.rem(j + 2, 3)

                    @pl.when(j + 2 < njc)
                    def _():
                        pltpu.async_copy(
                            ei_hbm.at[cb + NS * (j + 2)], idxr.at[sl2], sem_i)

                    pltpu.make_async_copy(
                        ei_hbm.at[cb + NS * (j + 1)], idxr.at[sl1], sem_i).wait()
                    pltpu.async_copy(g.at[idxr.at[sl1, 0]], rows.at[nb], sem_g)
                    pltpu.make_async_copy(
                        g.at[idxr.at[sl1, 0]], rows.at[b], sem_g).wait()
                    pltpu.sync_copy(
                        rows.at[b], acc.at[idxr.at[lax.rem(j, 3), 1]], add=True)
                    return carry

                lax.fori_loop(0, njc - 1, body_j, 0)
                last = njc - 1
                lb = lax.rem(last, 2)
                slL = lax.rem(last, 3)
                pltpu.make_async_copy(
                    g.at[idxr.at[slL, 0]], rows.at[lb], sem_g).wait()
                pltpu.sync_copy(
                    rows.at[lb], acc.at[idxr.at[slL, 1]], add=True)

            _sweep()
            plsc.subcore_barrier()
            pltpu.sync_copy(acc.at[pl.ds(s * DPT, DPT)],
                            out_hbm.at[t, c, pl.ds(s * DPT, DPT)])
            plsc.subcore_barrier()

    return pl.kernel(
        body,
        out_type=jax.ShapeDtypeStruct((ntab, NC, NPAD, D), jnp.float32),
        mesh=_MESH,
        scratch_types=[
            pltpu.VMEM((3, 2, CHUNK), jnp.int32),
            pltpu.VMEM((2, CHUNK, D), jnp.float32),
            pltpu.VMEM((64, D), jnp.float32),
            pltpu.SemaphoreType.DMA,
            pltpu.SemaphoreType.DMA,
            pltpu.SemaphoreType.DMA,
            pltpu.VMEM_SHARED((NPAD, D), jnp.float32),
        ],
    )


_agg1 = _make_agg(1)
_agg4 = _make_agg(4)

_DOT = dict(preferred_element_type=jnp.float32, precision=lax.Precision.HIGHEST)


def _tc1_body(deg_ref, x_ref, w_ref, b_ref, inv_ref, g1_ref):
    dsum = deg_ref[0] + deg_ref[1] + 1.0
    iv = lax.rsqrt(dsum)
    inv_ref[...] = iv
    hl = jnp.dot(x_ref[...], w_ref[...], **_DOT) + b_ref[...]
    g1_ref[...] = hl * iv


_tc1 = pl.pallas_call(
    _tc1_body,
    grid=(GRID,),
    in_specs=[
        pl.BlockSpec((NC, BN, 1), lambda i: (0, i, 0)),
        pl.BlockSpec((BN, D), lambda i: (i, 0)),
        pl.BlockSpec((D, D), lambda i: (0, 0)),
        pl.BlockSpec((1, D), lambda i: (0, 0)),
    ],
    out_specs=[
        pl.BlockSpec((BN, 1), lambda i: (i, 0)),
        pl.BlockSpec((BN, D), lambda i: (i, 0)),
    ],
    out_shape=[
        jax.ShapeDtypeStruct((N, 1), jnp.float32),
        jax.ShapeDtypeStruct((N, D), jnp.float32),
    ],
)


def _tc2_body(p_ref, g1_ref, inv_ref, w_ref, b_ref, g2_ref, fl_ref):
    i = pl.program_id(0)

    @pl.when(i == 0)
    def _():
        fl_ref[...] = jnp.zeros_like(fl_ref)

    iv = inv_ref[...]
    cur = iv * (p_ref[0] + p_ref[1] + g1_ref[...])
    v = jnp.zeros_like(cur)
    for t in range(4):
        v = v + (cur - v) * 0.5
        sp = (v >= 1.0).astype(jnp.float32)
        v = v - sp
        g2t = (jnp.dot(sp, w_ref[...], **_DOT) + b_ref[...]) * iv
        g2_ref[t] = g2t
        fl_ref[t] = jnp.maximum(fl_ref[t], jnp.max(jnp.abs(g2t)))


_tc2 = pl.pallas_call(
    _tc2_body,
    grid=(GRID,),
    in_specs=[
        pl.BlockSpec((NC, BN, D), lambda i: (0, i, 0)),
        pl.BlockSpec((BN, D), lambda i: (i, 0)),
        pl.BlockSpec((BN, 1), lambda i: (i, 0)),
        pl.BlockSpec((D, D), lambda i: (0, 0)),
        pl.BlockSpec((1, D), lambda i: (0, 0)),
    ],
    out_specs=[
        pl.BlockSpec((4, BN, D), lambda i: (0, i, 0)),
        pl.BlockSpec((4, 8, CHUNK), lambda i: (0, 0, 0)),
    ],
    out_shape=[
        jax.ShapeDtypeStruct((4, N, D), jnp.float32),
        jax.ShapeDtypeStruct((4, 8, CHUNK), jnp.float32),
    ],
)


def _make_tc3(with_pp):
    def body(*refs):
        if with_pp:
            pp_ref, g2_ref, inv_ref, w_ref, b_ref, out_ref = refs
        else:
            g2_ref, inv_ref, w_ref, b_ref, out_ref = refs
        iv = inv_ref[...]
        v = jnp.zeros((BN, D), jnp.float32)
        acc = jnp.zeros((BN, D), jnp.float32)
        for t in range(4):
            if with_pp:
                cur = iv * (pp_ref[t, 0] + pp_ref[t, 1] + g2_ref[t])
            else:
                cur = iv * g2_ref[t]
            v = v + (cur - v) * 0.5
            sp = (v >= 1.0).astype(jnp.float32)
            v = v - sp
            acc = acc + sp
        out_ref[...] = jnp.dot(acc * 0.25, w_ref[...], **_DOT) + b_ref[...]

    in_specs = [
        pl.BlockSpec((4, BN, D), lambda i: (0, i, 0)),
        pl.BlockSpec((BN, 1), lambda i: (i, 0)),
        pl.BlockSpec((D, D), lambda i: (0, 0)),
        pl.BlockSpec((1, D), lambda i: (0, 0)),
    ]
    if with_pp:
        in_specs = [pl.BlockSpec((4, NC, BN, D), lambda i: (0, 0, i, 0))] + in_specs
    return pl.pallas_call(
        body,
        grid=(GRID,),
        in_specs=in_specs,
        out_specs=pl.BlockSpec((BN, D), lambda i: (i, 0)),
        out_shape=jax.ShapeDtypeStruct((N, D), jnp.float32),
    )


_tc3p = _make_tc3(True)
_tc3z = _make_tc3(False)


def kernel(x, edge_index, W0, b0, W1, b1, W_out, b_out):
    srcp = jnp.concatenate(
        [edge_index[0], jnp.zeros((EPAD,), jnp.int32)]).reshape(NCHUNKP, CHUNK)
    pad_dst = N + jax.lax.rem(jnp.arange(EPAD, dtype=jnp.int32), jnp.int32(128))
    dstp = jnp.concatenate(
        [edge_index[1], pad_dst]).reshape(NCHUNKP, CHUNK)
    ei = jnp.stack([srcp, dstp], axis=1)
    degp = _deg_call(ei).reshape(NC, NPAD, 1)
    inv, g1 = _tc1(degp, x, W0, b0.reshape(1, D))
    p1 = _agg1(g1, ei).reshape(NC, NPAD, D)
    g2, fl = _tc2(p1, g1, inv, W1, b1.reshape(1, D))
    bo = b_out.reshape(1, D)

    def _with_spikes():
        pp = _agg4(g2[0], g2[1], g2[2], g2[3], ei)
        return _tc3p(pp, g2, inv, W_out, bo)

    def _no_spikes():
        return _tc3z(g2, inv, W_out, bo)

    return lax.cond(fl[:, 0, 0].max() > 0.0, _with_spikes, _no_spikes)

# --- scband reference (transcript-rebuilt; emitter-appended) ---
"""Pipeline reference for scband-stfn-26465588478208 (READ-ONLY COPY).

The authoritative reference and input builder live on the scoring server;
editing this copy changes nothing except your own understanding.
"""

import jax, jax.numpy as jnp
import numpy as np

N = 10000
E = 320000
D_IN = 128
D_HID = 128
D_OUT = 128
T = 4
NUM_LAYERS = 2
V_TH = 1.0
TAU = 2.0


def setup_inputs(seed: int = 0) -> dict:
    key = jax.random.key(seed)
    ks = jax.random.split(key, 8)
    x = jax.random.normal(ks[0], (N, D_IN), dtype=jnp.float32)
    edge_index = jax.random.randint(ks[1], (2, E), 0, N, dtype=jnp.int32)
    W0 = jax.random.normal(ks[2], (D_IN, D_HID), dtype=jnp.float32) * (1.0 / np.sqrt(D_IN))
    b0 = jnp.zeros((D_HID,), dtype=jnp.float32)
    W1 = jax.random.normal(ks[3], (D_HID, D_HID), dtype=jnp.float32) * (1.0 / np.sqrt(D_HID))
    b1 = jnp.zeros((D_HID,), dtype=jnp.float32)
    W_out = jax.random.normal(ks[4], (D_HID, D_OUT), dtype=jnp.float32) * (1.0 / np.sqrt(D_HID))
    b_out = jnp.zeros((D_OUT,), dtype=jnp.float32)
    return {"x": x, "edge_index": edge_index, "W0": W0, "b0": b0, "W1": W1, "b1": b1, "W_out": W_out, "b_out": b_out}


def _spike(v):
    # surrogate-gradient heaviside (straight-through with sigmoid surrogate)
    sg = jax.nn.sigmoid(4.0 * (v - V_TH))
    hard = (v >= V_TH).astype(v.dtype)
    return sg + jax.lax.stop_gradient(hard - sg)


def reference(x, edge_index, W0, b0, W1, b1, W_out, b_out):
    src = edge_index[0]
    dst = edge_index[1]
    # GCN symmetric normalization with self-loops
    deg = jnp.zeros((N,), dtype=jnp.float32).at[dst].add(1.0) + 1.0
    inv_sqrt = 1.0 / jnp.sqrt(deg)
    enorm = inv_sqrt[src] * inv_sqrt[dst]
    self_norm = (inv_sqrt * inv_sqrt)[:, None]

    def conv(h, W, b):
        hl = h @ W + b
        msgs = hl[src] * enorm[:, None]
        agg = jax.ops.segment_sum(msgs, dst, num_segments=N)
        return agg + hl * self_norm

    Ws = [(W0, b0), (W1, b1)]
    vs = [jnp.zeros((N, D_HID), dtype=jnp.float32) for _ in range(NUM_LAYERS)]
    spike_out = []
    for t in range(T):
        h = x
        new_vs = []
        for (W, b), v in zip(Ws, vs):
            cur = conv(h, W, b)
            # LIF neuron dynamics: v += (input - v)/tau, spike, soft reset
            v = v + (cur - v) / TAU
            s = _spike(v)
            v = v - s * V_TH
            new_vs.append(v)
            h = s
        vs = new_vs
        spike_out.append(h)
    out = jnp.stack(spike_out).mean(axis=0)
    return out @ W_out + b_out

if __name__ == "__main__":
    import jax
    _d = setup_inputs()
    print(jax.jit(kernel)(*tuple(_d.values())))

</pallas_src>

<mosaic_0001>
#map = affine_map<(d0, d1) -> (0, 0)>
#map1 = affine_map<(d0, d1) -> (0, 0, 0)>
#map2 = affine_map<(d0, d1) -> (0, 0, 0, 0)>
module attributes {stable_mosaic.version = 14 : i64} {
  func.func @body(%arg0: i32, %arg1: i32, %arg2: memref<10000x128xf32, #tpu.memory_space<hbm>>, %arg3: memref<2528x2x128xi32, #tpu.memory_space<hbm>>, %arg4: memref<1x2x10240x128xf32, #tpu.memory_space<hbm>>, %arg5: memref<3x2x128xi32, #tpu.memory_space<vmem>>, %arg6: memref<2x128x128xf32, #tpu.memory_space<vmem>>, %arg7: memref<64x128xf32, #tpu.memory_space<vmem>>, %arg8: memref<!tpu.dma_semaphore, #tpu.memory_space<semaphore_mem>>, %arg9: memref<!tpu.dma_semaphore, #tpu.memory_space<semaphore_mem>>, %arg10: memref<!tpu.dma_semaphore, #tpu.memory_space<semaphore_mem>>, %arg11: memref<10240x128xf32, #tpu.memory_space<vmem_shared>>) attributes {dimension_semantics = [#tpu.dimension_semantics<core_parallel>, #tpu.dimension_semantics<subcore_parallel>], iteration_bounds = array<i64: 2, 16>, scalar_prefetch = 0 : i64, scratch_operands = 7 : i64, tpu.core_type = #tpu.core_type<sc_vector_subcore>, window_params = [{transform_indices = #map}, {transform_indices = #map1}, {transform_indices = #map2}]} {
    %mul3A = arith.constant 16 : i32
    %mul3A_0 = arith.muli %arg0, %mul3A : i32
    %add3A = arith.addi %mul3A_0, %arg1 : i32
    %scan3A = arith.constant 0 : i32
    %scan3A_1 = arith.constant 0 : i32
    %scan3A_2 = arith.constant 64 : i32
    %scan3A_3 = arith.addi %scan3A_1, %scan3A_2 : i32
    %scan3A_4 = arith.constant 1 : i32
    scf.for %scan3A_117 = %scan3A_1 to %scan3A_3 step %scan3A_4  : i32 {
      %broadcast_in_dim3A = arith.constant 0.000000e+00 : f32
      %broadcast_in_dim3A_118 = vector.broadcast %broadcast_in_dim3A : f32 to vector<16xf32>
      %swap3A = arith.index_cast %scan3A_117 : i32 to index
      %swap3A_119 = arith.constant 0 : index
      %swap3A_120 = tpu.vector_load %arg7[%swap3A, %swap3A_119] {strides = array<i32>} : memref<64x128xf32, #tpu.memory_space<vmem>>, vector<1x16xf32>,
      %swap3A_121 = vector.shape_cast %swap3A_120 : vector<1x16xf32> to vector<16xf32>
      %swap3A_122 = vector.shape_cast %broadcast_in_dim3A_118 : vector<16xf32> to vector<1x16xf32>
      tpu.vector_store %arg7[%swap3A, %swap3A_119], %swap3A_122 {strides = array<i32>} : memref<64x128xf32, #tpu.memory_space<vmem>>, vector<1x16xf32>,
      %broadcast_in_dim3A_123 = arith.constant 0.000000e+00 : f32
      %broadcast_in_dim3A_124 = vector.broadcast %broadcast_in_dim3A_123 : f32 to vector<16xf32>
      %swap3A_125 = arith.index_cast %scan3A_117 : i32 to index
      %swap3A_126 = arith.constant 16 : index
      %swap3A_127 = tpu.vector_load %arg7[%swap3A_125, %swap3A_126] {strides = array<i32>} : memref<64x128xf32, #tpu.memory_space<vmem>>, vector<1x16xf32>,
      %swap3A_128 = vector.shape_cast %swap3A_127 : vector<1x16xf32> to vector<16xf32>
      %swap3A_129 = vector.shape_cast %broadcast_in_dim3A_124 : vector<16xf32> to vector<1x16xf32>
      tpu.vector_store %arg7[%swap3A_125, %swap3A_126], %swap3A_129 {strides = array<i32>} : memref<64x128xf32, #tpu.memory_space<vmem>>, vector<1x16xf32>,
      %broadcast_in_dim3A_130 = arith.constant 0.000000e+00 : f32
      %broadcast_in_dim3A_131 = vector.broadcast %broadcast_in_dim3A_130 : f32 to vector<16xf32>
      %swap3A_132 = arith.index_cast %scan3A_117 : i32 to index
      %swap3A_133 = arith.constant 32 : index
      %swap3A_134 = tpu.vector_load %arg7[%swap3A_132, %swap3A_133] {strides = array<i32>} : memref<64x128xf32, #tpu.memory_space<vmem>>, vector<1x16xf32>,
      %swap3A_135 = vector.shape_cast %swap3A_134 : vector<1x16xf32> to vector<16xf32>
      %swap3A_136 = vector.shape_cast %broadcast_in_dim3A_131 : vector<16xf32> to vector<1x16xf32>
      tpu.vector_store %arg7[%swap3A_132, %swap3A_133], %swap3A_136 {strides = array<i32>} : memref<64x128xf32, #tpu.memory_space<vmem>>, vector<1x16xf32>,
      %broadcast_in_dim3A_137 = arith.constant 0.000000e+00 : f32
      %broadcast_in_dim3A_138 = vector.broadcast %broadcast_in_dim3A_137 : f32 to vector<16xf32>
      %swap3A_139 = arith.index_cast %scan3A_117 : i32 to index
      %swap3A_140 = arith.constant 48 : index
      %swap3A_141 = tpu.vector_load %arg7[%swap3A_139, %swap3A_140] {strides = array<i32>} : memref<64x128xf32, #tpu.memory_space<vmem>>, vector<1x16xf32>,
      %swap3A_142 = vector.shape_cast %swap3A_141 : vector<1x16xf32> to vector<16xf32>
      %swap3A_143 = vector.shape_cast %broadcast_in_dim3A_138 : vector<16xf32> to vector<1x16xf32>
      tpu.vector_store %arg7[%swap3A_139, %swap3A_140], %swap3A_143 {strides = array<i32>} : memref<64x128xf32, #tpu.memory_space<vmem>>, vector<1x16xf32>,
      %broadcast_in_dim3A_144 = arith.constant 0.000000e+00 : f32
      %broadcast_in_dim3A_145 = vector.broadcast %broadcast_in_dim3A_144 : f32 to vector<16xf32>
      %swap3A_146 = arith.index_cast %scan3A_117 : i32 to index
      %swap3A_147 = arith.constant 64 : index
      %swap3A_148 = tpu.vector_load %arg7[%swap3A_146, %swap3A_147] {strides = array<i32>} : memref<64x128xf32, #tpu.memory_space<vmem>>, vector<1x16xf32>,
      %swap3A_149 = vector.shape_cast %swap3A_148 : vector<1x16xf32> to vector<16xf32>
      %swap3A_150 = vector.shape_cast %broadcast_in_dim3A_145 : vector<16xf32> to vector<1x16xf32>
      tpu.vector_store %arg7[%swap3A_146, %swap3A_147], %swap3A_150 {strides = array<i32>} : memref<64x128xf32, #tpu.memory_space<vmem>>, vector<1x16xf32>,
      %broadcast_in_dim3A_151 = arith.constant 0.000000e+00 : f32
      %broadcast_in_dim3A_152 = vector.broadcast %broadcast_in_dim3A_151 : f32 to vector<16xf32>
      %swap3A_153 = arith.index_cast %scan3A_117 : i32 to index
      %swap3A_154 = arith.constant 80 : index
      %swap3A_155 = tpu.vector_load %arg7[%swap3A_153, %swap3A_154] {strides = array<i32>} : memref<64x128xf32, #tpu.memory_space<vmem>>, vector<1x16xf32>,
      %swap3A_156 = vector.shape_cast %swap3A_155 : vector<1x16xf32> to vector<16xf32>
      %swap3A_157 = vector.shape_cast %broadcast_in_dim3A_152 : vector<16xf32> to vector<1x16xf32>
      tpu.vector_store %arg7[%swap3A_153, %swap3A_154], %swap3A_157 {strides = array<i32>} : memref<64x128xf32, #tpu.memory_space<vmem>>, vector<1x16xf32>,
      %broadcast_in_dim3A_158 = arith.constant 0.000000e+00 : f32
      %broadcast_in_dim3A_159 = vector.broadcast %broadcast_in_dim3A_158 : f32 to vector<16xf32>
      %swap3A_160 = arith.index_cast %scan3A_117 : i32 to index
      %swap3A_161 = arith.constant 96 : index
      %swap3A_162 = tpu.vector_load %arg7[%swap3A_160, %swap3A_161] {strides = array<i32>} : memref<64x128xf32, #tpu.memory_space<vmem>>, vector<1x16xf32>,
      %swap3A_163 = vector.shape_cast %swap3A_162 : vector<1x16xf32> to vector<16xf32>
      %swap3A_164 = vector.shape_cast %broadcast_in_dim3A_159 : vector<16xf32> to vector<1x16xf32>
      tpu.vector_store %arg7[%swap3A_160, %swap3A_161], %swap3A_164 {strides = array<i32>} : memref<64x128xf32, #tpu.memory_space<vmem>>, vector<1x16xf32>,
      %broadcast_in_dim3A_165 = arith.constant 0.000000e+00 : f32
      %broadcast_in_dim3A_166 = vector.broadcast %broadcast_in_dim3A_165 : f32 to vector<16xf32>
      %swap3A_167 = arith.index_cast %scan3A_117 : i32 to index
      %swap3A_168 = arith.constant 112 : index
      %swap3A_169 = tpu.vector_load %arg7[%swap3A_167, %swap3A_168] {strides = array<i32>} : memref<64x128xf32, #tpu.memory_space<vmem>>, vector<1x16xf32>,
      %swap3A_170 = vector.shape_cast %swap3A_169 : vector<1x16xf32> to vector<16xf32>
      %swap3A_171 = vector.shape_cast %broadcast_in_dim3A_166 : vector<16xf32> to vector<1x16xf32>
      tpu.vector_store %arg7[%swap3A_167, %swap3A_168], %swap3A_171 {strides = array<i32>} : memref<64x128xf32, #tpu.memory_space<vmem>>, vector<1x16xf32>,
    }
    %scan3A_5 = arith.constant 64 : i32
    %mul3A_6 = arith.constant 640 : i32
    %mul3A_7 = arith.muli %arg1, %mul3A_6 : i32
    %add3A_8 = arith.constant 0 : i32
    %add3A_9 = arith.addi %mul3A_7, %add3A_8 : i32
    "tpu.region"() ({
      %run_scoped3A_117 = tpu.sem_alloc : memref<!tpu.dma_semaphore, #tpu.memory_space<semaphore_mem>>
      %dma_start3A_118 = arith.constant 0 : i32
      %dma_start3A_119 = tpu.memref_slice %arg11[%add3A_9, %dma_start3A_118] : memref<10240x128xf32, #tpu.memory_space<vmem_shared>> -> memref<64x128xf32, #tpu.memory_space<vmem_shared>>
      %dma_start3A_120 = arith.constant 0 : i32
      %dma_start3A_121 = tpu.memref_slice %arg11[%add3A_9, %dma_start3A_120] : memref<10240x128xf32, #tpu.memory_space<vmem_shared>> -> memref<64x128xf32, #tpu.memory_space<vmem_shared>>
      tpu.enqueue_dma source(%arg7 : memref<64x128xf32, #tpu.memory_space<vmem>>) target(%dma_start3A_121 : memref<64x128xf32, #tpu.memory_space<vmem_shared>>) target_semaphore(%run_scoped3A_117 : memref<!tpu.dma_semaphore, #tpu.memory_space<semaphore_mem>>)
      %dma_wait3A_122 = arith.constant 0 : i32
      %dma_wait3A_123 = tpu.memref_slice %arg11[%add3A_9, %dma_wait3A_122] : memref<10240x128xf32, #tpu.memory_space<vmem_shared>> -> memref<64x128xf32, #tpu.memory_space<vmem_shared>>
      %dma_wait3A_124 = arith.constant 0 : i32
      %dma_wait3A_125 = tpu.memref_slice %arg11[%add3A_9, %dma_wait3A_124] : memref<10240x128xf32, #tpu.memory_space<vmem_shared>> -> memref<64x128xf32, #tpu.memory_space<vmem_shared>>
      tpu.wait_dma2 semaphore(%run_scoped3A_117 : memref<!tpu.dma_semaphore, #tpu.memory_space<semaphore_mem>>) src(%arg7 : memref<64x128xf32, #tpu.memory_space<vmem>>) dst(%dma_wait3A_125 : memref<64x128xf32, #tpu.memory_space<vmem_shared>>)
      tpu.yield
    }) : () -> ()
    %mul3A_10 = arith.constant 640 : i32
    %mul3A_11 = arith.muli %arg1, %mul3A_10 : i32
    %add3A_12 = arith.constant 64 : i32
    %add3A_13 = arith.addi %mul3A_11, %add3A_12 : i32
    "tpu.region"() ({
      %run_scoped3A_117 = tpu.sem_alloc : memref<!tpu.dma_semaphore, #tpu.memory_space<semaphore_mem>>
      %dma_start3A_118 = arith.constant 0 : i32
      %dma_start3A_119 = tpu.memref_slice %arg11[%add3A_13, %dma_start3A_118] : memref<10240x128xf32, #tpu.memory_space<vmem_shared>> -> memref<64x128xf32, #tpu.memory_space<vmem_shared>>
      %dma_start3A_120 = arith.constant 0 : i32
      %dma_start3A_121 = tpu.memref_slice %arg11[%add3A_13, %dma_start3A_120] : memref<10240x128xf32, #tpu.memory_space<vmem_shared>> -> memref<64x128xf32, #tpu.memory_space<vmem_shared>>
      tpu.enqueue_dma source(%arg7 : memref<64x128xf32, #tpu.memory_space<vmem>>) target(%dma_start3A_121 : memref<64x128xf32, #tpu.memory_space<vmem_shared>>) target_semaphore(%run_scoped3A_117 : memref<!tpu.dma_semaphore, #tpu.memory_space<semaphore_mem>>)
      %dma_wait3A_122 = arith.constant 0 : i32
      %dma_wait3A_123 = tpu.memref_slice %arg11[%add3A_13, %dma_wait3A_122] : memref<10240x128xf32, #tpu.memory_space<vmem_shared>> -> memref<64x128xf32, #tpu.memory_space<vmem_shared>>
      %dma_wait3A_124 = arith.constant 0 : i32
      %dma_wait3A_125 = tpu.memref_slice %arg11[%add3A_13, %dma_wait3A_124] : memref<10240x128xf32, #tpu.memory_space<vmem_shared>> -> memref<64x128xf32, #tpu.memory_space<vmem_shared>>
      tpu.wait_dma2 semaphore(%run_scoped3A_117 : memref<!tpu.dma_semaphore, #tpu.memory_space<semaphore_mem>>) src(%arg7 : memref<64x128xf32, #tpu.memory_space<vmem>>) dst(%dma_wait3A_125 : memref<64x128xf32, #tpu.memory_space<vmem_shared>>)
      tpu.yield
    }) : () -> ()
    %mul3A_14 = arith.constant 640 : i32
    %mul3A_15 = arith.muli %arg1, %mul3A_14 : i32
    %add3A_16 = arith.constant 128 : i32
    %add3A_17 = arith.addi %mul3A_15, %add3A_16 : i32
    "tpu.region"() ({
      %run_scoped3A_117 = tpu.sem_alloc : memref<!tpu.dma_semaphore, #tpu.memory_space<semaphore_mem>>
      %dma_start3A_118 = arith.constant 0 : i32
      %dma_start3A_119 = tpu.memref_slice %arg11[%add3A_17, %dma_start3A_118] : memref<10240x128xf32, #tpu.memory_space<vmem_shared>> -> memref<64x128xf32, #tpu.memory_space<vmem_shared>>
      %dma_start3A_120 = arith.constant 0 : i32
      %dma_start3A_121 = tpu.memref_slice %arg11[%add3A_17, %dma_start3A_120] : memref<10240x128xf32, #tpu.memory_space<vmem_shared>> -> memref<64x128xf32, #tpu.memory_space<vmem_shared>>
      tpu.enqueue_dma source(%arg7 : memref<64x128xf32, #tpu.memory_space<vmem>>) target(%dma_start3A_121 : memref<64x128xf32, #tpu.memory_space<vmem_shared>>) target_semaphore(%run_scoped3A_117 : memref<!tpu.dma_semaphore, #tpu.memory_space<semaphore_mem>>)
      %dma_wait3A_122 = arith.constant 0 : i32
      %dma_wait3A_123 = tpu.memref_slice %arg11[%add3A_17, %dma_wait3A_122] : memref<10240x128xf32, #tpu.memory_space<vmem_shared>> -> memref<64x128xf32, #tpu.memory_space<vmem_shared>>
      %dma_wait3A_124 = arith.constant 0 : i32
      %dma_wait3A_125 = tpu.memref_slice %arg11[%add3A_17, %dma_wait3A_124] : memref<10240x128xf32, #tpu.memory_space<vmem_shared>> -> memref<64x128xf32, #tpu.memory_space<vmem_shared>>
      tpu.wait_dma2 semaphore(%run_scoped3A_117 : memref<!tpu.dma_semaphore, #tpu.memory_space<semaphore_mem>>) src(%arg7 : memref<64x128xf32, #tpu.memory_space<vmem>>) dst(%dma_wait3A_125 : memref<64x128xf32, #tpu.memory_space<vmem_shared>>)
      tpu.yield
    }) : () -> ()
    %mul3A_18 = arith.constant 640 : i32
    %mul3A_19 = arith.muli %arg1, %mul3A_18 : i32
    %add3A_20 = arith.constant 192 : i32
    %add3A_21 = arith.addi %mul3A_19, %add3A_20 : i32
    "tpu.region"() ({
      %run_scoped3A_117 = tpu.sem_alloc : memref<!tpu.dma_semaphore, #tpu.memory_space<semaphore_mem>>
      %dma_start3A_118 = arith.constant 0 : i32
      %dma_start3A_119 = tpu.memref_slice %arg11[%add3A_21, %dma_start3A_118] : memref<10240x128xf32, #tpu.memory_space<vmem_shared>> -> memref<64x128xf32, #tpu.memory_space<vmem_shared>>
      %dma_start3A_120 = arith.constant 0 : i32
      %dma_start3A_121 = tpu.memref_slice %arg11[%add3A_21, %dma_start3A_120] : memref<10240x128xf32, #tpu.memory_space<vmem_shared>> -> memref<64x128xf32, #tpu.memory_space<vmem_shared>>
      tpu.enqueue_dma source(%arg7 : memref<64x128xf32, #tpu.memory_space<vmem>>) target(%dma_start3A_121 : memref<64x128xf32, #tpu.memory_space<vmem_shared>>) target_semaphore(%run_scoped3A_117 : memref<!tpu.dma_semaphore, #tpu.memory_space<semaphore_mem>>)
      %dma_wait3A_122 = arith.constant 0 : i32
      %dma_wait3A_123 = tpu.memref_slice %arg11[%add3A_21, %dma_wait3A_122] : memref<10240x128xf32, #tpu.memory_space<vmem_shared>> -> memref<64x128xf32, #tpu.memory_space<vmem_shared>>
      %dma_wait3A_124 = arith.constant 0 : i32
      %dma_wait3A_125 = tpu.memref_slice %arg11[%add3A_21, %dma_wait3A_124] : memref<10240x128xf32, #tpu.memory_space<vmem_shared>> -> memref<64x128xf32, #tpu.memory_space<vmem_shared>>
      tpu.wait_dma2 semaphore(%run_scoped3A_117 : memref<!tpu.dma_semaphore, #tpu.memory_space<semaphore_mem>>) src(%arg7 : memref<64x128xf32, #tpu.memory_space<vmem>>) dst(%dma_wait3A_125 : memref<64x128xf32, #tpu.memory_space<vmem_shared>>)
      tpu.yield
    }) : () -> ()
    %mul3A_22 = arith.constant 640 : i32
    %mul3A_23 = arith.muli %arg1, %mul3A_22 : i32
    %add3A_24 = arith.constant 256 : i32
    %add3A_25 = arith.addi %mul3A_23, %add3A_24 : i32
    "tpu.region"() ({
      %run_scoped3A_117 = tpu.sem_alloc : memref<!tpu.dma_semaphore, #tpu.memory_space<semaphore_mem>>
      %dma_start3A_118 = arith.constant 0 : i32
      %dma_start3A_119 = tpu.memref_slice %arg11[%add3A_25, %dma_start3A_118] : memref<10240x128xf32, #tpu.memory_space<vmem_shared>> -> memref<64x128xf32, #tpu.memory_space<vmem_shared>>
      %dma_start3A_120 = arith.constant 0 : i32
      %dma_start3A_121 = tpu.memref_slice %arg11[%add3A_25, %dma_start3A_120] : memref<10240x128xf32, #tpu.memory_space<vmem_shared>> -> memref<64x128xf32, #tpu.memory_space<vmem_shared>>
      tpu.enqueue_dma source(%arg7 : memref<64x128xf32, #tpu.memory_space<vmem>>) target(%dma_start3A_121 : memref<64x128xf32, #tpu.memory_space<vmem_shared>>) target_semaphore(%run_scoped3A_117 : memref<!tpu.dma_semaphore, #tpu.memory_space<semaphore_mem>>)
      %dma_wait3A_122 = arith.constant 0 : i32
      %dma_wait3A_123 = tpu.memref_slice %arg11[%add3A_25, %dma_wait3A_122] : memref<10240x128xf32, #tpu.memory_space<vmem_shared>> -> memref<64x128xf32, #tpu.memory_space<vmem_shared>>
      %dma_wait3A_124 = arith.constant 0 : i32
      %dma_wait3A_125 = tpu.memref_slice %arg11[%add3A_25, %dma_wait3A_124] : memref<10240x128xf32, #tpu.memory_space<vmem_shared>> -> memref<64x128xf32, #tpu.memory_space<vmem_shared>>
      tpu.wait_dma2 semaphore(%run_scoped3A_117 : memref<!tpu.dma_semaphore, #tpu.memory_space<semaphore_mem>>) src(%arg7 : memref<64x128xf32, #tpu.memory_space<vmem>>) dst(%dma_wait3A_125 : memref<64x128xf32, #tpu.memory_space<vmem_shared>>)
      tpu.yield
    }) : () -> ()
    %mul3A_26 = arith.constant 640 : i32
    %mul3A_27 = arith.muli %arg1, %mul3A_26 : i32
    %add3A_28 = arith.constant 320 : i32
    %add3A_29 = arith.addi %mul3A_27, %add3A_28 : i32
    "tpu.region"() ({
      %run_scoped3A_117 = tpu.sem_alloc : memref<!tpu.dma_semaphore, #tpu.memory_space<semaphore_mem>>
      %dma_start3A_118 = arith.constant 0 : i32
      %dma_start3A_119 = tpu.memref_slice %arg11[%add3A_29, %dma_start3A_118] : memref<10240x128xf32, #tpu.memory_space<vmem_shared>> -> memref<64x128xf32, #tpu.memory_space<vmem_shared>>
      %dma_start3A_120 = arith.constant 0 : i32
      %dma_start3A_121 = tpu.memref_slice %arg11[%add3A_29, %dma_start3A_120] : memref<10240x128xf32, #tpu.memory_space<vmem_shared>> -> memref<64x128xf32, #tpu.memory_space<vmem_shared>>
      tpu.enqueue_dma source(%arg7 : memref<64x128xf32, #tpu.memory_space<vmem>>) target(%dma_start3A_121 : memref<64x128xf32, #tpu.memory_space<vmem_shared>>) target_semaphore(%run_scoped3A_117 : memref<!tpu.dma_semaphore, #tpu.memory_space<semaphore_mem>>)
      %dma_wait3A_122 = arith.constant 0 : i32
      %dma_wait3A_123 = tpu.memref_slice %arg11[%add3A_29, %dma_wait3A_122] : memref<10240x128xf32, #tpu.memory_space<vmem_shared>> -> memref<64x128xf32, #tpu.memory_space<vmem_shared>>
      %dma_wait3A_124 = arith.constant 0 : i32
      %dma_wait3A_125 = tpu.memref_slice %arg11[%add3A_29, %dma_wait3A_124] : memref<10240x128xf32, #tpu.memory_space<vmem_shared>> -> memref<64x128xf32, #tpu.memory_space<vmem_shared>>
      tpu.wait_dma2 semaphore(%run_scoped3A_117 : memref<!tpu.dma_semaphore, #tpu.memory_space<semaphore_mem>>) src(%arg7 : memref<64x128xf32, #tpu.memory_space<vmem>>) dst(%dma_wait3A_125 : memref<64x128xf32, #tpu.memory_space<vmem_shared>>)
      tpu.yield
    }) : () -> ()
    %mul3A_30 = arith.constant 640 : i32
    %mul3A_31 = arith.muli %arg1, %mul3A_30 : i32
    %add3A_32 = arith.constant 384 : i32
    %add3A_33 = arith.addi %mul3A_31, %add3A_32 : i32
    "tpu.region"() ({
      %run_scoped3A_117 = tpu.sem_alloc : memref<!tpu.dma_semaphore, #tpu.memory_space<semaphore_mem>>
      %dma_start3A_118 = arith.constant 0 : i32
      %dma_start3A_119 = tpu.memref_slice %arg11[%add3A_33, %dma_start3A_118] : memref<10240x128xf32, #tpu.memory_space<vmem_shared>> -> memref<64x128xf32, #tpu.memory_space<vmem_shared>>
      %dma_start3A_120 = arith.constant 0 : i32
      %dma_start3A_121 = tpu.memref_slice %arg11[%add3A_33, %dma_start3A_120] : memref<10240x128xf32, #tpu.memory_space<vmem_shared>> -> memref<64x128xf32, #tpu.memory_space<vmem_shared>>
      tpu.enqueue_dma source(%arg7 : memref<64x128xf32, #tpu.memory_space<vmem>>) target(%dma_start3A_121 : memref<64x128xf32, #tpu.memory_space<vmem_shared>>) target_semaphore(%run_scoped3A_117 : memref<!tpu.dma_semaphore, #tpu.memory_space<semaphore_mem>>)
      %dma_wait3A_122 = arith.constant 0 : i32
      %dma_wait3A_123 = tpu.memref_slice %arg11[%add3A_33, %dma_wait3A_122] : memref<10240x128xf32, #tpu.memory_space<vmem_shared>> -> memref<64x128xf32, #tpu.memory_space<vmem_shared>>
      %dma_wait3A_124 = arith.constant 0 : i32
      %dma_wait3A_125 = tpu.memref_slice %arg11[%add3A_33, %dma_wait3A_124] : memref<10240x128xf32, #tpu.memory_space<vmem_shared>> -> memref<64x128xf32, #tpu.memory_space<vmem_shared>>
      tpu.wait_dma2 semaphore(%run_scoped3A_117 : memref<!tpu.dma_semaphore, #tpu.memory_space<semaphore_mem>>) src(%arg7 : memref<64x128xf32, #tpu.memory_space<vmem>>) dst(%dma_wait3A_125 : memref<64x128xf32, #tpu.memory_space<vmem_shared>>)
      tpu.yield
    }) : () -> ()
    %mul3A_34 = arith.constant 640 : i32
    %mul3A_35 = arith.muli %arg1, %mul3A_34 : i32
    %add3A_36 = arith.constant 448 : i32
    %add3A_37 = arith.addi %mul3A_35, %add3A_36 : i32
    "tpu.region"() ({
      %run_scoped3A_117 = tpu.sem_alloc : memref<!tpu.dma_semaphore, #tpu.memory_space<semaphore_mem>>
      %dma_start3A_118 = arith.constant 0 : i32
      %dma_start3A_119 = tpu.memref_slice %arg11[%add3A_37, %dma_start3A_118] : memref<10240x128xf32, #tpu.memory_space<vmem_shared>> -> memref<64x128xf32, #tpu.memory_space<vmem_shared>>
      %dma_start3A_120 = arith.constant 0 : i32
      %dma_start3A_121 = tpu.memref_slice %arg11[%add3A_37, %dma_start3A_120] : memref<10240x128xf32, #tpu.memory_space<vmem_shared>> -> memref<64x128xf32, #tpu.memory_space<vmem_shared>>
      tpu.enqueue_dma source(%arg7 : memref<64x128xf32, #tpu.memory_space<vmem>>) target(%dma_start3A_121 : memref<64x128xf32, #tpu.memory_space<vmem_shared>>) target_semaphore(%run_scoped3A_117 : memref<!tpu.dma_semaphore, #tpu.memory_space<semaphore_mem>>)
      %dma_wait3A_122 = arith.constant 0 : i32
      %dma_wait3A_123 = tpu.memref_slice %arg11[%add3A_37, %dma_wait3A_122] : memref<10240x128xf32, #tpu.memory_space<vmem_shared>> -> memref<64x128xf32, #tpu.memory_space<vmem_shared>>
      %dma_wait3A_124 = arith.constant 0 : i32
      %dma_wait3A_125 = tpu.memref_slice %arg11[%add3A_37, %dma_wait3A_124] : memref<10240x128xf32, #tpu.memory_space<vmem_shared>> -> memref<64x128xf32, #tpu.memory_space<vmem_shared>>
      tpu.wait_dma2 semaphore(%run_scoped3A_117 : memref<!tpu.dma_semaphore, #tpu.memory_space<semaphore_mem>>) src(%arg7 : memref<64x128xf32, #tpu.memory_space<vmem>>) dst(%dma_wait3A_125 : memref<64x128xf32, #tpu.memory_space<vmem_shared>>)
      tpu.yield
    }) : () -> ()
    %mul3A_38 = arith.constant 640 : i32
    %mul3A_39 = arith.muli %arg1, %mul3A_38 : i32
    %add3A_40 = arith.constant 512 : i32
    %add3A_41 = arith.addi %mul3A_39, %add3A_40 : i32
    "tpu.region"() ({
      %run_scoped3A_117 = tpu.sem_alloc : memref<!tpu.dma_semaphore, #tpu.memory_space<semaphore_mem>>
      %dma_start3A_118 = arith.constant 0 : i32
      %dma_start3A_119 = tpu.memref_slice %arg11[%add3A_41, %dma_start3A_118] : memref<10240x128xf32, #tpu.memory_space<vmem_shared>> -> memref<64x128xf32, #tpu.memory_space<vmem_shared>>
      %dma_start3A_120 = arith.constant 0 : i32
      %dma_start3A_121 = tpu.memref_slice %arg11[%add3A_41, %dma_start3A_120] : memref<10240x128xf32, #tpu.memory_space<vmem_shared>> -> memref<64x128xf32, #tpu.memory_space<vmem_shared>>
      tpu.enqueue_dma source(%arg7 : memref<64x128xf32, #tpu.memory_space<vmem>>) target(%dma_start3A_121 : memref<64x128xf32, #tpu.memory_space<vmem_shared>>) target_semaphore(%run_scoped3A_117 : memref<!tpu.dma_semaphore, #tpu.memory_space<semaphore_mem>>)
      %dma_wait3A_122 = arith.constant 0 : i32
      %dma_wait3A_123 = tpu.memref_slice %arg11[%add3A_41, %dma_wait3A_122] : memref<10240x128xf32, #tpu.memory_space<vmem_shared>> -> memref<64x128xf32, #tpu.memory_space<vmem_shared>>
      %dma_wait3A_124 = arith.constant 0 : i32
      %dma_wait3A_125 = tpu.memref_slice %arg11[%add3A_41, %dma_wait3A_124] : memref<10240x128xf32, #tpu.memory_space<vmem_shared>> -> memref<64x128xf32, #tpu.memory_space<vmem_shared>>
      tpu.wait_dma2 semaphore(%run_scoped3A_117 : memref<!tpu.dma_semaphore, #tpu.memory_space<semaphore_mem>>) src(%arg7 : memref<64x128xf32, #tpu.memory_space<vmem>>) dst(%dma_wait3A_125 : memref<64x128xf32, #tpu.memory_space<vmem_shared>>)
      tpu.yield
    }) : () -> ()
    %mul3A_42 = arith.constant 640 : i32
    %mul3A_43 = arith.muli %arg1, %mul3A_42 : i32
    %add3A_44 = arith.constant 576 : i32
    %add3A_45 = arith.addi %mul3A_43, %add3A_44 : i32
    "tpu.region"() ({
      %run_scoped3A_117 = tpu.sem_alloc : memref<!tpu.dma_semaphore, #tpu.memory_space<semaphore_mem>>
      %dma_start3A_118 = arith.constant 0 : i32
      %dma_start3A_119 = tpu.memref_slice %arg11[%add3A_45, %dma_start3A_118] : memref<10240x128xf32, #tpu.memory_space<vmem_shared>> -> memref<64x128xf32, #tpu.memory_space<vmem_shared>>
      %dma_start3A_120 = arith.constant 0 : i32
      %dma_start3A_121 = tpu.memref_slice %arg11[%add3A_45, %dma_start3A_120] : memref<10240x128xf32, #tpu.memory_space<vmem_shared>> -> memref<64x128xf32, #tpu.memory_space<vmem_shared>>
      tpu.enqueue_dma source(%arg7 : memref<64x128xf32, #tpu.memory_space<vmem>>) target(%dma_start3A_121 : memref<64x128xf32, #tpu.memory_space<vmem_shared>>) target_semaphore(%run_scoped3A_117 : memref<!tpu.dma_semaphore, #tpu.memory_space<semaphore_mem>>)
      %dma_wait3A_122 = arith.constant 0 : i32
      %dma_wait3A_123 = tpu.memref_slice %arg11[%add3A_45, %dma_wait3A_122] : memref<10240x128xf32, #tpu.memory_space<vmem_shared>> -> memref<64x128xf32, #tpu.memory_space<vmem_shared>>
      %dma_wait3A_124 = arith.constant 0 : i32
      %dma_wait3A_125 = tpu.memref_slice %arg11[%add3A_45, %dma_wait3A_124] : memref<10240x128xf32, #tpu.memory_space<vmem_shared>> -> memref<64x128xf32, #tpu.memory_space<vmem_shared>>
      tpu.wait_dma2 semaphore(%run_scoped3A_117 : memref<!tpu.dma_semaphore, #tpu.memory_space<semaphore_mem>>) src(%arg7 : memref<64x128xf32, #tpu.memory_space<vmem>>) dst(%dma_wait3A_125 : memref<64x128xf32, #tpu.memory_space<vmem_shared>>)
      tpu.yield
    }) : () -> ()
    %barrier3A = arith.constant 0 : index
    tpu.barrier barrier_id(%barrier3A)
    %eq3A = arith.constant 0 : i32
    %eq3A_46 = arith.cmpi eq, %arg0, %eq3A : i32
    %jit3A = arith.constant 109 : i32
    %jit3A_47 = arith.constant 49 : i32
    %select_n3A = arith.select %eq3A_46, %jit3A, %jit3A_47 : i32
    %eq3A_48 = arith.constant 0 : i32
    %eq3A_49 = arith.cmpi eq, %arg0, %eq3A_48 : i32
    %add3A_50 = arith.constant 1744 : i32
    %add3A_51 = arith.addi %add3A_50, %arg1 : i32
    %select_n3A_52 = arith.select %eq3A_49, %arg1, %add3A_51 : i32
    %run_scoped3A = arith.constant 0 : i32
    "tpu.region"() ({
      %run_scoped3A_117 = tpu.sem_alloc : memref<!tpu.dma_semaphore, #tpu.memory_space<semaphore_mem>>
      %dma_start3A_118 = arith.constant 0 : i32
      %dma_start3A_119 = arith.constant 0 : i32
      %dma_start3A_120 = tpu.memref_slice %arg5[%run_scoped3A, %dma_start3A_118, %dma_start3A_119] : memref<3x2x128xi32, #tpu.memory_space<vmem>> -> memref<1x2x128xi32, #tpu.memory_space<vmem>>
      %dma_start3A_121 = tpu.memref_squeeze %dma_start3A_120 : memref<1x2x128xi32, #tpu.memory_space<vmem>> -> memref<2x128xi32, #tpu.memory_space<vmem>>
      %dma_start3A_122 = arith.constant 0 : i32
      %dma_start3A_123 = arith.constant 0 : i32
      %dma_start3A_124 = tpu.memref_slice %arg3[%select_n3A_52, %dma_start3A_122, %dma_start3A_123] : memref<2528x2x128xi32, #tpu.memory_space<hbm>> -> memref<1x2x128xi32, #tpu.memory_space<hbm>>
      %dma_start3A_125 = tpu.memref_squeeze %dma_start3A_124 : memref<1x2x128xi32, #tpu.memory_space<hbm>> -> memref<2x128xi32, #tpu.memory_space<hbm>>
      %dma_start3A_126 = arith.constant 0 : i32
      %dma_start3A_127 = arith.constant 0 : i32
      %dma_start3A_128 = tpu.memref_slice %arg5[%run_scoped3A, %dma_start3A_126, %dma_start3A_127] : memref<3x2x128xi32, #tpu.memory_space<vmem>> -> memref<1x2x128xi32, #tpu.memory_space<vmem>>
      %dma_start3A_129 = tpu.memref_squeeze %dma_start3A_128 : memref<1x2x128xi32, #tpu.memory_space<vmem>> -> memref<2x128xi32, #tpu.memory_space<vmem>>
      %dma_start3A_130 = arith.constant 0 : i32
      %dma_start3A_131 = arith.constant 0 : i32
      %dma_start3A_132 = tpu.memref_slice %arg3[%select_n3A_52, %dma_start3A_130, %dma_start3A_131] : memref<2528x2x128xi32, #tpu.memory_space<hbm>> -> memref<1x2x128xi32, #tpu.memory_space<hbm>>
      %dma_start3A_133 = tpu.memref_squeeze %dma_start3A_132 : memref<1x2x128xi32, #tpu.memory_space<hbm>> -> memref<2x128xi32, #tpu.memory_space<hbm>>
      tpu.enqueue_dma source(%dma_start3A_133 : memref<2x128xi32, #tpu.memory_space<hbm>>) target(%dma_start3A_129 : memref<2x128xi32, #tpu.memory_space<vmem>>) target_semaphore(%run_scoped3A_117 : memref<!tpu.dma_semaphore, #tpu.memory_space<semaphore_mem>>)
      %dma_wait3A_134 = arith.constant 0 : i32
      %dma_wait3A_135 = arith.constant 0 : i32
      %dma_wait3A_136 = tpu.memref_slice %arg5[%run_scoped3A, %dma_wait3A_134, %dma_wait3A_135] : memref<3x2x128xi32, #tpu.memory_space<vmem>> -> memref<1x2x128xi32, #tpu.memory_space<vmem>>
      %dma_wait3A_137 = tpu.memref_squeeze %dma_wait3A_136 : memref<1x2x128xi32, #tpu.memory_space<vmem>> -> memref<2x128xi32, #tpu.memory_space<vmem>>
      %dma_wait3A_138 = arith.constant 0 : i32
      %dma_wait3A_139 = arith.constant 0 : i32
      %dma_wait3A_140 = tpu.memref_slice %arg3[%select_n3A_52, %dma_wait3A_138, %dma_wait3A_139] : memref<2528x2x128xi32, #tpu.memory_space<hbm>> -> memref<1x2x128xi32, #tpu.memory_space<hbm>>
      %dma_wait3A_141 = tpu.memref_squeeze %dma_wait3A_140 : memref<1x2x128xi32, #tpu.memory_space<hbm>> -> memref<2x128xi32, #tpu.memory_space<hbm>>
      %dma_wait3A_142 = arith.constant 0 : i32
      %dma_wait3A_143 = arith.constant 0 : i32
      %dma_wait3A_144 = tpu.memref_slice %arg5[%run_scoped3A, %dma_wait3A_142, %dma_wait3A_143] : memref<3x2x128xi32, #tpu.memory_space<vmem>> -> memref<1x2x128xi32, #tpu.memory_space<vmem>>
      %dma_wait3A_145 = tpu.memref_squeeze %dma_wait3A_144 : memref<1x2x128xi32, #tpu.memory_space<vmem>> -> memref<2x128xi32, #tpu.memory_space<vmem>>
      %dma_wait3A_146 = arith.constant 0 : i32
      %dma_wait3A_147 = arith.constant 0 : i32
      %dma_wait3A_148 = tpu.memref_slice %arg3[%select_n3A_52, %dma_wait3A_146, %dma_wait3A_147] : memref<2528x2x128xi32, #tpu.memory_space<hbm>> -> memref<1x2x128xi32, #tpu.memory_space<hbm>>
      %dma_wait3A_149 = tpu.memref_squeeze %dma_wait3A_148 : memref<1x2x128xi32, #tpu.memory_space<hbm>> -> memref<2x128xi32, #tpu.memory_space<hbm>>
      tpu.wait_dma2 semaphore(%run_scoped3A_117 : memref<!tpu.dma_semaphore, #tpu.memory_space<semaphore_mem>>) src(%dma_wait3A_149 : memref<2x128xi32, #tpu.memory_space<hbm>>) dst(%dma_wait3A_145 : memref<2x128xi32, #tpu.memory_space<vmem>>)
      tpu.yield
    }) : () -> ()
    %dma_start3A = arith.constant 0 : i32
    %dma_start3A_53 = arith.constant 0 : i32
    %dma_start3A_54 = arith.constant 0 : i32
    %dma_start3A_55 = arith.constant 0 : i32
    %dma_start3A_56 = arith.constant 0 : i32
    %dma_start3A_57 = tpu.memref_slice %arg6[%dma_start3A_54, %dma_start3A_55, %dma_start3A_56] : memref<2x128x128xf32, #tpu.memory_space<vmem>> -> memref<1x128x128xf32, #tpu.memory_space<vmem>>
    %dma_start3A_58 = tpu.memref_squeeze %dma_start3A_57 : memref<1x128x128xf32, #tpu.memory_space<vmem>> -> memref<128x128xf32, #tpu.memory_space<vmem>>
    %dma_start3A_59 = arith.constant 0 : i32
    %dma_start3A_60 = tpu.memref_slice %arg5[%dma_start3A, %dma_start3A_53, %dma_start3A_59] : memref<3x2x128xi32, #tpu.memory_space<vmem>> -> memref<1x1x128xi32, #tpu.memory_space<vmem>>
    %dma_start3A_61 = tpu.memref_squeeze %dma_start3A_60 : memref<1x1x128xi32, #tpu.memory_space<vmem>> -> memref<128xi32, #tpu.memory_space<vmem>>
    %dma_start3A_62 = arith.constant 0 : i32
    %dma_start3A_63 = arith.constant 0 : i32
    %dma_start3A_64 = tpu.memref_slice %arg2[%dma_start3A_62, %dma_start3A_63] : memref<10000x128xf32, #tpu.memory_space<hbm>> -> memref<10000x128xf32, #tpu.memory_space<hbm>>
    tpu.enqueue_indirect_dma source(%dma_start3A_64 : memref<10000x128xf32, #tpu.memory_space<hbm>>) target(%dma_start3A_58 : memref<128x128xf32, #tpu.memory_space<vmem>>) offsets(%dma_start3A_61 : memref<128xi32, #tpu.memory_space<vmem>>) semaphore(%arg9 : memref<!tpu.dma_semaphore, #tpu.memory_space<semaphore_mem>>)
    %add3A_65 = arith.constant 16 : i32
    %add3A_66 = arith.addi %select_n3A_52, %add3A_65 : i32
    %dma_start3A_67 = arith.constant 1 : i32
    %dma_start3A_68 = arith.constant 0 : i32
    %dma_start3A_69 = arith.constant 0 : i32
    %dma_start3A_70 = tpu.memref_slice %arg5[%dma_start3A_67, %dma_start3A_68, %dma_start3A_69] : memref<3x2x128xi32, #tpu.memory_space<vmem>> -> memref<1x2x128xi32, #tpu.memory_space<vmem>>
    %dma_start3A_71 = tpu.memref_squeeze %dma_start3A_70 : memref<1x2x128xi32, #tpu.memory_space<vmem>> -> memref<2x128xi32, #tpu.memory_space<vmem>>
    %dma_start3A_72 = arith.constant 0 : i32
    %dma_start3A_73 = arith.constant 0 : i32
    %dma_start3A_74 = tpu.memref_slice %arg3[%add3A_66, %dma_start3A_72, %dma_start3A_73] : memref<2528x2x128xi32, #tpu.memory_space<hbm>> -> memref<1x2x128xi32, #tpu.memory_space<hbm>>
    %dma_start3A_75 = tpu.memref_squeeze %dma_start3A_74 : memref<1x2x128xi32, #tpu.memory_space<hbm>> -> memref<2x128xi32, #tpu.memory_space<hbm>>
    %dma_start3A_76 = arith.constant 0 : i32
    %dma_start3A_77 = arith.constant 0 : i32
    %dma_start3A_78 = tpu.memref_slice %arg5[%dma_start3A_67, %dma_start3A_76, %dma_start3A_77] : memref<3x2x128xi32, #tpu.memory_space<vmem>> -> memref<1x2x128xi32, #tpu.memory_space<vmem>>
    %dma_start3A_79 = tpu.memref_squeeze %dma_start3A_78 : memref<1x2x128xi32, #tpu.memory_space<vmem>> -> memref<2x128xi32, #tpu.memory_space<vmem>>
    %dma_start3A_80 = arith.constant 0 : i32
    %dma_start3A_81 = arith.constant 0 : i32
    %dma_start3A_82 = tpu.memref_slice %arg3[%add3A_66, %dma_start3A_80, %dma_start3A_81] : memref<2528x2x128xi32, #tpu.memory_space<hbm>> -> memref<1x2x128xi32, #tpu.memory_space<hbm>>
    %dma_start3A_83 = tpu.memref_squeeze %dma_start3A_82 : memref<1x2x128xi32, #tpu.memory_space<hbm>> -> memref<2x128xi32, #tpu.memory_space<hbm>>
    tpu.enqueue_dma source(%dma_start3A_83 : memref<2x128xi32, #tpu.memory_space<hbm>>) target(%dma_start3A_79 : memref<2x128xi32, #tpu.memory_space<vmem>>) target_semaphore(%arg8 : memref<!tpu.dma_semaphore, #tpu.memory_space<semaphore_mem>>)
    %sub3A = arith.constant 1 : i32
    %sub3A_84 = arith.subi %select_n3A, %sub3A : i32
    %while3A = arith.constant 0 : i32
    %while3A_85 = arith.constant 0 : i32
    %while3A_86 = arith.subi %sub3A_84, %while3A_85 : i32
    %while3A_87 = arith.addi %while3A_85, %while3A_86 : i32
    %while3A_88 = arith.constant 1 : i32
    %while3A_89 = arith.divsi %while3A_86, %while3A_88 : i32
    %while3A_90 = arith.muli %while3A_89, %while3A_88 : i32
    %while3A_91 = arith.addi %while3A_85, %while3A_90 : i32
    %while3A_92 = arith.constant 1 : i32
    scf.for %while3A_117 = %while3A_85 to %while3A_91 step %while3A_92  : i32 {
      %rem3A_118 = arith.constant 2 : i32
      %rem3A_119 = arith.remsi %while3A_117, %rem3A_118 : i32
      %sub3A_120 = arith.constant 1 : i32
      %sub3A_121 = arith.subi %sub3A_120, %rem3A_119 : i32
      %add3A_122 = arith.constant 1 : i32
      %add3A_123 = arith.addi %while3A_117, %add3A_122 : i32
      %rem3A_124 = arith.constant 3 : i32
      %rem3A_125 = arith.remsi %add3A_123, %rem3A_124 : i32
      %add3A_126 = arith.constant 2 : i32
      %add3A_127 = arith.addi %while3A_117, %add3A_126 : i32
      %rem3A_128 = arith.constant 3 : i32
      %rem3A_129 = arith.remsi %add3A_127, %rem3A_128 : i32
      %add3A_130 = arith.constant 2 : i32
      %add3A_131 = arith.addi %while3A_117, %add3A_130 : i32
      %lt3A = arith.cmpi slt, %add3A_131, %select_n3A : i32
      %convert_element_type3A = arith.extui %lt3A : i1 to i32
      %cond3A = arith.constant 0 : i32
      %cond3A_132 = arith.cmpi ne, %convert_element_type3A, %cond3A : i32
      scf.if %cond3A_132 {
        %add3A_179 = arith.constant 2 : i32
        %add3A_180 = arith.addi %while3A_117, %add3A_179 : i32
        %mul3A_181 = arith.constant 16 : i32
        %mul3A_182 = arith.muli %mul3A_181, %add3A_180 : i32
        %add3A_183 = arith.addi %select_n3A_52, %mul3A_182 : i32
        %dma_start3A_184 = arith.constant 0 : i32
        %dma_start3A_185 = arith.constant 0 : i32
        %dma_start3A_186 = tpu.memref_slice %arg5[%rem3A_129, %dma_start3A_184, %dma_start3A_185] : memref<3x2x128xi32, #tpu.memory_space<vmem>> -> memref<1x2x128xi32, #tpu.memory_space<vmem>>
        %dma_start3A_187 = tpu.memref_squeeze %dma_start3A_186 : memref<1x2x128xi32, #tpu.memory_space<vmem>> -> memref<2x128xi32, #tpu.memory_space<vmem>>
        %dma_start3A_188 = arith.constant 0 : i32
        %dma_start3A_189 = arith.constant 0 : i32
        %dma_start3A_190 = tpu.memref_slice %arg3[%add3A_183, %dma_start3A_188, %dma_start3A_189] : memref<2528x2x128xi32, #tpu.memory_space<hbm>> -> memref<1x2x128xi32, #tpu.memory_space<hbm>>
        %dma_start3A_191 = tpu.memref_squeeze %dma_start3A_190 : memref<1x2x128xi32, #tpu.memory_space<hbm>> -> memref<2x128xi32, #tpu.memory_space<hbm>>
        %dma_start3A_192 = arith.constant 0 : i32
        %dma_start3A_193 = arith.constant 0 : i32
        %dma_start3A_194 = tpu.memref_slice %arg5[%rem3A_129, %dma_start3A_192, %dma_start3A_193] : memref<3x2x128xi32, #tpu.memory_space<vmem>> -> memref<1x2x128xi32, #tpu.memory_space<vmem>>
        %dma_start3A_195 = tpu.memref_squeeze %dma_start3A_194 : memref<1x2x128xi32, #tpu.memory_space<vmem>> -> memref<2x128xi32, #tpu.memory_space<vmem>>
        %dma_start3A_196 = arith.constant 0 : i32
        %dma_start3A_197 = arith.constant 0 : i32
        %dma_start3A_198 = tpu.memref_slice %arg3[%add3A_183, %dma_start3A_196, %dma_start3A_197] : memref<2528x2x128xi32, #tpu.memory_space<hbm>> -> memref<1x2x128xi32, #tpu.memory_space<hbm>>
        %dma_start3A_199 = tpu.memref_squeeze %dma_start3A_198 : memref<1x2x128xi32, #tpu.memory_space<hbm>> -> memref<2x128xi32, #tpu.memory_space<hbm>>
        tpu.enqueue_dma source(%dma_start3A_199 : memref<2x128xi32, #tpu.memory_space<hbm>>) target(%dma_start3A_195 : memref<2x128xi32, #tpu.memory_space<vmem>>) target_semaphore(%arg8 : memref<!tpu.dma_semaphore, #tpu.memory_space<semaphore_mem>>)
      } else {
      }
      %add3A_133 = arith.constant 1 : i32
      %add3A_134 = arith.addi %while3A_117, %add3A_133 : i32
      %mul3A_135 = arith.constant 16 : i32
      %mul3A_136 = arith.muli %mul3A_135, %add3A_134 : i32
      %add3A_137 = arith.addi %select_n3A_52, %mul3A_136 : i32
      %dma_wait3A_138 = arith.constant 0 : i32
      %dma_wait3A_139 = arith.constant 0 : i32
      %dma_wait3A_140 = tpu.memref_slice %arg5[%rem3A_125, %dma_wait3A_138, %dma_wait3A_139] : memref<3x2x128xi32, #tpu.memory_space<vmem>> -> memref<1x2x128xi32, #tpu.memory_space<vmem>>
      %dma_wait3A_141 = tpu.memref_squeeze %dma_wait3A_140 : memref<1x2x128xi32, #tpu.memory_space<vmem>> -> memref<2x128xi32, #tpu.memory_space<vmem>>
      %dma_wait3A_142 = arith.constant 0 : i32
      %dma_wait3A_143 = arith.constant 0 : i32
      %dma_wait3A_144 = tpu.memref_slice %arg3[%add3A_137, %dma_wait3A_142, %dma_wait3A_143] : memref<2528x2x128xi32, #tpu.memory_space<hbm>> -> memref<1x2x128xi32, #tpu.memory_space<hbm>>
      %dma_wait3A_145 = tpu.memref_squeeze %dma_wait3A_144 : memref<1x2x128xi32, #tpu.memory_space<hbm>> -> memref<2x128xi32, #tpu.memory_space<hbm>>
      %dma_wait3A_146 = arith.constant 0 : i32
      %dma_wait3A_147 = arith.constant 0 : i32
      %dma_wait3A_148 = tpu.memref_slice %arg5[%rem3A_125, %dma_wait3A_146, %dma_wait3A_147] : memref<3x2x128xi32, #tpu.memory_space<vmem>> -> memref<1x2x128xi32, #tpu.memory_space<vmem>>
      %dma_wait3A_149 = tpu.memref_squeeze %dma_wait3A_148 : memref<1x2x128xi32, #tpu.memory_space<vmem>> -> memref<2x128xi32, #tpu.memory_space<vmem>>
      %dma_wait3A_150 = arith.constant 0 : i32
      %dma_wait3A_151 = arith.constant 0 : i32
      %dma_wait3A_152 = tpu.memref_slice %arg3[%add3A_137, %dma_wait3A_150, %dma_wait3A_151] : memref<2528x2x128xi32, #tpu.memory_space<hbm>> -> memref<1x2x128xi32, #tpu.memory_space<hbm>>
      %dma_wait3A_153 = tpu.memref_squeeze %dma_wait3A_152 : memref<1x2x128xi32, #tpu.memory_space<hbm>> -> memref<2x128xi32, #tpu.memory_space<hbm>>
      tpu.wait_dma2 semaphore(%arg8 : memref<!tpu.dma_semaphore, #tpu.memory_space<semaphore_mem>>) src(%dma_wait3A_153 : memref<2x128xi32, #tpu.memory_space<hbm>>) dst(%dma_wait3A_149 : memref<2x128xi32, #tpu.memory_space<vmem>>)
      %dma_start3A_154 = arith.constant 0 : i32
      %dma_start3A_155 = arith.constant 0 : i32
      %dma_start3A_156 = arith.constant 0 : i32
      %dma_start3A_157 = tpu.memref_slice %arg6[%sub3A_121, %dma_start3A_155, %dma_start3A_156] : memref<2x128x128xf32, #tpu.memory_space<vmem>> -> memref<1x128x128xf32, #tpu.memory_space<vmem>>
      %dma_start3A_158 = tpu.memref_squeeze %dma_start3A_157 : memref<1x128x128xf32, #tpu.memory_space<vmem>> -> memref<128x128xf32, #tpu.memory_space<vmem>>
      %dma_start3A_159 = arith.constant 0 : i32
      %dma_start3A_160 = tpu.memref_slice %arg5[%rem3A_125, %dma_start3A_154, %dma_start3A_159] : memref<3x2x128xi32, #tpu.memory_space<vmem>> -> memref<1x1x128xi32, #tpu.memory_space<vmem>>
      %dma_start3A_161 = tpu.memref_squeeze %dma_start3A_160 : memref<1x1x128xi32, #tpu.memory_space<vmem>> -> memref<128xi32, #tpu.memory_space<vmem>>
      %dma_start3A_162 = arith.constant 0 : i32
      %dma_start3A_163 = arith.constant 0 : i32
      %dma_start3A_164 = tpu.memref_slice %arg2[%dma_start3A_162, %dma_start3A_163] : memref<10000x128xf32, #tpu.memory_space<hbm>> -> memref<10000x128xf32, #tpu.memory_space<hbm>>
      tpu.enqueue_indirect_dma source(%dma_start3A_164 : memref<10000x128xf32, #tpu.memory_space<hbm>>) target(%dma_start3A_158 : memref<128x128xf32, #tpu.memory_space<vmem>>) offsets(%dma_start3A_161 : memref<128xi32, #tpu.memory_space<vmem>>) semaphore(%arg9 : memref<!tpu.dma_semaphore, #tpu.memory_space<semaphore_mem>>)
      %dma_wait3A_165 = arith.constant 0 : i32
      %dma_wait3A_166 = arith.constant 0 : i32
      %dma_wait3A_167 = arith.constant 0 : i32
      %dma_wait3A_168 = tpu.memref_slice %arg6[%rem3A_119, %dma_wait3A_166, %dma_wait3A_167] : memref<2x128x128xf32, #tpu.memory_space<vmem>> -> memref<1x128x128xf32, #tpu.memory_space<vmem>>
      %dma_wait3A_169 = tpu.memref_squeeze %dma_wait3A_168 : memref<1x128x128xf32, #tpu.memory_space<vmem>> -> memref<128x128xf32, #tpu.memory_space<vmem>>
      %dma_wait3A_170 = arith.constant 0 : i32
      %dma_wait3A_171 = tpu.memref_slice %arg5[%rem3A_125, %dma_wait3A_165, %dma_wait3A_170] : memref<3x2x128xi32, #tpu.memory_space<vmem>> -> memref<1x1x128xi32, #tpu.memory_space<vmem>>
      %dma_wait3A_172 = tpu.memref_squeeze %dma_wait3A_171 : memref<1x1x128xi32, #tpu.memory_space<vmem>> -> memref<128xi32, #tpu.memory_space<vmem>>
      %dma_wait3A_173 = arith.constant 0 : i32
      %dma_wait3A_174 = arith.constant 0 : i32
      %dma_wait3A_175 = tpu.memref_slice %arg2[%dma_wait3A_173, %dma_wait3A_174] : memref<10000x128xf32, #tpu.memory_space<hbm>> -> memref<10000x128xf32, #tpu.memory_space<hbm>>
      tpu.wait_indirect_dma semaphore(%arg9 : memref<!tpu.dma_semaphore, #tpu.memory_space<semaphore_mem>>) src(%dma_wait3A_175 : memref<10000x128xf32, #tpu.memory_space<hbm>>) dst(%dma_wait3A_169 : memref<128x128xf32, #tpu.memory_space<vmem>>)
      %rem3A_176 = arith.constant 3 : i32
      %rem3A_177 = arith.remsi %while3A_117, %rem3A_176 : i32
      %run_scoped3A_178 = arith.constant 1 : i32
      "tpu.region"() ({
        %run_scoped3A_179 = tpu.sem_alloc : memref<!tpu.dma_semaphore, #tpu.memory_space<semaphore_mem>>
        %dma_start3A_180 = arith.constant 0 : i32
        %dma_start3A_181 = arith.constant 0 : i32
        %dma_start3A_182 = tpu.memref_slice %arg6[%rem3A_119, %dma_start3A_180, %dma_start3A_181] : memref<2x128x128xf32, #tpu.memory_space<vmem>> -> memref<1x128x128xf32, #tpu.memory_space<vmem>>
        %dma_start3A_183 = tpu.memref_squeeze %dma_start3A_182 : memref<1x128x128xf32, #tpu.memory_space<vmem>> -> memref<128x128xf32, #tpu.memory_space<vmem>>
        %dma_start3A_184 = arith.constant 0 : i32
        %dma_start3A_185 = tpu.memref_slice %arg5[%rem3A_177, %run_scoped3A_178, %dma_start3A_184] : memref<3x2x128xi32, #tpu.memory_space<vmem>> -> memref<1x1x128xi32, #tpu.memory_space<vmem>>
        %dma_start3A_186 = tpu.memref_squeeze %dma_start3A_185 : memref<1x1x128xi32, #tpu.memory_space<vmem>> -> memref<128xi32, #tpu.memory_space<vmem>>
        %dma_start3A_187 = arith.constant 0 : i32
        %dma_start3A_188 = arith.constant 0 : i32
        %dma_start3A_189 = tpu.memref_slice %arg11[%dma_start3A_187, %dma_start3A_188] : memref<10240x128xf32, #tpu.memory_space<vmem_shared>> -> memref<10240x128xf32, #tpu.memory_space<vmem_shared>>
        tpu.enqueue_indirect_dma source(%dma_start3A_183 : memref<128x128xf32, #tpu.memory_space<vmem>>) target(%dma_start3A_189 : memref<10240x128xf32, #tpu.memory_space<vmem_shared>>) offsets(%dma_start3A_186 : memref<128xi32, #tpu.memory_space<vmem>>) semaphore(%run_scoped3A_179 : memref<!tpu.dma_semaphore, #tpu.memory_space<semaphore_mem>>) {add = true}
        %dma_wait3A_190 = arith.constant 0 : i32
        %dma_wait3A_191 = arith.constant 0 : i32
        %dma_wait3A_192 = tpu.memref_slice %arg6[%rem3A_119, %dma_wait3A_190, %dma_wait3A_191] : memref<2x128x128xf32, #tpu.memory_space<vmem>> -> memref<1x128x128xf32, #tpu.memory_space<vmem>>
        %dma_wait3A_193 = tpu.memref_squeeze %dma_wait3A_192 : memref<1x128x128xf32, #tpu.memory_space<vmem>> -> memref<128x128xf32, #tpu.memory_space<vmem>>
        %dma_wait3A_194 = arith.constant 0 : i32
        %dma_wait3A_195 = tpu.memref_slice %arg5[%rem3A_177, %run_scoped3A_178, %dma_wait3A_194] : memref<3x2x128xi32, #tpu.memory_space<vmem>> -> memref<1x1x128xi32, #tpu.memory_space<vmem>>
        %dma_wait3A_196 = tpu.memref_squeeze %dma_wait3A_195 : memref<1x1x128xi32, #tpu.memory_space<vmem>> -> memref<128xi32, #tpu.memory_space<vmem>>
        %dma_wait3A_197 = arith.constant 0 : i32
        %dma_wait3A_198 = arith.constant 0 : i32
        %dma_wait3A_199 = tpu.memref_slice %arg11[%dma_wait3A_197, %dma_wait3A_198] : memref<10240x128xf32, #tpu.memory_space<vmem_shared>> -> memref<10240x128xf32, #tpu.memory_space<vmem_shared>>
        tpu.wait_indirect_dma semaphore(%run_scoped3A_179 : memref<!tpu.dma_semaphore, #tpu.memory_space<semaphore_mem>>) src(%dma_wait3A_193 : memref<128x128xf32, #tpu.memory_space<vmem>>) dst(%dma_wait3A_199 : memref<10240x128xf32, #tpu.memory_space<vmem_shared>>)
        tpu.yield
      }) : () -> ()
    }
    %while3A_93 = arith.constant 1 : i32
    scf.for %while3A_117 = %while3A_91 to %while3A_87 step %while3A_93  : i32 {
      %rem3A_118 = arith.constant 2 : i32
      %rem3A_119 = arith.remsi %while3A_117, %rem3A_118 : i32
      %sub3A_120 = arith.constant 1 : i32
      %sub3A_121 = arith.subi %sub3A_120, %rem3A_119 : i32
      %add3A_122 = arith.constant 1 : i32
      %add3A_123 = arith.addi %while3A_117, %add3A_122 : i32
      %rem3A_124 = arith.constant 3 : i32
      %rem3A_125 = arith.remsi %add3A_123, %rem3A_124 : i32
      %add3A_126 = arith.constant 2 : i32
      %add3A_127 = arith.addi %while3A_117, %add3A_126 : i32
      %rem3A_128 = arith.constant 3 : i32
      %rem3A_129 = arith.remsi %add3A_127, %rem3A_128 : i32
      %add3A_130 = arith.constant 2 : i32
      %add3A_131 = arith.addi %while3A_117, %add3A_130 : i32
      %lt3A = arith.cmpi slt, %add3A_131, %select_n3A : i32
      %convert_element_type3A = arith.extui %lt3A : i1 to i32
      %cond3A = arith.constant 0 : i32
      %cond3A_132 = arith.cmpi ne, %convert_element_type3A, %cond3A : i32
      scf.if %cond3A_132 {
        %add3A_179 = arith.constant 2 : i32
        %add3A_180 = arith.addi %while3A_117, %add3A_179 : i32
        %mul3A_181 = arith.constant 16 : i32
        %mul3A_182 = arith.muli %mul3A_181, %add3A_180 : i32
        %add3A_183 = arith.addi %select_n3A_52, %mul3A_182 : i32
        %dma_start3A_184 = arith.constant 0 : i32
        %dma_start3A_185 = arith.constant 0 : i32
        %dma_start3A_186 = tpu.memref_slice %arg5[%rem3A_129, %dma_start3A_184, %dma_start3A_185] : memref<3x2x128xi32, #tpu.memory_space<vmem>> -> memref<1x2x128xi32, #tpu.memory_space<vmem>>
        %dma_start3A_187 = tpu.memref_squeeze %dma_start3A_186 : memref<1x2x128xi32, #tpu.memory_space<vmem>> -> memref<2x128xi32, #tpu.memory_space<vmem>>
        %dma_start3A_188 = arith.constant 0 : i32
        %dma_start3A_189 = arith.constant 0 : i32
        %dma_start3A_190 = tpu.memref_slice %arg3[%add3A_183, %dma_start3A_188, %dma_start3A_189] : memref<2528x2x128xi32, #tpu.memory_space<hbm>> -> memref<1x2x128xi32, #tpu.memory_space<hbm>>
        %dma_start3A_191 = tpu.memref_squeeze %dma_start3A_190 : memref<1x2x128xi32, #tpu.memory_space<hbm>> -> memref<2x128xi32, #tpu.memory_space<hbm>>
        %dma_start3A_192 = arith.constant 0 : i32
        %dma_start3A_193 = arith.constant 0 : i32
        %dma_start3A_194 = tpu.memref_slice %arg5[%rem3A_129, %dma_start3A_192, %dma_start3A_193] : memref<3x2x128xi32, #tpu.memory_space<vmem>> -> memref<1x2x128xi32, #tpu.memory_space<vmem>>
        %dma_start3A_195 = tpu.memref_squeeze %dma_start3A_194 : memref<1x2x128xi32, #tpu.memory_space<vmem>> -> memref<2x128xi32, #tpu.memory_space<vmem>>
        %dma_start3A_196 = arith.constant 0 : i32
        %dma_start3A_197 = arith.constant 0 : i32
        %dma_start3A_198 = tpu.memref_slice %arg3[%add3A_183, %dma_start3A_196, %dma_start3A_197] : memref<2528x2x128xi32, #tpu.memory_space<hbm>> -> memref<1x2x128xi32, #tpu.memory_space<hbm>>
        %dma_start3A_199 = tpu.memref_squeeze %dma_start3A_198 : memref<1x2x128xi32, #tpu.memory_space<hbm>> -> memref<2x128xi32, #tpu.memory_space<hbm>>
        tpu.enqueue_dma source(%dma_start3A_199 : memref<2x128xi32, #tpu.memory_space<hbm>>) target(%dma_start3A_195 : memref<2x128xi32, #tpu.memory_space<vmem>>) target_semaphore(%arg8 : memref<!tpu.dma_semaphore, #tpu.memory_space<semaphore_mem>>)
      } else {
      }
      %add3A_133 = arith.constant 1 : i32
      %add3A_134 = arith.addi %while3A_117, %add3A_133 : i32
      %mul3A_135 = arith.constant 16 : i32
      %mul3A_136 = arith.muli %mul3A_135, %add3A_134 : i32
      %add3A_137 = arith.addi %select_n3A_52, %mul3A_136 : i32
      %dma_wait3A_138 = arith.constant 0 : i32
      %dma_wait3A_139 = arith.constant 0 : i32
      %dma_wait3A_140 = tpu.memref_slice %arg5[%rem3A_125, %dma_wait3A_138, %dma_wait3A_139] : memref<3x2x128xi32, #tpu.memory_space<vmem>> -> memref<1x2x128xi32, #tpu.memory_space<vmem>>
      %dma_wait3A_141 = tpu.memref_squeeze %dma_wait3A_140 : memref<1x2x128xi32, #tpu.memory_space<vmem>> -> memref<2x128xi32, #tpu.memory_space<vmem>>
      %dma_wait3A_142 = arith.constant 0 : i32
      %dma_wait3A_143 = arith.constant 0 : i32
      %dma_wait3A_144 = tpu.memref_slice %arg3[%add3A_137, %dma_wait3A_142, %dma_wait3A_143] : memref<2528x2x128xi32, #tpu.memory_space<hbm>> -> memref<1x2x128xi32, #tpu.memory_space<hbm>>
      %dma_wait3A_145 = tpu.memref_squeeze %dma_wait3A_144 : memref<1x2x128xi32, #tpu.memory_space<hbm>> -> memref<2x128xi32, #tpu.memory_space<hbm>>
      %dma_wait3A_146 = arith.constant 0 : i32
      %dma_wait3A_147 = arith.constant 0 : i32
      %dma_wait3A_148 = tpu.memref_slice %arg5[%rem3A_125, %dma_wait3A_146, %dma_wait3A_147] : memref<3x2x128xi32, #tpu.memory_space<vmem>> -> memref<1x2x128xi32, #tpu.memory_space<vmem>>
      %dma_wait3A_149 = tpu.memref_squeeze %dma_wait3A_148 : memref<1x2x128xi32, #tpu.memory_space<vmem>> -> memref<2x128xi32, #tpu.memory_space<vmem>>
      %dma_wait3A_150 = arith.constant 0 : i32
      %dma_wait3A_151 = arith.constant 0 : i32
      %dma_wait3A_152 = tpu.memref_slice %arg3[%add3A_137, %dma_wait3A_150, %dma_wait3A_151] : memref<2528x2x128xi32, #tpu.memory_space<hbm>> -> memref<1x2x128xi32, #tpu.memory_space<hbm>>
      %dma_wait3A_153 = tpu.memref_squeeze %dma_wait3A_152 : memref<1x2x128xi32, #tpu.memory_space<hbm>> -> memref<2x128xi32, #tpu.memory_space<hbm>>
      tpu.wait_dma2 semaphore(%arg8 : memref<!tpu.dma_semaphore, #tpu.memory_space<semaphore_mem>>) src(%dma_wait3A_153 : memref<2x128xi32, #tpu.memory_space<hbm>>) dst(%dma_wait3A_149 : memref<2x128xi32, #tpu.memory_space<vmem>>)
      %dma_start3A_154 = arith.constant 0 : i32
      %dma_start3A_155 = arith.constant 0 : i32
      %dma_start3A_156 = arith.constant 0 : i32
      %dma_start3A_157 = tpu.memref_slice %arg6[%sub3A_121, %dma_start3A_155, %dma_start3A_156] : memref<2x128x128xf32, #tpu.memory_space<vmem>> -> memref<1x128x128xf32, #tpu.memory_space<vmem>>
      %dma_start3A_158 = tpu.memref_squeeze %dma_start3A_157 : memref<1x128x128xf32, #tpu.memory_space<vmem>> -> memref<128x128xf32, #tpu.memory_space<vmem>>
      %dma_start3A_159 = arith.constant 0 : i32
      %dma_start3A_160 = tpu.memref_slice %arg5[%rem3A_125, %dma_start3A_154, %dma_start3A_159] : memref<3x2x128xi32, #tpu.memory_space<vmem>> -> memref<1x1x128xi32, #tpu.memory_space<vmem>>
      %dma_start3A_161 = tpu.memref_squeeze %dma_start3A_160 : memref<1x1x128xi32, #tpu.memory_space<vmem>> -> memref<128xi32, #tpu.memory_space<vmem>>
      %dma_start3A_162 = arith.constant 0 : i32
      %dma_start3A_163 = arith.constant 0 : i32
      %dma_start3A_164 = tpu.memref_slice %arg2[%dma_start3A_162, %dma_start3A_163] : memref<10000x128xf32, #tpu.memory_space<hbm>> -> memref<10000x128xf32, #tpu.memory_space<hbm>>
      tpu.enqueue_indirect_dma source(%dma_start3A_164 : memref<10000x128xf32, #tpu.memory_space<hbm>>) target(%dma_start3A_158 : memref<128x128xf32, #tpu.memory_space<vmem>>) offsets(%dma_start3A_161 : memref<128xi32, #tpu.memory_space<vmem>>) semaphore(%arg9 : memref<!tpu.dma_semaphore, #tpu.memory_space<semaphore_mem>>)
      %dma_wait3A_165 = arith.constant 0 : i32
      %dma_wait3A_166 = arith.constant 0 : i32
      %dma_wait3A_167 = arith.constant 0 : i32
      %dma_wait3A_168 = tpu.memref_slice %arg6[%rem3A_119, %dma_wait3A_166, %dma_wait3A_167] : memref<2x128x128xf32, #tpu.memory_space<vmem>> -> memref<1x128x128xf32, #tpu.memory_space<vmem>>
      %dma_wait3A_169 = tpu.memref_squeeze %dma_wait3A_168 : memref<1x128x128xf32, #tpu.memory_space<vmem>> -> memref<128x128xf32, #tpu.memory_space<vmem>>
      %dma_wait3A_170 = arith.constant 0 : i32
      %dma_wait3A_171 = tpu.memref_slice %arg5[%rem3A_125, %dma_wait3A_165, %dma_wait3A_170] : memref<3x2x128xi32, #tpu.memory_space<vmem>> -> memref<1x1x128xi32, #tpu.memory_space<vmem>>
      %dma_wait3A_172 = tpu.memref_squeeze %dma_wait3A_171 : memref<1x1x128xi32, #tpu.memory_space<vmem>> -> memref<128xi32, #tpu.memory_space<vmem>>
      %dma_wait3A_173 = arith.constant 0 : i32
      %dma_wait3A_174 = arith.constant 0 : i32
      %dma_wait3A_175 = tpu.memref_slice %arg2[%dma_wait3A_173, %dma_wait3A_174] : memref<10000x128xf32, #tpu.memory_space<hbm>> -> memref<10000x128xf32, #tpu.memory_space<hbm>>
      tpu.wait_indirect_dma semaphore(%arg9 : memref<!tpu.dma_semaphore, #tpu.memory_space<semaphore_mem>>) src(%dma_wait3A_175 : memref<10000x128xf32, #tpu.memory_space<hbm>>) dst(%dma_wait3A_169 : memref<128x128xf32, #tpu.memory_space<vmem>>)
      %rem3A_176 = arith.constant 3 : i32
      %rem3A_177 = arith.remsi %while3A_117, %rem3A_176 : i32
      %run_scoped3A_178 = arith.constant 1 : i32
      "tpu.region"() ({
        %run_scoped3A_179 = tpu.sem_alloc : memref<!tpu.dma_semaphore, #tpu.memory_space<semaphore_mem>>
        %dma_start3A_180 = arith.constant 0 : i32
        %dma_start3A_181 = arith.constant 0 : i32
        %dma_start3A_182 = tpu.memref_slice %arg6[%rem3A_119, %dma_start3A_180, %dma_start3A_181] : memref<2x128x128xf32, #tpu.memory_space<vmem>> -> memref<1x128x128xf32, #tpu.memory_space<vmem>>
        %dma_start3A_183 = tpu.memref_squeeze %dma_start3A_182 : memref<1x128x128xf32, #tpu.memory_space<vmem>> -> memref<128x128xf32, #tpu.memory_space<vmem>>
        %dma_start3A_184 = arith.constant 0 : i32
        %dma_start3A_185 = tpu.memref_slice %arg5[%rem3A_177, %run_scoped3A_178, %dma_start3A_184] : memref<3x2x128xi32, #tpu.memory_space<vmem>> -> memref<1x1x128xi32, #tpu.memory_space<vmem>>
        %dma_start3A_186 = tpu.memref_squeeze %dma_start3A_185 : memref<1x1x128xi32, #tpu.memory_space<vmem>> -> memref<128xi32, #tpu.memory_space<vmem>>
        %dma_start3A_187 = arith.constant 0 : i32
        %dma_start3A_188 = arith.constant 0 : i32
        %dma_start3A_189 = tpu.memref_slice %arg11[%dma_start3A_187, %dma_start3A_188] : memref<10240x128xf32, #tpu.memory_space<vmem_shared>> -> memref<10240x128xf32, #tpu.memory_space<vmem_shared>>
        tpu.enqueue_indirect_dma source(%dma_start3A_183 : memref<128x128xf32, #tpu.memory_space<vmem>>) target(%dma_start3A_189 : memref<10240x128xf32, #tpu.memory_space<vmem_shared>>) offsets(%dma_start3A_186 : memref<128xi32, #tpu.memory_space<vmem>>) semaphore(%run_scoped3A_179 : memref<!tpu.dma_semaphore, #tpu.memory_space<semaphore_mem>>) {add = true}
        %dma_wait3A_190 = arith.constant 0 : i32
        %dma_wait3A_191 = arith.constant 0 : i32
        %dma_wait3A_192 = tpu.memref_slice %arg6[%rem3A_119, %dma_wait3A_190, %dma_wait3A_191] : memref<2x128x128xf32, #tpu.memory_space<vmem>> -> memref<1x128x128xf32, #tpu.memory_space<vmem>>
        %dma_wait3A_193 = tpu.memref_squeeze %dma_wait3A_192 : memref<1x128x128xf32, #tpu.memory_space<vmem>> -> memref<128x128xf32, #tpu.memory_space<vmem>>
        %dma_wait3A_194 = arith.constant 0 : i32
        %dma_wait3A_195 = tpu.memref_slice %arg5[%rem3A_177, %run_scoped3A_178, %dma_wait3A_194] : memref<3x2x128xi32, #tpu.memory_space<vmem>> -> memref<1x1x128xi32, #tpu.memory_space<vmem>>
        %dma_wait3A_196 = tpu.memref_squeeze %dma_wait3A_195 : memref<1x1x128xi32, #tpu.memory_space<vmem>> -> memref<128xi32, #tpu.memory_space<vmem>>
        %dma_wait3A_197 = arith.constant 0 : i32
        %dma_wait3A_198 = arith.constant 0 : i32
        %dma_wait3A_199 = tpu.memref_slice %arg11[%dma_wait3A_197, %dma_wait3A_198] : memref<10240x128xf32, #tpu.memory_space<vmem_shared>> -> memref<10240x128xf32, #tpu.memory_space<vmem_shared>>
        tpu.wait_indirect_dma semaphore(%run_scoped3A_179 : memref<!tpu.dma_semaphore, #tpu.memory_space<semaphore_mem>>) src(%dma_wait3A_193 : memref<128x128xf32, #tpu.memory_space<vmem>>) dst(%dma_wait3A_199 : memref<10240x128xf32, #tpu.memory_space<vmem_shared>>)
        tpu.yield
      }) : () -> ()
    }
    %sub3A_94 = arith.constant 1 : i32
    %sub3A_95 = arith.subi %select_n3A, %sub3A_94 : i32
    %rem3A = arith.constant 2 : i32
    %rem3A_96 = arith.remsi %sub3A_95, %rem3A : i32
    %rem3A_97 = arith.constant 3 : i32
    %rem3A_98 = arith.remsi %sub3A_95, %rem3A_97 : i32
    %dma_wait3A = arith.constant 0 : i32
    %dma_wait3A_99 = arith.constant 0 : i32
    %dma_wait3A_100 = arith.constant 0 : i32
    %dma_wait3A_101 = tpu.memref_slice %arg6[%rem3A_96, %dma_wait3A_99, %dma_wait3A_100] : memref<2x128x128xf32, #tpu.memory_space<vmem>> -> memref<1x128x128xf32, #tpu.memory_space<vmem>>
    %dma_wait3A_102 = tpu.memref_squeeze %dma_wait3A_101 : memref<1x128x128xf32, #tpu.memory_space<vmem>> -> memref<128x128xf32, #tpu.memory_space<vmem>>
    %dma_wait3A_103 = arith.constant 0 : i32
    %dma_wait3A_104 = tpu.memref_slice %arg5[%rem3A_98, %dma_wait3A, %dma_wait3A_103] : memref<3x2x128xi32, #tpu.memory_space<vmem>> -> memref<1x1x128xi32, #tpu.memory_space<vmem>>
    %dma_wait3A_105 = tpu.memref_squeeze %dma_wait3A_104 : memref<1x1x128xi32, #tpu.memory_space<vmem>> -> memref<128xi32, #tpu.memory_space<vmem>>
    %dma_wait3A_106 = arith.constant 0 : i32
    %dma_wait3A_107 = arith.constant 0 : i32
    %dma_wait3A_108 = tpu.memref_slice %arg2[%dma_wait3A_106, %dma_wait3A_107] : memref<10000x128xf32, #tpu.memory_space<hbm>> -> memref<10000x128xf32, #tpu.memory_space<hbm>>
    tpu.wait_indirect_dma semaphore(%arg9 : memref<!tpu.dma_semaphore, #tpu.memory_space<semaphore_mem>>) src(%dma_wait3A_108 : memref<10000x128xf32, #tpu.memory_space<hbm>>) dst(%dma_wait3A_102 : memref<128x128xf32, #tpu.memory_space<vmem>>)
    %run_scoped3A_109 = arith.constant 1 : i32
    "tpu.region"() ({
      %run_scoped3A_117 = tpu.sem_alloc : memref<!tpu.dma_semaphore, #tpu.memory_space<semaphore_mem>>
      %dma_start3A_118 = arith.constant 0 : i32
      %dma_start3A_119 = arith.constant 0 : i32
      %dma_start3A_120 = tpu.memref_slice %arg6[%rem3A_96, %dma_start3A_118, %dma_start3A_119] : memref<2x128x128xf32, #tpu.memory_space<vmem>> -> memref<1x128x128xf32, #tpu.memory_space<vmem>>
      %dma_start3A_121 = tpu.memref_squeeze %dma_start3A_120 : memref<1x128x128xf32, #tpu.memory_space<vmem>> -> memref<128x128xf32, #tpu.memory_space<vmem>>
      %dma_start3A_122 = arith.constant 0 : i32
      %dma_start3A_123 = tpu.memref_slice %arg5[%rem3A_98, %run_scoped3A_109, %dma_start3A_122] : memref<3x2x128xi32, #tpu.memory_space<vmem>> -> memref<1x1x128xi32, #tpu.memory_space<vmem>>
      %dma_start3A_124 = tpu.memref_squeeze %dma_start3A_123 : memref<1x1x128xi32, #tpu.memory_space<vmem>> -> memref<128xi32, #tpu.memory_space<vmem>>
      %dma_start3A_125 = arith.constant 0 : i32
      %dma_start3A_126 = arith.constant 0 : i32
      %dma_start3A_127 = tpu.memref_slice %arg11[%dma_start3A_125, %dma_start3A_126] : memref<10240x128xf32, #tpu.memory_space<vmem_shared>> -> memref<10240x128xf32, #tpu.memory_space<vmem_shared>>
      tpu.enqueue_indirect_dma source(%dma_start3A_121 : memref<128x128xf32, #tpu.memory_space<vmem>>) target(%dma_start3A_127 : memref<10240x128xf32, #tpu.memory_space<vmem_shared>>) offsets(%dma_start3A_124 : memref<128xi32, #tpu.memory_space<vmem>>) semaphore(%run_scoped3A_117 : memref<!tpu.dma_semaphore, #tpu.memory_space<semaphore_mem>>) {add = true}
      %dma_wait3A_128 = arith.constant 0 : i32
      %dma_wait3A_129 = arith.constant 0 : i32
      %dma_wait3A_130 = tpu.memref_slice %arg6[%rem3A_96, %dma_wait3A_128, %dma_wait3A_129] : memref<2x128x128xf32, #tpu.memory_space<vmem>> -> memref<1x128x128xf32, #tpu.memory_space<vmem>>
      %dma_wait3A_131 = tpu.memref_squeeze %dma_wait3A_130 : memref<1x128x128xf32, #tpu.memory_space<vmem>> -> memref<128x128xf32, #tpu.memory_space<vmem>>
      %dma_wait3A_132 = arith.constant 0 : i32
      %dma_wait3A_133 = tpu.memref_slice %arg5[%rem3A_98, %run_scoped3A_109, %dma_wait3A_132] : memref<3x2x128xi32, #tpu.memory_space<vmem>> -> memref<1x1x128xi32, #tpu.memory_space<vmem>>
      %dma_wait3A_134 = tpu.memref_squeeze %dma_wait3A_133 : memref<1x1x128xi32, #tpu.memory_space<vmem>> -> memref<128xi32, #tpu.memory_space<vmem>>
      %dma_wait3A_135 = arith.constant 0 : i32
      %dma_wait3A_136 = arith.constant 0 : i32
      %dma_wait3A_137 = tpu.memref_slice %arg11[%dma_wait3A_135, %dma_wait3A_136] : memref<10240x128xf32, #tpu.memory_space<vmem_shared>> -> memref<10240x128xf32, #tpu.memory_space<vmem_shared>>
      tpu.wait_indirect_dma semaphore(%run_scoped3A_117 : memref<!tpu.dma_semaphore, #tpu.memory_space<semaphore_mem>>) src(%dma_wait3A_131 : memref<128x128xf32, #tpu.memory_space<vmem>>) dst(%dma_wait3A_137 : memref<10240x128xf32, #tpu.memory_space<vmem_shared>>)
      tpu.yield
    }) : () -> ()
    %barrier3A_110 = arith.constant 0 : index
    tpu.barrier barrier_id(%barrier3A_110)
    %mul3A_111 = arith.constant 640 : i32
    %mul3A_112 = arith.muli %arg1, %mul3A_111 : i32
    %mul3A_113 = arith.constant 640 : i32
    %mul3A_114 = arith.muli %arg1, %mul3A_113 : i32
    %run_scoped3A_115 = arith.constant 0 : i32
    "tpu.region"() ({
      %run_scoped3A_117 = tpu.sem_alloc : memref<!tpu.dma_semaphore, #tpu.memory_space<semaphore_mem>>
      %dma_start3A_118 = arith.constant 0 : i32
      %dma_start3A_119 = tpu.memref_slice %arg4[%run_scoped3A_115, %arg0, %mul3A_114, %dma_start3A_118] : memref<1x2x10240x128xf32, #tpu.memory_space<hbm>> -> memref<1x1x640x128xf32, #tpu.memory_space<hbm>>
      %dma_start3A_120 = tpu.memref_squeeze %dma_start3A_119 : memref<1x1x640x128xf32, #tpu.memory_space<hbm>> -> memref<640x128xf32, #tpu.memory_space<hbm>>
      %dma_start3A_121 = arith.constant 0 : i32
      %dma_start3A_122 = tpu.memref_slice %arg11[%mul3A_112, %dma_start3A_121] : memref<10240x128xf32, #tpu.memory_space<vmem_shared>> -> memref<640x128xf32, #tpu.memory_space<vmem_shared>>
      tpu.enqueue_dma source(%dma_start3A_122 : memref<640x128xf32, #tpu.memory_space<vmem_shared>>) target(%dma_start3A_120 : memref<640x128xf32, #tpu.memory_space<hbm>>) target_semaphore(%run_scoped3A_117 : memref<!tpu.dma_semaphore, #tpu.memory_space<semaphore_mem>>)
      %dma_wait3A_123 = arith.constant 0 : i32
      %dma_wait3A_124 = tpu.memref_slice %arg4[%run_scoped3A_115, %arg0, %mul3A_114, %dma_wait3A_123] : memref<1x2x10240x128xf32, #tpu.memory_space<hbm>> -> memref<1x1x640x128xf32, #tpu.memory_space<hbm>>
      %dma_wait3A_125 = tpu.memref_squeeze %dma_wait3A_124 : memref<1x1x640x128xf32, #tpu.memory_space<hbm>> -> memref<640x128xf32, #tpu.memory_space<hbm>>
      %dma_wait3A_126 = arith.constant 0 : i32
      %dma_wait3A_127 = tpu.memref_slice %arg11[%mul3A_112, %dma_wait3A_126] : memref<10240x128xf32, #tpu.memory_space<vmem_shared>> -> memref<640x128xf32, #tpu.memory_space<vmem_shared>>
      tpu.wait_dma2 semaphore(%run_scoped3A_117 : memref<!tpu.dma_semaphore, #tpu.memory_space<semaphore_mem>>) src(%dma_wait3A_127 : memref<640x128xf32, #tpu.memory_space<vmem_shared>>) dst(%dma_wait3A_125 : memref<640x128xf32, #tpu.memory_space<hbm>>)
      tpu.yield
    }) : () -> ()
    %barrier3A_116 = arith.constant 0 : index
    tpu.barrier barrier_id(%barrier3A_116)
    return
  }
}

#map = affine_map<(d0, d1) -> (0, 0)>
#map1 = affine_map<(d0, d1) -> (0, 0, 0)>
#map2 = affine_map<(d0, d1) -> (0, 0, 0, 0)>
module attributes {stable_mosaic.version = 14 : i64} {
  func.func @body(%arg0: i32, %arg1: i32, %arg2: memref<10000x128xf32, #tpu.memory_space<hbm>>, %arg3: memref<10000x128xf32, #tpu.memory_space<hbm>>, %arg4: memref<10000x128xf32, #tpu.memory_space<hbm>>, %arg5: memref<10000x128xf32, #tpu.memory_space<hbm>>, %arg6: memref<2528x2x128xi32, #tpu.memory_space<hbm>>, %arg7: memref<4x2x10240x128xf32, #tpu.memory_space<hbm>>, %arg8: memref<3x2x128xi32, #tpu.memory_space<vmem>>, %arg9: memref<2x128x128xf32, #tpu.memory_space<vmem>>, %arg10: memref<64x128xf32, #tpu.memory_space<vmem>>, %arg11: memref<!tpu.dma_semaphore, #tpu.memory_space<semaphore_mem>>, %arg12: memref<!tpu.dma_semaphore, #tpu.memory_space<semaphore_mem>>, %arg13: memref<!tpu.dma_semaphore, #tpu.memory_space<semaphore_mem>>, %arg14: memref<10240x128xf32, #tpu.memory_space<vmem_shared>>) attributes {dimension_semantics = [#tpu.dimension_semantics<core_parallel>, #tpu.dimension_semantics<subcore_parallel>], iteration_bounds = array<i64: 2, 16>, scalar_prefetch = 0 : i64, scratch_operands = 7 : i64, tpu.core_type = #tpu.core_type<sc_vector_subcore>, window_params = [{transform_indices = #map}, {transform_indices = #map}, {transform_indices = #map}, {transform_indices = #map}, {transform_indices = #map1}, {transform_indices = #map2}]} {
    %mul3A = arith.constant 16 : i32
    %mul3A_0 = arith.muli %arg0, %mul3A : i32
    %add3A = arith.addi %mul3A_0, %arg1 : i32
    %scan3A = arith.constant 0 : i32
    %scan3A_1 = arith.constant 0 : i32
    %scan3A_2 = arith.constant 64 : i32
    %scan3A_3 = arith.addi %scan3A_1, %scan3A_2 : i32
    %scan3A_4 = arith.constant 1 : i32
    scf.for %scan3A_480 = %scan3A_1 to %scan3A_3 step %scan3A_4  : i32 {
      %broadcast_in_dim3A = arith.constant 0.000000e+00 : f32
      %broadcast_in_dim3A_481 = vector.broadcast %broadcast_in_dim3A : f32 to vector<16xf32>
      %swap3A = arith.index_cast %scan3A_480 : i32 to index
      %swap3A_482 = arith.constant 0 : index
      %swap3A_483 = tpu.vector_load %arg10[%swap3A, %swap3A_482] {strides = array<i32>} : memref<64x128xf32, #tpu.memory_space<vmem>>, vector<1x16xf32>,
      %swap3A_484 = vector.shape_cast %swap3A_483 : vector<1x16xf32> to vector<16xf32>
      %swap3A_485 = vector.shape_cast %broadcast_in_dim3A_481 : vector<16xf32> to vector<1x16xf32>
      tpu.vector_store %arg10[%swap3A, %swap3A_482], %swap3A_485 {strides = array<i32>} : memref<64x128xf32, #tpu.memory_space<vmem>>, vector<1x16xf32>,
      %broadcast_in_dim3A_486 = arith.constant 0.000000e+00 : f32
      %broadcast_in_dim3A_487 = vector.broadcast %broadcast_in_dim3A_486 : f32 to vector<16xf32>
      %swap3A_488 = arith.index_cast %scan3A_480 : i32 to index
      %swap3A_489 = arith.constant 16 : index
      %swap3A_490 = tpu.vector_load %arg10[%swap3A_488, %swap3A_489] {strides = array<i32>} : memref<64x128xf32, #tpu.memory_space<vmem>>, vector<1x16xf32>,
      %swap3A_491 = vector.shape_cast %swap3A_490 : vector<1x16xf32> to vector<16xf32>
      %swap3A_492 = vector.shape_cast %broadcast_in_dim3A_487 : vector<16xf32> to vector<1x16xf32>
      tpu.vector_store %arg10[%swap3A_488, %swap3A_489], %swap3A_492 {strides = array<i32>} : memref<64x128xf32, #tpu.memory_space<vmem>>, vector<1x16xf32>,
      %broadcast_in_dim3A_493 = arith.constant 0.000000e+00 : f32
      %broadcast_in_dim3A_494 = vector.broadcast %broadcast_in_dim3A_493 : f32 to vector<16xf32>
      %swap3A_495 = arith.index_cast %scan3A_480 : i32 to index
      %swap3A_496 = arith.constant 32 : index
      %swap3A_497 = tpu.vector_load %arg10[%swap3A_495, %swap3A_496] {strides = array<i32>} : memref<64x128xf32, #tpu.memory_space<vmem>>, vector<1x16xf32>,
      %swap3A_498 = vector.shape_cast %swap3A_497 : vector<1x16xf32> to vector<16xf32>
      %swap3A_499 = vector.shape_cast %broadcast_in_dim3A_494 : vector<16xf32> to vector<1x16xf32>
      tpu.vector_store %arg10[%swap3A_495, %swap3A_496], %swap3A_499 {strides = array<i32>} : memref<64x128xf32, #tpu.memory_space<vmem>>, vector<1x16xf32>,
      %broadcast_in_dim3A_500 = arith.constant 0.000000e+00 : f32
      %broadcast_in_dim3A_501 = vector.broadcast %broadcast_in_dim3A_500 : f32 to vector<16xf32>
      %swap3A_502 = arith.index_cast %scan3A_480 : i32 to index
      %swap3A_503 = arith.constant 48 : index
      %swap3A_504 = tpu.vector_load %arg10[%swap3A_502, %swap3A_503] {strides = array<i32>} : memref<64x128xf32, #tpu.memory_space<vmem>>, vector<1x16xf32>,
      %swap3A_505 = vector.shape_cast %swap3A_504 : vector<1x16xf32> to vector<16xf32>
      %swap3A_506 = vector.shape_cast %broadcast_in_dim3A_501 : vector<16xf32> to vector<1x16xf32>
      tpu.vector_store %arg10[%swap3A_502, %swap3A_503], %swap3A_506 {strides = array<i32>} : memref<64x128xf32, #tpu.memory_space<vmem>>, vector<1x16xf32>,
      %broadcast_in_dim3A_507 = arith.constant 0.000000e+00 : f32
      %broadcast_in_dim3A_508 = vector.broadcast %broadcast_in_dim3A_507 : f32 to vector<16xf32>
      %swap3A_509 = arith.index_cast %scan3A_480 : i32 to index
      %swap3A_510 = arith.constant 64 : index
      %swap3A_511 = tpu.vector_load %arg10[%swap3A_509, %swap3A_510] {strides = array<i32>} : memref<64x128xf32, #tpu.memory_space<vmem>>, vector<1x16xf32>,
      %swap3A_512 = vector.shape_cast %swap3A_511 : vector<1x16xf32> to vector<16xf32>
      %swap3A_513 = vector.shape_cast %broadcast_in_dim3A_508 : vector<16xf32> to vector<1x16xf32>
      tpu.vector_store %arg10[%swap3A_509, %swap3A_510], %swap3A_513 {strides = array<i32>} : memref<64x128xf32, #tpu.memory_space<vmem>>, vector<1x16xf32>,
      %broadcast_in_dim3A_514 = arith.constant 0.000000e+00 : f32
      %broadcast_in_dim3A_515 = vector.broadcast %broadcast_in_dim3A_514 : f32 to vector<16xf32>
      %swap3A_516 = arith.index_cast %scan3A_480 : i32 to index
      %swap3A_517 = arith.constant 80 : index
      %swap3A_518 = tpu.vector_load %arg10[%swap3A_516, %swap3A_517] {strides = array<i32>} : memref<64x128xf32, #tpu.memory_space<vmem>>, vector<1x16xf32>,
      %swap3A_519 = vector.shape_cast %swap3A_518 : vector<1x16xf32> to vector<16xf32>
      %swap3A_520 = vector.shape_cast %broadcast_in_dim3A_515 : vector<16xf32> to vector<1x16xf32>
      tpu.vector_store %arg10[%swap3A_516, %swap3A_517], %swap3A_520 {strides = array<i32>} : memref<64x128xf32, #tpu.memory_space<vmem>>, vector<1x16xf32>,
      %broadcast_in_dim3A_521 = arith.constant 0.000000e+00 : f32
      %broadcast_in_dim3A_522 = vector.broadcast %broadcast_in_dim3A_521 : f32 to vector<16xf32>
      %swap3A_523 = arith.index_cast %scan3A_480 : i32 to index
      %swap3A_524 = arith.constant 96 : index
      %swap3A_525 = tpu.vector_load %arg10[%swap3A_523, %swap3A_524] {strides = array<i32>} : memref<64x128xf32, #tpu.memory_space<vmem>>, vector<1x16xf32>,
      %swap3A_526 = vector.shape_cast %swap3A_525 : vector<1x16xf32> to vector<16xf32>
      %swap3A_527 = vector.shape_cast %broadcast_in_dim3A_522 : vector<16xf32> to vector<1x16xf32>
      tpu.vector_store %arg10[%swap3A_523, %swap3A_524], %swap3A_527 {strides = array<i32>} : memref<64x128xf32, #tpu.memory_space<vmem>>, vector<1x16xf32>,
      %broadcast_in_dim3A_528 = arith.constant 0.000000e+00 : f32
      %broadcast_in_dim3A_529 = vector.broadcast %broadcast_in_dim3A_528 : f32 to vector<16xf32>
      %swap3A_530 = arith.index_cast %scan3A_480 : i32 to index
      %swap3A_531 = arith.constant 112 : index
      %swap3A_532 = tpu.vector_load %arg10[%swap3A_530, %swap3A_531] {strides = array<i32>} : memref<64x128xf32, #tpu.memory_space<vmem>>, vector<1x16xf32>,
      %swap3A_533 = vector.shape_cast %swap3A_532 : vector<1x16xf32> to vector<16xf32>
      %swap3A_534 = vector.shape_cast %broadcast_in_dim3A_529 : vector<16xf32> to vector<1x16xf32>
      tpu.vector_store %arg10[%swap3A_530, %swap3A_531], %swap3A_534 {strides = array<i32>} : memref<64x128xf32, #tpu.memory_space<vmem>>, vector<1x16xf32>,
    }
    %scan3A_5 = arith.constant 64 : i32
    %mul3A_6 = arith.constant 640 : i32
    %mul3A_7 = arith.muli %arg1, %mul3A_6 : i32
    %add3A_8 = arith.constant 0 : i32
    %add3A_9 = arith.addi %mul3A_7, %add3A_8 : i32
    "tpu.region"() ({
      %run_scoped3A_480 = tpu.sem_alloc : memref<!tpu.dma_semaphore, #tpu.memory_space<semaphore_mem>>
      %dma_start3A_481 = arith.constant 0 : i32
      %dma_start3A_482 = tpu.memref_slice %arg14[%add3A_9, %dma_start3A_481] : memref<10240x128xf32, #tpu.memory_space<vmem_shared>> -> memref<64x128xf32, #tpu.memory_space<vmem_shared>>
      %dma_start3A_483 = arith.constant 0 : i32
      %dma_start3A_484 = tpu.memref_slice %arg14[%add3A_9, %dma_start3A_483] : memref<10240x128xf32, #tpu.memory_space<vmem_shared>> -> memref<64x128xf32, #tpu.memory_space<vmem_shared>>
      tpu.enqueue_dma source(%arg10 : memref<64x128xf32, #tpu.memory_space<vmem>>) target(%dma_start3A_484 : memref<64x128xf32, #tpu.memory_space<vmem_shared>>) target_semaphore(%run_scoped3A_480 : memref<!tpu.dma_semaphore, #tpu.memory_space<semaphore_mem>>)
      %dma_wait3A_485 = arith.constant 0 : i32
      %dma_wait3A_486 = tpu.memref_slice %arg14[%add3A_9, %dma_wait3A_485] : memref<10240x128xf32, #tpu.memory_space<vmem_shared>> -> memref<64x128xf32, #tpu.memory_space<vmem_shared>>
      %dma_wait3A_487 = arith.constant 0 : i32
      %dma_wait3A_488 = tpu.memref_slice %arg14[%add3A_9, %dma_wait3A_487] : memref<10240x128xf32, #tpu.memory_space<vmem_shared>> -> memref<64x128xf32, #tpu.memory_space<vmem_shared>>
      tpu.wait_dma2 semaphore(%run_scoped3A_480 : memref<!tpu.dma_semaphore, #tpu.memory_space<semaphore_mem>>) src(%arg10 : memref<64x128xf32, #tpu.memory_space<vmem>>) dst(%dma_wait3A_488 : memref<64x128xf32, #tpu.memory_space<vmem_shared>>)
      tpu.yield
    }) : () -> ()
    %mul3A_10 = arith.constant 640 : i32
    %mul3A_11 = arith.muli %arg1, %mul3A_10 : i32
    %add3A_12 = arith.constant 64 : i32
    %add3A_13 = arith.addi %mul3A_11, %add3A_12 : i32
    "tpu.region"() ({
      %run_scoped3A_480 = tpu.sem_alloc : memref<!tpu.dma_semaphore, #tpu.memory_space<semaphore_mem>>
      %dma_start3A_481 = arith.constant 0 : i32
      %dma_start3A_482 = tpu.memref_slice %arg14[%add3A_13, %dma_start3A_481] : memref<10240x128xf32, #tpu.memory_space<vmem_shared>> -> memref<64x128xf32, #tpu.memory_space<vmem_shared>>
      %dma_start3A_483 = arith.constant 0 : i32
      %dma_start3A_484 = tpu.memref_slice %arg14[%add3A_13, %dma_start3A_483] : memref<10240x128xf32, #tpu.memory_space<vmem_shared>> -> memref<64x128xf32, #tpu.memory_space<vmem_shared>>
      tpu.enqueue_dma source(%arg10 : memref<64x128xf32, #tpu.memory_space<vmem>>) target(%dma_start3A_484 : memref<64x128xf32, #tpu.memory_space<vmem_shared>>) target_semaphore(%run_scoped3A_480 : memref<!tpu.dma_semaphore, #tpu.memory_space<semaphore_mem>>)
      %dma_wait3A_485 = arith.constant 0 : i32
      %dma_wait3A_486 = tpu.memref_slice %arg14[%add3A_13, %dma_wait3A_485] : memref<10240x128xf32, #tpu.memory_space<vmem_shared>> -> memref<64x128xf32, #tpu.memory_space<vmem_shared>>
      %dma_wait3A_487 = arith.constant 0 : i32
      %dma_wait3A_488 = tpu.memref_slice %arg14[%add3A_13, %dma_wait3A_487] : memref<10240x128xf32, #tpu.memory_space<vmem_shared>> -> memref<64x128xf32, #tpu.memory_space<vmem_shared>>
      tpu.wait_dma2 semaphore(%run_scoped3A_480 : memref<!tpu.dma_semaphore, #tpu.memory_space<semaphore_mem>>) src(%arg10 : memref<64x128xf32, #tpu.memory_space<vmem>>) dst(%dma_wait3A_488 : memref<64x128xf32, #tpu.memory_space<vmem_shared>>)
      tpu.yield
    }) : () -> ()
    %mul3A_14 = arith.constant 640 : i32
    %mul3A_15 = arith.muli %arg1, %mul3A_14 : i32
    %add3A_16 = arith.constant 128 : i32
    %add3A_17 = arith.addi %mul3A_15, %add3A_16 : i32
    "tpu.region"() ({
      %run_scoped3A_480 = tpu.sem_alloc : memref<!tpu.dma_semaphore, #tpu.memory_space<semaphore_mem>>
      %dma_start3A_481 = arith.constant 0 : i32
      %dma_start3A_482 = tpu.memref_slice %arg14[%add3A_17, %dma_start3A_481] : memref<10240x128xf32, #tpu.memory_space<vmem_shared>> -> memref<64x128xf32, #tpu.memory_space<vmem_shared>>
      %dma_start3A_483 = arith.constant 0 : i32
      %dma_start3A_484 = tpu.memref_slice %arg14[%add3A_17, %dma_start3A_483] : memref<10240x128xf32, #tpu.memory_space<vmem_shared>> -> memref<64x128xf32, #tpu.memory_space<vmem_shared>>
      tpu.enqueue_dma source(%arg10 : memref<64x128xf32, #tpu.memory_space<vmem>>) target(%dma_start3A_484 : memref<64x128xf32, #tpu.memory_space<vmem_shared>>) target_semaphore(%run_scoped3A_480 : memref<!tpu.dma_semaphore, #tpu.memory_space<semaphore_mem>>)
      %dma_wait3A_485 = arith.constant 0 : i32
      %dma_wait3A_486 = tpu.memref_slice %arg14[%add3A_17, %dma_wait3A_485] : memref<10240x128xf32, #tpu.memory_space<vmem_shared>> -> memref<64x128xf32, #tpu.memory_space<vmem_shared>>
      %dma_wait3A_487 = arith.constant 0 : i32
      %dma_wait3A_488 = tpu.memref_slice %arg14[%add3A_17, %dma_wait3A_487] : memref<10240x128xf32, #tpu.memory_space<vmem_shared>> -> memref<64x128xf32, #tpu.memory_space<vmem_shared>>
      tpu.wait_dma2 semaphore(%run_scoped3A_480 : memref<!tpu.dma_semaphore, #tpu.memory_space<semaphore_mem>>) src(%arg10 : memref<64x128xf32, #tpu.memory_space<vmem>>) dst(%dma_wait3A_488 : memref<64x128xf32, #tpu.memory_space<vmem_shared>>)
      tpu.yield
    }) : () -> ()
    %mul3A_18 = arith.constant 640 : i32
    %mul3A_19 = arith.muli %arg1, %mul3A_18 : i32
    %add3A_20 = arith.constant 192 : i32
    %add3A_21 = arith.addi %mul3A_19, %add3A_20 : i32
    "tpu.region"() ({
      %run_scoped3A_480 = tpu.sem_alloc : memref<!tpu.dma_semaphore, #tpu.memory_space<semaphore_mem>>
      %dma_start3A_481 = arith.constant 0 : i32
      %dma_start3A_482 = tpu.memref_slice %arg14[%add3A_21, %dma_start3A_481] : memref<10240x128xf32, #tpu.memory_space<vmem_shared>> -> memref<64x128xf32, #tpu.memory_space<vmem_shared>>
      %dma_start3A_483 = arith.constant 0 : i32
      %dma_start3A_484 = tpu.memref_slice %arg14[%add3A_21, %dma_start3A_483] : memref<10240x128xf32, #tpu.memory_space<vmem_shared>> -> memref<64x128xf32, #tpu.memory_space<vmem_shared>>
      tpu.enqueue_dma source(%arg10 : memref<64x128xf32, #tpu.memory_space<vmem>>) target(%dma_start3A_484 : memref<64x128xf32, #tpu.memory_space<vmem_shared>>) target_semaphore(%run_scoped3A_480 : memref<!tpu.dma_semaphore, #tpu.memory_space<semaphore_mem>>)
      %dma_wait3A_485 = arith.constant 0 : i32
      %dma_wait3A_486 = tpu.memref_slice %arg14[%add3A_21, %dma_wait3A_485] : memref<10240x128xf32, #tpu.memory_space<vmem_shared>> -> memref<64x128xf32, #tpu.memory_space<vmem_shared>>
      %dma_wait3A_487 = arith.constant 0 : i32
      %dma_wait3A_488 = tpu.memref_slice %arg14[%add3A_21, %dma_wait3A_487] : memref<10240x128xf32, #tpu.memory_space<vmem_shared>> -> memref<64x128xf32, #tpu.memory_space<vmem_shared>>
      tpu.wait_dma2 semaphore(%run_scoped3A_480 : memref<!tpu.dma_semaphore, #tpu.memory_space<semaphore_mem>>) src(%arg10 : memref<64x128xf32, #tpu.memory_space<vmem>>) dst(%dma_wait3A_488 : memref<64x128xf32, #tpu.memory_space<vmem_shared>>)
      tpu.yield
    }) : () -> ()
    %mul3A_22 = arith.constant 640 : i32
    %mul3A_23 = arith.muli %arg1, %mul3A_22 : i32
    %add3A_24 = arith.constant 256 : i32
    %add3A_25 = arith.addi %mul3A_23, %add3A_24 : i32
    "tpu.region"() ({
      %run_scoped3A_480 = tpu.sem_alloc : memref<!tpu.dma_semaphore, #tpu.memory_space<semaphore_mem>>
      %dma_start3A_481 = arith.constant 0 : i32
      %dma_start3A_482 = tpu.memref_slice %arg14[%add3A_25, %dma_start3A_481] : memref<10240x128xf32, #tpu.memory_space<vmem_shared>> -> memref<64x128xf32, #tpu.memory_space<vmem_shared>>
      %dma_start3A_483 = arith.constant 0 : i32
      %dma_start3A_484 = tpu.memref_slice %arg14[%add3A_25, %dma_start3A_483] : memref<10240x128xf32, #tpu.memory_space<vmem_shared>> -> memref<64x128xf32, #tpu.memory_space<vmem_shared>>
      tpu.enqueue_dma source(%arg10 : memref<64x128xf32, #tpu.memory_space<vmem>>) target(%dma_start3A_484 : memref<64x128xf32, #tpu.memory_space<vmem_shared>>) target_semaphore(%run_scoped3A_480 : memref<!tpu.dma_semaphore, #tpu.memory_space<semaphore_mem>>)
      %dma_wait3A_485 = arith.constant 0 : i32
      %dma_wait3A_486 = tpu.memref_slice %arg14[%add3A_25, %dma_wait3A_485] : memref<10240x128xf32, #tpu.memory_space<vmem_shared>> -> memref<64x128xf32, #tpu.memory_space<vmem_shared>>
      %dma_wait3A_487 = arith.constant 0 : i32
      %dma_wait3A_488 = tpu.memref_slice %arg14[%add3A_25, %dma_wait3A_487] : memref<10240x128xf32, #tpu.memory_space<vmem_shared>> -> memref<64x128xf32, #tpu.memory_space<vmem_shared>>
      tpu.wait_dma2 semaphore(%run_scoped3A_480 : memref<!tpu.dma_semaphore, #tpu.memory_space<semaphore_mem>>) src(%arg10 : memref<64x128xf32, #tpu.memory_space<vmem>>) dst(%dma_wait3A_488 : memref<64x128xf32, #tpu.memory_space<vmem_shared>>)
      tpu.yield
    }) : () -> ()
    %mul3A_26 = arith.constant 640 : i32
    %mul3A_27 = arith.muli %arg1, %mul3A_26 : i32
    %add3A_28 = arith.constant 320 : i32
    %add3A_29 = arith.addi %mul3A_27, %add3A_28 : i32
    "tpu.region"() ({
      %run_scoped3A_480 = tpu.sem_alloc : memref<!tpu.dma_semaphore, #tpu.memory_space<semaphore_mem>>
      %dma_start3A_481 = arith.constant 0 : i32
      %dma_start3A_482 = tpu.memref_slice %arg14[%add3A_29, %dma_start3A_481] : memref<10240x128xf32, #tpu.memory_space<vmem_shared>> -> memref<64x128xf32, #tpu.memory_space<vmem_shared>>
      %dma_start3A_483 = arith.constant 0 : i32
      %dma_start3A_484 = tpu.memref_slice %arg14[%add3A_29, %dma_start3A_483] : memref<10240x128xf32, #tpu.memory_space<vmem_shared>> -> memref<64x128xf32, #tpu.memory_space<vmem_shared>>
      tpu.enqueue_dma source(%arg10 : memref<64x128xf32, #tpu.memory_space<vmem>>) target(%dma_start3A_484 : memref<64x128xf32, #tpu.memory_space<vmem_shared>>) target_semaphore(%run_scoped3A_480 : memref<!tpu.dma_semaphore, #tpu.memory_space<semaphore_mem>>)
      %dma_wait3A_485 = arith.constant 0 : i32
      %dma_wait3A_486 = tpu.memref_slice %arg14[%add3A_29, %dma_wait3A_485] : memref<10240x128xf32, #tpu.memory_space<vmem_shared>> -> memref<64x128xf32, #tpu.memory_space<vmem_shared>>
      %dma_wait3A_487 = arith.constant 0 : i32
      %dma_wait3A_488 = tpu.memref_slice %arg14[%add3A_29, %dma_wait3A_487] : memref<10240x128xf32, #tpu.memory_space<vmem_shared>> -> memref<64x128xf32, #tpu.memory_space<vmem_shared>>
      tpu.wait_dma2 semaphore(%run_scoped3A_480 : memref<!tpu.dma_semaphore, #tpu.memory_space<semaphore_mem>>) src(%arg10 : memref<64x128xf32, #tpu.memory_space<vmem>>) dst(%dma_wait3A_488 : memref<64x128xf32, #tpu.memory_space<vmem_shared>>)
      tpu.yield
    }) : () -> ()
    %mul3A_30 = arith.constant 640 : i32
    %mul3A_31 = arith.muli %arg1, %mul3A_30 : i32
    %add3A_32 = arith.constant 384 : i32
    %add3A_33 = arith.addi %mul3A_31, %add3A_32 : i32
    "tpu.region"() ({
      %run_scoped3A_480 = tpu.sem_alloc : memref<!tpu.dma_semaphore, #tpu.memory_space<semaphore_mem>>
      %dma_start3A_481 = arith.constant 0 : i32
      %dma_start3A_482 = tpu.memref_slice %arg14[%add3A_33, %dma_start3A_481] : memref<10240x128xf32, #tpu.memory_space<vmem_shared>> -> memref<64x128xf32, #tpu.memory_space<vmem_shared>>
      %dma_start3A_483 = arith.constant 0 : i32
      %dma_start3A_484 = tpu.memref_slice %arg14[%add3A_33, %dma_start3A_483] : memref<10240x128xf32, #tpu.memory_space<vmem_shared>> -> memref<64x128xf32, #tpu.memory_space<vmem_shared>>
      tpu.enqueue_dma source(%arg10 : memref<64x128xf32, #tpu.memory_space<vmem>>) target(%dma_start3A_484 : memref<64x128xf32, #tpu.memory_space<vmem_shared>>) target_semaphore(%run_scoped3A_480 : memref<!tpu.dma_semaphore, #tpu.memory_space<semaphore_mem>>)
      %dma_wait3A_485 = arith.constant 0 : i32
      %dma_wait3A_486 = tpu.memref_slice %arg14[%add3A_33, %dma_wait3A_485] : memref<10240x128xf32, #tpu.memory_space<vmem_shared>> -> memref<64x128xf32, #tpu.memory_space<vmem_shared>>
      %dma_wait3A_487 = arith.constant 0 : i32
      %dma_wait3A_488 = tpu.memref_slice %arg14[%add3A_33, %dma_wait3A_487] : memref<10240x128xf32, #tpu.memory_space<vmem_shared>> -> memref<64x128xf32, #tpu.memory_space<vmem_shared>>
      tpu.wait_dma2 semaphore(%run_scoped3A_480 : memref<!tpu.dma_semaphore, #tpu.memory_space<semaphore_mem>>) src(%arg10 : memref<64x128xf32, #tpu.memory_space<vmem>>) dst(%dma_wait3A_488 : memref<64x128xf32, #tpu.memory_space<vmem_shared>>)
      tpu.yield
    }) : () -> ()
    %mul3A_34 = arith.constant 640 : i32
    %mul3A_35 = arith.muli %arg1, %mul3A_34 : i32
    %add3A_36 = arith.constant 448 : i32
    %add3A_37 = arith.addi %mul3A_35, %add3A_36 : i32
    "tpu.region"() ({
      %run_scoped3A_480 = tpu.sem_alloc : memref<!tpu.dma_semaphore, #tpu.memory_space<semaphore_mem>>
      %dma_start3A_481 = arith.constant 0 : i32
      %dma_start3A_482 = tpu.memref_slice %arg14[%add3A_37, %dma_start3A_481] : memref<10240x128xf32, #tpu.memory_space<vmem_shared>> -> memref<64x128xf32, #tpu.memory_space<vmem_shared>>
      %dma_start3A_483 = arith.constant 0 : i32
      %dma_start3A_484 = tpu.memref_slice %arg14[%add3A_37, %dma_start3A_483] : memref<10240x128xf32, #tpu.memory_space<vmem_shared>> -> memref<64x128xf32, #tpu.memory_space<vmem_shared>>
      tpu.enqueue_dma source(%arg10 : memref<64x128xf32, #tpu.memory_space<vmem>>) target(%dma_start3A_484 : memref<64x128xf32, #tpu.memory_space<vmem_shared>>) target_semaphore(%run_scoped3A_480 : memref<!tpu.dma_semaphore, #tpu.memory_space<semaphore_mem>>)
      %dma_wait3A_485 = arith.constant 0 : i32
      %dma_wait3A_486 = tpu.memref_slice %arg14[%add3A_37, %dma_wait3A_485] : memref<10240x128xf32, #tpu.memory_space<vmem_shared>> -> memref<64x128xf32, #tpu.memory_space<vmem_shared>>
      %dma_wait3A_487 = arith.constant 0 : i32
      %dma_wait3A_488 = tpu.memref_slice %arg14[%add3A_37, %dma_wait3A_487] : memref<10240x128xf32, #tpu.memory_space<vmem_shared>> -> memref<64x128xf32, #tpu.memory_space<vmem_shared>>
      tpu.wait_dma2 semaphore(%run_scoped3A_480 : memref<!tpu.dma_semaphore, #tpu.memory_space<semaphore_mem>>) src(%arg10 : memref<64x128xf32, #tpu.memory_space<vmem>>) dst(%dma_wait3A_488 : memref<64x128xf32, #tpu.memory_space<vmem_shared>>)
      tpu.yield
    }) : () -> ()
    %mul3A_38 = arith.constant 640 : i32
    %mul3A_39 = arith.muli %arg1, %mul3A_38 : i32
    %add3A_40 = arith.constant 512 : i32
    %add3A_41 = arith.addi %mul3A_39, %add3A_40 : i32
    "tpu.region"() ({
      %run_scoped3A_480 = tpu.sem_alloc : memref<!tpu.dma_semaphore, #tpu.memory_space<semaphore_mem>>
      %dma_start3A_481 = arith.constant 0 : i32
      %dma_start3A_482 = tpu.memref_slice %arg14[%add3A_41, %dma_start3A_481] : memref<10240x128xf32, #tpu.memory_space<vmem_shared>> -> memref<64x128xf32, #tpu.memory_space<vmem_shared>>
      %dma_start3A_483 = arith.constant 0 : i32
      %dma_start3A_484 = tpu.memref_slice %arg14[%add3A_41, %dma_start3A_483] : memref<10240x128xf32, #tpu.memory_space<vmem_shared>> -> memref<64x128xf32, #tpu.memory_space<vmem_shared>>
      tpu.enqueue_dma source(%arg10 : memref<64x128xf32, #tpu.memory_space<vmem>>) target(%dma_start3A_484 : memref<64x128xf32, #tpu.memory_space<vmem_shared>>) target_semaphore(%run_scoped3A_480 : memref<!tpu.dma_semaphore, #tpu.memory_space<semaphore_mem>>)
      %dma_wait3A_485 = arith.constant 0 : i32
      %dma_wait3A_486 = tpu.memref_slice %arg14[%add3A_41, %dma_wait3A_485] : memref<10240x128xf32, #tpu.memory_space<vmem_shared>> -> memref<64x128xf32, #tpu.memory_space<vmem_shared>>
      %dma_wait3A_487 = arith.constant 0 : i32
      %dma_wait3A_488 = tpu.memref_slice %arg14[%add3A_41, %dma_wait3A_487] : memref<10240x128xf32, #tpu.memory_space<vmem_shared>> -> memref<64x128xf32, #tpu.memory_space<vmem_shared>>
      tpu.wait_dma2 semaphore(%run_scoped3A_480 : memref<!tpu.dma_semaphore, #tpu.memory_space<semaphore_mem>>) src(%arg10 : memref<64x128xf32, #tpu.memory_space<vmem>>) dst(%dma_wait3A_488 : memref<64x128xf32, #tpu.memory_space<vmem_shared>>)
      tpu.yield
    }) : () -> ()
    %mul3A_42 = arith.constant 640 : i32
    %mul3A_43 = arith.muli %arg1, %mul3A_42 : i32
    %add3A_44 = arith.constant 576 : i32
    %add3A_45 = arith.addi %mul3A_43, %add3A_44 : i32
    "tpu.region"() ({
      %run_scoped3A_480 = tpu.sem_alloc : memref<!tpu.dma_semaphore, #tpu.memory_space<semaphore_mem>>
      %dma_start3A_481 = arith.constant 0 : i32
      %dma_start3A_482 = tpu.memref_slice %arg14[%add3A_45, %dma_start3A_481] : memref<10240x128xf32, #tpu.memory_space<vmem_shared>> -> memref<64x128xf32, #tpu.memory_space<vmem_shared>>
      %dma_start3A_483 = arith.constant 0 : i32
      %dma_start3A_484 = tpu.memref_slice %arg14[%add3A_45, %dma_start3A_483] : memref<10240x128xf32, #tpu.memory_space<vmem_shared>> -> memref<64x128xf32, #tpu.memory_space<vmem_shared>>
      tpu.enqueue_dma source(%arg10 : memref<64x128xf32, #tpu.memory_space<vmem>>) target(%dma_start3A_484 : memref<64x128xf32, #tpu.memory_space<vmem_shared>>) target_semaphore(%run_scoped3A_480 : memref<!tpu.dma_semaphore, #tpu.memory_space<semaphore_mem>>)
      %dma_wait3A_485 = arith.constant 0 : i32
      %dma_wait3A_486 = tpu.memref_slice %arg14[%add3A_45, %dma_wait3A_485] : memref<10240x128xf32, #tpu.memory_space<vmem_shared>> -> memref<64x128xf32, #tpu.memory_space<vmem_shared>>
      %dma_wait3A_487 = arith.constant 0 : i32
      %dma_wait3A_488 = tpu.memref_slice %arg14[%add3A_45, %dma_wait3A_487] : memref<10240x128xf32, #tpu.memory_space<vmem_shared>> -> memref<64x128xf32, #tpu.memory_space<vmem_shared>>
      tpu.wait_dma2 semaphore(%run_scoped3A_480 : memref<!tpu.dma_semaphore, #tpu.memory_space<semaphore_mem>>) src(%arg10 : memref<64x128xf32, #tpu.memory_space<vmem>>) dst(%dma_wait3A_488 : memref<64x128xf32, #tpu.memory_space<vmem_shared>>)
      tpu.yield
    }) : () -> ()
    %barrier3A = arith.constant 0 : index
    tpu.barrier barrier_id(%barrier3A)
    %eq3A = arith.constant 0 : i32
    %eq3A_46 = arith.cmpi eq, %arg0, %eq3A : i32
    %jit3A = arith.constant 109 : i32
    %jit3A_47 = arith.constant 49 : i32
    %select_n3A = arith.select %eq3A_46, %jit3A, %jit3A_47 : i32
    %eq3A_48 = arith.constant 0 : i32
    %eq3A_49 = arith.cmpi eq, %arg0, %eq3A_48 : i32
    %add3A_50 = arith.constant 1744 : i32
    %add3A_51 = arith.addi %add3A_50, %arg1 : i32
    %select_n3A_52 = arith.select %eq3A_49, %arg1, %add3A_51 : i32
    %run_scoped3A = arith.constant 0 : i32
    "tpu.region"() ({
      %run_scoped3A_480 = tpu.sem_alloc : memref<!tpu.dma_semaphore, #tpu.memory_space<semaphore_mem>>
      %dma_start3A_481 = arith.constant 0 : i32
      %dma_start3A_482 = arith.constant 0 : i32
      %dma_start3A_483 = tpu.memref_slice %arg8[%run_scoped3A, %dma_start3A_481, %dma_start3A_482] : memref<3x2x128xi32, #tpu.memory_space<vmem>> -> memref<1x2x128xi32, #tpu.memory_space<vmem>>
      %dma_start3A_484 = tpu.memref_squeeze %dma_start3A_483 : memref<1x2x128xi32, #tpu.memory_space<vmem>> -> memref<2x128xi32, #tpu.memory_space<vmem>>
      %dma_start3A_485 = arith.constant 0 : i32
      %dma_start3A_486 = arith.constant 0 : i32
      %dma_start3A_487 = tpu.memref_slice %arg6[%select_n3A_52, %dma_start3A_485, %dma_start3A_486] : memref<2528x2x128xi32, #tpu.memory_space<hbm>> -> memref<1x2x128xi32, #tpu.memory_space<hbm>>
      %dma_start3A_488 = tpu.memref_squeeze %dma_start3A_487 : memref<1x2x128xi32, #tpu.memory_space<hbm>> -> memref<2x128xi32, #tpu.memory_space<hbm>>
      %dma_start3A_489 = arith.constant 0 : i32
      %dma_start3A_490 = arith.constant 0 : i32
      %dma_start3A_491 = tpu.memref_slice %arg8[%run_scoped3A, %dma_start3A_489, %dma_start3A_490] : memref<3x2x128xi32, #tpu.memory_space<vmem>> -> memref<1x2x128xi32, #tpu.memory_space<vmem>>
      %dma_start3A_492 = tpu.memref_squeeze %dma_start3A_491 : memref<1x2x128xi32, #tpu.memory_space<vmem>> -> memref<2x128xi32, #tpu.memory_space<vmem>>
      %dma_start3A_493 = arith.constant 0 : i32
      %dma_start3A_494 = arith.constant 0 : i32
      %dma_start3A_495 = tpu.memref_slice %arg6[%select_n3A_52, %dma_start3A_493, %dma_start3A_494] : memref<2528x2x128xi32, #tpu.memory_space<hbm>> -> memref<1x2x128xi32, #tpu.memory_space<hbm>>
      %dma_start3A_496 = tpu.memref_squeeze %dma_start3A_495 : memref<1x2x128xi32, #tpu.memory_space<hbm>> -> memref<2x128xi32, #tpu.memory_space<hbm>>
      tpu.enqueue_dma source(%dma_start3A_496 : memref<2x128xi32, #tpu.memory_space<hbm>>) target(%dma_start3A_492 : memref<2x128xi32, #tpu.memory_space<vmem>>) target_semaphore(%run_scoped3A_480 : memref<!tpu.dma_semaphore, #tpu.memory_space<semaphore_mem>>)
      %dma_wait3A_497 = arith.constant 0 : i32
      %dma_wait3A_498 = arith.constant 0 : i32
      %dma_wait3A_499 = tpu.memref_slice %arg8[%run_scoped3A, %dma_wait3A_497, %dma_wait3A_498] : memref<3x2x128xi32, #tpu.memory_space<vmem>> -> memref<1x2x128xi32, #tpu.memory_space<vmem>>
      %dma_wait3A_500 = tpu.memref_squeeze %dma_wait3A_499 : memref<1x2x128xi32, #tpu.memory_space<vmem>> -> memref<2x128xi32, #tpu.memory_space<vmem>>
      %dma_wait3A_501 = arith.constant 0 : i32
      %dma_wait3A_502 = arith.constant 0 : i32
      %dma_wait3A_503 = tpu.memref_slice %arg6[%select_n3A_52, %dma_wait3A_501, %dma_wait3A_502] : memref<2528x2x128xi32, #tpu.memory_space<hbm>> -> memref<1x2x128xi32, #tpu.memory_space<hbm>>
      %dma_wait3A_504 = tpu.memref_squeeze %dma_wait3A_503 : memref<1x2x128xi32, #tpu.memory_space<hbm>> -> memref<2x128xi32, #tpu.memory_space<hbm>>
      %dma_wait3A_505 = arith.constant 0 : i32
      %dma_wait3A_506 = arith.constant 0 : i32
      %dma_wait3A_507 = tpu.memref_slice %arg8[%run_scoped3A, %dma_wait3A_505, %dma_wait3A_506] : memref<3x2x128xi32, #tpu.memory_space<vmem>> -> memref<1x2x128xi32, #tpu.memory_space<vmem>>
      %dma_wait3A_508 = tpu.memref_squeeze %dma_wait3A_507 : memref<1x2x128xi32, #tpu.memory_space<vmem>> -> memref<2x128xi32, #tpu.memory_space<vmem>>
      %dma_wait3A_509 = arith.constant 0 : i32
      %dma_wait3A_510 = arith.constant 0 : i32
      %dma_wait3A_511 = tpu.memref_slice %arg6[%select_n3A_52, %dma_wait3A_509, %dma_wait3A_510] : memref<2528x2x128xi32, #tpu.memory_space<hbm>> -> memref<1x2x128xi32, #tpu.memory_space<hbm>>
      %dma_wait3A_512 = tpu.memref_squeeze %dma_wait3A_511 : memref<1x2x128xi32, #tpu.memory_space<hbm>> -> memref<2x128xi32, #tpu.memory_space<hbm>>
      tpu.wait_dma2 semaphore(%run_scoped3A_480 : memref<!tpu.dma_semaphore, #tpu.memory_space<semaphore_mem>>) src(%dma_wait3A_512 : memref<2x128xi32, #tpu.memory_space<hbm>>) dst(%dma_wait3A_508 : memref<2x128xi32, #tpu.memory_space<vmem>>)
      tpu.yield
    }) : () -> ()
    %dma_start3A = arith.constant 0 : i32
    %dma_start3A_53 = arith.constant 0 : i32
    %dma_start3A_54 = arith.constant 0 : i32
    %dma_start3A_55 = arith.constant 0 : i32
    %dma_start3A_56 = arith.constant 0 : i32
    %dma_start3A_57 = tpu.memref_slice %arg9[%dma_start3A_54, %dma_start3A_55, %dma_start3A_56] : memref<2x128x128xf32, #tpu.memory_space<vmem>> -> memref<1x128x128xf32, #tpu.memory_space<vmem>>
    %dma_start3A_58 = tpu.memref_squeeze %dma_start3A_57 : memref<1x128x128xf32, #tpu.memory_space<vmem>> -> memref<128x128xf32, #tpu.memory_space<vmem>>
    %dma_start3A_59 = arith.constant 0 : i32
    %dma_start3A_60 = tpu.memref_slice %arg8[%dma_start3A, %dma_start3A_53, %dma_start3A_59] : memref<3x2x128xi32, #tpu.memory_space<vmem>> -> memref<1x1x128xi32, #tpu.memory_space<vmem>>
    %dma_start3A_61 = tpu.memref_squeeze %dma_start3A_60 : memref<1x1x128xi32, #tpu.memory_space<vmem>> -> memref<128xi32, #tpu.memory_space<vmem>>
    %dma_start3A_62 = arith.constant 0 : i32
    %dma_start3A_63 = arith.constant 0 : i32
    %dma_start3A_64 = tpu.memref_slice %arg2[%dma_start3A_62, %dma_start3A_63] : memref<10000x128xf32, #tpu.memory_space<hbm>> -> memref<10000x128xf32, #tpu.memory_space<hbm>>
    tpu.enqueue_indirect_dma source(%dma_start3A_64 : memref<10000x128xf32, #tpu.memory_space<hbm>>) target(%dma_start3A_58 : memref<128x128xf32, #tpu.memory_space<vmem>>) offsets(%dma_start3A_61 : memref<128xi32, #tpu.memory_space<vmem>>) semaphore(%arg12 : memref<!tpu.dma_semaphore, #tpu.memory_space<semaphore_mem>>)
    %add3A_65 = arith.constant 16 : i32
    %add3A_66 = arith.addi %select_n3A_52, %add3A_65 : i32
    %dma_start3A_67 = arith.constant 1 : i32
    %dma_start3A_68 = arith.constant 0 : i32
    %dma_start3A_69 = arith.constant 0 : i32
    %dma_start3A_70 = tpu.memref_slice %arg8[%dma_start3A_67, %dma_start3A_68, %dma_start3A_69] : memref<3x2x128xi32, #tpu.memory_space<vmem>> -> memref<1x2x128xi32, #tpu.memory_space<vmem>>
    %dma_start3A_71 = tpu.memref_squeeze %dma_start3A_70 : memref<1x2x128xi32, #tpu.memory_space<vmem>> -> memref<2x128xi32, #tpu.memory_space<vmem>>
    %dma_start3A_72 = arith.constant 0 : i32
    %dma_start3A_73 = arith.constant 0 : i32
    %dma_start3A_74 = tpu.memref_slice %arg6[%add3A_66, %dma_start3A_72, %dma_start3A_73] : memref<2528x2x128xi32, #tpu.memory_space<hbm>> -> memref<1x2x128xi32, #tpu.memory_space<hbm>>
    %dma_start3A_75 = tpu.memref_squeeze %dma_start3A_74 : memref<1x2x128xi32, #tpu.memory_space<hbm>> -> memref<2x128xi32, #tpu.memory_space<hbm>>
    %dma_start3A_76 = arith.constant 0 : i32
    %dma_start3A_77 = arith.constant 0 : i32
    %dma_start3A_78 = tpu.memref_slice %arg8[%dma_start3A_67, %dma_start3A_76, %dma_start3A_77] : memref<3x2x128xi32, #tpu.memory_space<vmem>> -> memref<1x2x128xi32, #tpu.memory_space<vmem>>
    %dma_start3A_79 = tpu.memref_squeeze %dma_start3A_78 : memref<1x2x128xi32, #tpu.memory_space<vmem>> -> memref<2x128xi32, #tpu.memory_space<vmem>>
    %dma_start3A_80 = arith.constant 0 : i32
    %dma_start3A_81 = arith.constant 0 : i32
    %dma_start3A_82 = tpu.memref_slice %arg6[%add3A_66, %dma_start3A_80, %dma_start3A_81] : memref<2528x2x128xi32, #tpu.memory_space<hbm>> -> memref<1x2x128xi32, #tpu.memory_space<hbm>>
    %dma_start3A_83 = tpu.memref_squeeze %dma_start3A_82 : memref<1x2x128xi32, #tpu.memory_space<hbm>> -> memref<2x128xi32, #tpu.memory_space<hbm>>
    tpu.enqueue_dma source(%dma_start3A_83 : memref<2x128xi32, #tpu.memory_space<hbm>>) target(%dma_start3A_79 : memref<2x128xi32, #tpu.memory_space<vmem>>) target_semaphore(%arg11 : memref<!tpu.dma_semaphore, #tpu.memory_space<semaphore_mem>>)
    %sub3A = arith.constant 1 : i32
    %sub3A_84 = arith.subi %select_n3A, %sub3A : i32
    %while3A = arith.constant 0 : i32
    %while3A_85 = arith.constant 0 : i32
    %while3A_86 = arith.subi %sub3A_84, %while3A_85 : i32
    %while3A_87 = arith.addi %while3A_85, %while3A_86 : i32
    %while3A_88 = arith.constant 1 : i32
    %while3A_89 = arith.divsi %while3A_86, %while3A_88 : i32
    %while3A_90 = arith.muli %while3A_89, %while3A_88 : i32
    %while3A_91 = arith.addi %while3A_85, %while3A_90 : i32
    %while3A_92 = arith.constant 1 : i32
    scf.for %while3A_480 = %while3A_85 to %while3A_91 step %while3A_92  : i32 {
      %rem3A_481 = arith.constant 2 : i32
      %rem3A_482 = arith.remsi %while3A_480, %rem3A_481 : i32
      %sub3A_483 = arith.constant 1 : i32
      %sub3A_484 = arith.subi %sub3A_483, %rem3A_482 : i32
      %add3A_485 = arith.constant 1 : i32
      %add3A_486 = arith.addi %while3A_480, %add3A_485 : i32
      %rem3A_487 = arith.constant 3 : i32
      %rem3A_488 = arith.remsi %add3A_486, %rem3A_487 : i32
      %add3A_489 = arith.constant 2 : i32
      %add3A_490 = arith.addi %while3A_480, %add3A_489 : i32
      %rem3A_491 = arith.constant 3 : i32
      %rem3A_492 = arith.remsi %add3A_490, %rem3A_491 : i32
      %add3A_493 = arith.constant 2 : i32
      %add3A_494 = arith.addi %while3A_480, %add3A_493 : i32
      %lt3A = arith.cmpi slt, %add3A_494, %select_n3A : i32
      %convert_element_type3A = arith.extui %lt3A : i1 to i32
      %cond3A = arith.constant 0 : i32
      %cond3A_495 = arith.cmpi ne, %convert_element_type3A, %cond3A : i32
      scf.if %cond3A_495 {
        %add3A_542 = arith.constant 2 : i32
        %add3A_543 = arith.addi %while3A_480, %add3A_542 : i32
        %mul3A_544 = arith.constant 16 : i32
        %mul3A_545 = arith.muli %mul3A_544, %add3A_543 : i32
        %add3A_546 = arith.addi %select_n3A_52, %mul3A_545 : i32
        %dma_start3A_547 = arith.constant 0 : i32
        %dma_start3A_548 = arith.constant 0 : i32
        %dma_start3A_549 = tpu.memref_slice %arg8[%rem3A_492, %dma_start3A_547, %dma_start3A_548] : memref<3x2x128xi32, #tpu.memory_space<vmem>> -> memref<1x2x128xi32, #tpu.memory_space<vmem>>
        %dma_start3A_550 = tpu.memref_squeeze %dma_start3A_549 : memref<1x2x128xi32, #tpu.memory_space<vmem>> -> memref<2x128xi32, #tpu.memory_space<vmem>>
        %dma_start3A_551 = arith.constant 0 : i32
        %dma_start3A_552 = arith.constant 0 : i32
        %dma_start3A_553 = tpu.memref_slice %arg6[%add3A_546, %dma_start3A_551, %dma_start3A_552] : memref<2528x2x128xi32, #tpu.memory_space<hbm>> -> memref<1x2x128xi32, #tpu.memory_space<hbm>>
        %dma_start3A_554 = tpu.memref_squeeze %dma_start3A_553 : memref<1x2x128xi32, #tpu.memory_space<hbm>> -> memref<2x128xi32, #tpu.memory_space<hbm>>
        %dma_start3A_555 = arith.constant 0 : i32
        %dma_start3A_556 = arith.constant 0 : i32
        %dma_start3A_557 = tpu.memref_slice %arg8[%rem3A_492, %dma_start3A_555, %dma_start3A_556] : memref<3x2x128xi32, #tpu.memory_space<vmem>> -> memref<1x2x128xi32, #tpu.memory_space<vmem>>
        %dma_start3A_558 = tpu.memref_squeeze %dma_start3A_557 : memref<1x2x128xi32, #tpu.memory_space<vmem>> -> memref<2x128xi32, #tpu.memory_space<vmem>>
        %dma_start3A_559 = arith.constant 0 : i32
        %dma_start3A_560 = arith.constant 0 : i32
        %dma_start3A_561 = tpu.memref_slice %arg6[%add3A_546, %dma_start3A_559, %dma_start3A_560] : memref<2528x2x128xi32, #tpu.memory_space<hbm>> -> memref<1x2x128xi32, #tpu.memory_space<hbm>>
        %dma_start3A_562 = tpu.memref_squeeze %dma_start3A_561 : memref<1x2x128xi32, #tpu.memory_space<hbm>> -> memref<2x128xi32, #tpu.memory_space<hbm>>
        tpu.enqueue_dma source(%dma_start3A_562 : memref<2x128xi32, #tpu.memory_space<hbm>>) target(%dma_start3A_558 : memref<2x128xi32, #tpu.memory_space<vmem>>) target_semaphore(%arg11 : memref<!tpu.dma_semaphore, #tpu.memory_space<semaphore_mem>>)
      } else {
      }
      %add3A_496 = arith.constant 1 : i32
      %add3A_497 = arith.addi %while3A_480, %add3A_496 : i32
      %mul3A_498 = arith.constant 16 : i32
      %mul3A_499 = arith.muli %mul3A_498, %add3A_497 : i32
      %add3A_500 = arith.addi %select_n3A_52, %mul3A_499 : i32
      %dma_wait3A_501 = arith.constant 0 : i32
      %dma_wait3A_502 = arith.constant 0 : i32
      %dma_wait3A_503 = tpu.memref_slice %arg8[%rem3A_488, %dma_wait3A_501, %dma_wait3A_502] : memref<3x2x128xi32, #tpu.memory_space<vmem>> -> memref<1x2x128xi32, #tpu.memory_space<vmem>>
      %dma_wait3A_504 = tpu.memref_squeeze %dma_wait3A_503 : memref<1x2x128xi32, #tpu.memory_space<vmem>> -> memref<2x128xi32, #tpu.memory_space<vmem>>
      %dma_wait3A_505 = arith.constant 0 : i32
      %dma_wait3A_506 = arith.constant 0 : i32
      %dma_wait3A_507 = tpu.memref_slice %arg6[%add3A_500, %dma_wait3A_505, %dma_wait3A_506] : memref<2528x2x128xi32, #tpu.memory_space<hbm>> -> memref<1x2x128xi32, #tpu.memory_space<hbm>>
      %dma_wait3A_508 = tpu.memref_squeeze %dma_wait3A_507 : memref<1x2x128xi32, #tpu.memory_space<hbm>> -> memref<2x128xi32, #tpu.memory_space<hbm>>
      %dma_wait3A_509 = arith.constant 0 : i32
      %dma_wait3A_510 = arith.constant 0 : i32
      %dma_wait3A_511 = tpu.memref_slice %arg8[%rem3A_488, %dma_wait3A_509, %dma_wait3A_510] : memref<3x2x128xi32, #tpu.memory_space<vmem>> -> memref<1x2x128xi32, #tpu.memory_space<vmem>>
      %dma_wait3A_512 = tpu.memref_squeeze %dma_wait3A_511 : memref<1x2x128xi32, #tpu.memory_space<vmem>> -> memref<2x128xi32, #tpu.memory_space<vmem>>
      %dma_wait3A_513 = arith.constant 0 : i32
      %dma_wait3A_514 = arith.constant 0 : i32
      %dma_wait3A_515 = tpu.memref_slice %arg6[%add3A_500, %dma_wait3A_513, %dma_wait3A_514] : memref<2528x2x128xi32, #tpu.memory_space<hbm>> -> memref<1x2x128xi32, #tpu.memory_space<hbm>>
      %dma_wait3A_516 = tpu.memref_squeeze %dma_wait3A_515 : memref<1x2x128xi32, #tpu.memory_space<hbm>> -> memref<2x128xi32, #tpu.memory_space<hbm>>
      tpu.wait_dma2 semaphore(%arg11 : memref<!tpu.dma_semaphore, #tpu.memory_space<semaphore_mem>>) src(%dma_wait3A_516 : memref<2x128xi32, #tpu.memory_space<hbm>>) dst(%dma_wait3A_512 : memref<2x128xi32, #tpu.memory_space<vmem>>)
      %dma_start3A_517 = arith.constant 0 : i32
      %dma_start3A_518 = arith.constant 0 : i32
      %dma_start3A_519 = arith.constant 0 : i32
      %dma_start3A_520 = tpu.memref_slice %arg9[%sub3A_484, %dma_start3A_518, %dma_start3A_519] : memref<2x128x128xf32, #tpu.memory_space<vmem>> -> memref<1x128x128xf32, #tpu.memory_space<vmem>>
      %dma_start3A_521 = tpu.memref_squeeze %dma_start3A_520 : memref<1x128x128xf32, #tpu.memory_space<vmem>> -> memref<128x128xf32, #tpu.memory_space<vmem>>
      %dma_start3A_522 = arith.constant 0 : i32
      %dma_start3A_523 = tpu.memref_slice %arg8[%rem3A_488, %dma_start3A_517, %dma_start3A_522] : memref<3x2x128xi32, #tpu.memory_space<vmem>> -> memref<1x1x128xi32, #tpu.memory_space<vmem>>
      %dma_start3A_524 = tpu.memref_squeeze %dma_start3A_523 : memref<1x1x128xi32, #tpu.memory_space<vmem>> -> memref<128xi32, #tpu.memory_space<vmem>>
      %dma_start3A_525 = arith.constant 0 : i32
      %dma_start3A_526 = arith.constant 0 : i32
      %dma_start3A_527 = tpu.memref_slice %arg2[%dma_start3A_525, %dma_start3A_526] : memref<10000x128xf32, #tpu.memory_space<hbm>> -> memref<10000x128xf32, #tpu.memory_space<hbm>>
      tpu.enqueue_indirect_dma source(%dma_start3A_527 : memref<10000x128xf32, #tpu.memory_space<hbm>>) target(%dma_start3A_521 : memref<128x128xf32, #tpu.memory_space<vmem>>) offsets(%dma_start3A_524 : memref<128xi32, #tpu.memory_space<vmem>>) semaphore(%arg12 : memref<!tpu.dma_semaphore, #tpu.memory_space<semaphore_mem>>)
      %dma_wait3A_528 = arith.constant 0 : i32
      %dma_wait3A_529 = arith.constant 0 : i32
      %dma_wait3A_530 = arith.constant 0 : i32
      %dma_wait3A_531 = tpu.memref_slice %arg9[%rem3A_482, %dma_wait3A_529, %dma_wait3A_530] : memref<2x128x128xf32, #tpu.memory_space<vmem>> -> memref<1x128x128xf32, #tpu.memory_space<vmem>>
      %dma_wait3A_532 = tpu.memref_squeeze %dma_wait3A_531 : memref<1x128x128xf32, #tpu.memory_space<vmem>> -> memref<128x128xf32, #tpu.memory_space<vmem>>
      %dma_wait3A_533 = arith.constant 0 : i32
      %dma_wait3A_534 = tpu.memref_slice %arg8[%rem3A_488, %dma_wait3A_528, %dma_wait3A_533] : memref<3x2x128xi32, #tpu.memory_space<vmem>> -> memref<1x1x128xi32, #tpu.memory_space<vmem>>
      %dma_wait3A_535 = tpu.memref_squeeze %dma_wait3A_534 : memref<1x1x128xi32, #tpu.memory_space<vmem>> -> memref<128xi32, #tpu.memory_space<vmem>>
      %dma_wait3A_536 = arith.constant 0 : i32
      %dma_wait3A_537 = arith.constant 0 : i32
      %dma_wait3A_538 = tpu.memref_slice %arg2[%dma_wait3A_536, %dma_wait3A_537] : memref<10000x128xf32, #tpu.memory_space<hbm>> -> memref<10000x128xf32, #tpu.memory_space<hbm>>
      tpu.wait_indirect_dma semaphore(%arg12 : memref<!tpu.dma_semaphore, #tpu.memory_space<semaphore_mem>>) src(%dma_wait3A_538 : memref<10000x128xf32, #tpu.memory_space<hbm>>) dst(%dma_wait3A_532 : memref<128x128xf32, #tpu.memory_space<vmem>>)
      %rem3A_539 = arith.constant 3 : i32
      %rem3A_540 = arith.remsi %while3A_480, %rem3A_539 : i32
      %run_scoped3A_541 = arith.constant 1 : i32
      "tpu.region"() ({
        %run_scoped3A_542 = tpu.sem_alloc : memref<!tpu.dma_semaphore, #tpu.memory_space<semaphore_mem>>
        %dma_start3A_543 = arith.constant 0 : i32
        %dma_start3A_544 = arith.constant 0 : i32
        %dma_start3A_545 = tpu.memref_slice %arg9[%rem3A_482, %dma_start3A_543, %dma_start3A_544] : memref<2x128x128xf32, #tpu.memory_space<vmem>> -> memref<1x128x128xf32, #tpu.memory_space<vmem>>
        %dma_start3A_546 = tpu.memref_squeeze %dma_start3A_545 : memref<1x128x128xf32, #tpu.memory_space<vmem>> -> memref<128x128xf32, #tpu.memory_space<vmem>>
        %dma_start3A_547 = arith.constant 0 : i32
        %dma_start3A_548 = tpu.memref_slice %arg8[%rem3A_540, %run_scoped3A_541, %dma_start3A_547] : memref<3x2x128xi32, #tpu.memory_space<vmem>> -> memref<1x1x128xi32, #tpu.memory_space<vmem>>
        %dma_start3A_549 = tpu.memref_squeeze %dma_start3A_548 : memref<1x1x128xi32, #tpu.memory_space<vmem>> -> memref<128xi32, #tpu.memory_space<vmem>>
        %dma_start3A_550 = arith.constant 0 : i32
        %dma_start3A_551 = arith.constant 0 : i32
        %dma_start3A_552 = tpu.memref_slice %arg14[%dma_start3A_550, %dma_start3A_551] : memref<10240x128xf32, #tpu.memory_space<vmem_shared>> -> memref<10240x128xf32, #tpu.memory_space<vmem_shared>>
        tpu.enqueue_indirect_dma source(%dma_start3A_546 : memref<128x128xf32, #tpu.memory_space<vmem>>) target(%dma_start3A_552 : memref<10240x128xf32, #tpu.memory_space<vmem_shared>>) offsets(%dma_start3A_549 : memref<128xi32, #tpu.memory_space<vmem>>) semaphore(%run_scoped3A_542 : memref<!tpu.dma_semaphore, #tpu.memory_space<semaphore_mem>>) {add = true}
        %dma_wait3A_553 = arith.constant 0 : i32
        %dma_wait3A_554 = arith.constant 0 : i32
        %dma_wait3A_555 = tpu.memref_slice %arg9[%rem3A_482, %dma_wait3A_553, %dma_wait3A_554] : memref<2x128x128xf32, #tpu.memory_space<vmem>> -> memref<1x128x128xf32, #tpu.memory_space<vmem>>
        %dma_wait3A_556 = tpu.memref_squeeze %dma_wait3A_555 : memref<1x128x128xf32, #tpu.memory_space<vmem>> -> memref<128x128xf32, #tpu.memory_space<vmem>>
        %dma_wait3A_557 = arith.constant 0 : i32
        %dma_wait3A_558 = tpu.memref_slice %arg8[%rem3A_540, %run_scoped3A_541, %dma_wait3A_557] : memref<3x2x128xi32, #tpu.memory_space<vmem>> -> memref<1x1x128xi32, #tpu.memory_space<vmem>>
        %dma_wait3A_559 = tpu.memref_squeeze %dma_wait3A_558 : memref<1x1x128xi32, #tpu.memory_space<vmem>> -> memref<128xi32, #tpu.memory_space<vmem>>
        %dma_wait3A_560 = arith.constant 0 : i32
        %dma_wait3A_561 = arith.constant 0 : i32
        %dma_wait3A_562 = tpu.memref_slice %arg14[%dma_wait3A_560, %dma_wait3A_561] : memref<10240x128xf32, #tpu.memory_space<vmem_shared>> -> memref<10240x128xf32, #tpu.memory_space<vmem_shared>>
        tpu.wait_indirect_dma semaphore(%run_scoped3A_542 : memref<!tpu.dma_semaphore, #tpu.memory_space<semaphore_mem>>) src(%dma_wait3A_556 : memref<128x128xf32, #tpu.memory_space<vmem>>) dst(%dma_wait3A_562 : memref<10240x128xf32, #tpu.memory_space<vmem_shared>>)
        tpu.yield
      }) : () -> ()
    }
    %while3A_93 = arith.constant 1 : i32
    scf.for %while3A_480 = %while3A_91 to %while3A_87 step %while3A_93  : i32 {
      %rem3A_481 = arith.constant 2 : i32
      %rem3A_482 = arith.remsi %while3A_480, %rem3A_481 : i32
      %sub3A_483 = arith.constant 1 : i32
      %sub3A_484 = arith.subi %sub3A_483, %rem3A_482 : i32
      %add3A_485 = arith.constant 1 : i32
      %add3A_486 = arith.addi %while3A_480, %add3A_485 : i32
      %rem3A_487 = arith.constant 3 : i32
      %rem3A_488 = arith.remsi %add3A_486, %rem3A_487 : i32
      %add3A_489 = arith.constant 2 : i32
      %add3A_490 = arith.addi %while3A_480, %add3A_489 : i32
      %rem3A_491 = arith.constant 3 : i32
      %rem3A_492 = arith.remsi %add3A_490, %rem3A_491 : i32
      %add3A_493 = arith.constant 2 : i32
      %add3A_494 = arith.addi %while3A_480, %add3A_493 : i32
      %lt3A = arith.cmpi slt, %add3A_494, %select_n3A : i32
      %convert_element_type3A = arith.extui %lt3A : i1 to i32
      %cond3A = arith.constant 0 : i32
      %cond3A_495 = arith.cmpi ne, %convert_element_type3A, %cond3A : i32
      scf.if %cond3A_495 {
        %add3A_542 = arith.constant 2 : i32
        %add3A_543 = arith.addi %while3A_480, %add3A_542 : i32
        %mul3A_544 = arith.constant 16 : i32
        %mul3A_545 = arith.muli %mul3A_544, %add3A_543 : i32
        %add3A_546 = arith.addi %select_n3A_52, %mul3A_545 : i32
        %dma_start3A_547 = arith.constant 0 : i32
        %dma_start3A_548 = arith.constant 0 : i32
        %dma_start3A_549 = tpu.memref_slice %arg8[%rem3A_492, %dma_start3A_547, %dma_start3A_548] : memref<3x2x128xi32, #tpu.memory_space<vmem>> -> memref<1x2x128xi32, #tpu.memory_space<vmem>>
        %dma_start3A_550 = tpu.memref_squeeze %dma_start3A_549 : memref<1x2x128xi32, #tpu.memory_space<vmem>> -> memref<2x128xi32, #tpu.memory_space<vmem>>
        %dma_start3A_551 = arith.constant 0 : i32
        %dma_start3A_552 = arith.constant 0 : i32
        %dma_start3A_553 = tpu.memref_slice %arg6[%add3A_546, %dma_start3A_551, %dma_start3A_552] : memref<2528x2x128xi32, #tpu.memory_space<hbm>> -> memref<1x2x128xi32, #tpu.memory_space<hbm>>
        %dma_start3A_554 = tpu.memref_squeeze %dma_start3A_553 : memref<1x2x128xi32, #tpu.memory_space<hbm>> -> memref<2x128xi32, #tpu.memory_space<hbm>>
        %dma_start3A_555 = arith.constant 0 : i32
        %dma_start3A_556 = arith.constant 0 : i32
        %dma_start3A_557 = tpu.memref_slice %arg8[%rem3A_492, %dma_start3A_555, %dma_start3A_556] : memref<3x2x128xi32, #tpu.memory_space<vmem>> -> memref<1x2x128xi32, #tpu.memory_space<vmem>>
        %dma_start3A_558 = tpu.memref_squeeze %dma_start3A_557 : memref<1x2x128xi32, #tpu.memory_space<vmem>> -> memref<2x128xi32, #tpu.memory_space<vmem>>
        %dma_start3A_559 = arith.constant 0 : i32
        %dma_start3A_560 = arith.constant 0 : i32
        %dma_start3A_561 = tpu.memref_slice %arg6[%add3A_546, %dma_start3A_559, %dma_start3A_560] : memref<2528x2x128xi32, #tpu.memory_space<hbm>> -> memref<1x2x128xi32, #tpu.memory_space<hbm>>
        %dma_start3A_562 = tpu.memref_squeeze %dma_start3A_561 : memref<1x2x128xi32, #tpu.memory_space<hbm>> -> memref<2x128xi32, #tpu.memory_space<hbm>>
        tpu.enqueue_dma source(%dma_start3A_562 : memref<2x128xi32, #tpu.memory_space<hbm>>) target(%dma_start3A_558 : memref<2x128xi32, #tpu.memory_space<vmem>>) target_semaphore(%arg11 : memref<!tpu.dma_semaphore, #tpu.memory_space<semaphore_mem>>)
      } else {
      }
      %add3A_496 = arith.constant 1 : i32
      %add3A_497 = arith.addi %while3A_480, %add3A_496 : i32
      %mul3A_498 = arith.constant 16 : i32
      %mul3A_499 = arith.muli %mul3A_498, %add3A_497 : i32
      %add3A_500 = arith.addi %select_n3A_52, %mul3A_499 : i32
      %dma_wait3A_501 = arith.constant 0 : i32
      %dma_wait3A_502 = arith.constant 0 : i32
      %dma_wait3A_503 = tpu.memref_slice %arg8[%rem3A_488, %dma_wait3A_501, %dma_wait3A_502] : memref<3x2x128xi32, #tpu.memory_space<vmem>> -> memref<1x2x128xi32, #tpu.memory_space<vmem>>
      %dma_wait3A_504 = tpu.memref_squeeze %dma_wait3A_503 : memref<1x2x128xi32, #tpu.memory_space<vmem>> -> memref<2x128xi32, #tpu.memory_space<vmem>>
      %dma_wait3A_505 = arith.constant 0 : i32
      %dma_wait3A_506 = arith.constant 0 : i32
      %dma_wait3A_507 = tpu.memref_slice %arg6[%add3A_500, %dma_wait3A_505, %dma_wait3A_506] : memref<2528x2x128xi32, #tpu.memory_space<hbm>> -> memref<1x2x128xi32, #tpu.memory_space<hbm>>
      %dma_wait3A_508 = tpu.memref_squeeze %dma_wait3A_507 : memref<1x2x128xi32, #tpu.memory_space<hbm>> -> memref<2x128xi32, #tpu.memory_space<hbm>>
      %dma_wait3A_509 = arith.constant 0 : i32
      %dma_wait3A_510 = arith.constant 0 : i32
      %dma_wait3A_511 = tpu.memref_slice %arg8[%rem3A_488, %dma_wait3A_509, %dma_wait3A_510] : memref<3x2x128xi32, #tpu.memory_space<vmem>> -> memref<1x2x128xi32, #tpu.memory_space<vmem>>
      %dma_wait3A_512 = tpu.memref_squeeze %dma_wait3A_511 : memref<1x2x128xi32, #tpu.memory_space<vmem>> -> memref<2x128xi32, #tpu.memory_space<vmem>>
      %dma_wait3A_513 = arith.constant 0 : i32
      %dma_wait3A_514 = arith.constant 0 : i32
      %dma_wait3A_515 = tpu.memref_slice %arg6[%add3A_500, %dma_wait3A_513, %dma_wait3A_514] : memref<2528x2x128xi32, #tpu.memory_space<hbm>> -> memref<1x2x128xi32, #tpu.memory_space<hbm>>
      %dma_wait3A_516 = tpu.memref_squeeze %dma_wait3A_515 : memref<1x2x128xi32, #tpu.memory_space<hbm>> -> memref<2x128xi32, #tpu.memory_space<hbm>>
      tpu.wait_dma2 semaphore(%arg11 : memref<!tpu.dma_semaphore, #tpu.memory_space<semaphore_mem>>) src(%dma_wait3A_516 : memref<2x128xi32, #tpu.memory_space<hbm>>) dst(%dma_wait3A_512 : memref<2x128xi32, #tpu.memory_space<vmem>>)
      %dma_start3A_517 = arith.constant 0 : i32
      %dma_start3A_518 = arith.constant 0 : i32
      %dma_start3A_519 = arith.constant 0 : i32
      %dma_start3A_520 = tpu.memref_slice %arg9[%sub3A_484, %dma_start3A_518, %dma_start3A_519] : memref<2x128x128xf32, #tpu.memory_space<vmem>> -> memref<1x128x128xf32, #tpu.memory_space<vmem>>
      %dma_start3A_521 = tpu.memref_squeeze %dma_start3A_520 : memref<1x128x128xf32, #tpu.memory_space<vmem>> -> memref<128x128xf32, #tpu.memory_space<vmem>>
      %dma_start3A_522 = arith.constant 0 : i32
      %dma_start3A_523 = tpu.memref_slice %arg8[%rem3A_488, %dma_start3A_517, %dma_start3A_522] : memref<3x2x128xi32, #tpu.memory_space<vmem>> -> memref<1x1x128xi32, #tpu.memory_space<vmem>>
      %dma_start3A_524 = tpu.memref_squeeze %dma_start3A_523 : memref<1x1x128xi32, #tpu.memory_space<vmem>> -> memref<128xi32, #tpu.memory_space<vmem>>
      %dma_start3A_525 = arith.constant 0 : i32
      %dma_start3A_526 = arith.constant 0 : i32
      %dma_start3A_527 = tpu.memref_slice %arg2[%dma_start3A_525, %dma_start3A_526] : memref<10000x128xf32, #tpu.memory_space<hbm>> -> memref<10000x128xf32, #tpu.memory_space<hbm>>
      tpu.enqueue_indirect_dma source(%dma_start3A_527 : memref<10000x128xf32, #tpu.memory_space<hbm>>) target(%dma_start3A_521 : memref<128x128xf32, #tpu.memory_space<vmem>>) offsets(%dma_start3A_524 : memref<128xi32, #tpu.memory_space<vmem>>) semaphore(%arg12 : memref<!tpu.dma_semaphore, #tpu.memory_space<semaphore_mem>>)
      %dma_wait3A_528 = arith.constant 0 : i32
      %dma_wait3A_529 = arith.constant 0 : i32
      %dma_wait3A_530 = arith.constant 0 : i32
      %dma_wait3A_531 = tpu.memref_slice %arg9[%rem3A_482, %dma_wait3A_529, %dma_wait3A_530] : memref<2x128x128xf32, #tpu.memory_space<vmem>> -> memref<1x128x128xf32, #tpu.memory_space<vmem>>
      %dma_wait3A_532 = tpu.memref_squeeze %dma_wait3A_531 : memref<1x128x128xf32, #tpu.memory_space<vmem>> -> memref<128x128xf32, #tpu.memory_space<vmem>>
      %dma_wait3A_533 = arith.constant 0 : i32
      %dma_wait3A_534 = tpu.memref_slice %arg8[%rem3A_488, %dma_wait3A_528, %dma_wait3A_533] : memref<3x2x128xi32, #tpu.memory_space<vmem>> -> memref<1x1x128xi32, #tpu.memory_space<vmem>>
      %dma_wait3A_535 = tpu.memref_squeeze %dma_wait3A_534 : memref<1x1x128xi32, #tpu.memory_space<vmem>> -> memref<128xi32, #tpu.memory_space<vmem>>
      %dma_wait3A_536 = arith.constant 0 : i32
      %dma_wait3A_537 = arith.constant 0 : i32
      %dma_wait3A_538 = tpu.memref_slice %arg2[%dma_wait3A_536, %dma_wait3A_537] : memref<10000x128xf32, #tpu.memory_space<hbm>> -> memref<10000x128xf32, #tpu.memory_space<hbm>>
      tpu.wait_indirect_dma semaphore(%arg12 : memref<!tpu.dma_semaphore, #tpu.memory_space<semaphore_mem>>) src(%dma_wait3A_538 : memref<10000x128xf32, #tpu.memory_space<hbm>>) dst(%dma_wait3A_532 : memref<128x128xf32, #tpu.memory_space<vmem>>)
      %rem3A_539 = arith.constant 3 : i32
      %rem3A_540 = arith.remsi %while3A_480, %rem3A_539 : i32
      %run_scoped3A_541 = arith.constant 1 : i32
      "tpu.region"() ({
        %run_scoped3A_542 = tpu.sem_alloc : memref<!tpu.dma_semaphore, #tpu.memory_space<semaphore_mem>>
        %dma_start3A_543 = arith.constant 0 : i32
        %dma_start3A_544 = arith.constant 0 : i32
        %dma_start3A_545 = tpu.memref_slice %arg9[%rem3A_482, %dma_start3A_543, %dma_start3A_544] : memref<2x128x128xf32, #tpu.memory_space<vmem>> -> memref<1x128x128xf32, #tpu.memory_space<vmem>>
        %dma_start3A_546 = tpu.memref_squeeze %dma_start3A_545 : memref<1x128x128xf32, #tpu.memory_space<vmem>> -> memref<128x128xf32, #tpu.memory_space<vmem>>
        %dma_start3A_547 = arith.constant 0 : i32
        %dma_start3A_548 = tpu.memref_slice %arg8[%rem3A_540, %run_scoped3A_541, %dma_start3A_547] : memref<3x2x128xi32, #tpu.memory_space<vmem>> -> memref<1x1x128xi32, #tpu.memory_space<vmem>>
        %dma_start3A_549 = tpu.memref_squeeze %dma_start3A_548 : memref<1x1x128xi32, #tpu.memory_space<vmem>> -> memref<128xi32, #tpu.memory_space<vmem>>
        %dma_start3A_550 = arith.constant 0 : i32
        %dma_start3A_551 = arith.constant 0 : i32
        %dma_start3A_552 = tpu.memref_slice %arg14[%dma_start3A_550, %dma_start3A_551] : memref<10240x128xf32, #tpu.memory_space<vmem_shared>> -> memref<10240x128xf32, #tpu.memory_space<vmem_shared>>
        tpu.enqueue_indirect_dma source(%dma_start3A_546 : memref<128x128xf32, #tpu.memory_space<vmem>>) target(%dma_start3A_552 : memref<10240x128xf32, #tpu.memory_space<vmem_shared>>) offsets(%dma_start3A_549 : memref<128xi32, #tpu.memory_space<vmem>>) semaphore(%run_scoped3A_542 : memref<!tpu.dma_semaphore, #tpu.memory_space<semaphore_mem>>) {add = true}
        %dma_wait3A_553 = arith.constant 0 : i32
        %dma_wait3A_554 = arith.constant 0 : i32
        %dma_wait3A_555 = tpu.memref_slice %arg9[%rem3A_482, %dma_wait3A_553, %dma_wait3A_554] : memref<2x128x128xf32, #tpu.memory_space<vmem>> -> memref<1x128x128xf32, #tpu.memory_space<vmem>>
        %dma_wait3A_556 = tpu.memref_squeeze %dma_wait3A_555 : memref<1x128x128xf32, #tpu.memory_space<vmem>> -> memref<128x128xf32, #tpu.memory_space<vmem>>
        %dma_wait3A_557 = arith.constant 0 : i32
        %dma_wait3A_558 = tpu.memref_slice %arg8[%rem3A_540, %run_scoped3A_541, %dma_wait3A_557] : memref<3x2x128xi32, #tpu.memory_space<vmem>> -> memref<1x1x128xi32, #tpu.memory_space<vmem>>
        %dma_wait3A_559 = tpu.memref_squeeze %dma_wait3A_558 : memref<1x1x128xi32, #tpu.memory_space<vmem>> -> memref<128xi32, #tpu.memory_space<vmem>>
        %dma_wait3A_560 = arith.constant 0 : i32
        %dma_wait3A_561 = arith.constant 0 : i32
        %dma_wait3A_562 = tpu.memref_slice %arg14[%dma_wait3A_560, %dma_wait3A_561] : memref<10240x128xf32, #tpu.memory_space<vmem_shared>> -> memref<10240x128xf32, #tpu.memory_space<vmem_shared>>
        tpu.wait_indirect_dma semaphore(%run_scoped3A_542 : memref<!tpu.dma_semaphore, #tpu.memory_space<semaphore_mem>>) src(%dma_wait3A_556 : memref<128x128xf32, #tpu.memory_space<vmem>>) dst(%dma_wait3A_562 : memref<10240x128xf32, #tpu.memory_space<vmem_shared>>)
        tpu.yield
      }) : () -> ()
    }
    %sub3A_94 = arith.constant 1 : i32
    %sub3A_95 = arith.subi %select_n3A, %sub3A_94 : i32
    %rem3A = arith.constant 2 : i32
    %rem3A_96 = arith.remsi %sub3A_95, %rem3A : i32
    %rem3A_97 = arith.constant 3 : i32
    %rem3A_98 = arith.remsi %sub3A_95, %rem3A_97 : i32
    %dma_wait3A = arith.constant 0 : i32
    %dma_wait3A_99 = arith.constant 0 : i32
    %dma_wait3A_100 = arith.constant 0 : i32
    %dma_wait3A_101 = tpu.memref_slice %arg9[%rem3A_96, %dma_wait3A_99, %dma_wait3A_100] : memref<2x128x128xf32, #tpu.memory_space<vmem>> -> memref<1x128x128xf32, #tpu.memory_space<vmem>>
    %dma_wait3A_102 = tpu.memref_squeeze %dma_wait3A_101 : memref<1x128x128xf32, #tpu.memory_space<vmem>> -> memref<128x128xf32, #tpu.memory_space<vmem>>
    %dma_wait3A_103 = arith.constant 0 : i32
    %dma_wait3A_104 = tpu.memref_slice %arg8[%rem3A_98, %dma_wait3A, %dma_wait3A_103] : memref<3x2x128xi32, #tpu.memory_space<vmem>> -> memref<1x1x128xi32, #tpu.memory_space<vmem>>
    %dma_wait3A_105 = tpu.memref_squeeze %dma_wait3A_104 : memref<1x1x128xi32, #tpu.memory_space<vmem>> -> memref<128xi32, #tpu.memory_space<vmem>>
    %dma_wait3A_106 = arith.constant 0 : i32
    %dma_wait3A_107 = arith.constant 0 : i32
    %dma_wait3A_108 = tpu.memref_slice %arg2[%dma_wait3A_106, %dma_wait3A_107] : memref<10000x128xf32, #tpu.memory_space<hbm>> -> memref<10000x128xf32, #tpu.memory_space<hbm>>
    tpu.wait_indirect_dma semaphore(%arg12 : memref<!tpu.dma_semaphore, #tpu.memory_space<semaphore_mem>>) src(%dma_wait3A_108 : memref<10000x128xf32, #tpu.memory_space<hbm>>) dst(%dma_wait3A_102 : memref<128x128xf32, #tpu.memory_space<vmem>>)
    %run_scoped3A_109 = arith.constant 1 : i32
    "tpu.region"() ({
      %run_scoped3A_480 = tpu.sem_alloc : memref<!tpu.dma_semaphore, #tpu.memory_space<semaphore_mem>>
      %dma_start3A_481 = arith.constant 0 : i32
      %dma_start3A_482 = arith.constant 0 : i32
      %dma_start3A_483 = tpu.memref_slice %arg9[%rem3A_96, %dma_start3A_481, %dma_start3A_482] : memref<2x128x128xf32, #tpu.memory_space<vmem>> -> memref<1x128x128xf32, #tpu.memory_space<vmem>>
      %dma_start3A_484 = tpu.memref_squeeze %dma_start3A_483 : memref<1x128x128xf32, #tpu.memory_space<vmem>> -> memref<128x128xf32, #tpu.memory_space<vmem>>
      %dma_start3A_485 = arith.constant 0 : i32
      %dma_start3A_486 = tpu.memref_slice %arg8[%rem3A_98, %run_scoped3A_109, %dma_start3A_485] : memref<3x2x128xi32, #tpu.memory_space<vmem>> -> memref<1x1x128xi32, #tpu.memory_space<vmem>>
      %dma_start3A_487 = tpu.memref_squeeze %dma_start3A_486 : memref<1x1x128xi32, #tpu.memory_space<vmem>> -> memref<128xi32, #tpu.memory_space<vmem>>
      %dma_start3A_488 = arith.constant 0 : i32
      %dma_start3A_489 = arith.constant 0 : i32
      %dma_start3A_490 = tpu.memref_slice %arg14[%dma_start3A_488, %dma_start3A_489] : memref<10240x128xf32, #tpu.memory_space<vmem_shared>> -> memref<10240x128xf32, #tpu.memory_space<vmem_shared>>
      tpu.enqueue_indirect_dma source(%dma_start3A_484 : memref<128x128xf32, #tpu.memory_space<vmem>>) target(%dma_start3A_490 : memref<10240x128xf32, #tpu.memory_space<vmem_shared>>) offsets(%dma_start3A_487 : memref<128xi32, #tpu.memory_space<vmem>>) semaphore(%run_scoped3A_480 : memref<!tpu.dma_semaphore, #tpu.memory_space<semaphore_mem>>) {add = true}
      %dma_wait3A_491 = arith.constant 0 : i32
      %dma_wait3A_492 = arith.constant 0 : i32
      %dma_wait3A_493 = tpu.memref_slice %arg9[%rem3A_96, %dma_wait3A_491, %dma_wait3A_492] : memref<2x128x128xf32, #tpu.memory_space<vmem>> -> memref<1x128x128xf32, #tpu.memory_space<vmem>>
      %dma_wait3A_494 = tpu.memref_squeeze %dma_wait3A_493 : memref<1x128x128xf32, #tpu.memory_space<vmem>> -> memref<128x128xf32, #tpu.memory_space<vmem>>
      %dma_wait3A_495 = arith.constant 0 : i32
      %dma_wait3A_496 = tpu.memref_slice %arg8[%rem3A_98, %run_scoped3A_109, %dma_wait3A_495] : memref<3x2x128xi32, #tpu.memory_space<vmem>> -> memref<1x1x128xi32, #tpu.memory_space<vmem>>
      %dma_wait3A_497 = tpu.memref_squeeze %dma_wait3A_496 : memref<1x1x128xi32, #tpu.memory_space<vmem>> -> memref<128xi32, #tpu.memory_space<vmem>>
      %dma_wait3A_498 = arith.constant 0 : i32
      %dma_wait3A_499 = arith.constant 0 : i32
      %dma_wait3A_500 = tpu.memref_slice %arg14[%dma_wait3A_498, %dma_wait3A_499] : memref<10240x128xf32, #tpu.memory_space<vmem_shared>> -> memref<10240x128xf32, #tpu.memory_space<vmem_shared>>
      tpu.wait_indirect_dma semaphore(%run_scoped3A_480 : memref<!tpu.dma_semaphore, #tpu.memory_space<semaphore_mem>>) src(%dma_wait3A_494 : memref<128x128xf32, #tpu.memory_space<vmem>>) dst(%dma_wait3A_500 : memref<10240x128xf32, #tpu.memory_space<vmem_shared>>)
      tpu.yield
    }) : () -> ()
    %barrier3A_110 = arith.constant 0 : index
    tpu.barrier barrier_id(%barrier3A_110)
    %mul3A_111 = arith.constant 640 : i32
    %mul3A_112 = arith.muli %arg1, %mul3A_111 : i32
    %mul3A_113 = arith.constant 640 : i32
    %mul3A_114 = arith.muli %arg1, %mul3A_113 : i32
    %run_scoped3A_115 = arith.constant 0 : i32
    "tpu.region"() ({
      %run_scoped3A_480 = tpu.sem_alloc : memref<!tpu.dma_semaphore, #tpu.memory_space<semaphore_mem>>
      %dma_start3A_481 = arith.constant 0 : i32
      %dma_start3A_482 = tpu.memref_slice %arg7[%run_scoped3A_115, %arg0, %mul3A_114, %dma_start3A_481] : memref<4x2x10240x128xf32, #tpu.memory_space<hbm>> -> memref<1x1x640x128xf32, #tpu.memory_space<hbm>>
      %dma_start3A_483 = tpu.memref_squeeze %dma_start3A_482 : memref<1x1x640x128xf32, #tpu.memory_space<hbm>> -> memref<640x128xf32, #tpu.memory_space<hbm>>
      %dma_start3A_484 = arith.constant 0 : i32
      %dma_start3A_485 = tpu.memref_slice %arg14[%mul3A_112, %dma_start3A_484] : memref<10240x128xf32, #tpu.memory_space<vmem_shared>> -> memref<640x128xf32, #tpu.memory_space<vmem_shared>>
      tpu.enqueue_dma source(%dma_start3A_485 : memref<640x128xf32, #tpu.memory_space<vmem_shared>>) target(%dma_start3A_483 : memref<640x128xf32, #tpu.memory_space<hbm>>) target_semaphore(%run_scoped3A_480 : memref<!tpu.dma_semaphore, #tpu.memory_space<semaphore_mem>>)
      %dma_wait3A_486 = arith.constant 0 : i32
      %dma_wait3A_487 = tpu.memref_slice %arg7[%run_scoped3A_115, %arg0, %mul3A_114, %dma_wait3A_486] : memref<4x2x10240x128xf32, #tpu.memory_space<hbm>> -> memref<1x1x640x128xf32, #tpu.memory_space<hbm>>
      %dma_wait3A_488 = tpu.memref_squeeze %dma_wait3A_487 : memref<1x1x640x128xf32, #tpu.memory_space<hbm>> -> memref<640x128xf32, #tpu.memory_space<hbm>>
      %dma_wait3A_489 = arith.constant 0 : i32
      %dma_wait3A_490 = tpu.memref_slice %arg14[%mul3A_112, %dma_wait3A_489] : memref<10240x128xf32, #tpu.memory_space<vmem_shared>> -> memref<640x128xf32, #tpu.memory_space<vmem_shared>>
      tpu.wait_dma2 semaphore(%run_scoped3A_480 : memref<!tpu.dma_semaphore, #tpu.memory_space<semaphore_mem>>) src(%dma_wait3A_490 : memref<640x128xf32, #tpu.memory_space<vmem_shared>>) dst(%dma_wait3A_488 : memref<640x128xf32, #tpu.memory_space<hbm>>)
      tpu.yield
    }) : () -> ()
    %barrier3A_116 = arith.constant 0 : index
    tpu.barrier barrier_id(%barrier3A_116)
    %mul3A_117 = arith.constant 640 : i32
    %mul3A_118 = arith.muli %arg1, %mul3A_117 : i32
    %add3A_119 = arith.constant 0 : i32
    %add3A_120 = arith.addi %mul3A_118, %add3A_119 : i32
    "tpu.region"() ({
      %run_scoped3A_480 = tpu.sem_alloc : memref<!tpu.dma_semaphore, #tpu.memory_space<semaphore_mem>>
      %dma_start3A_481 = arith.constant 0 : i32
      %dma_start3A_482 = tpu.memref_slice %arg14[%add3A_120, %dma_start3A_481] : memref<10240x128xf32, #tpu.memory_space<vmem_shared>> -> memref<64x128xf32, #tpu.memory_space<vmem_shared>>
      %dma_start3A_483 = arith.constant 0 : i32
      %dma_start3A_484 = tpu.memref_slice %arg14[%add3A_120, %dma_start3A_483] : memref<10240x128xf32, #tpu.memory_space<vmem_shared>> -> memref<64x128xf32, #tpu.memory_space<vmem_shared>>
      tpu.enqueue_dma source(%arg10 : memref<64x128xf32, #tpu.memory_space<vmem>>) target(%dma_start3A_484 : memref<64x128xf32, #tpu.memory_space<vmem_shared>>) target_semaphore(%run_scoped3A_480 : memref<!tpu.dma_semaphore, #tpu.memory_space<semaphore_mem>>)
      %dma_wait3A_485 = arith.constant 0 : i32
      %dma_wait3A_486 = tpu.memref_slice %arg14[%add3A_120, %dma_wait3A_485] : memref<10240x128xf32, #tpu.memory_space<vmem_shared>> -> memref<64x128xf32, #tpu.memory_space<vmem_shared>>
      %dma_wait3A_487 = arith.constant 0 : i32
      %dma_wait3A_488 = tpu.memref_slice %arg14[%add3A_120, %dma_wait3A_487] : memref<10240x128xf32, #tpu.memory_space<vmem_shared>> -> memref<64x128xf32, #tpu.memory_space<vmem_shared>>
      tpu.wait_dma2 semaphore(%run_scoped3A_480 : memref<!tpu.dma_semaphore, #tpu.memory_space<semaphore_mem>>) src(%arg10 : memref<64x128xf32, #tpu.memory_space<vmem>>) dst(%dma_wait3A_488 : memref<64x128xf32, #tpu.memory_space<vmem_shared>>)
      tpu.yield
    }) : () -> ()
    %mul3A_121 = arith.constant 640 : i32
    %mul3A_122 = arith.muli %arg1, %mul3A_121 : i32
    %add3A_123 = arith.constant 64 : i32
    %add3A_124 = arith.addi %mul3A_122, %add3A_123 : i32
    "tpu.region"() ({
      %run_scoped3A_480 = tpu.sem_alloc : memref<!tpu.dma_semaphore, #tpu.memory_space<semaphore_mem>>
      %dma_start3A_481 = arith.constant 0 : i32
      %dma_start3A_482 = tpu.memref_slice %arg14[%add3A_124, %dma_start3A_481] : memref<10240x128xf32, #tpu.memory_space<vmem_shared>> -> memref<64x128xf32, #tpu.memory_space<vmem_shared>>
      %dma_start3A_483 = arith.constant 0 : i32
      %dma_start3A_484 = tpu.memref_slice %arg14[%add3A_124, %dma_start3A_483] : memref<10240x128xf32, #tpu.memory_space<vmem_shared>> -> memref<64x128xf32, #tpu.memory_space<vmem_shared>>
      tpu.enqueue_dma source(%arg10 : memref<64x128xf32, #tpu.memory_space<vmem>>) target(%dma_start3A_484 : memref<64x128xf32, #tpu.memory_space<vmem_shared>>) target_semaphore(%run_scoped3A_480 : memref<!tpu.dma_semaphore, #tpu.memory_space<semaphore_mem>>)
      %dma_wait3A_485 = arith.constant 0 : i32
      %dma_wait3A_486 = tpu.memref_slice %arg14[%add3A_124, %dma_wait3A_485] : memref<10240x128xf32, #tpu.memory_space<vmem_shared>> -> memref<64x128xf32, #tpu.memory_space<vmem_shared>>
      %dma_wait3A_487 = arith.constant 0 : i32
      %dma_wait3A_488 = tpu.memref_slice %arg14[%add3A_124, %dma_wait3A_487] : memref<10240x128xf32, #tpu.memory_space<vmem_shared>> -> memref<64x128xf32, #tpu.memory_space<vmem_shared>>
      tpu.wait_dma2 semaphore(%run_scoped3A_480 : memref<!tpu.dma_semaphore, #tpu.memory_space<semaphore_mem>>) src(%arg10 : memref<64x128xf32, #tpu.memory_space<vmem>>) dst(%dma_wait3A_488 : memref<64x128xf32, #tpu.memory_space<vmem_shared>>)
      tpu.yield
    }) : () -> ()
    %mul3A_125 = arith.constant 640 : i32
    %mul3A_126 = arith.muli %arg1, %mul3A_125 : i32
    %add3A_127 = arith.constant 128 : i32
    %add3A_128 = arith.addi %mul3A_126, %add3A_127 : i32
    "tpu.region"() ({
      %run_scoped3A_480 = tpu.sem_alloc : memref<!tpu.dma_semaphore, #tpu.memory_space<semaphore_mem>>
      %dma_start3A_481 = arith.constant 0 : i32
      %dma_start3A_482 = tpu.memref_slice %arg14[%add3A_128, %dma_start3A_481] : memref<10240x128xf32, #tpu.memory_space<vmem_shared>> -> memref<64x128xf32, #tpu.memory_space<vmem_shared>>
      %dma_start3A_483 = arith.constant 0 : i32
      %dma_start3A_484 = tpu.memref_slice %arg14[%add3A_128, %dma_start3A_483] : memref<10240x128xf32, #tpu.memory_space<vmem_shared>> -> memref<64x128xf32, #tpu.memory_space<vmem_shared>>
      tpu.enqueue_dma source(%arg10 : memref<64x128xf32, #tpu.memory_space<vmem>>) target(%dma_start3A_484 : memref<64x128xf32, #tpu.memory_space<vmem_shared>>) target_semaphore(%run_scoped3A_480 : memref<!tpu.dma_semaphore, #tpu.memory_space<semaphore_mem>>)
      %dma_wait3A_485 = arith.constant 0 : i32
      %dma_wait3A_486 = tpu.memref_slice %arg14[%add3A_128, %dma_wait3A_485] : memref<10240x128xf32, #tpu.memory_space<vmem_shared>> -> memref<64x128xf32, #tpu.memory_space<vmem_shared>>
      %dma_wait3A_487 = arith.constant 0 : i32
      %dma_wait3A_488 = tpu.memref_slice %arg14[%add3A_128, %dma_wait3A_487] : memref<10240x128xf32, #tpu.memory_space<vmem_shared>> -> memref<64x128xf32, #tpu.memory_space<vmem_shared>>
      tpu.wait_dma2 semaphore(%run_scoped3A_480 : memref<!tpu.dma_semaphore, #tpu.memory_space<semaphore_mem>>) src(%arg10 : memref<64x128xf32, #tpu.memory_space<vmem>>) dst(%dma_wait3A_488 : memref<64x128xf32, #tpu.memory_space<vmem_shared>>)
      tpu.yield
    }) : () -> ()
    %mul3A_129 = arith.constant 640 : i32
    %mul3A_130 = arith.muli %arg1, %mul3A_129 : i32
    %add3A_131 = arith.constant 192 : i32
    %add3A_132 = arith.addi %mul3A_130, %add3A_131 : i32
    "tpu.region"() ({
      %run_scoped3A_480 = tpu.sem_alloc : memref<!tpu.dma_semaphore, #tpu.memory_space<semaphore_mem>>
      %dma_start3A_481 = arith.constant 0 : i32
      %dma_start3A_482 = tpu.memref_slice %arg14[%add3A_132, %dma_start3A_481] : memref<10240x128xf32, #tpu.memory_space<vmem_shared>> -> memref<64x128xf32, #tpu.memory_space<vmem_shared>>
      %dma_start3A_483 = arith.constant 0 : i32
      %dma_start3A_484 = tpu.memref_slice %arg14[%add3A_132, %dma_start3A_483] : memref<10240x128xf32, #tpu.memory_space<vmem_shared>> -> memref<64x128xf32, #tpu.memory_space<vmem_shared>>
      tpu.enqueue_dma source(%arg10 : memref<64x128xf32, #tpu.memory_space<vmem>>) target(%dma_start3A_484 : memref<64x128xf32, #tpu.memory_space<vmem_shared>>) target_semaphore(%run_scoped3A_480 : memref<!tpu.dma_semaphore, #tpu.memory_space<semaphore_mem>>)
      %dma_wait3A_485 = arith.constant 0 : i32
      %dma_wait3A_486 = tpu.memref_slice %arg14[%add3A_132, %dma_wait3A_485] : memref<10240x128xf32, #tpu.memory_space<vmem_shared>> -> memref<64x128xf32, #tpu.memory_space<vmem_shared>>
      %dma_wait3A_487 = arith.constant 0 : i32
      %dma_wait3A_488 = tpu.memref_slice %arg14[%add3A_132, %dma_wait3A_487] : memref<10240x128xf32, #tpu.memory_space<vmem_shared>> -> memref<64x128xf32, #tpu.memory_space<vmem_shared>>
      tpu.wait_dma2 semaphore(%run_scoped3A_480 : memref<!tpu.dma_semaphore, #tpu.memory_space<semaphore_mem>>) src(%arg10 : memref<64x128xf32, #tpu.memory_space<vmem>>) dst(%dma_wait3A_488 : memref<64x128xf32, #tpu.memory_space<vmem_shared>>)
      tpu.yield
    }) : () -> ()
    %mul3A_133 = arith.constant 640 : i32
    %mul3A_134 = arith.muli %arg1, %mul3A_133 : i32
    %add3A_135 = arith.constant 256 : i32
    %add3A_136 = arith.addi %mul3A_134, %add3A_135 : i32
    "tpu.region"() ({
      %run_scoped3A_480 = tpu.sem_alloc : memref<!tpu.dma_semaphore, #tpu.memory_space<semaphore_mem>>
      %dma_start3A_481 = arith.constant 0 : i32
      %dma_start3A_482 = tpu.memref_slice %arg14[%add3A_136, %dma_start3A_481] : memref<10240x128xf32, #tpu.memory_space<vmem_shared>> -> memref<64x128xf32, #tpu.memory_space<vmem_shared>>
      %dma_start3A_483 = arith.constant 0 : i32
      %dma_start3A_484 = tpu.memref_slice %arg14[%add3A_136, %dma_start3A_483] : memref<10240x128xf32, #tpu.memory_space<vmem_shared>> -> memref<64x128xf32, #tpu.memory_space<vmem_shared>>
      tpu.enqueue_dma source(%arg10 : memref<64x128xf32, #tpu.memory_space<vmem>>) target(%dma_start3A_484 : memref<64x128xf32, #tpu.memory_space<vmem_shared>>) target_semaphore(%run_scoped3A_480 : memref<!tpu.dma_semaphore, #tpu.memory_space<semaphore_mem>>)
      %dma_wait3A_485 = arith.constant 0 : i32
      %dma_wait3A_486 = tpu.memref_slice %arg14[%add3A_136, %dma_wait3A_485] : memref<10240x128xf32, #tpu.memory_space<vmem_shared>> -> memref<64x128xf32, #tpu.memory_space<vmem_shared>>
      %dma_wait3A_487 = arith.constant 0 : i32
      %dma_wait3A_488 = tpu.memref_slice %arg14[%add3A_136, %dma_wait3A_487] : memref<10240x128xf32, #tpu.memory_space<vmem_shared>> -> memref<64x128xf32, #tpu.memory_space<vmem_shared>>
      tpu.wait_dma2 semaphore(%run_scoped3A_480 : memref<!tpu.dma_semaphore, #tpu.memory_space<semaphore_mem>>) src(%arg10 : memref<64x128xf32, #tpu.memory_space<vmem>>) dst(%dma_wait3A_488 : memref<64x128xf32, #tpu.memory_space<vmem_shared>>)
      tpu.yield
    }) : () -> ()
    %mul3A_137 = arith.constant 640 : i32
    %mul3A_138 = arith.muli %arg1, %mul3A_137 : i32
    %add3A_139 = arith.constant 320 : i32
    %add3A_140 = arith.addi %mul3A_138, %add3A_139 : i32
    "tpu.region"() ({
      %run_scoped3A_480 = tpu.sem_alloc : memref<!tpu.dma_semaphore, #tpu.memory_space<semaphore_mem>>
      %dma_start3A_481 = arith.constant 0 : i32
      %dma_start3A_482 = tpu.memref_slice %arg14[%add3A_140, %dma_start3A_481] : memref<10240x128xf32, #tpu.memory_space<vmem_shared>> -> memref<64x128xf32, #tpu.memory_space<vmem_shared>>
      %dma_start3A_483 = arith.constant 0 : i32
      %dma_start3A_484 = tpu.memref_slice %arg14[%add3A_140, %dma_start3A_483] : memref<10240x128xf32, #tpu.memory_space<vmem_shared>> -> memref<64x128xf32, #tpu.memory_space<vmem_shared>>
      tpu.enqueue_dma source(%arg10 : memref<64x128xf32, #tpu.memory_space<vmem>>) target(%dma_start3A_484 : memref<64x128xf32, #tpu.memory_space<vmem_shared>>) target_semaphore(%run_scoped3A_480 : memref<!tpu.dma_semaphore, #tpu.memory_space<semaphore_mem>>)
      %dma_wait3A_485 = arith.constant 0 : i32
      %dma_wait3A_486 = tpu.memref_slice %arg14[%add3A_140, %dma_wait3A_485] : memref<10240x128xf32, #tpu.memory_space<vmem_shared>> -> memref<64x128xf32, #tpu.memory_space<vmem_shared>>
      %dma_wait3A_487 = arith.constant 0 : i32
      %dma_wait3A_488 = tpu.memref_slice %arg14[%add3A_140, %dma_wait3A_487] : memref<10240x128xf32, #tpu.memory_space<vmem_shared>> -> memref<64x128xf32, #tpu.memory_space<vmem_shared>>
      tpu.wait_dma2 semaphore(%run_scoped3A_480 : memref<!tpu.dma_semaphore, #tpu.memory_space<semaphore_mem>>) src(%arg10 : memref<64x128xf32, #tpu.memory_space<vmem>>) dst(%dma_wait3A_488 : memref<64x128xf32, #tpu.memory_space<vmem_shared>>)
      tpu.yield
    }) : () -> ()
    %mul3A_141 = arith.constant 640 : i32
    %mul3A_142 = arith.muli %arg1, %mul3A_141 : i32
    %add3A_143 = arith.constant 384 : i32
    %add3A_144 = arith.addi %mul3A_142, %add3A_143 : i32
    "tpu.region"() ({
      %run_scoped3A_480 = tpu.sem_alloc : memref<!tpu.dma_semaphore, #tpu.memory_space<semaphore_mem>>
      %dma_start3A_481 = arith.constant 0 : i32
      %dma_start3A_482 = tpu.memref_slice %arg14[%add3A_144, %dma_start3A_481] : memref<10240x128xf32, #tpu.memory_space<vmem_shared>> -> memref<64x128xf32, #tpu.memory_space<vmem_shared>>
      %dma_start3A_483 = arith.constant 0 : i32
      %dma_start3A_484 = tpu.memref_slice %arg14[%add3A_144, %dma_start3A_483] : memref<10240x128xf32, #tpu.memory_space<vmem_shared>> -> memref<64x128xf32, #tpu.memory_space<vmem_shared>>
      tpu.enqueue_dma source(%arg10 : memref<64x128xf32, #tpu.memory_space<vmem>>) target(%dma_start3A_484 : memref<64x128xf32, #tpu.memory_space<vmem_shared>>) target_semaphore(%run_scoped3A_480 : memref<!tpu.dma_semaphore, #tpu.memory_space<semaphore_mem>>)
      %dma_wait3A_485 = arith.constant 0 : i32
      %dma_wait3A_486 = tpu.memref_slice %arg14[%add3A_144, %dma_wait3A_485] : memref<10240x128xf32, #tpu.memory_space<vmem_shared>> -> memref<64x128xf32, #tpu.memory_space<vmem_shared>>
      %dma_wait3A_487 = arith.constant 0 : i32
      %dma_wait3A_488 = tpu.memref_slice %arg14[%add3A_144, %dma_wait3A_487] : memref<10240x128xf32, #tpu.memory_space<vmem_shared>> -> memref<64x128xf32, #tpu.memory_space<vmem_shared>>
      tpu.wait_dma2 semaphore(%run_scoped3A_480 : memref<!tpu.dma_semaphore, #tpu.memory_space<semaphore_mem>>) src(%arg10 : memref<64x128xf32, #tpu.memory_space<vmem>>) dst(%dma_wait3A_488 : memref<64x128xf32, #tpu.memory_space<vmem_shared>>)
      tpu.yield
    }) : () -> ()
    %mul3A_145 = arith.constant 640 : i32
    %mul3A_146 = arith.muli %arg1, %mul3A_145 : i32
    %add3A_147 = arith.constant 448 : i32
    %add3A_148 = arith.addi %mul3A_146, %add3A_147 : i32
    "tpu.region"() ({
      %run_scoped3A_480 = tpu.sem_alloc : memref<!tpu.dma_semaphore, #tpu.memory_space<semaphore_mem>>
      %dma_start3A_481 = arith.constant 0 : i32
      %dma_start3A_482 = tpu.memref_slice %arg14[%add3A_148, %dma_start3A_481] : memref<10240x128xf32, #tpu.memory_space<vmem_shared>> -> memref<64x128xf32, #tpu.memory_space<vmem_shared>>
      %dma_start3A_483 = arith.constant 0 : i32
      %dma_start3A_484 = tpu.memref_slice %arg14[%add3A_148, %dma_start3A_483] : memref<10240x128xf32, #tpu.memory_space<vmem_shared>> -> memref<64x128xf32, #tpu.memory_space<vmem_shared>>
      tpu.enqueue_dma source(%arg10 : memref<64x128xf32, #tpu.memory_space<vmem>>) target(%dma_start3A_484 : memref<64x128xf32, #tpu.memory_space<vmem_shared>>) target_semaphore(%run_scoped3A_480 : memref<!tpu.dma_semaphore, #tpu.memory_space<semaphore_mem>>)
      %dma_wait3A_485 = arith.constant 0 : i32
      %dma_wait3A_486 = tpu.memref_slice %arg14[%add3A_148, %dma_wait3A_485] : memref<10240x128xf32, #tpu.memory_space<vmem_shared>> -> memref<64x128xf32, #tpu.memory_space<vmem_shared>>
      %dma_wait3A_487 = arith.constant 0 : i32
      %dma_wait3A_488 = tpu.memref_slice %arg14[%add3A_148, %dma_wait3A_487] : memref<10240x128xf32, #tpu.memory_space<vmem_shared>> -> memref<64x128xf32, #tpu.memory_space<vmem_shared>>
      tpu.wait_dma2 semaphore(%run_scoped3A_480 : memref<!tpu.dma_semaphore, #tpu.memory_space<semaphore_mem>>) src(%arg10 : memref<64x128xf32, #tpu.memory_space<vmem>>) dst(%dma_wait3A_488 : memref<64x128xf32, #tpu.memory_space<vmem_shared>>)
      tpu.yield
    }) : () -> ()
    %mul3A_149 = arith.constant 640 : i32
    %mul3A_150 = arith.muli %arg1, %mul3A_149 : i32
    %add3A_151 = arith.constant 512 : i32
    %add3A_152 = arith.addi %mul3A_150, %add3A_151 : i32
    "tpu.region"() ({
      %run_scoped3A_480 = tpu.sem_alloc : memref<!tpu.dma_semaphore, #tpu.memory_space<semaphore_mem>>
      %dma_start3A_481 = arith.constant 0 : i32
      %dma_start3A_482 = tpu.memref_slice %arg14[%add3A_152, %dma_start3A_481] : memref<10240x128xf32, #tpu.memory_space<vmem_shared>> -> memref<64x128xf32, #tpu.memory_space<vmem_shared>>
      %dma_start3A_483 = arith.constant 0 : i32
      %dma_start3A_484 = tpu.memref_slice %arg14[%add3A_152, %dma_start3A_483] : memref<10240x128xf32, #tpu.memory_space<vmem_shared>> -> memref<64x128xf32, #tpu.memory_space<vmem_shared>>
      tpu.enqueue_dma source(%arg10 : memref<64x128xf32, #tpu.memory_space<vmem>>) target(%dma_start3A_484 : memref<64x128xf32, #tpu.memory_space<vmem_shared>>) target_semaphore(%run_scoped3A_480 : memref<!tpu.dma_semaphore, #tpu.memory_space<semaphore_mem>>)
      %dma_wait3A_485 = arith.constant 0 : i32
      %dma_wait3A_486 = tpu.memref_slice %arg14[%add3A_152, %dma_wait3A_485] : memref<10240x128xf32, #tpu.memory_space<vmem_shared>> -> memref<64x128xf32, #tpu.memory_space<vmem_shared>>
      %dma_wait3A_487 = arith.constant 0 : i32
      %dma_wait3A_488 = tpu.memref_slice %arg14[%add3A_152, %dma_wait3A_487] : memref<10240x128xf32, #tpu.memory_space<vmem_shared>> -> memref<64x128xf32, #tpu.memory_space<vmem_shared>>
      tpu.wait_dma2 semaphore(%run_scoped3A_480 : memref<!tpu.dma_semaphore, #tpu.memory_space<semaphore_mem>>) src(%arg10 : memref<64x128xf32, #tpu.memory_space<vmem>>) dst(%dma_wait3A_488 : memref<64x128xf32, #tpu.memory_space<vmem_shared>>)
      tpu.yield
    }) : () -> ()
    %mul3A_153 = arith.constant 640 : i32
    %mul3A_154 = arith.muli %arg1, %mul3A_153 : i32
    %add3A_155 = arith.constant 576 : i32
    %add3A_156 = arith.addi %mul3A_154, %add3A_155 : i32
    "tpu.region"() ({
      %run_scoped3A_480 = tpu.sem_alloc : memref<!tpu.dma_semaphore, #tpu.memory_space<semaphore_mem>>
      %dma_start3A_481 = arith.constant 0 : i32
      %dma_start3A_482 = tpu.memref_slice %arg14[%add3A_156, %dma_start3A_481] : memref<10240x128xf32, #tpu.memory_space<vmem_shared>> -> memref<64x128xf32, #tpu.memory_space<vmem_shared>>
      %dma_start3A_483 = arith.constant 0 : i32
      %dma_start3A_484 = tpu.memref_slice %arg14[%add3A_156, %dma_start3A_483] : memref<10240x128xf32, #tpu.memory_space<vmem_shared>> -> memref<64x128xf32, #tpu.memory_space<vmem_shared>>
      tpu.enqueue_dma source(%arg10 : memref<64x128xf32, #tpu.memory_space<vmem>>) target(%dma_start3A_484 : memref<64x128xf32, #tpu.memory_space<vmem_shared>>) target_semaphore(%run_scoped3A_480 : memref<!tpu.dma_semaphore, #tpu.memory_space<semaphore_mem>>)
      %dma_wait3A_485 = arith.constant 0 : i32
      %dma_wait3A_486 = tpu.memref_slice %arg14[%add3A_156, %dma_wait3A_485] : memref<10240x128xf32, #tpu.memory_space<vmem_shared>> -> memref<64x128xf32, #tpu.memory_space<vmem_shared>>
      %dma_wait3A_487 = arith.constant 0 : i32
      %dma_wait3A_488 = tpu.memref_slice %arg14[%add3A_156, %dma_wait3A_487] : memref<10240x128xf32, #tpu.memory_space<vmem_shared>> -> memref<64x128xf32, #tpu.memory_space<vmem_shared>>
      tpu.wait_dma2 semaphore(%run_scoped3A_480 : memref<!tpu.dma_semaphore, #tpu.memory_space<semaphore_mem>>) src(%arg10 : memref<64x128xf32, #tpu.memory_space<vmem>>) dst(%dma_wait3A_488 : memref<64x128xf32, #tpu.memory_space<vmem_shared>>)
      tpu.yield
    }) : () -> ()
    %barrier3A_157 = arith.constant 0 : index
    tpu.barrier barrier_id(%barrier3A_157)
    %eq3A_158 = arith.constant 0 : i32
    %eq3A_159 = arith.cmpi eq, %arg0, %eq3A_158 : i32
    %jit3A_160 = arith.constant 109 : i32
    %jit3A_161 = arith.constant 49 : i32
    %select_n3A_162 = arith.select %eq3A_159, %jit3A_160, %jit3A_161 : i32
    %eq3A_163 = arith.constant 0 : i32
    %eq3A_164 = arith.cmpi eq, %arg0, %eq3A_163 : i32
    %add3A_165 = arith.constant 1744 : i32
    %add3A_166 = arith.addi %add3A_165, %arg1 : i32
    %select_n3A_167 = arith.select %eq3A_164, %arg1, %add3A_166 : i32
    %run_scoped3A_168 = arith.constant 0 : i32
    "tpu.region"() ({
      %run_scoped3A_480 = tpu.sem_alloc : memref<!tpu.dma_semaphore, #tpu.memory_space<semaphore_mem>>
      %dma_start3A_481 = arith.constant 0 : i32
      %dma_start3A_482 = arith.constant 0 : i32
      %dma_start3A_483 = tpu.memref_slice %arg8[%run_scoped3A_168, %dma_start3A_481, %dma_start3A_482] : memref<3x2x128xi32, #tpu.memory_space<vmem>> -> memref<1x2x128xi32, #tpu.memory_space<vmem>>
      %dma_start3A_484 = tpu.memref_squeeze %dma_start3A_483 : memref<1x2x128xi32, #tpu.memory_space<vmem>> -> memref<2x128xi32, #tpu.memory_space<vmem>>
      %dma_start3A_485 = arith.constant 0 : i32
      %dma_start3A_486 = arith.constant 0 : i32
      %dma_start3A_487 = tpu.memref_slice %arg6[%select_n3A_167, %dma_start3A_485, %dma_start3A_486] : memref<2528x2x128xi32, #tpu.memory_space<hbm>> -> memref<1x2x128xi32, #tpu.memory_space<hbm>>
      %dma_start3A_488 = tpu.memref_squeeze %dma_start3A_487 : memref<1x2x128xi32, #tpu.memory_space<hbm>> -> memref<2x128xi32, #tpu.memory_space<hbm>>
      %dma_start3A_489 = arith.constant 0 : i32
      %dma_start3A_490 = arith.constant 0 : i32
      %dma_start3A_491 = tpu.memref_slice %arg8[%run_scoped3A_168, %dma_start3A_489, %dma_start3A_490] : memref<3x2x128xi32, #tpu.memory_space<vmem>> -> memref<1x2x128xi32, #tpu.memory_space<vmem>>
      %dma_start3A_492 = tpu.memref_squeeze %dma_start3A_491 : memref<1x2x128xi32, #tpu.memory_space<vmem>> -> memref<2x128xi32, #tpu.memory_space<vmem>>
      %dma_start3A_493 = arith.constant 0 : i32
      %dma_start3A_494 = arith.constant 0 : i32
      %dma_start3A_495 = tpu.memref_slice %arg6[%select_n3A_167, %dma_start3A_493, %dma_start3A_494] : memref<2528x2x128xi32, #tpu.memory_space<hbm>> -> memref<1x2x128xi32, #tpu.memory_space<hbm>>
      %dma_start3A_496 = tpu.memref_squeeze %dma_start3A_495 : memref<1x2x128xi32, #tpu.memory_space<hbm>> -> memref<2x128xi32, #tpu.memory_space<hbm>>
      tpu.enqueue_dma source(%dma_start3A_496 : memref<2x128xi32, #tpu.memory_space<hbm>>) target(%dma_start3A_492 : memref<2x128xi32, #tpu.memory_space<vmem>>) target_semaphore(%run_scoped3A_480 : memref<!tpu.dma_semaphore, #tpu.memory_space<semaphore_mem>>)
      %dma_wait3A_497 = arith.constant 0 : i32
      %dma_wait3A_498 = arith.constant 0 : i32
      %dma_wait3A_499 = tpu.memref_slice %arg8[%run_scoped3A_168, %dma_wait3A_497, %dma_wait3A_498] : memref<3x2x128xi32, #tpu.memory_space<vmem>> -> memref<1x2x128xi32, #tpu.memory_space<vmem>>
      %dma_wait3A_500 = tpu.memref_squeeze %dma_wait3A_499 : memref<1x2x128xi32, #tpu.memory_space<vmem>> -> memref<2x128xi32, #tpu.memory_space<vmem>>
      %dma_wait3A_501 = arith.constant 0 : i32
      %dma_wait3A_502 = arith.constant 0 : i32
      %dma_wait3A_503 = tpu.memref_slice %arg6[%select_n3A_167, %dma_wait3A_501, %dma_wait3A_502] : memref<2528x2x128xi32, #tpu.memory_space<hbm>> -> memref<1x2x128xi32, #tpu.memory_space<hbm>>
      %dma_wait3A_504 = tpu.memref_squeeze %dma_wait3A_503 : memref<1x2x128xi32, #tpu.memory_space<hbm>> -> memref<2x128xi32, #tpu.memory_space<hbm>>
      %dma_wait3A_505 = arith.constant 0 : i32
      %dma_wait3A_506 = arith.constant 0 : i32
      %dma_wait3A_507 = tpu.memref_slice %arg8[%run_scoped3A_168, %dma_wait3A_505, %dma_wait3A_506] : memref<3x2x128xi32, #tpu.memory_space<vmem>> -> memref<1x2x128xi32, #tpu.memory_space<vmem>>
      %dma_wait3A_508 = tpu.memref_squeeze %dma_wait3A_507 : memref<1x2x128xi32, #tpu.memory_space<vmem>> -> memref<2x128xi32, #tpu.memory_space<vmem>>
      %dma_wait3A_509 = arith.constant 0 : i32
      %dma_wait3A_510 = arith.constant 0 : i32
      %dma_wait3A_511 = tpu.memref_slice %arg6[%select_n3A_167, %dma_wait3A_509, %dma_wait3A_510] : memref<2528x2x128xi32, #tpu.memory_space<hbm>> -> memref<1x2x128xi32, #tpu.memory_space<hbm>>
      %dma_wait3A_512 = tpu.memref_squeeze %dma_wait3A_511 : memref<1x2x128xi32, #tpu.memory_space<hbm>> -> memref<2x128xi32, #tpu.memory_space<hbm>>
      tpu.wait_dma2 semaphore(%run_scoped3A_480 : memref<!tpu.dma_semaphore, #tpu.memory_space<semaphore_mem>>) src(%dma_wait3A_512 : memref<2x128xi32, #tpu.memory_space<hbm>>) dst(%dma_wait3A_508 : memref<2x128xi32, #tpu.memory_space<vmem>>)
      tpu.yield
    }) : () -> ()
    %dma_start3A_169 = arith.constant 0 : i32
    %dma_start3A_170 = arith.constant 0 : i32
    %dma_start3A_171 = arith.constant 0 : i32
    %dma_start3A_172 = arith.constant 0 : i32
    %dma_start3A_173 = arith.constant 0 : i32
    %dma_start3A_174 = tpu.memref_slice %arg9[%dma_start3A_171, %dma_start3A_172, %dma_start3A_173] : memref<2x128x128xf32, #tpu.memory_space<vmem>> -> memref<1x128x128xf32, #tpu.memory_space<vmem>>
    %dma_start3A_175 = tpu.memref_squeeze %dma_start3A_174 : memref<1x128x128xf32, #tpu.memory_space<vmem>> -> memref<128x128xf32, #tpu.memory_space<vmem>>
    %dma_start3A_176 = arith.constant 0 : i32
    %dma_start3A_177 = tpu.memref_slice %arg8[%dma_start3A_169, %dma_start3A_170, %dma_start3A_176] : memref<3x2x128xi32, #tpu.memory_space<vmem>> -> memref<1x1x128xi32, #tpu.memory_space<vmem>>
    %dma_start3A_178 = tpu.memref_squeeze %dma_start3A_177 : memref<1x1x128xi32, #tpu.memory_space<vmem>> -> memref<128xi32, #tpu.memory_space<vmem>>
    %dma_start3A_179 = arith.constant 0 : i32
    %dma_start3A_180 = arith.constant 0 : i32
    %dma_start3A_181 = tpu.memref_slice %arg3[%dma_start3A_179, %dma_start3A_180] : memref<10000x128xf32, #tpu.memory_space<hbm>> -> memref<10000x128xf32, #tpu.memory_space<hbm>>
    tpu.enqueue_indirect_dma source(%dma_start3A_181 : memref<10000x128xf32, #tpu.memory_space<hbm>>) target(%dma_start3A_175 : memref<128x128xf32, #tpu.memory_space<vmem>>) offsets(%dma_start3A_178 : memref<128xi32, #tpu.memory_space<vmem>>) semaphore(%arg12 : memref<!tpu.dma_semaphore, #tpu.memory_space<semaphore_mem>>)
    %add3A_182 = arith.constant 16 : i32
    %add3A_183 = arith.addi %select_n3A_167, %add3A_182 : i32
    %dma_start3A_184 = arith.constant 1 : i32
    %dma_start3A_185 = arith.constant 0 : i32
    %dma_start3A_186 = arith.constant 0 : i32
    %dma_start3A_187 = tpu.memref_slice %arg8[%dma_start3A_184, %dma_start3A_185, %dma_start3A_186] : memref<3x2x128xi32, #tpu.memory_space<vmem>> -> memref<1x2x128xi32, #tpu.memory_space<vmem>>
    %dma_start3A_188 = tpu.memref_squeeze %dma_start3A_187 : memref<1x2x128xi32, #tpu.memory_space<vmem>> -> memref<2x128xi32, #tpu.memory_space<vmem>>
    %dma_start3A_189 = arith.constant 0 : i32
    %dma_start3A_190 = arith.constant 0 : i32
    %dma_start3A_191 = tpu.memref_slice %arg6[%add3A_183, %dma_start3A_189, %dma_start3A_190] : memref<2528x2x128xi32, #tpu.memory_space<hbm>> -> memref<1x2x128xi32, #tpu.memory_space<hbm>>
    %dma_start3A_192 = tpu.memref_squeeze %dma_start3A_191 : memref<1x2x128xi32, #tpu.memory_space<hbm>> -> memref<2x128xi32, #tpu.memory_space<hbm>>
    %dma_start3A_193 = arith.constant 0 : i32
    %dma_start3A_194 = arith.constant 0 : i32
    %dma_start3A_195 = tpu.memref_slice %arg8[%dma_start3A_184, %dma_start3A_193, %dma_start3A_194] : memref<3x2x128xi32, #tpu.memory_space<vmem>> -> memref<1x2x128xi32, #tpu.memory_space<vmem>>
    %dma_start3A_196 = tpu.memref_squeeze %dma_start3A_195 : memref<1x2x128xi32, #tpu.memory_space<vmem>> -> memref<2x128xi32, #tpu.memory_space<vmem>>
    %dma_start3A_197 = arith.constant 0 : i32
    %dma_start3A_198 = arith.constant 0 : i32
    %dma_start3A_199 = tpu.memref_slice %arg6[%add3A_183, %dma_start3A_197, %dma_start3A_198] : memref<2528x2x128xi32, #tpu.memory_space<hbm>> -> memref<1x2x128xi32, #tpu.memory_space<hbm>>
    %dma_start3A_200 = tpu.memref_squeeze %dma_start3A_199 : memref<1x2x128xi32, #tpu.memory_space<hbm>> -> memref<2x128xi32, #tpu.memory_space<hbm>>
    tpu.enqueue_dma source(%dma_start3A_200 : memref<2x128xi32, #tpu.memory_space<hbm>>) target(%dma_start3A_196 : memref<2x128xi32, #tpu.memory_space<vmem>>) target_semaphore(%arg11 : memref<!tpu.dma_semaphore, #tpu.memory_space<semaphore_mem>>)
    %sub3A_201 = arith.constant 1 : i32
    %sub3A_202 = arith.subi %select_n3A_162, %sub3A_201 : i32
    %while3A_203 = arith.constant 0 : i32
    %while3A_204 = arith.constant 0 : i32
    %while3A_205 = arith.subi %sub3A_202, %while3A_204 : i32
    %while3A_206 = arith.addi %while3A_204, %while3A_205 : i32
    %while3A_207 = arith.constant 1 : i32
    %while3A_208 = arith.divsi %while3A_205, %while3A_207 : i32
    %while3A_209 = arith.muli %while3A_208, %while3A_207 : i32
    %while3A_210 = arith.addi %while3A_204, %while3A_209 : i32
    %while3A_211 = arith.constant 1 : i32
    scf.for %while3A_480 = %while3A_204 to %while3A_210 step %while3A_211  : i32 {
      %rem3A_481 = arith.constant 2 : i32
      %rem3A_482 = arith.remsi %while3A_480, %rem3A_481 : i32
      %sub3A_483 = arith.constant 1 : i32
      %sub3A_484 = arith.subi %sub3A_483, %rem3A_482 : i32
      %add3A_485 = arith.constant 1 : i32
      %add3A_486 = arith.addi %while3A_480, %add3A_485 : i32
      %rem3A_487 = arith.constant 3 : i32
      %rem3A_488 = arith.remsi %add3A_486, %rem3A_487 : i32
      %add3A_489 = arith.constant 2 : i32
      %add3A_490 = arith.addi %while3A_480, %add3A_489 : i32
      %rem3A_491 = arith.constant 3 : i32
      %rem3A_492 = arith.remsi %add3A_490, %rem3A_491 : i32
      %add3A_493 = arith.constant 2 : i32
      %add3A_494 = arith.addi %while3A_480, %add3A_493 : i32
      %lt3A = arith.cmpi slt, %add3A_494, %select_n3A_162 : i32
      %convert_element_type3A = arith.extui %lt3A : i1 to i32
      %cond3A = arith.constant 0 : i32
      %cond3A_495 = arith.cmpi ne, %convert_element_type3A, %cond3A : i32
      scf.if %cond3A_495 {
        %add3A_542 = arith.constant 2 : i32
        %add3A_543 = arith.addi %while3A_480, %add3A_542 : i32
        %mul3A_544 = arith.constant 16 : i32
        %mul3A_545 = arith.muli %mul3A_544, %add3A_543 : i32
        %add3A_546 = arith.addi %select_n3A_167, %mul3A_545 : i32
        %dma_start3A_547 = arith.constant 0 : i32
        %dma_start3A_548 = arith.constant 0 : i32
        %dma_start3A_549 = tpu.memref_slice %arg8[%rem3A_492, %dma_start3A_547, %dma_start3A_548] : memref<3x2x128xi32, #tpu.memory_space<vmem>> -> memref<1x2x128xi32, #tpu.memory_space<vmem>>
        %dma_start3A_550 = tpu.memref_squeeze %dma_start3A_549 : memref<1x2x128xi32, #tpu.memory_space<vmem>> -> memref<2x128xi32, #tpu.memory_space<vmem>>
        %dma_start3A_551 = arith.constant 0 : i32
        %dma_start3A_552 = arith.constant 0 : i32
        %dma_start3A_553 = tpu.memref_slice %arg6[%add3A_546, %dma_start3A_551, %dma_start3A_552] : memref<2528x2x128xi32, #tpu.memory_space<hbm>> -> memref<1x2x128xi32, #tpu.memory_space<hbm>>
        %dma_start3A_554 = tpu.memref_squeeze %dma_start3A_553 : memref<1x2x128xi32, #tpu.memory_space<hbm>> -> memref<2x128xi32, #tpu.memory_space<hbm>>
        %dma_start3A_555 = arith.constant 0 : i32
        %dma_start3A_556 = arith.constant 0 : i32
        %dma_start3A_557 = tpu.memref_slice %arg8[%rem3A_492, %dma_start3A_555, %dma_start3A_556] : memref<3x2x128xi32, #tpu.memory_space<vmem>> -> memref<1x2x128xi32, #tpu.memory_space<vmem>>
        %dma_start3A_558 = tpu.memref_squeeze %dma_start3A_557 : memref<1x2x128xi32, #tpu.memory_space<vmem>> -> memref<2x128xi32, #tpu.memory_space<vmem>>
        %dma_start3A_559 = arith.constant 0 : i32
        %dma_start3A_560 = arith.constant 0 : i32
        %dma_start3A_561 = tpu.memref_slice %arg6[%add3A_546, %dma_start3A_559, %dma_start3A_560] : memref<2528x2x128xi32, #tpu.memory_space<hbm>> -> memref<1x2x128xi32, #tpu.memory_space<hbm>>
        %dma_start3A_562 = tpu.memref_squeeze %dma_start3A_561 : memref<1x2x128xi32, #tpu.memory_space<hbm>> -> memref<2x128xi32, #tpu.memory_space<hbm>>
        tpu.enqueue_dma source(%dma_start3A_562 : memref<2x128xi32, #tpu.memory_space<hbm>>) target(%dma_start3A_558 : memref<2x128xi32, #tpu.memory_space<vmem>>) target_semaphore(%arg11 : memref<!tpu.dma_semaphore, #tpu.memory_space<semaphore_mem>>)
      } else {
      }
      %add3A_496 = arith.constant 1 : i32
      %add3A_497 = arith.addi %while3A_480, %add3A_496 : i32
      %mul3A_498 = arith.constant 16 : i32
      %mul3A_499 = arith.muli %mul3A_498, %add3A_497 : i32
      %add3A_500 = arith.addi %select_n3A_167, %mul3A_499 : i32
      %dma_wait3A_501 = arith.constant 0 : i32
      %dma_wait3A_502 = arith.constant 0 : i32
      %dma_wait3A_503 = tpu.memref_slice %arg8[%rem3A_488, %dma_wait3A_501, %dma_wait3A_502] : memref<3x2x128xi32, #tpu.memory_space<vmem>> -> memref<1x2x128xi32, #tpu.memory_space<vmem>>
      %dma_wait3A_504 = tpu.memref_squeeze %dma_wait3A_503 : memref<1x2x128xi32, #tpu.memory_space<vmem>> -> memref<2x128xi32, #tpu.memory_space<vmem>>
      %dma_wait3A_505 = arith.constant 0 : i32
      %dma_wait3A_506 = arith.constant 0 : i32
      %dma_wait3A_507 = tpu.memref_slice %arg6[%add3A_500, %dma_wait3A_505, %dma_wait3A_506] : memref<2528x2x128xi32, #tpu.memory_space<hbm>> -> memref<1x2x128xi32, #tpu.memory_space<hbm>>
      %dma_wait3A_508 = tpu.memref_squeeze %dma_wait3A_507 : memref<1x2x128xi32, #tpu.memory_space<hbm>> -> memref<2x128xi32, #tpu.memory_space<hbm>>
      %dma_wait3A_509 = arith.constant 0 : i32
      %dma_wait3A_510 = arith.constant 0 : i32
      %dma_wait3A_511 = tpu.memref_slice %arg8[%rem3A_488, %dma_wait3A_509, %dma_wait3A_510] : memref<3x2x128xi32, #tpu.memory_space<vmem>> -> memref<1x2x128xi32, #tpu.memory_space<vmem>>
      %dma_wait3A_512 = tpu.memref_squeeze %dma_wait3A_511 : memref<1x2x128xi32, #tpu.memory_space<vmem>> -> memref<2x128xi32, #tpu.memory_space<vmem>>
      %dma_wait3A_513 = arith.constant 0 : i32
      %dma_wait3A_514 = arith.constant 0 : i32
      %dma_wait3A_515 = tpu.memref_slice %arg6[%add3A_500, %dma_wait3A_513, %dma_wait3A_514] : memref<2528x2x128xi32, #tpu.memory_space<hbm>> -> memref<1x2x128xi32, #tpu.memory_space<hbm>>
      %dma_wait3A_516 = tpu.memref_squeeze %dma_wait3A_515 : memref<1x2x128xi32, #tpu.memory_space<hbm>> -> memref<2x128xi32, #tpu.memory_space<hbm>>
      tpu.wait_dma2 semaphore(%arg11 : memref<!tpu.dma_semaphore, #tpu.memory_space<semaphore_mem>>) src(%dma_wait3A_516 : memref<2x128xi32, #tpu.memory_space<hbm>>) dst(%dma_wait3A_512 : memref<2x128xi32, #tpu.memory_space<vmem>>)
      %dma_start3A_517 = arith.constant 0 : i32
      %dma_start3A_518 = arith.constant 0 : i32
      %dma_start3A_519 = arith.constant 0 : i32
      %dma_start3A_520 = tpu.memref_slice %arg9[%sub3A_484, %dma_start3A_518, %dma_start3A_519] : memref<2x128x128xf32, #tpu.memory_space<vmem>> -> memref<1x128x128xf32, #tpu.memory_space<vmem>>
      %dma_start3A_521 = tpu.memref_squeeze %dma_start3A_520 : memref<1x128x128xf32, #tpu.memory_space<vmem>> -> memref<128x128xf32, #tpu.memory_space<vmem>>
      %dma_start3A_522 = arith.constant 0 : i32
      %dma_start3A_523 = tpu.memref_slice %arg8[%rem3A_488, %dma_start3A_517, %dma_start3A_522] : memref<3x2x128xi32, #tpu.memory_space<vmem>> -> memref<1x1x128xi32, #tpu.memory_space<vmem>>
      %dma_start3A_524 = tpu.memref_squeeze %dma_start3A_523 : memref<1x1x128xi32, #tpu.memory_space<vmem>> -> memref<128xi32, #tpu.memory_space<vmem>>
      %dma_start3A_525 = arith.constant 0 : i32
      %dma_start3A_526 = arith.constant 0 : i32
      %dma_start3A_527 = tpu.memref_slice %arg3[%dma_start3A_525, %dma_start3A_526] : memref<10000x128xf32, #tpu.memory_space<hbm>> -> memref<10000x128xf32, #tpu.memory_space<hbm>>
      tpu.enqueue_indirect_dma source(%dma_start3A_527 : memref<10000x128xf32, #tpu.memory_space<hbm>>) target(%dma_start3A_521 : memref<128x128xf32, #tpu.memory_space<vmem>>) offsets(%dma_start3A_524 : memref<128xi32, #tpu.memory_space<vmem>>) semaphore(%arg12 : memref<!tpu.dma_semaphore, #tpu.memory_space<semaphore_mem>>)
      %dma_wait3A_528 = arith.constant 0 : i32
      %dma_wait3A_529 = arith.constant 0 : i32
      %dma_wait3A_530 = arith.constant 0 : i32
      %dma_wait3A_531 = tpu.memref_slice %arg9[%rem3A_482, %dma_wait3A_529, %dma_wait3A_530] : memref<2x128x128xf32, #tpu.memory_space<vmem>> -> memref<1x128x128xf32, #tpu.memory_space<vmem>>
      %dma_wait3A_532 = tpu.memref_squeeze %dma_wait3A_531 : memref<1x128x128xf32, #tpu.memory_space<vmem>> -> memref<128x128xf32, #tpu.memory_space<vmem>>
      %dma_wait3A_533 = arith.constant 0 : i32
      %dma_wait3A_534 = tpu.memref_slice %arg8[%rem3A_488, %dma_wait3A_528, %dma_wait3A_533] : memref<3x2x128xi32, #tpu.memory_space<vmem>> -> memref<1x1x128xi32, #tpu.memory_space<vmem>>
      %dma_wait3A_535 = tpu.memref_squeeze %dma_wait3A_534 : memref<1x1x128xi32, #tpu.memory_space<vmem>> -> memref<128xi32, #tpu.memory_space<vmem>>
      %dma_wait3A_536 = arith.constant 0 : i32
      %dma_wait3A_537 = arith.constant 0 : i32
      %dma_wait3A_538 = tpu.memref_slice %arg3[%dma_wait3A_536, %dma_wait3A_537] : memref<10000x128xf32, #tpu.memory_space<hbm>> -> memref<10000x128xf32, #tpu.memory_space<hbm>>
      tpu.wait_indirect_dma semaphore(%arg12 : memref<!tpu.dma_semaphore, #tpu.memory_space<semaphore_mem>>) src(%dma_wait3A_538 : memref<10000x128xf32, #tpu.memory_space<hbm>>) dst(%dma_wait3A_532 : memref<128x128xf32, #tpu.memory_space<vmem>>)
      %rem3A_539 = arith.constant 3 : i32
      %rem3A_540 = arith.remsi %while3A_480, %rem3A_539 : i32
      %run_scoped3A_541 = arith.constant 1 : i32
      "tpu.region"() ({
        %run_scoped3A_542 = tpu.sem_alloc : memref<!tpu.dma_semaphore, #tpu.memory_space<semaphore_mem>>
        %dma_start3A_543 = arith.constant 0 : i32
        %dma_start3A_544 = arith.constant 0 : i32
        %dma_start3A_545 = tpu.memref_slice %arg9[%rem3A_482, %dma_start3A_543, %dma_start3A_544] : memref<2x128x128xf32, #tpu.memory_space<vmem>> -> memref<1x128x128xf32, #tpu.memory_space<vmem>>
        %dma_start3A_546 = tpu.memref_squeeze %dma_start3A_545 : memref<1x128x128xf32, #tpu.memory_space<vmem>> -> memref<128x128xf32, #tpu.memory_space<vmem>>
        %dma_start3A_547 = arith.constant 0 : i32
        %dma_start3A_548 = tpu.memref_slice %arg8[%rem3A_540, %run_scoped3A_541, %dma_start3A_547] : memref<3x2x128xi32, #tpu.memory_space<vmem>> -> memref<1x1x128xi32, #tpu.memory_space<vmem>>
        %dma_start3A_549 = tpu.memref_squeeze %dma_start3A_548 : memref<1x1x128xi32, #tpu.memory_space<vmem>> -> memref<128xi32, #tpu.memory_space<vmem>>
        %dma_start3A_550 = arith.constant 0 : i32
        %dma_start3A_551 = arith.constant 0 : i32
        %dma_start3A_552 = tpu.memref_slice %arg14[%dma_start3A_550, %dma_start3A_551] : memref<10240x128xf32, #tpu.memory_space<vmem_shared>> -> memref<10240x128xf32, #tpu.memory_space<vmem_shared>>
        tpu.enqueue_indirect_dma source(%dma_start3A_546 : memref<128x128xf32, #tpu.memory_space<vmem>>) target(%dma_start3A_552 : memref<10240x128xf32, #tpu.memory_space<vmem_shared>>) offsets(%dma_start3A_549 : memref<128xi32, #tpu.memory_space<vmem>>) semaphore(%run_scoped3A_542 : memref<!tpu.dma_semaphore, #tpu.memory_space<semaphore_mem>>) {add = true}
        %dma_wait3A_553 = arith.constant 0 : i32
        %dma_wait3A_554 = arith.constant 0 : i32
        %dma_wait3A_555 = tpu.memref_slice %arg9[%rem3A_482, %dma_wait3A_553, %dma_wait3A_554] : memref<2x128x128xf32, #tpu.memory_space<vmem>> -> memref<1x128x128xf32, #tpu.memory_space<vmem>>
        %dma_wait3A_556 = tpu.memref_squeeze %dma_wait3A_555 : memref<1x128x128xf32, #tpu.memory_space<vmem>> -> memref<128x128xf32, #tpu.memory_space<vmem>>
        %dma_wait3A_557 = arith.constant 0 : i32
        %dma_wait3A_558 = tpu.memref_slice %arg8[%rem3A_540, %run_scoped3A_541, %dma_wait3A_557] : memref<3x2x128xi32, #tpu.memory_space<vmem>> -> memref<1x1x128xi32, #tpu.memory_space<vmem>>
        %dma_wait3A_559 = tpu.memref_squeeze %dma_wait3A_558 : memref<1x1x128xi32, #tpu.memory_space<vmem>> -> memref<128xi32, #tpu.memory_space<vmem>>
        %dma_wait3A_560 = arith.constant 0 : i32
        %dma_wait3A_561 = arith.constant 0 : i32
        %dma_wait3A_562 = tpu.memref_slice %arg14[%dma_wait3A_560, %dma_wait3A_561] : memref<10240x128xf32, #tpu.memory_space<vmem_shared>> -> memref<10240x128xf32, #tpu.memory_space<vmem_shared>>
        tpu.wait_indirect_dma semaphore(%run_scoped3A_542 : memref<!tpu.dma_semaphore, #tpu.memory_space<semaphore_mem>>) src(%dma_wait3A_556 : memref<128x128xf32, #tpu.memory_space<vmem>>) dst(%dma_wait3A_562 : memref<10240x128xf32, #tpu.memory_space<vmem_shared>>)
        tpu.yield
      }) : () -> ()
    }
    %while3A_212 = arith.constant 1 : i32
    scf.for %while3A_480 = %while3A_210 to %while3A_206 step %while3A_212  : i32 {
      %rem3A_481 = arith.constant 2 : i32
      %rem3A_482 = arith.remsi %while3A_480, %rem3A_481 : i32
      %sub3A_483 = arith.constant 1 : i32
      %sub3A_484 = arith.subi %sub3A_483, %rem3A_482 : i32
      %add3A_485 = arith.constant 1 : i32
      %add3A_486 = arith.addi %while3A_480, %add3A_485 : i32
      %rem3A_487 = arith.constant 3 : i32
      %rem3A_488 = arith.remsi %add3A_486, %rem3A_487 : i32
      %add3A_489 = arith.constant 2 : i32
      %add3A_490 = arith.addi %while3A_480, %add3A_489 : i32
      %rem3A_491 = arith.constant 3 : i32
      %rem3A_492 = arith.remsi %add3A_490, %rem3A_491 : i32
      %add3A_493 = arith.constant 2 : i32
      %add3A_494 = arith.addi %while3A_480, %add3A_493 : i32
      %lt3A = arith.cmpi slt, %add3A_494, %select_n3A_162 : i32
      %convert_element_type3A = arith.extui %lt3A : i1 to i32
      %cond3A = arith.constant 0 : i32
      %cond3A_495 = arith.cmpi ne, %convert_element_type3A, %cond3A : i32
      scf.if %cond3A_495 {
        %add3A_542 = arith.constant 2 : i32
        %add3A_543 = arith.addi %while3A_480, %add3A_542 : i32
        %mul3A_544 = arith.constant 16 : i32
        %mul3A_545 = arith.muli %mul3A_544, %add3A_543 : i32
        %add3A_546 = arith.addi %select_n3A_167, %mul3A_545 : i32
        %dma_start3A_547 = arith.constant 0 : i32
        %dma_start3A_548 = arith.constant 0 : i32
        %dma_start3A_549 = tpu.memref_slice %arg8[%rem3A_492, %dma_start3A_547, %dma_start3A_548] : memref<3x2x128xi32, #tpu.memory_space<vmem>> -> memref<1x2x128xi32, #tpu.memory_space<vmem>>
        %dma_start3A_550 = tpu.memref_squeeze %dma_start3A_549 : memref<1x2x128xi32, #tpu.memory_space<vmem>> -> memref<2x128xi32, #tpu.memory_space<vmem>>
        %dma_start3A_551 = arith.constant 0 : i32
        %dma_start3A_552 = arith.constant 0 : i32
        %dma_start3A_553 = tpu.memref_slice %arg6[%add3A_546, %dma_start3A_551, %dma_start3A_552] : memref<2528x2x128xi32, #tpu.memory_space<hbm>> -> memref<1x2x128xi32, #tpu.memory_space<hbm>>
        %dma_start3A_554 = tpu.memref_squeeze %dma_start3A_553 : memref<1x2x128xi32, #tpu.memory_space<hbm>> -> memref<2x128xi32, #tpu.memory_space<hbm>>
        %dma_start3A_555 = arith.constant 0 : i32
        %dma_start3A_556 = arith.constant 0 : i32
        %dma_start3A_557 = tpu.memref_slice %arg8[%rem3A_492, %dma_start3A_555, %dma_start3A_556] : memref<3x2x128xi32, #tpu.memory_space<vmem>> -> memref<1x2x128xi32, #tpu.memory_space<vmem>>
        %dma_start3A_558 = tpu.memref_squeeze %dma_start3A_557 : memref<1x2x128xi32, #tpu.memory_space<vmem>> -> memref<2x128xi32, #tpu.memory_space<vmem>>
        %dma_start3A_559 = arith.constant 0 : i32
        %dma_start3A_560 = arith.constant 0 : i32
        %dma_start3A_561 = tpu.memref_slice %arg6[%add3A_546, %dma_start3A_559, %dma_start3A_560] : memref<2528x2x128xi32, #tpu.memory_space<hbm>> -> memref<1x2x128xi32, #tpu.memory_space<hbm>>
        %dma_start3A_562 = tpu.memref_squeeze %dma_start3A_561 : memref<1x2x128xi32, #tpu.memory_space<hbm>> -> memref<2x128xi32, #tpu.memory_space<hbm>>
        tpu.enqueue_dma source(%dma_start3A_562 : memref<2x128xi32, #tpu.memory_space<hbm>>) target(%dma_start3A_558 : memref<2x128xi32, #tpu.memory_space<vmem>>) target_semaphore(%arg11 : memref<!tpu.dma_semaphore, #tpu.memory_space<semaphore_mem>>)
      } else {
      }
      %add3A_496 = arith.constant 1 : i32
      %add3A_497 = arith.addi %while3A_480, %add3A_496 : i32
      %mul3A_498 = arith.constant 16 : i32
      %mul3A_499 = arith.muli %mul3A_498, %add3A_497 : i32
      %add3A_500 = arith.addi %select_n3A_167, %mul3A_499 : i32
      %dma_wait3A_501 = arith.constant 0 : i32
      %dma_wait3A_502 = arith.constant 0 : i32
      %dma_wait3A_503 = tpu.memref_slice %arg8[%rem3A_488, %dma_wait3A_501, %dma_wait3A_502] : memref<3x2x128xi32, #tpu.memory_space<vmem>> -> memref<1x2x128xi32, #tpu.memory_space<vmem>>
      %dma_wait3A_504 = tpu.memref_squeeze %dma_wait3A_503 : memref<1x2x128xi32, #tpu.memory_space<vmem>> -> memref<2x128xi32, #tpu.memory_space<vmem>>
      %dma_wait3A_505 = arith.constant 0 : i32
      %dma_wait3A_506 = arith.constant 0 : i32
      %dma_wait3A_507 = tpu.memref_slice %arg6[%add3A_500, %dma_wait3A_505, %dma_wait3A_506] : memref<2528x2x128xi32, #tpu.memory_space<hbm>> -> memref<1x2x128xi32, #tpu.memory_space<hbm>>
      %dma_wait3A_508 = tpu.memref_squeeze %dma_wait3A_507 : memref<1x2x128xi32, #tpu.memory_space<hbm>> -> memref<2x128xi32, #tpu.memory_space<hbm>>
      %dma_wait3A_509 = arith.constant 0 : i32
      %dma_wait3A_510 = arith.constant 0 : i32
      %dma_wait3A_511 = tpu.memref_slice %arg8[%rem3A_488, %dma_wait3A_509, %dma_wait3A_510] : memref<3x2x128xi32, #tpu.memory_space<vmem>> -> memref<1x2x128xi32, #tpu.memory_space<vmem>>
      %dma_wait3A_512 = tpu.memref_squeeze %dma_wait3A_511 : memref<1x2x128xi32, #tpu.memory_space<vmem>> -> memref<2x128xi32, #tpu.memory_space<vmem>>
      %dma_wait3A_513 = arith.constant 0 : i32
      %dma_wait3A_514 = arith.constant 0 : i32
      %dma_wait3A_515 = tpu.memref_slice %arg6[%add3A_500, %dma_wait3A_513, %dma_wait3A_514] : memref<2528x2x128xi32, #tpu.memory_space<hbm>> -> memref<1x2x128xi32, #tpu.memory_space<hbm>>
      %dma_wait3A_516 = tpu.memref_squeeze %dma_wait3A_515 : memref<1x2x128xi32, #tpu.memory_space<hbm>> -> memref<2x128xi32, #tpu.memory_space<hbm>>
      tpu.wait_dma2 semaphore(%arg11 : memref<!tpu.dma_semaphore, #tpu.memory_space<semaphore_mem>>) src(%dma_wait3A_516 : memref<2x128xi32, #tpu.memory_space<hbm>>) dst(%dma_wait3A_512 : memref<2x128xi32, #tpu.memory_space<vmem>>)
      %dma_start3A_517 = arith.constant 0 : i32
      %dma_start3A_518 = arith.constant 0 : i32
      %dma_start3A_519 = arith.constant 0 : i32
      %dma_start3A_520 = tpu.memref_slice %arg9[%sub3A_484, %dma_start3A_518, %dma_start3A_519] : memref<2x128x128xf32, #tpu.memory_space<vmem>> -> memref<1x128x128xf32, #tpu.memory_space<vmem>>
      %dma_start3A_521 = tpu.memref_squeeze %dma_start3A_520 : memref<1x128x128xf32, #tpu.memory_space<vmem>> -> memref<128x128xf32, #tpu.memory_space<vmem>>
      %dma_start3A_522 = arith.constant 0 : i32
      %dma_start3A_523 = tpu.memref_slice %arg8[%rem3A_488, %dma_start3A_517, %dma_start3A_522] : memref<3x2x128xi32, #tpu.memory_space<vmem>> -> memref<1x1x128xi32, #tpu.memory_space<vmem>>
      %dma_start3A_524 = tpu.memref_squeeze %dma_start3A_523 : memref<1x1x128xi32, #tpu.memory_space<vmem>> -> memref<128xi32, #tpu.memory_space<vmem>>
      %dma_start3A_525 = arith.constant 0 : i32
      %dma_start3A_526 = arith.constant 0 : i32
      %dma_start3A_527 = tpu.memref_slice %arg3[%dma_start3A_525, %dma_start3A_526] : memref<10000x128xf32, #tpu.memory_space<hbm>> -> memref<10000x128xf32, #tpu.memory_space<hbm>>
      tpu.enqueue_indirect_dma source(%dma_start3A_527 : memref<10000x128xf32, #tpu.memory_space<hbm>>) target(%dma_start3A_521 : memref<128x128xf32, #tpu.memory_space<vmem>>) offsets(%dma_start3A_524 : memref<128xi32, #tpu.memory_space<vmem>>) semaphore(%arg12 : memref<!tpu.dma_semaphore, #tpu.memory_space<semaphore_mem>>)
      %dma_wait3A_528 = arith.constant 0 : i32
      %dma_wait3A_529 = arith.constant 0 : i32
      %dma_wait3A_530 = arith.constant 0 : i32
      %dma_wait3A_531 = tpu.memref_slice %arg9[%rem3A_482, %dma_wait3A_529, %dma_wait3A_530] : memref<2x128x128xf32, #tpu.memory_space<vmem>> -> memref<1x128x128xf32, #tpu.memory_space<vmem>>
      %dma_wait3A_532 = tpu.memref_squeeze %dma_wait3A_531 : memref<1x128x128xf32, #tpu.memory_space<vmem>> -> memref<128x128xf32, #tpu.memory_space<vmem>>
      %dma_wait3A_533 = arith.constant 0 : i32
      %dma_wait3A_534 = tpu.memref_slice %arg8[%rem3A_488, %dma_wait3A_528, %dma_wait3A_533] : memref<3x2x128xi32, #tpu.memory_space<vmem>> -> memref<1x1x128xi32, #tpu.memory_space<vmem>>
      %dma_wait3A_535 = tpu.memref_squeeze %dma_wait3A_534 : memref<1x1x128xi32, #tpu.memory_space<vmem>> -> memref<128xi32, #tpu.memory_space<vmem>>
      %dma_wait3A_536 = arith.constant 0 : i32
      %dma_wait3A_537 = arith.constant 0 : i32
      %dma_wait3A_538 = tpu.memref_slice %arg3[%dma_wait3A_536, %dma_wait3A_537] : memref<10000x128xf32, #tpu.memory_space<hbm>> -> memref<10000x128xf32, #tpu.memory_space<hbm>>
      tpu.wait_indirect_dma semaphore(%arg12 : memref<!tpu.dma_semaphore, #tpu.memory_space<semaphore_mem>>) src(%dma_wait3A_538 : memref<10000x128xf32, #tpu.memory_space<hbm>>) dst(%dma_wait3A_532 : memref<128x128xf32, #tpu.memory_space<vmem>>)
      %rem3A_539 = arith.constant 3 : i32
      %rem3A_540 = arith.remsi %while3A_480, %rem3A_539 : i32
      %run_scoped3A_541 = arith.constant 1 : i32
      "tpu.region"() ({
        %run_scoped3A_542 = tpu.sem_alloc : memref<!tpu.dma_semaphore, #tpu.memory_space<semaphore_mem>>
        %dma_start3A_543 = arith.constant 0 : i32
        %dma_start3A_544 = arith.constant 0 : i32
        %dma_start3A_545 = tpu.memref_slice %arg9[%rem3A_482, %dma_start3A_543, %dma_start3A_544] : memref<2x128x128xf32, #tpu.memory_space<vmem>> -> memref<1x128x128xf32, #tpu.memory_space<vmem>>
        %dma_start3A_546 = tpu.memref_squeeze %dma_start3A_545 : memref<1x128x128xf32, #tpu.memory_space<vmem>> -> memref<128x128xf32, #tpu.memory_space<vmem>>
        %dma_start3A_547 = arith.constant 0 : i32
        %dma_start3A_548 = tpu.memref_slice %arg8[%rem3A_540, %run_scoped3A_541, %dma_start3A_547] : memref<3x2x128xi32, #tpu.memory_space<vmem>> -> memref<1x1x128xi32, #tpu.memory_space<vmem>>
        %dma_start3A_549 = tpu.memref_squeeze %dma_start3A_548 : memref<1x1x128xi32, #tpu.memory_space<vmem>> -> memref<128xi32, #tpu.memory_space<vmem>>
        %dma_start3A_550 = arith.constant 0 : i32
        %dma_start3A_551 = arith.constant 0 : i32
        %dma_start3A_552 = tpu.memref_slice %arg14[%dma_start3A_550, %dma_start3A_551] : memref<10240x128xf32, #tpu.memory_space<vmem_shared>> -> memref<10240x128xf32, #tpu.memory_space<vmem_shared>>
        tpu.enqueue_indirect_dma source(%dma_start3A_546 : memref<128x128xf32, #tpu.memory_space<vmem>>) target(%dma_start3A_552 : memref<10240x128xf32, #tpu.memory_space<vmem_shared>>) offsets(%dma_start3A_549 : memref<128xi32, #tpu.memory_space<vmem>>) semaphore(%run_scoped3A_542 : memref<!tpu.dma_semaphore, #tpu.memory_space<semaphore_mem>>) {add = true}
        %dma_wait3A_553 = arith.constant 0 : i32
        %dma_wait3A_554 = arith.constant 0 : i32
        %dma_wait3A_555 = tpu.memref_slice %arg9[%rem3A_482, %dma_wait3A_553, %dma_wait3A_554] : memref<2x128x128xf32, #tpu.memory_space<vmem>> -> memref<1x128x128xf32, #tpu.memory_space<vmem>>
        %dma_wait3A_556 = tpu.memref_squeeze %dma_wait3A_555 : memref<1x128x128xf32, #tpu.memory_space<vmem>> -> memref<128x128xf32, #tpu.memory_space<vmem>>
        %dma_wait3A_557 = arith.constant 0 : i32
        %dma_wait3A_558 = tpu.memref_slice %arg8[%rem3A_540, %run_scoped3A_541, %dma_wait3A_557] : memref<3x2x128xi32, #tpu.memory_space<vmem>> -> memref<1x1x128xi32, #tpu.memory_space<vmem>>
        %dma_wait3A_559 = tpu.memref_squeeze %dma_wait3A_558 : memref<1x1x128xi32, #tpu.memory_space<vmem>> -> memref<128xi32, #tpu.memory_space<vmem>>
        %dma_wait3A_560 = arith.constant 0 : i32
        %dma_wait3A_561 = arith.constant 0 : i32
        %dma_wait3A_562 = tpu.memref_slice %arg14[%dma_wait3A_560, %dma_wait3A_561] : memref<10240x128xf32, #tpu.memory_space<vmem_shared>> -> memref<10240x128xf32, #tpu.memory_space<vmem_shared>>
        tpu.wait_indirect_dma semaphore(%run_scoped3A_542 : memref<!tpu.dma_semaphore, #tpu.memory_space<semaphore_mem>>) src(%dma_wait3A_556 : memref<128x128xf32, #tpu.memory_space<vmem>>) dst(%dma_wait3A_562 : memref<10240x128xf32, #tpu.memory_space<vmem_shared>>)
        tpu.yield
      }) : () -> ()
    }
    %sub3A_213 = arith.constant 1 : i32
    %sub3A_214 = arith.subi %select_n3A_162, %sub3A_213 : i32
    %rem3A_215 = arith.constant 2 : i32
    %rem3A_216 = arith.remsi %sub3A_214, %rem3A_215 : i32
    %rem3A_217 = arith.constant 3 : i32
    %rem3A_218 = arith.remsi %sub3A_214, %rem3A_217 : i32
    %dma_wait3A_219 = arith.constant 0 : i32
    %dma_wait3A_220 = arith.constant 0 : i32
    %dma_wait3A_221 = arith.constant 0 : i32
    %dma_wait3A_222 = tpu.memref_slice %arg9[%rem3A_216, %dma_wait3A_220, %dma_wait3A_221] : memref<2x128x128xf32, #tpu.memory_space<vmem>> -> memref<1x128x128xf32, #tpu.memory_space<vmem>>
    %dma_wait3A_223 = tpu.memref_squeeze %dma_wait3A_222 : memref<1x128x128xf32, #tpu.memory_space<vmem>> -> memref<128x128xf32, #tpu.memory_space<vmem>>
    %dma_wait3A_224 = arith.constant 0 : i32
    %dma_wait3A_225 = tpu.memref_slice %arg8[%rem3A_218, %dma_wait3A_219, %dma_wait3A_224] : memref<3x2x128xi32, #tpu.memory_space<vmem>> -> memref<1x1x128xi32, #tpu.memory_space<vmem>>
    %dma_wait3A_226 = tpu.memref_squeeze %dma_wait3A_225 : memref<1x1x128xi32, #tpu.memory_space<vmem>> -> memref<128xi32, #tpu.memory_space<vmem>>
    %dma_wait3A_227 = arith.constant 0 : i32
    %dma_wait3A_228 = arith.constant 0 : i32
    %dma_wait3A_229 = tpu.memref_slice %arg3[%dma_wait3A_227, %dma_wait3A_228] : memref<10000x128xf32, #tpu.memory_space<hbm>> -> memref<10000x128xf32, #tpu.memory_space<hbm>>
    tpu.wait_indirect_dma semaphore(%arg12 : memref<!tpu.dma_semaphore, #tpu.memory_space<semaphore_mem>>) src(%dma_wait3A_229 : memref<10000x128xf32, #tpu.memory_space<hbm>>) dst(%dma_wait3A_223 : memref<128x128xf32, #tpu.memory_space<vmem>>)
    %run_scoped3A_230 = arith.constant 1 : i32
    "tpu.region"() ({
      %run_scoped3A_480 = tpu.sem_alloc : memref<!tpu.dma_semaphore, #tpu.memory_space<semaphore_mem>>
      %dma_start3A_481 = arith.constant 0 : i32
      %dma_start3A_482 = arith.constant 0 : i32
      %dma_start3A_483 = tpu.memref_slice %arg9[%rem3A_216, %dma_start3A_481, %dma_start3A_482] : memref<2x128x128xf32, #tpu.memory_space<vmem>> -> memref<1x128x128xf32, #tpu.memory_space<vmem>>
      %dma_start3A_484 = tpu.memref_squeeze %dma_start3A_483 : memref<1x128x128xf32, #tpu.memory_space<vmem>> -> memref<128x128xf32, #tpu.memory_space<vmem>>
      %dma_start3A_485 = arith.constant 0 : i32
      %dma_start3A_486 = tpu.memref_slice %arg8[%rem3A_218, %run_scoped3A_230, %dma_start3A_485] : memref<3x2x128xi32, #tpu.memory_space<vmem>> -> memref<1x1x128xi32, #tpu.memory_space<vmem>>
      %dma_start3A_487 = tpu.memref_squeeze %dma_start3A_486 : memref<1x1x128xi32, #tpu.memory_space<vmem>> -> memref<128xi32, #tpu.memory_space<vmem>>
      %dma_start3A_488 = arith.constant 0 : i32
      %dma_start3A_489 = arith.constant 0 : i32
      %dma_start3A_490 = tpu.memref_slice %arg14[%dma_start3A_488, %dma_start3A_489] : memref<10240x128xf32, #tpu.memory_space<vmem_shared>> -> memref<10240x128xf32, #tpu.memory_space<vmem_shared>>
      tpu.enqueue_indirect_dma source(%dma_start3A_484 : memref<128x128xf32, #tpu.memory_space<vmem>>) target(%dma_start3A_490 : memref<10240x128xf32, #tpu.memory_space<vmem_shared>>) offsets(%dma_start3A_487 : memref<128xi32, #tpu.memory_space<vmem>>) semaphore(%run_scoped3A_480 : memref<!tpu.dma_semaphore, #tpu.memory_space<semaphore_mem>>) {add = true}
      %dma_wait3A_491 = arith.constant 0 : i32
      %dma_wait3A_492 = arith.constant 0 : i32
      %dma_wait3A_493 = tpu.memref_slice %arg9[%rem3A_216, %dma_wait3A_491, %dma_wait3A_492] : memref<2x128x128xf32, #tpu.memory_space<vmem>> -> memref<1x128x128xf32, #tpu.memory_space<vmem>>
      %dma_wait3A_494 = tpu.memref_squeeze %dma_wait3A_493 : memref<1x128x128xf32, #tpu.memory_space<vmem>> -> memref<128x128xf32, #tpu.memory_space<vmem>>
      %dma_wait3A_495 = arith.constant 0 : i32
      %dma_wait3A_496 = tpu.memref_slice %arg8[%rem3A_218, %run_scoped3A_230, %dma_wait3A_495] : memref<3x2x128xi32, #tpu.memory_space<vmem>> -> memref<1x1x128xi32, #tpu.memory_space<vmem>>
      %dma_wait3A_497 = tpu.memref_squeeze %dma_wait3A_496 : memref<1x1x128xi32, #tpu.memory_space<vmem>> -> memref<128xi32, #tpu.memory_space<vmem>>
      %dma_wait3A_498 = arith.constant 0 : i32
      %dma_wait3A_499 = arith.constant 0 : i32
      %dma_wait3A_500 = tpu.memref_slice %arg14[%dma_wait3A_498, %dma_wait3A_499] : memref<10240x128xf32, #tpu.memory_space<vmem_shared>> -> memref<10240x128xf32, #tpu.memory_space<vmem_shared>>
      tpu.wait_indirect_dma semaphore(%run_scoped3A_480 : memref<!tpu.dma_semaphore, #tpu.memory_space<semaphore_mem>>) src(%dma_wait3A_494 : memref<128x128xf32, #tpu.memory_space<vmem>>) dst(%dma_wait3A_500 : memref<10240x128xf32, #tpu.memory_space<vmem_shared>>)
      tpu.yield
    }) : () -> ()
    %barrier3A_231 = arith.constant 0 : index
    tpu.barrier barrier_id(%barrier3A_231)
    %mul3A_232 = arith.constant 640 : i32
    %mul3A_233 = arith.muli %arg1, %mul3A_232 : i32
    %mul3A_234 = arith.constant 640 : i32
    %mul3A_235 = arith.muli %arg1, %mul3A_234 : i32
    %run_scoped3A_236 = arith.constant 1 : i32
    "tpu.region"() ({
      %run_scoped3A_480 = tpu.sem_alloc : memref<!tpu.dma_semaphore, #tpu.memory_space<semaphore_mem>>
      %dma_start3A_481 = arith.constant 0 : i32
      %dma_start3A_482 = tpu.memref_slice %arg7[%run_scoped3A_236, %arg0, %mul3A_235, %dma_start3A_481] : memref<4x2x10240x128xf32, #tpu.memory_space<hbm>> -> memref<1x1x640x128xf32, #tpu.memory_space<hbm>>
      %dma_start3A_483 = tpu.memref_squeeze %dma_start3A_482 : memref<1x1x640x128xf32, #tpu.memory_space<hbm>> -> memref<640x128xf32, #tpu.memory_space<hbm>>
      %dma_start3A_484 = arith.constant 0 : i32
      %dma_start3A_485 = tpu.memref_slice %arg14[%mul3A_233, %dma_start3A_484] : memref<10240x128xf32, #tpu.memory_space<vmem_shared>> -> memref<640x128xf32, #tpu.memory_space<vmem_shared>>
      tpu.enqueue_dma source(%dma_start3A_485 : memref<640x128xf32, #tpu.memory_space<vmem_shared>>) target(%dma_start3A_483 : memref<640x128xf32, #tpu.memory_space<hbm>>) target_semaphore(%run_scoped3A_480 : memref<!tpu.dma_semaphore, #tpu.memory_space<semaphore_mem>>)
      %dma_wait3A_486 = arith.constant 0 : i32
      %dma_wait3A_487 = tpu.memref_slice %arg7[%run_scoped3A_236, %arg0, %mul3A_235, %dma_wait3A_486] : memref<4x2x10240x128xf32, #tpu.memory_space<hbm>> -> memref<1x1x640x128xf32, #tpu.memory_space<hbm>>
      %dma_wait3A_488 = tpu.memref_squeeze %dma_wait3A_487 : memref<1x1x640x128xf32, #tpu.memory_space<hbm>> -> memref<640x128xf32, #tpu.memory_space<hbm>>
      %dma_wait3A_489 = arith.constant 0 : i32
      %dma_wait3A_490 = tpu.memref_slice %arg14[%mul3A_233, %dma_wait3A_489] : memref<10240x128xf32, #tpu.memory_space<vmem_shared>> -> memref<640x128xf32, #tpu.memory_space<vmem_shared>>
      tpu.wait_dma2 semaphore(%run_scoped3A_480 : memref<!tpu.dma_semaphore, #tpu.memory_space<semaphore_mem>>) src(%dma_wait3A_490 : memref<640x128xf32, #tpu.memory_space<vmem_shared>>) dst(%dma_wait3A_488 : memref<640x128xf32, #tpu.memory_space<hbm>>)
      tpu.yield
    }) : () -> ()
    %barrier3A_237 = arith.constant 0 : index
    tpu.barrier barrier_id(%barrier3A_237)
    %mul3A_238 = arith.constant 640 : i32
    %mul3A_239 = arith.muli %arg1, %mul3A_238 : i32
    %add3A_240 = arith.constant 0 : i32
    %add3A_241 = arith.addi %mul3A_239, %add3A_240 : i32
    "tpu.region"() ({
      %run_scoped3A_480 = tpu.sem_alloc : memref<!tpu.dma_semaphore, #tpu.memory_space<semaphore_mem>>
      %dma_start3A_481 = arith.constant 0 : i32
      %dma_start3A_482 = tpu.memref_slice %arg14[%add3A_241, %dma_start3A_481] : memref<10240x128xf32, #tpu.memory_space<vmem_shared>> -> memref<64x128xf32, #tpu.memory_space<vmem_shared>>
      %dma_start3A_483 = arith.constant 0 : i32
      %dma_start3A_484 = tpu.memref_slice %arg14[%add3A_241, %dma_start3A_483] : memref<10240x128xf32, #tpu.memory_space<vmem_shared>> -> memref<64x128xf32, #tpu.memory_space<vmem_shared>>
      tpu.enqueue_dma source(%arg10 : memref<64x128xf32, #tpu.memory_space<vmem>>) target(%dma_start3A_484 : memref<64x128xf32, #tpu.memory_space<vmem_shared>>) target_semaphore(%run_scoped3A_480 : memref<!tpu.dma_semaphore, #tpu.memory_space<semaphore_mem>>)
      %dma_wait3A_485 = arith.constant 0 : i32
      %dma_wait3A_486 = tpu.memref_slice %arg14[%add3A_241, %dma_wait3A_485] : memref<10240x128xf32, #tpu.memory_space<vmem_shared>> -> memref<64x128xf32, #tpu.memory_space<vmem_shared>>
      %dma_wait3A_487 = arith.constant 0 : i32
      %dma_wait3A_488 = tpu.memref_slice %arg14[%add3A_241, %dma_wait3A_487] : memref<10240x128xf32, #tpu.memory_space<vmem_shared>> -> memref<64x128xf32, #tpu.memory_space<vmem_shared>>
      tpu.wait_dma2 semaphore(%run_scoped3A_480 : memref<!tpu.dma_semaphore, #tpu.memory_space<semaphore_mem>>) src(%arg10 : memref<64x128xf32, #tpu.memory_space<vmem>>) dst(%dma_wait3A_488 : memref<64x128xf32, #tpu.memory_space<vmem_shared>>)
      tpu.yield
    }) : () -> ()
    %mul3A_242 = arith.constant 640 : i32
    %mul3A_243 = arith.muli %arg1, %mul3A_242 : i32
    %add3A_244 = arith.constant 64 : i32
    %add3A_245 = arith.addi %mul3A_243, %add3A_244 : i32
    "tpu.region"() ({
      %run_scoped3A_480 = tpu.sem_alloc : memref<!tpu.dma_semaphore, #tpu.memory_space<semaphore_mem>>
      %dma_start3A_481 = arith.constant 0 : i32
      %dma_start3A_482 = tpu.memref_slice %arg14[%add3A_245, %dma_start3A_481] : memref<10240x128xf32, #tpu.memory_space<vmem_shared>> -> memref<64x128xf32, #tpu.memory_space<vmem_shared>>
      %dma_start3A_483 = arith.constant 0 : i32
      %dma_start3A_484 = tpu.memref_slice %arg14[%add3A_245, %dma_start3A_483] : memref<10240x128xf32, #tpu.memory_space<vmem_shared>> -> memref<64x128xf32, #tpu.memory_space<vmem_shared>>
      tpu.enqueue_dma source(%arg10 : memref<64x128xf32, #tpu.memory_space<vmem>>) target(%dma_start3A_484 : memref<64x128xf32, #tpu.memory_space<vmem_shared>>) target_semaphore(%run_scoped3A_480 : memref<!tpu.dma_semaphore, #tpu.memory_space<semaphore_mem>>)
      %dma_wait3A_485 = arith.constant 0 : i32
      %dma_wait3A_486 = tpu.memref_slice %arg14[%add3A_245, %dma_wait3A_485] : memref<10240x128xf32, #tpu.memory_space<vmem_shared>> -> memref<64x128xf32, #tpu.memory_space<vmem_shared>>
      %dma_wait3A_487 = arith.constant 0 : i32
      %dma_wait3A_488 = tpu.memref_slice %arg14[%add3A_245, %dma_wait3A_487] : memref<10240x128xf32, #tpu.memory_space<vmem_shared>> -> memref<64x128xf32, #tpu.memory_space<vmem_shared>>
      tpu.wait_dma2 semaphore(%run_scoped3A_480 : memref<!tpu.dma_semaphore, #tpu.memory_space<semaphore_mem>>) src(%arg10 : memref<64x128xf32, #tpu.memory_space<vmem>>) dst(%dma_wait3A_488 : memref<64x128xf32, #tpu.memory_space<vmem_shared>>)
      tpu.yield
    }) : () -> ()
    %mul3A_246 = arith.constant 640 : i32
    %mul3A_247 = arith.muli %arg1, %mul3A_246 : i32
    %add3A_248 = arith.constant 128 : i32
    %add3A_249 = arith.addi %mul3A_247, %add3A_248 : i32
    "tpu.region"() ({
      %run_scoped3A_480 = tpu.sem_alloc : memref<!tpu.dma_semaphore, #tpu.memory_space<semaphore_mem>>
      %dma_start3A_481 = arith.constant 0 : i32
      %dma_start3A_482 = tpu.memref_slice %arg14[%add3A_249, %dma_start3A_481] : memref<10240x128xf32, #tpu.memory_space<vmem_shared>> -> memref<64x128xf32, #tpu.memory_space<vmem_shared>>
      %dma_start3A_483 = arith.constant 0 : i32
      %dma_start3A_484 = tpu.memref_slice %arg14[%add3A_249, %dma_start3A_483] : memref<10240x128xf32, #tpu.memory_space<vmem_shared>> -> memref<64x128xf32, #tpu.memory_space<vmem_shared>>
      tpu.enqueue_dma source(%arg10 : memref<64x128xf32, #tpu.memory_space<vmem>>) target(%dma_start3A_484 : memref<64x128xf32, #tpu.memory_space<vmem_shared>>) target_semaphore(%run_scoped3A_480 : memref<!tpu.dma_semaphore, #tpu.memory_space<semaphore_mem>>)
      %dma_wait3A_485 = arith.constant 0 : i32
      %dma_wait3A_486 = tpu.memref_slice %arg14[%add3A_249, %dma_wait3A_485] : memref<10240x128xf32, #tpu.memory_space<vmem_shared>> -> memref<64x128xf32, #tpu.memory_space<vmem_shared>>
      %dma_wait3A_487 = arith.constant 0 : i32
      %dma_wait3A_488 = tpu.memref_slice %arg14[%add3A_249, %dma_wait3A_487] : memref<10240x128xf32, #tpu.memory_space<vmem_shared>> -> memref<64x128xf32, #tpu.memory_space<vmem_shared>>
      tpu.wait_dma2 semaphore(%run_scoped3A_480 : memref<!tpu.dma_semaphore, #tpu.memory_space<semaphore_mem>>) src(%arg10 : memref<64x128xf32, #tpu.memory_space<vmem>>) dst(%dma_wait3A_488 : memref<64x128xf32, #tpu.memory_space<vmem_shared>>)
      tpu.yield
    }) : () -> ()
    %mul3A_250 = arith.constant 640 : i32
    %mul3A_251 = arith.muli %arg1, %mul3A_250 : i32
    %add3A_252 = arith.constant 192 : i32
    %add3A_253 = arith.addi %mul3A_251, %add3A_252 : i32
    "tpu.region"() ({
      %run_scoped3A_480 = tpu.sem_alloc : memref<!tpu.dma_semaphore, #tpu.memory_space<semaphore_mem>>
      %dma_start3A_481 = arith.constant 0 : i32
      %dma_start3A_482 = tpu.memref_slice %arg14[%add3A_253, %dma_start3A_481] : memref<10240x128xf32, #tpu.memory_space<vmem_shared>> -> memref<64x128xf32, #tpu.memory_space<vmem_shared>>
      %dma_start3A_483 = arith.constant 0 : i32
      %dma_start3A_484 = tpu.memref_slice %arg14[%add3A_253, %dma_start3A_483] : memref<10240x128xf32, #tpu.memory_space<vmem_shared>> -> memref<64x128xf32, #tpu.memory_space<vmem_shared>>
      tpu.enqueue_dma source(%arg10 : memref<64x128xf32, #tpu.memory_space<vmem>>) target(%dma_start3A_484 : memref<64x128xf32, #tpu.memory_space<vmem_shared>>) target_semaphore(%run_scoped3A_480 : memref<!tpu.dma_semaphore, #tpu.memory_space<semaphore_mem>>)
      %dma_wait3A_485 = arith.constant 0 : i32
      %dma_wait3A_486 = tpu.memref_slice %arg14[%add3A_253, %dma_wait3A_485] : memref<10240x128xf32, #tpu.memory_space<vmem_shared>> -> memref<64x128xf32, #tpu.memory_space<vmem_shared>>
      %dma_wait3A_487 = arith.constant 0 : i32
      %dma_wait3A_488 = tpu.memref_slice %arg14[%add3A_253, %dma_wait3A_487] : memref<10240x128xf32, #tpu.memory_space<vmem_shared>> -> memref<64x128xf32, #tpu.memory_space<vmem_shared>>
      tpu.wait_dma2 semaphore(%run_scoped3A_480 : memref<!tpu.dma_semaphore, #tpu.memory_space<semaphore_mem>>) src(%arg10 : memref<64x128xf32, #tpu.memory_space<vmem>>) dst(%dma_wait3A_488 : memref<64x128xf32, #tpu.memory_space<vmem_shared>>)
      tpu.yield
    }) : () -> ()
    %mul3A_254 = arith.constant 640 : i32
    %mul3A_255 = arith.muli %arg1, %mul3A_254 : i32
    %add3A_256 = arith.constant 256 : i32
    %add3A_257 = arith.addi %mul3A_255, %add3A_256 : i32
    "tpu.region"() ({
      %run_scoped3A_480 = tpu.sem_alloc : memref<!tpu.dma_semaphore, #tpu.memory_space<semaphore_mem>>
      %dma_start3A_481 = arith.constant 0 : i32
      %dma_start3A_482 = tpu.memref_slice %arg14[%add3A_257, %dma_start3A_481] : memref<10240x128xf32, #tpu.memory_space<vmem_shared>> -> memref<64x128xf32, #tpu.memory_space<vmem_shared>>
      %dma_start3A_483 = arith.constant 0 : i32
      %dma_start3A_484 = tpu.memref_slice %arg14[%add3A_257, %dma_start3A_483] : memref<10240x128xf32, #tpu.memory_space<vmem_shared>> -> memref<64x128xf32, #tpu.memory_space<vmem_shared>>
      tpu.enqueue_dma source(%arg10 : memref<64x128xf32, #tpu.memory_space<vmem>>) target(%dma_start3A_484 : memref<64x128xf32, #tpu.memory_space<vmem_shared>>) target_semaphore(%run_scoped3A_480 : memref<!tpu.dma_semaphore, #tpu.memory_space<semaphore_mem>>)
      %dma_wait3A_485 = arith.constant 0 : i32
      %dma_wait3A_486 = tpu.memref_slice %arg14[%add3A_257, %dma_wait3A_485] : memref<10240x128xf32, #tpu.memory_space<vmem_shared>> -> memref<64x128xf32, #tpu.memory_space<vmem_shared>>
      %dma_wait3A_487 = arith.constant 0 : i32
      %dma_wait3A_488 = tpu.memref_slice %arg14[%add3A_257, %dma_wait3A_487] : memref<10240x128xf32, #tpu.memory_space<vmem_shared>> -> memref<64x128xf32, #tpu.memory_space<vmem_shared>>
      tpu.wait_dma2 semaphore(%run_scoped3A_480 : memref<!tpu.dma_semaphore, #tpu.memory_space<semaphore_mem>>) src(%arg10 : memref<64x128xf32, #tpu.memory_space<vmem>>) dst(%dma_wait3A_488 : memref<64x128xf32, #tpu.memory_space<vmem_shared>>)
      tpu.yield
    }) : () -> ()
    %mul3A_258 = arith.constant 640 : i32
    %mul3A_259 = arith.muli %arg1, %mul3A_258 : i32
    %add3A_260 = arith.constant 320 : i32
    %add3A_261 = arith.addi %mul3A_259, %add3A_260 : i32
    "tpu.region"() ({
      %run_scoped3A_480 = tpu.sem_alloc : memref<!tpu.dma_semaphore, #tpu.memory_space<semaphore_mem>>
      %dma_start3A_481 = arith.constant 0 : i32
      %dma_start3A_482 = tpu.memref_slice %arg14[%add3A_261, %dma_start3A_481] : memref<10240x128xf32, #tpu.memory_space<vmem_shared>> -> memref<64x128xf32, #tpu.memory_space<vmem_shared>>
      %dma_start3A_483 = arith.constant 0 : i32
      %dma_start3A_484 = tpu.memref_slice %arg14[%add3A_261, %dma_start3A_483] : memref<10240x128xf32, #tpu.memory_space<vmem_shared>> -> memref<64x128xf32, #tpu.memory_space<vmem_shared>>
      tpu.enqueue_dma source(%arg10 : memref<64x128xf32, #tpu.memory_space<vmem>>) target(%dma_start3A_484 : memref<64x128xf32, #tpu.memory_space<vmem_shared>>) target_semaphore(%run_scoped3A_480 : memref<!tpu.dma_semaphore, #tpu.memory_space<semaphore_mem>>)
      %dma_wait3A_485 = arith.constant 0 : i32
      %dma_wait3A_486 = tpu.memref_slice %arg14[%add3A_261, %dma_wait3A_485] : memref<10240x128xf32, #tpu.memory_space<vmem_shared>> -> memref<64x128xf32, #tpu.memory_space<vmem_shared>>
      %dma_wait3A_487 = arith.constant 0 : i32
      %dma_wait3A_488 = tpu.memref_slice %arg14[%add3A_261, %dma_wait3A_487] : memref<10240x128xf32, #tpu.memory_space<vmem_shared>> -> memref<64x128xf32, #tpu.memory_space<vmem_shared>>
      tpu.wait_dma2 semaphore(%run_scoped3A_480 : memref<!tpu.dma_semaphore, #tpu.memory_space<semaphore_mem>>) src(%arg10 : memref<64x128xf32, #tpu.memory_space<vmem>>) dst(%dma_wait3A_488 : memref<64x128xf32, #tpu.memory_space<vmem_shared>>)
      tpu.yield
    }) : () -> ()
    %mul3A_262 = arith.constant 640 : i32
    %mul3A_263 = arith.muli %arg1, %mul3A_262 : i32
    %add3A_264 = arith.constant 384 : i32
    %add3A_265 = arith.addi %mul3A_263, %add3A_264 : i32
    "tpu.region"() ({
      %run_scoped3A_480 = tpu.sem_alloc : memref<!tpu.dma_semaphore, #tpu.memory_space<semaphore_mem>>
      %dma_start3A_481 = arith.constant 0 : i32
      %dma_start3A_482 = tpu.memref_slice %arg14[%add3A_265, %dma_start3A_481] : memref<10240x128xf32, #tpu.memory_space<vmem_shared>> -> memref<64x128xf32, #tpu.memory_space<vmem_shared>>
      %dma_start3A_483 = arith.constant 0 : i32
      %dma_start3A_484 = tpu.memref_slice %arg14[%add3A_265, %dma_start3A_483] : memref<10240x128xf32, #tpu.memory_space<vmem_shared>> -> memref<64x128xf32, #tpu.memory_space<vmem_shared>>
      tpu.enqueue_dma source(%arg10 : memref<64x128xf32, #tpu.memory_space<vmem>>) target(%dma_start3A_484 : memref<64x128xf32, #tpu.memory_space<vmem_shared>>) target_semaphore(%run_scoped3A_480 : memref<!tpu.dma_semaphore, #tpu.memory_space<semaphore_mem>>)
      %dma_wait3A_485 = arith.constant 0 : i32
      %dma_wait3A_486 = tpu.memref_slice %arg14[%add3A_265, %dma_wait3A_485] : memref<10240x128xf32, #tpu.memory_space<vmem_shared>> -> memref<64x128xf32, #tpu.memory_space<vmem_shared>>
      %dma_wait3A_487 = arith.constant 0 : i32
      %dma_wait3A_488 = tpu.memref_slice %arg14[%add3A_265, %dma_wait3A_487] : memref<10240x128xf32, #tpu.memory_space<vmem_shared>> -> memref<64x128xf32, #tpu.memory_space<vmem_shared>>
      tpu.wait_dma2 semaphore(%run_scoped3A_480 : memref<!tpu.dma_semaphore, #tpu.memory_space<semaphore_mem>>) src(%arg10 : memref<64x128xf32, #tpu.memory_space<vmem>>) dst(%dma_wait3A_488 : memref<64x128xf32, #tpu.memory_space<vmem_shared>>)
      tpu.yield
    }) : () -> ()
    %mul3A_266 = arith.constant 640 : i32
    %mul3A_267 = arith.muli %arg1, %mul3A_266 : i32
    %add3A_268 = arith.constant 448 : i32
    %add3A_269 = arith.addi %mul3A_267, %add3A_268 : i32
    "tpu.region"() ({
      %run_scoped3A_480 = tpu.sem_alloc : memref<!tpu.dma_semaphore, #tpu.memory_space<semaphore_mem>>
      %dma_start3A_481 = arith.constant 0 : i32
      %dma_start3A_482 = tpu.memref_slice %arg14[%add3A_269, %dma_start3A_481] : memref<10240x128xf32, #tpu.memory_space<vmem_shared>> -> memref<64x128xf32, #tpu.memory_space<vmem_shared>>
      %dma_start3A_483 = arith.constant 0 : i32
      %dma_start3A_484 = tpu.memref_slice %arg14[%add3A_269, %dma_start3A_483] : memref<10240x128xf32, #tpu.memory_space<vmem_shared>> -> memref<64x128xf32, #tpu.memory_space<vmem_shared>>
      tpu.enqueue_dma source(%arg10 : memref<64x128xf32, #tpu.memory_space<vmem>>) target(%dma_start3A_484 : memref<64x128xf32, #tpu.memory_space<vmem_shared>>) target_semaphore(%run_scoped3A_480 : memref<!tpu.dma_semaphore, #tpu.memory_space<semaphore_mem>>)
      %dma_wait3A_485 = arith.constant 0 : i32
      %dma_wait3A_486 = tpu.memref_slice %arg14[%add3A_269, %dma_wait3A_485] : memref<10240x128xf32, #tpu.memory_space<vmem_shared>> -> memref<64x128xf32, #tpu.memory_space<vmem_shared>>
      %dma_wait3A_487 = arith.constant 0 : i32
      %dma_wait3A_488 = tpu.memref_slice %arg14[%add3A_269, %dma_wait3A_487] : memref<10240x128xf32, #tpu.memory_space<vmem_shared>> -> memref<64x128xf32, #tpu.memory_space<vmem_shared>>
      tpu.wait_dma2 semaphore(%run_scoped3A_480 : memref<!tpu.dma_semaphore, #tpu.memory_space<semaphore_mem>>) src(%arg10 : memref<64x128xf32, #tpu.memory_space<vmem>>) dst(%dma_wait3A_488 : memref<64x128xf32, #tpu.memory_space<vmem_shared>>)
      tpu.yield
    }) : () -> ()
    %mul3A_270 = arith.constant 640 : i32
    %mul3A_271 = arith.muli %arg1, %mul3A_270 : i32
    %add3A_272 = arith.constant 512 : i32
    %add3A_273 = arith.addi %mul3A_271, %add3A_272 : i32
    "tpu.region"() ({
      %run_scoped3A_480 = tpu.sem_alloc : memref<!tpu.dma_semaphore, #tpu.memory_space<semaphore_mem>>
      %dma_start3A_481 = arith.constant 0 : i32
      %dma_start3A_482 = tpu.memref_slice %arg14[%add3A_273, %dma_start3A_481] : memref<10240x128xf32, #tpu.memory_space<vmem_shared>> -> memref<64x128xf32, #tpu.memory_space<vmem_shared>>
      %dma_start3A_483 = arith.constant 0 : i32
      %dma_start3A_484 = tpu.memref_slice %arg14[%add3A_273, %dma_start3A_483] : memref<10240x128xf32, #tpu.memory_space<vmem_shared>> -> memref<64x128xf32, #tpu.memory_space<vmem_shared>>
      tpu.enqueue_dma source(%arg10 : memref<64x128xf32, #tpu.memory_space<vmem>>) target(%dma_start3A_484 : memref<64x128xf32, #tpu.memory_space<vmem_shared>>) target_semaphore(%run_scoped3A_480 : memref<!tpu.dma_semaphore, #tpu.memory_space<semaphore_mem>>)
      %dma_wait3A_485 = arith.constant 0 : i32
      %dma_wait3A_486 = tpu.memref_slice %arg14[%add3A_273, %dma_wait3A_485] : memref<10240x128xf32, #tpu.memory_space<vmem_shared>> -> memref<64x128xf32, #tpu.memory_space<vmem_shared>>
      %dma_wait3A_487 = arith.constant 0 : i32
      %dma_wait3A_488 = tpu.memref_slice %arg14[%add3A_273, %dma_wait3A_487] : memref<10240x128xf32, #tpu.memory_space<vmem_shared>> -> memref<64x128xf32, #tpu.memory_space<vmem_shared>>
      tpu.wait_dma2 semaphore(%run_scoped3A_480 : memref<!tpu.dma_semaphore, #tpu.memory_space<semaphore_mem>>) src(%arg10 : memref<64x128xf32, #tpu.memory_space<vmem>>) dst(%dma_wait3A_488 : memref<64x128xf32, #tpu.memory_space<vmem_shared>>)
      tpu.yield
    }) : () -> ()
    %mul3A_274 = arith.constant 640 : i32
    %mul3A_275 = arith.muli %arg1, %mul3A_274 : i32
    %add3A_276 = arith.constant 576 : i32
    %add3A_277 = arith.addi %mul3A_275, %add3A_276 : i32
    "tpu.region"() ({
      %run_scoped3A_480 = tpu.sem_alloc : memref<!tpu.dma_semaphore, #tpu.memory_space<semaphore_mem>>
      %dma_start3A_481 = arith.constant 0 : i32
      %dma_start3A_482 = tpu.memref_slice %arg14[%add3A_277, %dma_start3A_481] : memref<10240x128xf32, #tpu.memory_space<vmem_shared>> -> memref<64x128xf32, #tpu.memory_space<vmem_shared>>
      %dma_start3A_483 = arith.constant 0 : i32
      %dma_start3A_484 = tpu.memref_slice %arg14[%add3A_277, %dma_start3A_483] : memref<10240x128xf32, #tpu.memory_space<vmem_shared>> -> memref<64x128xf32, #tpu.memory_space<vmem_shared>>
      tpu.enqueue_dma source(%arg10 : memref<64x128xf32, #tpu.memory_space<vmem>>) target(%dma_start3A_484 : memref<64x128xf32, #tpu.memory_space<vmem_shared>>) target_semaphore(%run_scoped3A_480 : memref<!tpu.dma_semaphore, #tpu.memory_space<semaphore_mem>>)
      %dma_wait3A_485 = arith.constant 0 : i32
      %dma_wait3A_486 = tpu.memref_slice %arg14[%add3A_277, %dma_wait3A_485] : memref<10240x128xf32, #tpu.memory_space<vmem_shared>> -> memref<64x128xf32, #tpu.memory_space<vmem_shared>>
      %dma_wait3A_487 = arith.constant 0 : i32
      %dma_wait3A_488 = tpu.memref_slice %arg14[%add3A_277, %dma_wait3A_487] : memref<10240x128xf32, #tpu.memory_space<vmem_shared>> -> memref<64x128xf32, #tpu.memory_space<vmem_shared>>
      tpu.wait_dma2 semaphore(%run_scoped3A_480 : memref<!tpu.dma_semaphore, #tpu.memory_space<semaphore_mem>>) src(%arg10 : memref<64x128xf32, #tpu.memory_space<vmem>>) dst(%dma_wait3A_488 : memref<64x128xf32, #tpu.memory_space<vmem_shared>>)
      tpu.yield
    }) : () -> ()
    %barrier3A_278 = arith.constant 0 : index
    tpu.barrier barrier_id(%barrier3A_278)
    %eq3A_279 = arith.constant 0 : i32
    %eq3A_280 = arith.cmpi eq, %arg0, %eq3A_279 : i32
    %jit3A_281 = arith.constant 109 : i32
    %jit3A_282 = arith.constant 49 : i32
    %select_n3A_283 = arith.select %eq3A_280, %jit3A_281, %jit3A_282 : i32
    %eq3A_284 = arith.constant 0 : i32
    %eq3A_285 = arith.cmpi eq, %arg0, %eq3A_284 : i32
    %add3A_286 = arith.constant 1744 : i32
    %add3A_287 = arith.addi %add3A_286, %arg1 : i32
    %select_n3A_288 = arith.select %eq3A_285, %arg1, %add3A_287 : i32
    %run_scoped3A_289 = arith.constant 0 : i32
    "tpu.region"() ({
      %run_scoped3A_480 = tpu.sem_alloc : memref<!tpu.dma_semaphore, #tpu.memory_space<semaphore_mem>>
      %dma_start3A_481 = arith.constant 0 : i32
      %dma_start3A_482 = arith.constant 0 : i32
      %dma_start3A_483 = tpu.memref_slice %arg8[%run_scoped3A_289, %dma_start3A_481, %dma_start3A_482] : memref<3x2x128xi32, #tpu.memory_space<vmem>> -> memref<1x2x128xi32, #tpu.memory_space<vmem>>
      %dma_start3A_484 = tpu.memref_squeeze %dma_start3A_483 : memref<1x2x128xi32, #tpu.memory_space<vmem>> -> memref<2x128xi32, #tpu.memory_space<vmem>>
      %dma_start3A_485 = arith.constant 0 : i32
      %dma_start3A_486 = arith.constant 0 : i32
      %dma_start3A_487 = tpu.memref_slice %arg6[%select_n3A_288, %dma_start3A_485, %dma_start3A_486] : memref<2528x2x128xi32, #tpu.memory_space<hbm>> -> memref<1x2x128xi32, #tpu.memory_space<hbm>>
      %dma_start3A_488 = tpu.memref_squeeze %dma_start3A_487 : memref<1x2x128xi32, #tpu.memory_space<hbm>> -> memref<2x128xi32, #tpu.memory_space<hbm>>
      %dma_start3A_489 = arith.constant 0 : i32
      %dma_start3A_490 = arith.constant 0 : i32
      %dma_start3A_491 = tpu.memref_slice %arg8[%run_scoped3A_289, %dma_start3A_489, %dma_start3A_490] : memref<3x2x128xi32, #tpu.memory_space<vmem>> -> memref<1x2x128xi32, #tpu.memory_space<vmem>>
      %dma_start3A_492 = tpu.memref_squeeze %dma_start3A_491 : memref<1x2x128xi32, #tpu.memory_space<vmem>> -> memref<2x128xi32, #tpu.memory_space<vmem>>
      %dma_start3A_493 = arith.constant 0 : i32
      %dma_start3A_494 = arith.constant 0 : i32
      %dma_start3A_495 = tpu.memref_slice %arg6[%select_n3A_288, %dma_start3A_493, %dma_start3A_494] : memref<2528x2x128xi32, #tpu.memory_space<hbm>> -> memref<1x2x128xi32, #tpu.memory_space<hbm>>
      %dma_start3A_496 = tpu.memref_squeeze %dma_start3A_495 : memref<1x2x128xi32, #tpu.memory_space<hbm>> -> memref<2x128xi32, #tpu.memory_space<hbm>>
      tpu.enqueue_dma source(%dma_start3A_496 : memref<2x128xi32, #tpu.memory_space<hbm>>) target(%dma_start3A_492 : memref<2x128xi32, #tpu.memory_space<vmem>>) target_semaphore(%run_scoped3A_480 : memref<!tpu.dma_semaphore, #tpu.memory_space<semaphore_mem>>)
      %dma_wait3A_497 = arith.constant 0 : i32
      %dma_wait3A_498 = arith.constant 0 : i32
      %dma_wait3A_499 = tpu.memref_slice %arg8[%run_scoped3A_289, %dma_wait3A_497, %dma_wait3A_498] : memref<3x2x128xi32, #tpu.memory_space<vmem>> -> memref<1x2x128xi32, #tpu.memory_space<vmem>>
      %dma_wait3A_500 = tpu.memref_squeeze %dma_wait3A_499 : memref<1x2x128xi32, #tpu.memory_space<vmem>> -> memref<2x128xi32, #tpu.memory_space<vmem>>
      %dma_wait3A_501 = arith.constant 0 : i32
      %dma_wait3A_502 = arith.constant 0 : i32
      %dma_wait3A_503 = tpu.memref_slice %arg6[%select_n3A_288, %dma_wait3A_501, %dma_wait3A_502] : memref<2528x2x128xi32, #tpu.memory_space<hbm>> -> memref<1x2x128xi32, #tpu.memory_space<hbm>>
      %dma_wait3A_504 = tpu.memref_squeeze %dma_wait3A_503 : memref<1x2x128xi32, #tpu.memory_space<hbm>> -> memref<2x128xi32, #tpu.memory_space<hbm>>
      %dma_wait3A_505 = arith.constant 0 : i32
      %dma_wait3A_506 = arith.constant 0 : i32
      %dma_wait3A_507 = tpu.memref_slice %arg8[%run_scoped3A_289, %dma_wait3A_505, %dma_wait3A_506] : memref<3x2x128xi32, #tpu.memory_space<vmem>> -> memref<1x2x128xi32, #tpu.memory_space<vmem>>
      %dma_wait3A_508 = tpu.memref_squeeze %dma_wait3A_507 : memref<1x2x128xi32, #tpu.memory_space<vmem>> -> memref<2x128xi32, #tpu.memory_space<vmem>>
      %dma_wait3A_509 = arith.constant 0 : i32
      %dma_wait3A_510 = arith.constant 0 : i32
      %dma_wait3A_511 = tpu.memref_slice %arg6[%select_n3A_288, %dma_wait3A_509, %dma_wait3A_510] : memref<2528x2x128xi32, #tpu.memory_space<hbm>> -> memref<1x2x128xi32, #tpu.memory_space<hbm>>
      %dma_wait3A_512 = tpu.memref_squeeze %dma_wait3A_511 : memref<1x2x128xi32, #tpu.memory_space<hbm>> -> memref<2x128xi32, #tpu.memory_space<hbm>>
      tpu.wait_dma2 semaphore(%run_scoped3A_480 : memref<!tpu.dma_semaphore, #tpu.memory_space<semaphore_mem>>) src(%dma_wait3A_512 : memref<2x128xi32, #tpu.memory_space<hbm>>) dst(%dma_wait3A_508 : memref<2x128xi32, #tpu.memory_space<vmem>>)
      tpu.yield
    }) : () -> ()
    %dma_start3A_290 = arith.constant 0 : i32
    %dma_start3A_291 = arith.constant 0 : i32
    %dma_start3A_292 = arith.constant 0 : i32
    %dma_start3A_293 = arith.constant 0 : i32
    %dma_start3A_294 = arith.constant 0 : i32
    %dma_start3A_295 = tpu.memref_slice %arg9[%dma_start3A_292, %dma_start3A_293, %dma_start3A_294] : memref<2x128x128xf32, #tpu.memory_space<vmem>> -> memref<1x128x128xf32, #tpu.memory_space<vmem>>
    %dma_start3A_296 = tpu.memref_squeeze %dma_start3A_295 : memref<1x128x128xf32, #tpu.memory_space<vmem>> -> memref<128x128xf32, #tpu.memory_space<vmem>>
    %dma_start3A_297 = arith.constant 0 : i32
    %dma_start3A_298 = tpu.memref_slice %arg8[%dma_start3A_290, %dma_start3A_291, %dma_start3A_297] : memref<3x2x128xi32, #tpu.memory_space<vmem>> -> memref<1x1x128xi32, #tpu.memory_space<vmem>>
    %dma_start3A_299 = tpu.memref_squeeze %dma_start3A_298 : memref<1x1x128xi32, #tpu.memory_space<vmem>> -> memref<128xi32, #tpu.memory_space<vmem>>
    %dma_start3A_300 = arith.constant 0 : i32
    %dma_start3A_301 = arith.constant 0 : i32
    %dma_start3A_302 = tpu.memref_slice %arg4[%dma_start3A_300, %dma_start3A_301] : memref<10000x128xf32, #tpu.memory_space<hbm>> -> memref<10000x128xf32, #tpu.memory_space<hbm>>
    tpu.enqueue_indirect_dma source(%dma_start3A_302 : memref<10000x128xf32, #tpu.memory_space<hbm>>) target(%dma_start3A_296 : memref<128x128xf32, #tpu.memory_space<vmem>>) offsets(%dma_start3A_299 : memref<128xi32, #tpu.memory_space<vmem>>) semaphore(%arg12 : memref<!tpu.dma_semaphore, #tpu.memory_space<semaphore_mem>>)
    %add3A_303 = arith.constant 16 : i32
    %add3A_304 = arith.addi %select_n3A_288, %add3A_303 : i32
    %dma_start3A_305 = arith.constant 1 : i32
    %dma_start3A_306 = arith.constant 0 : i32
    %dma_start3A_307 = arith.constant 0 : i32
    %dma_start3A_308 = tpu.memref_slice %arg8[%dma_start3A_305, %dma_start3A_306, %dma_start3A_307] : memref<3x2x128xi32, #tpu.memory_space<vmem>> -> memref<1x2x128xi32, #tpu.memory_space<vmem>>
    %dma_start3A_309 = tpu.memref_squeeze %dma_start3A_308 : memref<1x2x128xi32, #tpu.memory_space<vmem>> -> memref<2x128xi32, #tpu.memory_space<vmem>>
    %dma_start3A_310 = arith.constant 0 : i32
    %dma_start3A_311 = arith.constant 0 : i32
    %dma_start3A_312 = tpu.memref_slice %arg6[%add3A_304, %dma_start3A_310, %dma_start3A_311] : memref<2528x2x128xi32, #tpu.memory_space<hbm>> -> memref<1x2x128xi32, #tpu.memory_space<hbm>>
    %dma_start3A_313 = tpu.memref_squeeze %dma_start3A_312 : memref<1x2x128xi32, #tpu.memory_space<hbm>> -> memref<2x128xi32, #tpu.memory_space<hbm>>
    %dma_start3A_314 = arith.constant 0 : i32
    %dma_start3A_315 = arith.constant 0 : i32
    %dma_start3A_316 = tpu.memref_slice %arg8[%dma_start3A_305, %dma_start3A_314, %dma_start3A_315] : memref<3x2x128xi32, #tpu.memory_space<vmem>> -> memref<1x2x128xi32, #tpu.memory_space<vmem>>
    %dma_start3A_317 = tpu.memref_squeeze %dma_start3A_316 : memref<1x2x128xi32, #tpu.memory_space<vmem>> -> memref<2x128xi32, #tpu.memory_space<vmem>>
    %dma_start3A_318 = arith.constant 0 : i32
    %dma_start3A_319 = arith.constant 0 : i32
    %dma_start3A_320 = tpu.memref_slice %arg6[%add3A_304, %dma_start3A_318, %dma_start3A_319] : memref<2528x2x128xi32, #tpu.memory_space<hbm>> -> memref<1x2x128xi32, #tpu.memory_space<hbm>>
    %dma_start3A_321 = tpu.memref_squeeze %dma_start3A_320 : memref<1x2x128xi32, #tpu.memory_space<hbm>> -> memref<2x128xi32, #tpu.memory_space<hbm>>
    tpu.enqueue_dma source(%dma_start3A_321 : memref<2x128xi32, #tpu.memory_space<hbm>>) target(%dma_start3A_317 : memref<2x128xi32, #tpu.memory_space<vmem>>) target_semaphore(%arg11 : memref<!tpu.dma_semaphore, #tpu.memory_space<semaphore_mem>>)
    %sub3A_322 = arith.constant 1 : i32
    %sub3A_323 = arith.subi %select_n3A_283, %sub3A_322 : i32
    %while3A_324 = arith.constant 0 : i32
    %while3A_325 = arith.constant 0 : i32
    %while3A_326 = arith.subi %sub3A_323, %while3A_325 : i32
    %while3A_327 = arith.addi %while3A_325, %while3A_326 : i32
    %while3A_328 = arith.constant 1 : i32
    %while3A_329 = arith.divsi %while3A_326, %while3A_328 : i32
    %while3A_330 = arith.muli %while3A_329, %while3A_328 : i32
    %while3A_331 = arith.addi %while3A_325, %while3A_330 : i32
    %while3A_332 = arith.constant 1 : i32
    scf.for %while3A_480 = %while3A_325 to %while3A_331 step %while3A_332  : i32 {
      %rem3A_481 = arith.constant 2 : i32
      %rem3A_482 = arith.remsi %while3A_480, %rem3A_481 : i32
      %sub3A_483 = arith.constant 1 : i32
      %sub3A_484 = arith.subi %sub3A_483, %rem3A_482 : i32
      %add3A_485 = arith.constant 1 : i32
      %add3A_486 = arith.addi %while3A_480, %add3A_485 : i32
      %rem3A_487 = arith.constant 3 : i32
      %rem3A_488 = arith.remsi %add3A_486, %rem3A_487 : i32
      %add3A_489 = arith.constant 2 : i32
      %add3A_490 = arith.addi %while3A_480, %add3A_489 : i32
      %rem3A_491 = arith.constant 3 : i32
      %rem3A_492 = arith.remsi %add3A_490, %rem3A_491 : i32
      %add3A_493 = arith.constant 2 : i32
      %add3A_494 = arith.addi %while3A_480, %add3A_493 : i32
      %lt3A = arith.cmpi slt, %add3A_494, %select_n3A_283 : i32
      %convert_element_type3A = arith.extui %lt3A : i1 to i32
      %cond3A = arith.constant 0 : i32
      %cond3A_495 = arith.cmpi ne, %convert_element_type3A, %cond3A : i32
      scf.if %cond3A_495 {
        %add3A_542 = arith.constant 2 : i32
        %add3A_543 = arith.addi %while3A_480, %add3A_542 : i32
        %mul3A_544 = arith.constant 16 : i32
        %mul3A_545 = arith.muli %mul3A_544, %add3A_543 : i32
        %add3A_546 = arith.addi %select_n3A_288, %mul3A_545 : i32
        %dma_start3A_547 = arith.constant 0 : i32
        %dma_start3A_548 = arith.constant 0 : i32
        %dma_start3A_549 = tpu.memref_slice %arg8[%rem3A_492, %dma_start3A_547, %dma_start3A_548] : memref<3x2x128xi32, #tpu.memory_space<vmem>> -> memref<1x2x128xi32, #tpu.memory_space<vmem>>
        %dma_start3A_550 = tpu.memref_squeeze %dma_start3A_549 : memref<1x2x128xi32, #tpu.memory_space<vmem>> -> memref<2x128xi32, #tpu.memory_space<vmem>>
        %dma_start3A_551 = arith.constant 0 : i32
        %dma_start3A_552 = arith.constant 0 : i32
        %dma_start3A_553 = tpu.memref_slice %arg6[%add3A_546, %dma_start3A_551, %dma_start3A_552] : memref<2528x2x128xi32, #tpu.memory_space<hbm>> -> memref<1x2x128xi32, #tpu.memory_space<hbm>>
        %dma_start3A_554 = tpu.memref_squeeze %dma_start3A_553 : memref<1x2x128xi32, #tpu.memory_space<hbm>> -> memref<2x128xi32, #tpu.memory_space<hbm>>
        %dma_start3A_555 = arith.constant 0 : i32
        %dma_start3A_556 = arith.constant 0 : i32
        %dma_start3A_557 = tpu.memref_slice %arg8[%rem3A_492, %dma_start3A_555, %dma_start3A_556] : memref<3x2x128xi32, #tpu.memory_space<vmem>> -> memref<1x2x128xi32, #tpu.memory_space<vmem>>
        %dma_start3A_558 = tpu.memref_squeeze %dma_start3A_557 : memref<1x2x128xi32, #tpu.memory_space<vmem>> -> memref<2x128xi32, #tpu.memory_space<vmem>>
        %dma_start3A_559 = arith.constant 0 : i32
        %dma_start3A_560 = arith.constant 0 : i32
        %dma_start3A_561 = tpu.memref_slice %arg6[%add3A_546, %dma_start3A_559, %dma_start3A_560] : memref<2528x2x128xi32, #tpu.memory_space<hbm>> -> memref<1x2x128xi32, #tpu.memory_space<hbm>>
        %dma_start3A_562 = tpu.memref_squeeze %dma_start3A_561 : memref<1x2x128xi32, #tpu.memory_space<hbm>> -> memref<2x128xi32, #tpu.memory_space<hbm>>
        tpu.enqueue_dma source(%dma_start3A_562 : memref<2x128xi32, #tpu.memory_space<hbm>>) target(%dma_start3A_558 : memref<2x128xi32, #tpu.memory_space<vmem>>) target_semaphore(%arg11 : memref<!tpu.dma_semaphore, #tpu.memory_space<semaphore_mem>>)
      } else {
      }
      %add3A_496 = arith.constant 1 : i32
      %add3A_497 = arith.addi %while3A_480, %add3A_496 : i32
      %mul3A_498 = arith.constant 16 : i32
      %mul3A_499 = arith.muli %mul3A_498, %add3A_497 : i32
      %add3A_500 = arith.addi %select_n3A_288, %mul3A_499 : i32
      %dma_wait3A_501 = arith.constant 0 : i32
      %dma_wait3A_502 = arith.constant 0 : i32
      %dma_wait3A_503 = tpu.memref_slice %arg8[%rem3A_488, %dma_wait3A_501, %dma_wait3A_502] : memref<3x2x128xi32, #tpu.memory_space<vmem>> -> memref<1x2x128xi32, #tpu.memory_space<vmem>>
      %dma_wait3A_504 = tpu.memref_squeeze %dma_wait3A_503 : memref<1x2x128xi32, #tpu.memory_space<vmem>> -> memref<2x128xi32, #tpu.memory_space<vmem>>
      %dma_wait3A_505 = arith.constant 0 : i32
      %dma_wait3A_506 = arith.constant 0 : i32
      %dma_wait3A_507 = tpu.memref_slice %arg6[%add3A_500, %dma_wait3A_505, %dma_wait3A_506] : memref<2528x2x128xi32, #tpu.memory_space<hbm>> -> memref<1x2x128xi32, #tpu.memory_space<hbm>>
      %dma_wait3A_508 = tpu.memref_squeeze %dma_wait3A_507 : memref<1x2x128xi32, #tpu.memory_space<hbm>> -> memref<2x128xi32, #tpu.memory_space<hbm>>
      %dma_wait3A_509 = arith.constant 0 : i32
      %dma_wait3A_510 = arith.constant 0 : i32
      %dma_wait3A_511 = tpu.memref_slice %arg8[%rem3A_488, %dma_wait3A_509, %dma_wait3A_510] : memref<3x2x128xi32, #tpu.memory_space<vmem>> -> memref<1x2x128xi32, #tpu.memory_space<vmem>>
      %dma_wait3A_512 = tpu.memref_squeeze %dma_wait3A_511 : memref<1x2x128xi32, #tpu.memory_space<vmem>> -> memref<2x128xi32, #tpu.memory_space<vmem>>
      %dma_wait3A_513 = arith.constant 0 : i32
      %dma_wait3A_514 = arith.constant 0 : i32
      %dma_wait3A_515 = tpu.memref_slice %arg6[%add3A_500, %dma_wait3A_513, %dma_wait3A_514] : memref<2528x2x128xi32, #tpu.memory_space<hbm>> -> memref<1x2x128xi32, #tpu.memory_space<hbm>>
      %dma_wait3A_516 = tpu.memref_squeeze %dma_wait3A_515 : memref<1x2x128xi32, #tpu.memory_space<hbm>> -> memref<2x128xi32, #tpu.memory_space<hbm>>
      tpu.wait_dma2 semaphore(%arg11 : memref<!tpu.dma_semaphore, #tpu.memory_space<semaphore_mem>>) src(%dma_wait3A_516 : memref<2x128xi32, #tpu.memory_space<hbm>>) dst(%dma_wait3A_512 : memref<2x128xi32, #tpu.memory_space<vmem>>)
      %dma_start3A_517 = arith.constant 0 : i32
      %dma_start3A_518 = arith.constant 0 : i32
      %dma_start3A_519 = arith.constant 0 : i32
      %dma_start3A_520 = tpu.memref_slice %arg9[%sub3A_484, %dma_start3A_518, %dma_start3A_519] : memref<2x128x128xf32, #tpu.memory_space<vmem>> -> memref<1x128x128xf32, #tpu.memory_space<vmem>>
      %dma_start3A_521 = tpu.memref_squeeze %dma_start3A_520 : memref<1x128x128xf32, #tpu.memory_space<vmem>> -> memref<128x128xf32, #tpu.memory_space<vmem>>
      %dma_start3A_522 = arith.constant 0 : i32
      %dma_start3A_523 = tpu.memref_slice %arg8[%rem3A_488, %dma_start3A_517, %dma_start3A_522] : memref<3x2x128xi32, #tpu.memory_space<vmem>> -> memref<1x1x128xi32, #tpu.memory_space<vmem>>
      %dma_start3A_524 = tpu.memref_squeeze %dma_start3A_523 : memref<1x1x128xi32, #tpu.memory_space<vmem>> -> memref<128xi32, #tpu.memory_space<vmem>>
      %dma_start3A_525 = arith.constant 0 : i32
      %dma_start3A_526 = arith.constant 0 : i32
      %dma_start3A_527 = tpu.memref_slice %arg4[%dma_start3A_525, %dma_start3A_526] : memref<10000x128xf32, #tpu.memory_space<hbm>> -> memref<10000x128xf32, #tpu.memory_space<hbm>>
      tpu.enqueue_indirect_dma source(%dma_start3A_527 : memref<10000x128xf32, #tpu.memory_space<hbm>>) target(%dma_start3A_521 : memref<128x128xf32, #tpu.memory_space<vmem>>) offsets(%dma_start3A_524 : memref<128xi32, #tpu.memory_space<vmem>>) semaphore(%arg12 : memref<!tpu.dma_semaphore, #tpu.memory_space<semaphore_mem>>)
      %dma_wait3A_528 = arith.constant 0 : i32
      %dma_wait3A_529 = arith.constant 0 : i32
      %dma_wait3A_530 = arith.constant 0 : i32
      %dma_wait3A_531 = tpu.memref_slice %arg9[%rem3A_482, %dma_wait3A_529, %dma_wait3A_530] : memref<2x128x128xf32, #tpu.memory_space<vmem>> -> memref<1x128x128xf32, #tpu.memory_space<vmem>>
      %dma_wait3A_532 = tpu.memref_squeeze %dma_wait3A_531 : memref<1x128x128xf32, #tpu.memory_space<vmem>> -> memref<128x128xf32, #tpu.memory_space<vmem>>
      %dma_wait3A_533 = arith.constant 0 : i32
      %dma_wait3A_534 = tpu.memref_slice %arg8[%rem3A_488, %dma_wait3A_528, %dma_wait3A_533] : memref<3x2x128xi32, #tpu.memory_space<vmem>> -> memref<1x1x128xi32, #tpu.memory_space<vmem>>
      %dma_wait3A_535 = tpu.memref_squeeze %dma_wait3A_534 : memref<1x1x128xi32, #tpu.memory_space<vmem>> -> memref<128xi32, #tpu.memory_space<vmem>>
      %dma_wait3A_536 = arith.constant 0 : i32
      %dma_wait3A_537 = arith.constant 0 : i32
      %dma_wait3A_538 = tpu.memref_slice %arg4[%dma_wait3A_536, %dma_wait3A_537] : memref<10000x128xf32, #tpu.memory_space<hbm>> -> memref<10000x128xf32, #tpu.memory_space<hbm>>
      tpu.wait_indirect_dma semaphore(%arg12 : memref<!tpu.dma_semaphore, #tpu.memory_space<semaphore_mem>>) src(%dma_wait3A_538 : memref<10000x128xf32, #tpu.memory_space<hbm>>) dst(%dma_wait3A_532 : memref<128x128xf32, #tpu.memory_space<vmem>>)
      %rem3A_539 = arith.constant 3 : i32
      %rem3A_540 = arith.remsi %while3A_480, %rem3A_539 : i32
      %run_scoped3A_541 = arith.constant 1 : i32
      "tpu.region"() ({
        %run_scoped3A_542 = tpu.sem_alloc : memref<!tpu.dma_semaphore, #tpu.memory_space<semaphore_mem>>
        %dma_start3A_543 = arith.constant 0 : i32
        %dma_start3A_544 = arith.constant 0 : i32
        %dma_start3A_545 = tpu.memref_slice %arg9[%rem3A_482, %dma_start3A_543, %dma_start3A_544] : memref<2x128x128xf32, #tpu.memory_space<vmem>> -> memref<1x128x128xf32, #tpu.memory_space<vmem>>
        %dma_start3A_546 = tpu.memref_squeeze %dma_start3A_545 : memref<1x128x128xf32, #tpu.memory_space<vmem>> -> memref<128x128xf32, #tpu.memory_space<vmem>>
        %dma_start3A_547 = arith.constant 0 : i32
        %dma_start3A_548 = tpu.memref_slice %arg8[%rem3A_540, %run_scoped3A_541, %dma_start3A_547] : memref<3x2x128xi32, #tpu.memory_space<vmem>> -> memref<1x1x128xi32, #tpu.memory_space<vmem>>
        %dma_start3A_549 = tpu.memref_squeeze %dma_start3A_548 : memref<1x1x128xi32, #tpu.memory_space<vmem>> -> memref<128xi32, #tpu.memory_space<vmem>>
        %dma_start3A_550 = arith.constant 0 : i32
        %dma_start3A_551 = arith.constant 0 : i32
        %dma_start3A_552 = tpu.memref_slice %arg14[%dma_start3A_550, %dma_start3A_551] : memref<10240x128xf32, #tpu.memory_space<vmem_shared>> -> memref<10240x128xf32, #tpu.memory_space<vmem_shared>>
        tpu.enqueue_indirect_dma source(%dma_start3A_546 : memref<128x128xf32, #tpu.memory_space<vmem>>) target(%dma_start3A_552 : memref<10240x128xf32, #tpu.memory_space<vmem_shared>>) offsets(%dma_start3A_549 : memref<128xi32, #tpu.memory_space<vmem>>) semaphore(%run_scoped3A_542 : memref<!tpu.dma_semaphore, #tpu.memory_space<semaphore_mem>>) {add = true}
        %dma_wait3A_553 = arith.constant 0 : i32
        %dma_wait3A_554 = arith.constant 0 : i32
        %dma_wait3A_555 = tpu.memref_slice %arg9[%rem3A_482, %dma_wait3A_553, %dma_wait3A_554] : memref<2x128x128xf32, #tpu.memory_space<vmem>> -> memref<1x128x128xf32, #tpu.memory_space<vmem>>
        %dma_wait3A_556 = tpu.memref_squeeze %dma_wait3A_555 : memref<1x128x128xf32, #tpu.memory_space<vmem>> -> memref<128x128xf32, #tpu.memory_space<vmem>>
        %dma_wait3A_557 = arith.constant 0 : i32
        %dma_wait3A_558 = tpu.memref_slice %arg8[%rem3A_540, %run_scoped3A_541, %dma_wait3A_557] : memref<3x2x128xi32, #tpu.memory_space<vmem>> -> memref<1x1x128xi32, #tpu.memory_space<vmem>>
        %dma_wait3A_559 = tpu.memref_squeeze %dma_wait3A_558 : memref<1x1x128xi32, #tpu.memory_space<vmem>> -> memref<128xi32, #tpu.memory_space<vmem>>
        %dma_wait3A_560 = arith.constant 0 : i32
        %dma_wait3A_561 = arith.constant 0 : i32
        %dma_wait3A_562 = tpu.memref_slice %arg14[%dma_wait3A_560, %dma_wait3A_561] : memref<10240x128xf32, #tpu.memory_space<vmem_shared>> -> memref<10240x128xf32, #tpu.memory_space<vmem_shared>>
        tpu.wait_indirect_dma semaphore(%run_scoped3A_542 : memref<!tpu.dma_semaphore, #tpu.memory_space<semaphore_mem>>) src(%dma_wait3A_556 : memref<128x128xf32, #tpu.memory_space<vmem>>) dst(%dma_wait3A_562 : memref<10240x128xf32, #tpu.memory_space<vmem_shared>>)
        tpu.yield
      }) : () -> ()
    }
    %while3A_333 = arith.constant 1 : i32
    scf.for %while3A_480 = %while3A_331 to %while3A_327 step %while3A_333  : i32 {
      %rem3A_481 = arith.constant 2 : i32
      %rem3A_482 = arith.remsi %while3A_480, %rem3A_481 : i32
      %sub3A_483 = arith.constant 1 : i32
      %sub3A_484 = arith.subi %sub3A_483, %rem3A_482 : i32
      %add3A_485 = arith.constant 1 : i32
      %add3A_486 = arith.addi %while3A_480, %add3A_485 : i32
      %rem3A_487 = arith.constant 3 : i32
      %rem3A_488 = arith.remsi %add3A_486, %rem3A_487 : i32
      %add3A_489 = arith.constant 2 : i32
      %add3A_490 = arith.addi %while3A_480, %add3A_489 : i32
      %rem3A_491 = arith.constant 3 : i32
      %rem3A_492 = arith.remsi %add3A_490, %rem3A_491 : i32
      %add3A_493 = arith.constant 2 : i32
      %add3A_494 = arith.addi %while3A_480, %add3A_493 : i32
      %lt3A = arith.cmpi slt, %add3A_494, %select_n3A_283 : i32
      %convert_element_type3A = arith.extui %lt3A : i1 to i32
      %cond3A = arith.constant 0 : i32
      %cond3A_495 = arith.cmpi ne, %convert_element_type3A, %cond3A : i32
      scf.if %cond3A_495 {
        %add3A_542 = arith.constant 2 : i32
        %add3A_543 = arith.addi %while3A_480, %add3A_542 : i32
        %mul3A_544 = arith.constant 16 : i32
        %mul3A_545 = arith.muli %mul3A_544, %add3A_543 : i32
        %add3A_546 = arith.addi %select_n3A_288, %mul3A_545 : i32
        %dma_start3A_547 = arith.constant 0 : i32
        %dma_start3A_548 = arith.constant 0 : i32
        %dma_start3A_549 = tpu.memref_slice %arg8[%rem3A_492, %dma_start3A_547, %dma_start3A_548] : memref<3x2x128xi32, #tpu.memory_space<vmem>> -> memref<1x2x128xi32, #tpu.memory_space<vmem>>
        %dma_start3A_550 = tpu.memref_squeeze %dma_start3A_549 : memref<1x2x128xi32, #tpu.memory_space<vmem>> -> memref<2x128xi32, #tpu.memory_space<vmem>>
        %dma_start3A_551 = arith.constant 0 : i32
        %dma_start3A_552 = arith.constant 0 : i32
        %dma_start3A_553 = tpu.memref_slice %arg6[%add3A_546, %dma_start3A_551, %dma_start3A_552] : memref<2528x2x128xi32, #tpu.memory_space<hbm>> -> memref<1x2x128xi32, #tpu.memory_space<hbm>>
        %dma_start3A_554 = tpu.memref_squeeze %dma_start3A_553 : memref<1x2x128xi32, #tpu.memory_space<hbm>> -> memref<2x128xi32, #tpu.memory_space<hbm>>
        %dma_start3A_555 = arith.constant 0 : i32
        %dma_start3A_556 = arith.constant 0 : i32
        %dma_start3A_557 = tpu.memref_slice %arg8[%rem3A_492, %dma_start3A_555, %dma_start3A_556] : memref<3x2x128xi32, #tpu.memory_space<vmem>> -> memref<1x2x128xi32, #tpu.memory_space<vmem>>
        %dma_start3A_558 = tpu.memref_squeeze %dma_start3A_557 : memref<1x2x128xi32, #tpu.memory_space<vmem>> -> memref<2x128xi32, #tpu.memory_space<vmem>>
        %dma_start3A_559 = arith.constant 0 : i32
        %dma_start3A_560 = arith.constant 0 : i32
        %dma_start3A_561 = tpu.memref_slice %arg6[%add3A_546, %dma_start3A_559, %dma_start3A_560] : memref<2528x2x128xi32, #tpu.memory_space<hbm>> -> memref<1x2x128xi32, #tpu.memory_space<hbm>>
        %dma_start3A_562 = tpu.memref_squeeze %dma_start3A_561 : memref<1x2x128xi32, #tpu.memory_space<hbm>> -> memref<2x128xi32, #tpu.memory_space<hbm>>
        tpu.enqueue_dma source(%dma_start3A_562 : memref<2x128xi32, #tpu.memory_space<hbm>>) target(%dma_start3A_558 : memref<2x128xi32, #tpu.memory_space<vmem>>) target_semaphore(%arg11 : memref<!tpu.dma_semaphore, #tpu.memory_space<semaphore_mem>>)
      } else {
      }
      %add3A_496 = arith.constant 1 : i32
      %add3A_497 = arith.addi %while3A_480, %add3A_496 : i32
      %mul3A_498 = arith.constant 16 : i32
      %mul3A_499 = arith.muli %mul3A_498, %add3A_497 : i32
      %add3A_500 = arith.addi %select_n3A_288, %mul3A_499 : i32
      %dma_wait3A_501 = arith.constant 0 : i32
      %dma_wait3A_502 = arith.constant 0 : i32
      %dma_wait3A_503 = tpu.memref_slice %arg8[%rem3A_488, %dma_wait3A_501, %dma_wait3A_502] : memref<3x2x128xi32, #tpu.memory_space<vmem>> -> memref<1x2x128xi32, #tpu.memory_space<vmem>>
      %dma_wait3A_504 = tpu.memref_squeeze %dma_wait3A_503 : memref<1x2x128xi32, #tpu.memory_space<vmem>> -> memref<2x128xi32, #tpu.memory_space<vmem>>
      %dma_wait3A_505 = arith.constant 0 : i32
      %dma_wait3A_506 = arith.constant 0 : i32
      %dma_wait3A_507 = tpu.memref_slice %arg6[%add3A_500, %dma_wait3A_505, %dma_wait3A_506] : memref<2528x2x128xi32, #tpu.memory_space<hbm>> -> memref<1x2x128xi32, #tpu.memory_space<hbm>>
      %dma_wait3A_508 = tpu.memref_squeeze %dma_wait3A_507 : memref<1x2x128xi32, #tpu.memory_space<hbm>> -> memref<2x128xi32, #tpu.memory_space<hbm>>
      %dma_wait3A_509 = arith.constant 0 : i32
      %dma_wait3A_510 = arith.constant 0 : i32
      %dma_wait3A_511 = tpu.memref_slice %arg8[%rem3A_488, %dma_wait3A_509, %dma_wait3A_510] : memref<3x2x128xi32, #tpu.memory_space<vmem>> -> memref<1x2x128xi32, #tpu.memory_space<vmem>>
      %dma_wait3A_512 = tpu.memref_squeeze %dma_wait3A_511 : memref<1x2x128xi32, #tpu.memory_space<vmem>> -> memref<2x128xi32, #tpu.memory_space<vmem>>
      %dma_wait3A_513 = arith.constant 0 : i32
      %dma_wait3A_514 = arith.constant 0 : i32
      %dma_wait3A_515 = tpu.memref_slice %arg6[%add3A_500, %dma_wait3A_513, %dma_wait3A_514] : memref<2528x2x128xi32, #tpu.memory_space<hbm>> -> memref<1x2x128xi32, #tpu.memory_space<hbm>>
      %dma_wait3A_516 = tpu.memref_squeeze %dma_wait3A_515 : memref<1x2x128xi32, #tpu.memory_space<hbm>> -> memref<2x128xi32, #tpu.memory_space<hbm>>
      tpu.wait_dma2 semaphore(%arg11 : memref<!tpu.dma_semaphore, #tpu.memory_space<semaphore_mem>>) src(%dma_wait3A_516 : memref<2x128xi32, #tpu.memory_space<hbm>>) dst(%dma_wait3A_512 : memref<2x128xi32, #tpu.memory_space<vmem>>)
      %dma_start3A_517 = arith.constant 0 : i32
      %dma_start3A_518 = arith.constant 0 : i32
      %dma_start3A_519 = arith.constant 0 : i32
      %dma_start3A_520 = tpu.memref_slice %arg9[%sub3A_484, %dma_start3A_518, %dma_start3A_519] : memref<2x128x128xf32, #tpu.memory_space<vmem>> -> memref<1x128x128xf32, #tpu.memory_space<vmem>>
      %dma_start3A_521 = tpu.memref_squeeze %dma_start3A_520 : memref<1x128x128xf32, #tpu.memory_space<vmem>> -> memref<128x128xf32, #tpu.memory_space<vmem>>
      %dma_start3A_522 = arith.constant 0 : i32
      %dma_start3A_523 = tpu.memref_slice %arg8[%rem3A_488, %dma_start3A_517, %dma_start3A_522] : memref<3x2x128xi32, #tpu.memory_space<vmem>> -> memref<1x1x128xi32, #tpu.memory_space<vmem>>
      %dma_start3A_524 = tpu.memref_squeeze %dma_start3A_523 : memref<1x1x128xi32, #tpu.memory_space<vmem>> -> memref<128xi32, #tpu.memory_space<vmem>>
      %dma_start3A_525 = arith.constant 0 : i32
      %dma_start3A_526 = arith.constant 0 : i32
      %dma_start3A_527 = tpu.memref_slice %arg4[%dma_start3A_525, %dma_start3A_526] : memref<10000x128xf32, #tpu.memory_space<hbm>> -> memref<10000x128xf32, #tpu.memory_space<hbm>>
      tpu.enqueue_indirect_dma source(%dma_start3A_527 : memref<10000x128xf32, #tpu.memory_space<hbm>>) target(%dma_start3A_521 : memref<128x128xf32, #tpu.memory_space<vmem>>) offsets(%dma_start3A_524 : memref<128xi32, #tpu.memory_space<vmem>>) semaphore(%arg12 : memref<!tpu.dma_semaphore, #tpu.memory_space<semaphore_mem>>)
      %dma_wait3A_528 = arith.constant 0 : i32
      %dma_wait3A_529 = arith.constant 0 : i32
      %dma_wait3A_530 = arith.constant 0 : i32
      %dma_wait3A_531 = tpu.memref_slice %arg9[%rem3A_482, %dma_wait3A_529, %dma_wait3A_530] : memref<2x128x128xf32, #tpu.memory_space<vmem>> -> memref<1x128x128xf32, #tpu.memory_space<vmem>>
      %dma_wait3A_532 = tpu.memref_squeeze %dma_wait3A_531 : memref<1x128x128xf32, #tpu.memory_space<vmem>> -> memref<128x128xf32, #tpu.memory_space<vmem>>
      %dma_wait3A_533 = arith.constant 0 : i32
      %dma_wait3A_534 = tpu.memref_slice %arg8[%rem3A_488, %dma_wait3A_528, %dma_wait3A_533] : memref<3x2x128xi32, #tpu.memory_space<vmem>> -> memref<1x1x128xi32, #tpu.memory_space<vmem>>
      %dma_wait3A_535 = tpu.memref_squeeze %dma_wait3A_534 : memref<1x1x128xi32, #tpu.memory_space<vmem>> -> memref<128xi32, #tpu.memory_space<vmem>>
      %dma_wait3A_536 = arith.constant 0 : i32
      %dma_wait3A_537 = arith.constant 0 : i32
      %dma_wait3A_538 = tpu.memref_slice %arg4[%dma_wait3A_536, %dma_wait3A_537] : memref<10000x128xf32, #tpu.memory_space<hbm>> -> memref<10000x128xf32, #tpu.memory_space<hbm>>
      tpu.wait_indirect_dma semaphore(%arg12 : memref<!tpu.dma_semaphore, #tpu.memory_space<semaphore_mem>>) src(%dma_wait3A_538 : memref<10000x128xf32, #tpu.memory_space<hbm>>) dst(%dma_wait3A_532 : memref<128x128xf32, #tpu.memory_space<vmem>>)
      %rem3A_539 = arith.constant 3 : i32
      %rem3A_540 = arith.remsi %while3A_480, %rem3A_539 : i32
      %run_scoped3A_541 = arith.constant 1 : i32
      "tpu.region"() ({
        %run_scoped3A_542 = tpu.sem_alloc : memref<!tpu.dma_semaphore, #tpu.memory_space<semaphore_mem>>
        %dma_start3A_543 = arith.constant 0 : i32
        %dma_start3A_544 = arith.constant 0 : i32
        %dma_start3A_545 = tpu.memref_slice %arg9[%rem3A_482, %dma_start3A_543, %dma_start3A_544] : memref<2x128x128xf32, #tpu.memory_space<vmem>> -> memref<1x128x128xf32, #tpu.memory_space<vmem>>
        %dma_start3A_546 = tpu.memref_squeeze %dma_start3A_545 : memref<1x128x128xf32, #tpu.memory_space<vmem>> -> memref<128x128xf32, #tpu.memory_space<vmem>>
        %dma_start3A_547 = arith.constant 0 : i32
        %dma_start3A_548 = tpu.memref_slice %arg8[%rem3A_540, %run_scoped3A_541, %dma_start3A_547] : memref<3x2x128xi32, #tpu.memory_space<vmem>> -> memref<1x1x128xi32, #tpu.memory_space<vmem>>
        %dma_start3A_549 = tpu.memref_squeeze %dma_start3A_548 : memref<1x1x128xi32, #tpu.memory_space<vmem>> -> memref<128xi32, #tpu.memory_space<vmem>>
        %dma_start3A_550 = arith.constant 0 : i32
        %dma_start3A_551 = arith.constant 0 : i32
        %dma_start3A_552 = tpu.memref_slice %arg14[%dma_start3A_550, %dma_start3A_551] : memref<10240x128xf32, #tpu.memory_space<vmem_shared>> -> memref<10240x128xf32, #tpu.memory_space<vmem_shared>>
        tpu.enqueue_indirect_dma source(%dma_start3A_546 : memref<128x128xf32, #tpu.memory_space<vmem>>) target(%dma_start3A_552 : memref<10240x128xf32, #tpu.memory_space<vmem_shared>>) offsets(%dma_start3A_549 : memref<128xi32, #tpu.memory_space<vmem>>) semaphore(%run_scoped3A_542 : memref<!tpu.dma_semaphore, #tpu.memory_space<semaphore_mem>>) {add = true}
        %dma_wait3A_553 = arith.constant 0 : i32
        %dma_wait3A_554 = arith.constant 0 : i32
        %dma_wait3A_555 = tpu.memref_slice %arg9[%rem3A_482, %dma_wait3A_553, %dma_wait3A_554] : memref<2x128x128xf32, #tpu.memory_space<vmem>> -> memref<1x128x128xf32, #tpu.memory_space<vmem>>
        %dma_wait3A_556 = tpu.memref_squeeze %dma_wait3A_555 : memref<1x128x128xf32, #tpu.memory_space<vmem>> -> memref<128x128xf32, #tpu.memory_space<vmem>>
        %dma_wait3A_557 = arith.constant 0 : i32
        %dma_wait3A_558 = tpu.memref_slice %arg8[%rem3A_540, %run_scoped3A_541, %dma_wait3A_557] : memref<3x2x128xi32, #tpu.memory_space<vmem>> -> memref<1x1x128xi32, #tpu.memory_space<vmem>>
        %dma_wait3A_559 = tpu.memref_squeeze %dma_wait3A_558 : memref<1x1x128xi32, #tpu.memory_space<vmem>> -> memref<128xi32, #tpu.memory_space<vmem>>
        %dma_wait3A_560 = arith.constant 0 : i32
        %dma_wait3A_561 = arith.constant 0 : i32
        %dma_wait3A_562 = tpu.memref_slice %arg14[%dma_wait3A_560, %dma_wait3A_561] : memref<10240x128xf32, #tpu.memory_space<vmem_shared>> -> memref<10240x128xf32, #tpu.memory_space<vmem_shared>>
        tpu.wait_indirect_dma semaphore(%run_scoped3A_542 : memref<!tpu.dma_semaphore, #tpu.memory_space<semaphore_mem>>) src(%dma_wait3A_556 : memref<128x128xf32, #tpu.memory_space<vmem>>) dst(%dma_wait3A_562 : memref<10240x128xf32, #tpu.memory_space<vmem_shared>>)
        tpu.yield
      }) : () -> ()
    }
    %sub3A_334 = arith.constant 1 : i32
    %sub3A_335 = arith.subi %select_n3A_283, %sub3A_334 : i32
    %rem3A_336 = arith.constant 2 : i32
    %rem3A_337 = arith.remsi %sub3A_335, %rem3A_336 : i32
    %rem3A_338 = arith.constant 3 : i32
    %rem3A_339 = arith.remsi %sub3A_335, %rem3A_338 : i32
    %dma_wait3A_340 = arith.constant 0 : i32
    %dma_wait3A_341 = arith.constant 0 : i32
    %dma_wait3A_342 = arith.constant 0 : i32
    %dma_wait3A_343 = tpu.memref_slice %arg9[%rem3A_337, %dma_wait3A_341, %dma_wait3A_342] : memref<2x128x128xf32, #tpu.memory_space<vmem>> -> memref<1x128x128xf32, #tpu.memory_space<vmem>>
    %dma_wait3A_344 = tpu.memref_squeeze %dma_wait3A_343 : memref<1x128x128xf32, #tpu.memory_space<vmem>> -> memref<128x128xf32, #tpu.memory_space<vmem>>
    %dma_wait3A_345 = arith.constant 0 : i32
    %dma_wait3A_346 = tpu.memref_slice %arg8[%rem3A_339, %dma_wait3A_340, %dma_wait3A_345] : memref<3x2x128xi32, #tpu.memory_space<vmem>> -> memref<1x1x128xi32, #tpu.memory_space<vmem>>
    %dma_wait3A_347 = tpu.memref_squeeze %dma_wait3A_346 : memref<1x1x128xi32, #tpu.memory_space<vmem>> -> memref<128xi32, #tpu.memory_space<vmem>>
    %dma_wait3A_348 = arith.constant 0 : i32
    %dma_wait3A_349 = arith.constant 0 : i32
    %dma_wait3A_350 = tpu.memref_slice %arg4[%dma_wait3A_348, %dma_wait3A_349] : memref<10000x128xf32, #tpu.memory_space<hbm>> -> memref<10000x128xf32, #tpu.memory_space<hbm>>
    tpu.wait_indirect_dma semaphore(%arg12 : memref<!tpu.dma_semaphore, #tpu.memory_space<semaphore_mem>>) src(%dma_wait3A_350 : memref<10000x128xf32, #tpu.memory_space<hbm>>) dst(%dma_wait3A_344 : memref<128x128xf32, #tpu.memory_space<vmem>>)
    %run_scoped3A_351 = arith.constant 1 : i32
    "tpu.region"() ({
      %run_scoped3A_480 = tpu.sem_alloc : memref<!tpu.dma_semaphore, #tpu.memory_space<semaphore_mem>>
      %dma_start3A_481 = arith.constant 0 : i32
      %dma_start3A_482 = arith.constant 0 : i32
      %dma_start3A_483 = tpu.memref_slice %arg9[%rem3A_337, %dma_start3A_481, %dma_start3A_482] : memref<2x128x128xf32, #tpu.memory_space<vmem>> -> memref<1x128x128xf32, #tpu.memory_space<vmem>>
      %dma_start3A_484 = tpu.memref_squeeze %dma_start3A_483 : memref<1x128x128xf32, #tpu.memory_space<vmem>> -> memref<128x128xf32, #tpu.memory_space<vmem>>
      %dma_start3A_485 = arith.constant 0 : i32
      %dma_start3A_486 = tpu.memref_slice %arg8[%rem3A_339, %run_scoped3A_351, %dma_start3A_485] : memref<3x2x128xi32, #tpu.memory_space<vmem>> -> memref<1x1x128xi32, #tpu.memory_space<vmem>>
      %dma_start3A_487 = tpu.memref_squeeze %dma_start3A_486 : memref<1x1x128xi32, #tpu.memory_space<vmem>> -> memref<128xi32, #tpu.memory_space<vmem>>
      %dma_start3A_488 = arith.constant 0 : i32
      %dma_start3A_489 = arith.constant 0 : i32
      %dma_start3A_490 = tpu.memref_slice %arg14[%dma_start3A_488, %dma_start3A_489] : memref<10240x128xf32, #tpu.memory_space<vmem_shared>> -> memref<10240x128xf32, #tpu.memory_space<vmem_shared>>
      tpu.enqueue_indirect_dma source(%dma_start3A_484 : memref<128x128xf32, #tpu.memory_space<vmem>>) target(%dma_start3A_490 : memref<10240x128xf32, #tpu.memory_space<vmem_shared>>) offsets(%dma_start3A_487 : memref<128xi32, #tpu.memory_space<vmem>>) semaphore(%run_scoped3A_480 : memref<!tpu.dma_semaphore, #tpu.memory_space<semaphore_mem>>) {add = true}
      %dma_wait3A_491 = arith.constant 0 : i32
      %dma_wait3A_492 = arith.constant 0 : i32
      %dma_wait3A_493 = tpu.memref_slice %arg9[%rem3A_337, %dma_wait3A_491, %dma_wait3A_492] : memref<2x128x128xf32, #tpu.memory_space<vmem>> -> memref<1x128x128xf32, #tpu.memory_space<vmem>>
      %dma_wait3A_494 = tpu.memref_squeeze %dma_wait3A_493 : memref<1x128x128xf32, #tpu.memory_space<vmem>> -> memref<128x128xf32, #tpu.memory_space<vmem>>
      %dma_wait3A_495 = arith.constant 0 : i32
      %dma_wait3A_496 = tpu.memref_slice %arg8[%rem3A_339, %run_scoped3A_351, %dma_wait3A_495] : memref<3x2x128xi32, #tpu.memory_space<vmem>> -> memref<1x1x128xi32, #tpu.memory_space<vmem>>
      %dma_wait3A_497 = tpu.memref_squeeze %dma_wait3A_496 : memref<1x1x128xi32, #tpu.memory_space<vmem>> -> memref<128xi32, #tpu.memory_space<vmem>>
      %dma_wait3A_498 = arith.constant 0 : i32
      %dma_wait3A_499 = arith.constant 0 : i32
      %dma_wait3A_500 = tpu.memref_slice %arg14[%dma_wait3A_498, %dma_wait3A_499] : memref<10240x128xf32, #tpu.memory_space<vmem_shared>> -> memref<10240x128xf32, #tpu.memory_space<vmem_shared>>
      tpu.wait_indirect_dma semaphore(%run_scoped3A_480 : memref<!tpu.dma_semaphore, #tpu.memory_space<semaphore_mem>>) src(%dma_wait3A_494 : memref<128x128xf32, #tpu.memory_space<vmem>>) dst(%dma_wait3A_500 : memref<10240x128xf32, #tpu.memory_space<vmem_shared>>)
      tpu.yield
    }) : () -> ()
    %barrier3A_352 = arith.constant 0 : index
    tpu.barrier barrier_id(%barrier3A_352)
    %mul3A_353 = arith.constant 640 : i32
    %mul3A_354 = arith.muli %arg1, %mul3A_353 : i32
    %mul3A_355 = arith.constant 640 : i32
    %mul3A_356 = arith.muli %arg1, %mul3A_355 : i32
    %run_scoped3A_357 = arith.constant 2 : i32
    "tpu.region"() ({
      %run_scoped3A_480 = tpu.sem_alloc : memref<!tpu.dma_semaphore, #tpu.memory_space<semaphore_mem>>
      %dma_start3A_481 = arith.constant 0 : i32
      %dma_start3A_482 = tpu.memref_slice %arg7[%run_scoped3A_357, %arg0, %mul3A_356, %dma_start3A_481] : memref<4x2x10240x128xf32, #tpu.memory_space<hbm>> -> memref<1x1x640x128xf32, #tpu.memory_space<hbm>>
      %dma_start3A_483 = tpu.memref_squeeze %dma_start3A_482 : memref<1x1x640x128xf32, #tpu.memory_space<hbm>> -> memref<640x128xf32, #tpu.memory_space<hbm>>
      %dma_start3A_484 = arith.constant 0 : i32
      %dma_start3A_485 = tpu.memref_slice %arg14[%mul3A_354, %dma_start3A_484] : memref<10240x128xf32, #tpu.memory_space<vmem_shared>> -> memref<640x128xf32, #tpu.memory_space<vmem_shared>>
      tpu.enqueue_dma source(%dma_start3A_485 : memref<640x128xf32, #tpu.memory_space<vmem_shared>>) target(%dma_start3A_483 : memref<640x128xf32, #tpu.memory_space<hbm>>) target_semaphore(%run_scoped3A_480 : memref<!tpu.dma_semaphore, #tpu.memory_space<semaphore_mem>>)
      %dma_wait3A_486 = arith.constant 0 : i32
      %dma_wait3A_487 = tpu.memref_slice %arg7[%run_scoped3A_357, %arg0, %mul3A_356, %dma_wait3A_486] : memref<4x2x10240x128xf32, #tpu.memory_space<hbm>> -> memref<1x1x640x128xf32, #tpu.memory_space<hbm>>
      %dma_wait3A_488 = tpu.memref_squeeze %dma_wait3A_487 : memref<1x1x640x128xf32, #tpu.memory_space<hbm>> -> memref<640x128xf32, #tpu.memory_space<hbm>>
      %dma_wait3A_489 = arith.constant 0 : i32
      %dma_wait3A_490 = tpu.memref_slice %arg14[%mul3A_354, %dma_wait3A_489] : memref<10240x128xf32, #tpu.memory_space<vmem_shared>> -> memref<640x128xf32, #tpu.memory_space<vmem_shared>>
      tpu.wait_dma2 semaphore(%run_scoped3A_480 : memref<!tpu.dma_semaphore, #tpu.memory_space<semaphore_mem>>) src(%dma_wait3A_490 : memref<640x128xf32, #tpu.memory_space<vmem_shared>>) dst(%dma_wait3A_488 : memref<640x128xf32, #tpu.memory_space<hbm>>)
      tpu.yield
    }) : () -> ()
    %barrier3A_358 = arith.constant 0 : index
    tpu.barrier barrier_id(%barrier3A_358)
    %mul3A_359 = arith.constant 640 : i32
    %mul3A_360 = arith.muli %arg1, %mul3A_359 : i32
    %add3A_361 = arith.constant 0 : i32
    %add3A_362 = arith.addi %mul3A_360, %add3A_361 : i32
    "tpu.region"() ({
      %run_scoped3A_480 = tpu.sem_alloc : memref<!tpu.dma_semaphore, #tpu.memory_space<semaphore_mem>>
      %dma_start3A_481 = arith.constant 0 : i32
      %dma_start3A_482 = tpu.memref_slice %arg14[%add3A_362, %dma_start3A_481] : memref<10240x128xf32, #tpu.memory_space<vmem_shared>> -> memref<64x128xf32, #tpu.memory_space<vmem_shared>>
      %dma_start3A_483 = arith.constant 0 : i32
      %dma_start3A_484 = tpu.memref_slice %arg14[%add3A_362, %dma_start3A_483] : memref<10240x128xf32, #tpu.memory_space<vmem_shared>> -> memref<64x128xf32, #tpu.memory_space<vmem_shared>>
      tpu.enqueue_dma source(%arg10 : memref<64x128xf32, #tpu.memory_space<vmem>>) target(%dma_start3A_484 : memref<64x128xf32, #tpu.memory_space<vmem_shared>>) target_semaphore(%run_scoped3A_480 : memref<!tpu.dma_semaphore, #tpu.memory_space<semaphore_mem>>)
      %dma_wait3A_485 = arith.constant 0 : i32
      %dma_wait3A_486 = tpu.memref_slice %arg14[%add3A_362, %dma_wait3A_485] : memref<10240x128xf32, #tpu.memory_space<vmem_shared>> -> memref<64x128xf32, #tpu.memory_space<vmem_shared>>
      %dma_wait3A_487 = arith.constant 0 : i32
      %dma_wait3A_488 = tpu.memref_slice %arg14[%add3A_362, %dma_wait3A_487] : memref<10240x128xf32, #tpu.memory_space<vmem_shared>> -> memref<64x128xf32, #tpu.memory_space<vmem_shared>>
      tpu.wait_dma2 semaphore(%run_scoped3A_480 : memref<!tpu.dma_semaphore, #tpu.memory_space<semaphore_mem>>) src(%arg10 : memref<64x128xf32, #tpu.memory_space<vmem>>) dst(%dma_wait3A_488 : memref<64x128xf32, #tpu.memory_space<vmem_shared>>)
      tpu.yield
    }) : () -> ()
    %mul3A_363 = arith.constant 640 : i32
    %mul3A_364 = arith.muli %arg1, %mul3A_363 : i32
    %add3A_365 = arith.constant 64 : i32
    %add3A_366 = arith.addi %mul3A_364, %add3A_365 : i32
    "tpu.region"() ({
      %run_scoped3A_480 = tpu.sem_alloc : memref<!tpu.dma_semaphore, #tpu.memory_space<semaphore_mem>>
      %dma_start3A_481 = arith.constant 0 : i32
      %dma_start3A_482 = tpu.memref_slice %arg14[%add3A_366, %dma_start3A_481] : memref<10240x128xf32, #tpu.memory_space<vmem_shared>> -> memref<64x128xf32, #tpu.memory_space<vmem_shared>>
      %dma_start3A_483 = arith.constant 0 : i32
      %dma_start3A_484 = tpu.memref_slice %arg14[%add3A_366, %dma_start3A_483] : memref<10240x128xf32, #tpu.memory_space<vmem_shared>> -> memref<64x128xf32, #tpu.memory_space<vmem_shared>>
      tpu.enqueue_dma source(%arg10 : memref<64x128xf32, #tpu.memory_space<vmem>>) target(%dma_start3A_484 : memref<64x128xf32, #tpu.memory_space<vmem_shared>>) target_semaphore(%run_scoped3A_480 : memref<!tpu.dma_semaphore, #tpu.memory_space<semaphore_mem>>)
      %dma_wait3A_485 = arith.constant 0 : i32
      %dma_wait3A_486 = tpu.memref_slice %arg14[%add3A_366, %dma_wait3A_485] : memref<10240x128xf32, #tpu.memory_space<vmem_shared>> -> memref<64x128xf32, #tpu.memory_space<vmem_shared>>
      %dma_wait3A_487 = arith.constant 0 : i32
      %dma_wait3A_488 = tpu.memref_slice %arg14[%add3A_366, %dma_wait3A_487] : memref<10240x128xf32, #tpu.memory_space<vmem_shared>> -> memref<64x128xf32, #tpu.memory_space<vmem_shared>>
      tpu.wait_dma2 semaphore(%run_scoped3A_480 : memref<!tpu.dma_semaphore, #tpu.memory_space<semaphore_mem>>) src(%arg10 : memref<64x128xf32, #tpu.memory_space<vmem>>) dst(%dma_wait3A_488 : memref<64x128xf32, #tpu.memory_space<vmem_shared>>)
      tpu.yield
    }) : () -> ()
    %mul3A_367 = arith.constant 640 : i32
    %mul3A_368 = arith.muli %arg1, %mul3A_367 : i32
    %add3A_369 = arith.constant 128 : i32
    %add3A_370 = arith.addi %mul3A_368, %add3A_369 : i32
    "tpu.region"() ({
      %run_scoped3A_480 = tpu.sem_alloc : memref<!tpu.dma_semaphore, #tpu.memory_space<semaphore_mem>>
      %dma_start3A_481 = arith.constant 0 : i32
      %dma_start3A_482 = tpu.memref_slice %arg14[%add3A_370, %dma_start3A_481] : memref<10240x128xf32, #tpu.memory_space<vmem_shared>> -> memref<64x128xf32, #tpu.memory_space<vmem_shared>>
      %dma_start3A_483 = arith.constant 0 : i32
      %dma_start3A_484 = tpu.memref_slice %arg14[%add3A_370, %dma_start3A_483] : memref<10240x128xf32, #tpu.memory_space<vmem_shared>> -> memref<64x128xf32, #tpu.memory_space<vmem_shared>>
      tpu.enqueue_dma source(%arg10 : memref<64x128xf32, #tpu.memory_space<vmem>>) target(%dma_start3A_484 : memref<64x128xf32, #tpu.memory_space<vmem_shared>>) target_semaphore(%run_scoped3A_480 : memref<!tpu.dma_semaphore, #tpu.memory_space<semaphore_mem>>)
      %dma_wait3A_485 = arith.constant 0 : i32
      %dma_wait3A_486 = tpu.memref_slice %arg14[%add3A_370, %dma_wait3A_485] : memref<10240x128xf32, #tpu.memory_space<vmem_shared>> -> memref<64x128xf32, #tpu.memory_space<vmem_shared>>
      %dma_wait3A_487 = arith.constant 0 : i32
      %dma_wait3A_488 = tpu.memref_slice %arg14[%add3A_370, %dma_wait3A_487] : memref<10240x128xf32, #tpu.memory_space<vmem_shared>> -> memref<64x128xf32, #tpu.memory_space<vmem_shared>>
      tpu.wait_dma2 semaphore(%run_scoped3A_480 : memref<!tpu.dma_semaphore, #tpu.memory_space<semaphore_mem>>) src(%arg10 : memref<64x128xf32, #tpu.memory_space<vmem>>) dst(%dma_wait3A_488 : memref<64x128xf32, #tpu.memory_space<vmem_shared>>)
      tpu.yield
    }) : () -> ()
    %mul3A_371 = arith.constant 640 : i32
    %mul3A_372 = arith.muli %arg1, %mul3A_371 : i32
    %add3A_373 = arith.constant 192 : i32
    %add3A_374 = arith.addi %mul3A_372, %add3A_373 : i32
    "tpu.region"() ({
      %run_scoped3A_480 = tpu.sem_alloc : memref<!tpu.dma_semaphore, #tpu.memory_space<semaphore_mem>>
      %dma_start3A_481 = arith.constant 0 : i32
      %dma_start3A_482 = tpu.memref_slice %arg14[%add3A_374, %dma_start3A_481] : memref<10240x128xf32, #tpu.memory_space<vmem_shared>> -> memref<64x128xf32, #tpu.memory_space<vmem_shared>>
      %dma_start3A_483 = arith.constant 0 : i32
      %dma_start3A_484 = tpu.memref_slice %arg14[%add3A_374, %dma_start3A_483] : memref<10240x128xf32, #tpu.memory_space<vmem_shared>> -> memref<64x128xf32, #tpu.memory_space<vmem_shared>>
      tpu.enqueue_dma source(%arg10 : memref<64x128xf32, #tpu.memory_space<vmem>>) target(%dma_start3A_484 : memref<64x128xf32, #tpu.memory_space<vmem_shared>>) target_semaphore(%run_scoped3A_480 : memref<!tpu.dma_semaphore, #tpu.memory_space<semaphore_mem>>)
      %dma_wait3A_485 = arith.constant 0 : i32
      %dma_wait3A_486 = tpu.memref_slice %arg14[%add3A_374, %dma_wait3A_485] : memref<10240x128xf32, #tpu.memory_space<vmem_shared>> -> memref<64x128xf32, #tpu.memory_space<vmem_shared>>
      %dma_wait3A_487 = arith.constant 0 : i32
      %dma_wait3A_488 = tpu.memref_slice %arg14[%add3A_374, %dma_wait3A_487] : memref<10240x128xf32, #tpu.memory_space<vmem_shared>> -> memref<64x128xf32, #tpu.memory_space<vmem_shared>>
      tpu.wait_dma2 semaphore(%run_scoped3A_480 : memref<!tpu.dma_semaphore, #tpu.memory_space<semaphore_mem>>) src(%arg10 : memref<64x128xf32, #tpu.memory_space<vmem>>) dst(%dma_wait3A_488 : memref<64x128xf32, #tpu.memory_space<vmem_shared>>)
      tpu.yield
    }) : () -> ()
    %mul3A_375 = arith.constant 640 : i32
    %mul3A_376 = arith.muli %arg1, %mul3A_375 : i32
    %add3A_377 = arith.constant 256 : i32
    %add3A_378 = arith.addi %mul3A_376, %add3A_377 : i32
    "tpu.region"() ({
      %run_scoped3A_480 = tpu.sem_alloc : memref<!tpu.dma_semaphore, #tpu.memory_space<semaphore_mem>>
      %dma_start3A_481 = arith.constant 0 : i32
      %dma_start3A_482 = tpu.memref_slice %arg14[%add3A_378, %dma_start3A_481] : memref<10240x128xf32, #tpu.memory_space<vmem_shared>> -> memref<64x128xf32, #tpu.memory_space<vmem_shared>>
      %dma_start3A_483 = arith.constant 0 : i32
      %dma_start3A_484 = tpu.memref_slice %arg14[%add3A_378, %dma_start3A_483] : memref<10240x128xf32, #tpu.memory_space<vmem_shared>> -> memref<64x128xf32, #tpu.memory_space<vmem_shared>>
      tpu.enqueue_dma source(%arg10 : memref<64x128xf32, #tpu.memory_space<vmem>>) target(%dma_start3A_484 : memref<64x128xf32, #tpu.memory_space<vmem_shared>>) target_semaphore(%run_scoped3A_480 : memref<!tpu.dma_semaphore, #tpu.memory_space<semaphore_mem>>)
      %dma_wait3A_485 = arith.constant 0 : i32
      %dma_wait3A_486 = tpu.memref_slice %arg14[%add3A_378, %dma_wait3A_485] : memref<10240x128xf32, #tpu.memory_space<vmem_shared>> -> memref<64x128xf32, #tpu.memory_space<vmem_shared>>
      %dma_wait3A_487 = arith.constant 0 : i32
      %dma_wait3A_488 = tpu.memref_slice %arg14[%add3A_378, %dma_wait3A_487] : memref<10240x128xf32, #tpu.memory_space<vmem_shared>> -> memref<64x128xf32, #tpu.memory_space<vmem_shared>>
      tpu.wait_dma2 semaphore(%run_scoped3A_480 : memref<!tpu.dma_semaphore, #tpu.memory_space<semaphore_mem>>) src(%arg10 : memref<64x128xf32, #tpu.memory_space<vmem>>) dst(%dma_wait3A_488 : memref<64x128xf32, #tpu.memory_space<vmem_shared>>)
      tpu.yield
    }) : () -> ()
    %mul3A_379 = arith.constant 640 : i32
    %mul3A_380 = arith.muli %arg1, %mul3A_379 : i32
    %add3A_381 = arith.constant 320 : i32
    %add3A_382 = arith.addi %mul3A_380, %add3A_381 : i32
    "tpu.region"() ({
      %run_scoped3A_480 = tpu.sem_alloc : memref<!tpu.dma_semaphore, #tpu.memory_space<semaphore_mem>>
      %dma_start3A_481 = arith.constant 0 : i32
      %dma_start3A_482 = tpu.memref_slice %arg14[%add3A_382, %dma_start3A_481] : memref<10240x128xf32, #tpu.memory_space<vmem_shared>> -> memref<64x128xf32, #tpu.memory_space<vmem_shared>>
      %dma_start3A_483 = arith.constant 0 : i32
      %dma_start3A_484 = tpu.memref_slice %arg14[%add3A_382, %dma_start3A_483] : memref<10240x128xf32, #tpu.memory_space<vmem_shared>> -> memref<64x128xf32, #tpu.memory_space<vmem_shared>>
      tpu.enqueue_dma source(%arg10 : memref<64x128xf32, #tpu.memory_space<vmem>>) target(%dma_start3A_484 : memref<64x128xf32, #tpu.memory_space<vmem_shared>>) target_semaphore(%run_scoped3A_480 : memref<!tpu.dma_semaphore, #tpu.memory_space<semaphore_mem>>)
      %dma_wait3A_485 = arith.constant 0 : i32
      %dma_wait3A_486 = tpu.memref_slice %arg14[%add3A_382, %dma_wait3A_485] : memref<10240x128xf32, #tpu.memory_space<vmem_shared>> -> memref<64x128xf32, #tpu.memory_space<vmem_shared>>
      %dma_wait3A_487 = arith.constant 0 : i32
      %dma_wait3A_488 = tpu.memref_slice %arg14[%add3A_382, %dma_wait3A_487] : memref<10240x128xf32, #tpu.memory_space<vmem_shared>> -> memref<64x128xf32, #tpu.memory_space<vmem_shared>>
      tpu.wait_dma2 semaphore(%run_scoped3A_480 : memref<!tpu.dma_semaphore, #tpu.memory_space<semaphore_mem>>) src(%arg10 : memref<64x128xf32, #tpu.memory_space<vmem>>) dst(%dma_wait3A_488 : memref<64x128xf32, #tpu.memory_space<vmem_shared>>)
      tpu.yield
    }) : () -> ()
    %mul3A_383 = arith.constant 640 : i32
    %mul3A_384 = arith.muli %arg1, %mul3A_383 : i32
    %add3A_385 = arith.constant 384 : i32
    %add3A_386 = arith.addi %mul3A_384, %add3A_385 : i32
    "tpu.region"() ({
      %run_scoped3A_480 = tpu.sem_alloc : memref<!tpu.dma_semaphore, #tpu.memory_space<semaphore_mem>>
      %dma_start3A_481 = arith.constant 0 : i32
      %dma_start3A_482 = tpu.memref_slice %arg14[%add3A_386, %dma_start3A_481] : memref<10240x128xf32, #tpu.memory_space<vmem_shared>> -> memref<64x128xf32, #tpu.memory_space<vmem_shared>>
      %dma_start3A_483 = arith.constant 0 : i32
      %dma_start3A_484 = tpu.memref_slice %arg14[%add3A_386, %dma_start3A_483] : memref<10240x128xf32, #tpu.memory_space<vmem_shared>> -> memref<64x128xf32, #tpu.memory_space<vmem_shared>>
      tpu.enqueue_dma source(%arg10 : memref<64x128xf32, #tpu.memory_space<vmem>>) target(%dma_start3A_484 : memref<64x128xf32, #tpu.memory_space<vmem_shared>>) target_semaphore(%run_scoped3A_480 : memref<!tpu.dma_semaphore, #tpu.memory_space<semaphore_mem>>)
      %dma_wait3A_485 = arith.constant 0 : i32
      %dma_wait3A_486 = tpu.memref_slice %arg14[%add3A_386, %dma_wait3A_485] : memref<10240x128xf32, #tpu.memory_space<vmem_shared>> -> memref<64x128xf32, #tpu.memory_space<vmem_shared>>
      %dma_wait3A_487 = arith.constant 0 : i32
      %dma_wait3A_488 = tpu.memref_slice %arg14[%add3A_386, %dma_wait3A_487] : memref<10240x128xf32, #tpu.memory_space<vmem_shared>> -> memref<64x128xf32, #tpu.memory_space<vmem_shared>>
      tpu.wait_dma2 semaphore(%run_scoped3A_480 : memref<!tpu.dma_semaphore, #tpu.memory_space<semaphore_mem>>) src(%arg10 : memref<64x128xf32, #tpu.memory_space<vmem>>) dst(%dma_wait3A_488 : memref<64x128xf32, #tpu.memory_space<vmem_shared>>)
      tpu.yield
    }) : () -> ()
    %mul3A_387 = arith.constant 640 : i32
    %mul3A_388 = arith.muli %arg1, %mul3A_387 : i32
    %add3A_389 = arith.constant 448 : i32
    %add3A_390 = arith.addi %mul3A_388, %add3A_389 : i32
    "tpu.region"() ({
      %run_scoped3A_480 = tpu.sem_alloc : memref<!tpu.dma_semaphore, #tpu.memory_space<semaphore_mem>>
      %dma_start3A_481 = arith.constant 0 : i32
      %dma_start3A_482 = tpu.memref_slice %arg14[%add3A_390, %dma_start3A_481] : memref<10240x128xf32, #tpu.memory_space<vmem_shared>> -> memref<64x128xf32, #tpu.memory_space<vmem_shared>>
      %dma_start3A_483 = arith.constant 0 : i32
      %dma_start3A_484 = tpu.memref_slice %arg14[%add3A_390, %dma_start3A_483] : memref<10240x128xf32, #tpu.memory_space<vmem_shared>> -> memref<64x128xf32, #tpu.memory_space<vmem_shared>>
      tpu.enqueue_dma source(%arg10 : memref<64x128xf32, #tpu.memory_space<vmem>>) target(%dma_start3A_484 : memref<64x128xf32, #tpu.memory_space<vmem_shared>>) target_semaphore(%run_scoped3A_480 : memref<!tpu.dma_semaphore, #tpu.memory_space<semaphore_mem>>)
      %dma_wait3A_485 = arith.constant 0 : i32
      %dma_wait3A_486 = tpu.memref_slice %arg14[%add3A_390, %dma_wait3A_485] : memref<10240x128xf32, #tpu.memory_space<vmem_shared>> -> memref<64x128xf32, #tpu.memory_space<vmem_shared>>
      %dma_wait3A_487 = arith.constant 0 : i32
      %dma_wait3A_488 = tpu.memref_slice %arg14[%add3A_390, %dma_wait3A_487] : memref<10240x128xf32, #tpu.memory_space<vmem_shared>> -> memref<64x128xf32, #tpu.memory_space<vmem_shared>>
      tpu.wait_dma2 semaphore(%run_scoped3A_480 : memref<!tpu.dma_semaphore, #tpu.memory_space<semaphore_mem>>) src(%arg10 : memref<64x128xf32, #tpu.memory_space<vmem>>) dst(%dma_wait3A_488 : memref<64x128xf32, #tpu.memory_space<vmem_shared>>)
      tpu.yield
    }) : () -> ()
    %mul3A_391 = arith.constant 640 : i32
    %mul3A_392 = arith.muli %arg1, %mul3A_391 : i32
    %add3A_393 = arith.constant 512 : i32
    %add3A_394 = arith.addi %mul3A_392, %add3A_393 : i32
    "tpu.region"() ({
      %run_scoped3A_480 = tpu.sem_alloc : memref<!tpu.dma_semaphore, #tpu.memory_space<semaphore_mem>>
      %dma_start3A_481 = arith.constant 0 : i32
      %dma_start3A_482 = tpu.memref_slice %arg14[%add3A_394, %dma_start3A_481] : memref<10240x128xf32, #tpu.memory_space<vmem_shared>> -> memref<64x128xf32, #tpu.memory_space<vmem_shared>>
      %dma_start3A_483 = arith.constant 0 : i32
      %dma_start3A_484 = tpu.memref_slice %arg14[%add3A_394, %dma_start3A_483] : memref<10240x128xf32, #tpu.memory_space<vmem_shared>> -> memref<64x128xf32, #tpu.memory_space<vmem_shared>>
      tpu.enqueue_dma source(%arg10 : memref<64x128xf32, #tpu.memory_space<vmem>>) target(%dma_start3A_484 : memref<64x128xf32, #tpu.memory_space<vmem_shared>>) target_semaphore(%run_scoped3A_480 : memref<!tpu.dma_semaphore, #tpu.memory_space<semaphore_mem>>)
      %dma_wait3A_485 = arith.constant 0 : i32
      %dma_wait3A_486 = tpu.memref_slice %arg14[%add3A_394, %dma_wait3A_485] : memref<10240x128xf32, #tpu.memory_space<vmem_shared>> -> memref<64x128xf32, #tpu.memory_space<vmem_shared>>
      %dma_wait3A_487 = arith.constant 0 : i32
      %dma_wait3A_488 = tpu.memref_slice %arg14[%add3A_394, %dma_wait3A_487] : memref<10240x128xf32, #tpu.memory_space<vmem_shared>> -> memref<64x128xf32, #tpu.memory_space<vmem_shared>>
      tpu.wait_dma2 semaphore(%run_scoped3A_480 : memref<!tpu.dma_semaphore, #tpu.memory_space<semaphore_mem>>) src(%arg10 : memref<64x128xf32, #tpu.memory_space<vmem>>) dst(%dma_wait3A_488 : memref<64x128xf32, #tpu.memory_space<vmem_shared>>)
      tpu.yield
    }) : () -> ()
    %mul3A_395 = arith.constant 640 : i32
    %mul3A_396 = arith.muli %arg1, %mul3A_395 : i32
    %add3A_397 = arith.constant 576 : i32
    %add3A_398 = arith.addi %mul3A_396, %add3A_397 : i32
    "tpu.region"() ({
      %run_scoped3A_480 = tpu.sem_alloc : memref<!tpu.dma_semaphore, #tpu.memory_space<semaphore_mem>>
      %dma_start3A_481 = arith.constant 0 : i32
      %dma_start3A_482 = tpu.memref_slice %arg14[%add3A_398, %dma_start3A_481] : memref<10240x128xf32, #tpu.memory_space<vmem_shared>> -> memref<64x128xf32, #tpu.memory_space<vmem_shared>>
      %dma_start3A_483 = arith.constant 0 : i32
      %dma_start3A_484 = tpu.memref_slice %arg14[%add3A_398, %dma_start3A_483] : memref<10240x128xf32, #tpu.memory_space<vmem_shared>> -> memref<64x128xf32, #tpu.memory_space<vmem_shared>>
      tpu.enqueue_dma source(%arg10 : memref<64x128xf32, #tpu.memory_space<vmem>>) target(%dma_start3A_484 : memref<64x128xf32, #tpu.memory_space<vmem_shared>>) target_semaphore(%run_scoped3A_480 : memref<!tpu.dma_semaphore, #tpu.memory_space<semaphore_mem>>)
      %dma_wait3A_485 = arith.constant 0 : i32
      %dma_wait3A_486 = tpu.memref_slice %arg14[%add3A_398, %dma_wait3A_485] : memref<10240x128xf32, #tpu.memory_space<vmem_shared>> -> memref<64x128xf32, #tpu.memory_space<vmem_shared>>
      %dma_wait3A_487 = arith.constant 0 : i32
      %dma_wait3A_488 = tpu.memref_slice %arg14[%add3A_398, %dma_wait3A_487] : memref<10240x128xf32, #tpu.memory_space<vmem_shared>> -> memref<64x128xf32, #tpu.memory_space<vmem_shared>>
      tpu.wait_dma2 semaphore(%run_scoped3A_480 : memref<!tpu.dma_semaphore, #tpu.memory_space<semaphore_mem>>) src(%arg10 : memref<64x128xf32, #tpu.memory_space<vmem>>) dst(%dma_wait3A_488 : memref<64x128xf32, #tpu.memory_space<vmem_shared>>)
      tpu.yield
    }) : () -> ()
    %barrier3A_399 = arith.constant 0 : index
    tpu.barrier barrier_id(%barrier3A_399)
    %eq3A_400 = arith.constant 0 : i32
    %eq3A_401 = arith.cmpi eq, %arg0, %eq3A_400 : i32
    %jit3A_402 = arith.constant 109 : i32
    %jit3A_403 = arith.constant 49 : i32
    %select_n3A_404 = arith.select %eq3A_401, %jit3A_402, %jit3A_403 : i32
    %eq3A_405 = arith.constant 0 : i32
    %eq3A_406 = arith.cmpi eq, %arg0, %eq3A_405 : i32
    %add3A_407 = arith.constant 1744 : i32
    %add3A_408 = arith.addi %add3A_407, %arg1 : i32
    %select_n3A_409 = arith.select %eq3A_406, %arg1, %add3A_408 : i32
    %run_scoped3A_410 = arith.constant 0 : i32
    "tpu.region"() ({
      %run_scoped3A_480 = tpu.sem_alloc : memref<!tpu.dma_semaphore, #tpu.memory_space<semaphore_mem>>
      %dma_start3A_481 = arith.constant 0 : i32
      %dma_start3A_482 = arith.constant 0 : i32
      %dma_start3A_483 = tpu.memref_slice %arg8[%run_scoped3A_410, %dma_start3A_481, %dma_start3A_482] : memref<3x2x128xi32, #tpu.memory_space<vmem>> -> memref<1x2x128xi32, #tpu.memory_space<vmem>>
      %dma_start3A_484 = tpu.memref_squeeze %dma_start3A_483 : memref<1x2x128xi32, #tpu.memory_space<vmem>> -> memref<2x128xi32, #tpu.memory_space<vmem>>
      %dma_start3A_485 = arith.constant 0 : i32
      %dma_start3A_486 = arith.constant 0 : i32
      %dma_start3A_487 = tpu.memref_slice %arg6[%select_n3A_409, %dma_start3A_485, %dma_start3A_486] : memref<2528x2x128xi32, #tpu.memory_space<hbm>> -> memref<1x2x128xi32, #tpu.memory_space<hbm>>
      %dma_start3A_488 = tpu.memref_squeeze %dma_start3A_487 : memref<1x2x128xi32, #tpu.memory_space<hbm>> -> memref<2x128xi32, #tpu.memory_space<hbm>>
      %dma_start3A_489 = arith.constant 0 : i32
      %dma_start3A_490 = arith.constant 0 : i32
      %dma_start3A_491 = tpu.memref_slice %arg8[%run_scoped3A_410, %dma_start3A_489, %dma_start3A_490] : memref<3x2x128xi32, #tpu.memory_space<vmem>> -> memref<1x2x128xi32, #tpu.memory_space<vmem>>
      %dma_start3A_492 = tpu.memref_squeeze %dma_start3A_491 : memref<1x2x128xi32, #tpu.memory_space<vmem>> -> memref<2x128xi32, #tpu.memory_space<vmem>>
      %dma_start3A_493 = arith.constant 0 : i32
      %dma_start3A_494 = arith.constant 0 : i32
      %dma_start3A_495 = tpu.memref_slice %arg6[%select_n3A_409, %dma_start3A_493, %dma_start3A_494] : memref<2528x2x128xi32, #tpu.memory_space<hbm>> -> memref<1x2x128xi32, #tpu.memory_space<hbm>>
      %dma_start3A_496 = tpu.memref_squeeze %dma_start3A_495 : memref<1x2x128xi32, #tpu.memory_space<hbm>> -> memref<2x128xi32, #tpu.memory_space<hbm>>
      tpu.enqueue_dma source(%dma_start3A_496 : memref<2x128xi32, #tpu.memory_space<hbm>>) target(%dma_start3A_492 : memref<2x128xi32, #tpu.memory_space<vmem>>) target_semaphore(%run_scoped3A_480 : memref<!tpu.dma_semaphore, #tpu.memory_space<semaphore_mem>>)
      %dma_wait3A_497 = arith.constant 0 : i32
      %dma_wait3A_498 = arith.constant 0 : i32
      %dma_wait3A_499 = tpu.memref_slice %arg8[%run_scoped3A_410, %dma_wait3A_497, %dma_wait3A_498] : memref<3x2x128xi32, #tpu.memory_space<vmem>> -> memref<1x2x128xi32, #tpu.memory_space<vmem>>
      %dma_wait3A_500 = tpu.memref_squeeze %dma_wait3A_499 : memref<1x2x128xi32, #tpu.memory_space<vmem>> -> memref<2x128xi32, #tpu.memory_space<vmem>>
      %dma_wait3A_501 = arith.constant 0 : i32
      %dma_wait3A_502 = arith.constant 0 : i32
      %dma_wait3A_503 = tpu.memref_slice %arg6[%select_n3A_409, %dma_wait3A_501, %dma_wait3A_502] : memref<2528x2x128xi32, #tpu.memory_space<hbm>> -> memref<1x2x128xi32, #tpu.memory_space<hbm>>
      %dma_wait3A_504 = tpu.memref_squeeze %dma_wait3A_503 : memref<1x2x128xi32, #tpu.memory_space<hbm>> -> memref<2x128xi32, #tpu.memory_space<hbm>>
      %dma_wait3A_505 = arith.constant 0 : i32
      %dma_wait3A_506 = arith.constant 0 : i32
      %dma_wait3A_507 = tpu.memref_slice %arg8[%run_scoped3A_410, %dma_wait3A_505, %dma_wait3A_506] : memref<3x2x128xi32, #tpu.memory_space<vmem>> -> memref<1x2x128xi32, #tpu.memory_space<vmem>>
      %dma_wait3A_508 = tpu.memref_squeeze %dma_wait3A_507 : memref<1x2x128xi32, #tpu.memory_space<vmem>> -> memref<2x128xi32, #tpu.memory_space<vmem>>
      %dma_wait3A_509 = arith.constant 0 : i32
      %dma_wait3A_510 = arith.constant 0 : i32
      %dma_wait3A_511 = tpu.memref_slice %arg6[%select_n3A_409, %dma_wait3A_509, %dma_wait3A_510] : memref<2528x2x128xi32, #tpu.memory_space<hbm>> -> memref<1x2x128xi32, #tpu.memory_space<hbm>>
      %dma_wait3A_512 = tpu.memref_squeeze %dma_wait3A_511 : memref<1x2x128xi32, #tpu.memory_space<hbm>> -> memref<2x128xi32, #tpu.memory_space<hbm>>
      tpu.wait_dma2 semaphore(%run_scoped3A_480 : memref<!tpu.dma_semaphore, #tpu.memory_space<semaphore_mem>>) src(%dma_wait3A_512 : memref<2x128xi32, #tpu.memory_space<hbm>>) dst(%dma_wait3A_508 : memref<2x128xi32, #tpu.memory_space<vmem>>)
      tpu.yield
    }) : () -> ()
    %dma_start3A_411 = arith.constant 0 : i32
    %dma_start3A_412 = arith.constant 0 : i32
    %dma_start3A_413 = arith.constant 0 : i32
    %dma_start3A_414 = arith.constant 0 : i32
    %dma_start3A_415 = arith.constant 0 : i32
    %dma_start3A_416 = tpu.memref_slice %arg9[%dma_start3A_413, %dma_start3A_414, %dma_start3A_415] : memref<2x128x128xf32, #tpu.memory_space<vmem>> -> memref<1x128x128xf32, #tpu.memory_space<vmem>>
    %dma_start3A_417 = tpu.memref_squeeze %dma_start3A_416 : memref<1x128x128xf32, #tpu.memory_space<vmem>> -> memref<128x128xf32, #tpu.memory_space<vmem>>
    %dma_start3A_418 = arith.constant 0 : i32
    %dma_start3A_419 = tpu.memref_slice %arg8[%dma_start3A_411, %dma_start3A_412, %dma_start3A_418] : memref<3x2x128xi32, #tpu.memory_space<vmem>> -> memref<1x1x128xi32, #tpu.memory_space<vmem>>
    %dma_start3A_420 = tpu.memref_squeeze %dma_start3A_419 : memref<1x1x128xi32, #tpu.memory_space<vmem>> -> memref<128xi32, #tpu.memory_space<vmem>>
    %dma_start3A_421 = arith.constant 0 : i32
    %dma_start3A_422 = arith.constant 0 : i32
    %dma_start3A_423 = tpu.memref_slice %arg5[%dma_start3A_421, %dma_start3A_422] : memref<10000x128xf32, #tpu.memory_space<hbm>> -> memref<10000x128xf32, #tpu.memory_space<hbm>>
    tpu.enqueue_indirect_dma source(%dma_start3A_423 : memref<10000x128xf32, #tpu.memory_space<hbm>>) target(%dma_start3A_417 : memref<128x128xf32, #tpu.memory_space<vmem>>) offsets(%dma_start3A_420 : memref<128xi32, #tpu.memory_space<vmem>>) semaphore(%arg12 : memref<!tpu.dma_semaphore, #tpu.memory_space<semaphore_mem>>)
    %add3A_424 = arith.constant 16 : i32
    %add3A_425 = arith.addi %select_n3A_409, %add3A_424 : i32
    %dma_start3A_426 = arith.constant 1 : i32
    %dma_start3A_427 = arith.constant 0 : i32
    %dma_start3A_428 = arith.constant 0 : i32
    %dma_start3A_429 = tpu.memref_slice %arg8[%dma_start3A_426, %dma_start3A_427, %dma_start3A_428] : memref<3x2x128xi32, #tpu.memory_space<vmem>> -> memref<1x2x128xi32, #tpu.memory_space<vmem>>
    %dma_start3A_430 = tpu.memref_squeeze %dma_start3A_429 : memref<1x2x128xi32, #tpu.memory_space<vmem>> -> memref<2x128xi32, #tpu.memory_space<vmem>>
    %dma_start3A_431 = arith.constant 0 : i32
    %dma_start3A_432 = arith.constant 0 : i32
    %dma_start3A_433 = tpu.memref_slice %arg6[%add3A_425, %dma_start3A_431, %dma_start3A_432] : memref<2528x2x128xi32, #tpu.memory_space<hbm>> -> memref<1x2x128xi32, #tpu.memory_space<hbm>>
    %dma_start3A_434 = tpu.memref_squeeze %dma_start3A_433 : memref<1x2x128xi32, #tpu.memory_space<hbm>> -> memref<2x128xi32, #tpu.memory_space<hbm>>
    %dma_start3A_435 = arith.constant 0 : i32
    %dma_start3A_436 = arith.constant 0 : i32
    %dma_start3A_437 = tpu.memref_slice %arg8[%dma_start3A_426, %dma_start3A_435, %dma_start3A_436] : memref<3x2x128xi32, #tpu.memory_space<vmem>> -> memref<1x2x128xi32, #tpu.memory_space<vmem>>
    %dma_start3A_438 = tpu.memref_squeeze %dma_start3A_437 : memref<1x2x128xi32, #tpu.memory_space<vmem>> -> memref<2x128xi32, #tpu.memory_space<vmem>>
    %dma_start3A_439 = arith.constant 0 : i32
    %dma_start3A_440 = arith.constant 0 : i32
    %dma_start3A_441 = tpu.memref_slice %arg6[%add3A_425, %dma_start3A_439, %dma_start3A_440] : memref<2528x2x128xi32, #tpu.memory_space<hbm>> -> memref<1x2x128xi32, #tpu.memory_space<hbm>>
    %dma_start3A_442 = tpu.memref_squeeze %dma_start3A_441 : memref<1x2x128xi32, #tpu.memory_space<hbm>> -> memref<2x128xi32, #tpu.memory_space<hbm>>
    tpu.enqueue_dma source(%dma_start3A_442 : memref<2x128xi32, #tpu.memory_space<hbm>>) target(%dma_start3A_438 : memref<2x128xi32, #tpu.memory_space<vmem>>) target_semaphore(%arg11 : memref<!tpu.dma_semaphore, #tpu.memory_space<semaphore_mem>>)
    %sub3A_443 = arith.constant 1 : i32
    %sub3A_444 = arith.subi %select_n3A_404, %sub3A_443 : i32
    %while3A_445 = arith.constant 0 : i32
    %while3A_446 = arith.constant 0 : i32
    %while3A_447 = arith.subi %sub3A_444, %while3A_446 : i32
    %while3A_448 = arith.addi %while3A_446, %while3A_447 : i32
    %while3A_449 = arith.constant 1 : i32
    %while3A_450 = arith.divsi %while3A_447, %while3A_449 : i32
    %while3A_451 = arith.muli %while3A_450, %while3A_449 : i32
    %while3A_452 = arith.addi %while3A_446, %while3A_451 : i32
    %while3A_453 = arith.constant 1 : i32
    scf.for %while3A_480 = %while3A_446 to %while3A_452 step %while3A_453  : i32 {
      %rem3A_481 = arith.constant 2 : i32
      %rem3A_482 = arith.remsi %while3A_480, %rem3A_481 : i32
      %sub3A_483 = arith.constant 1 : i32
      %sub3A_484 = arith.subi %sub3A_483, %rem3A_482 : i32
      %add3A_485 = arith.constant 1 : i32
      %add3A_486 = arith.addi %while3A_480, %add3A_485 : i32
      %rem3A_487 = arith.constant 3 : i32
      %rem3A_488 = arith.remsi %add3A_486, %rem3A_487 : i32
      %add3A_489 = arith.constant 2 : i32
      %add3A_490 = arith.addi %while3A_480, %add3A_489 : i32
      %rem3A_491 = arith.constant 3 : i32
      %rem3A_492 = arith.remsi %add3A_490, %rem3A_491 : i32
      %add3A_493 = arith.constant 2 : i32
      %add3A_494 = arith.addi %while3A_480, %add3A_493 : i32
      %lt3A = arith.cmpi slt, %add3A_494, %select_n3A_404 : i32
      %convert_element_type3A = arith.extui %lt3A : i1 to i32
      %cond3A = arith.constant 0 : i32
      %cond3A_495 = arith.cmpi ne, %convert_element_type3A, %cond3A : i32
      scf.if %cond3A_495 {
        %add3A_542 = arith.constant 2 : i32
        %add3A_543 = arith.addi %while3A_480, %add3A_542 : i32
        %mul3A_544 = arith.constant 16 : i32
        %mul3A_545 = arith.muli %mul3A_544, %add3A_543 : i32
        %add3A_546 = arith.addi %select_n3A_409, %mul3A_545 : i32
        %dma_start3A_547 = arith.constant 0 : i32
        %dma_start3A_548 = arith.constant 0 : i32
        %dma_start3A_549 = tpu.memref_slice %arg8[%rem3A_492, %dma_start3A_547, %dma_start3A_548] : memref<3x2x128xi32, #tpu.memory_space<vmem>> -> memref<1x2x128xi32, #tpu.memory_space<vmem>>
        %dma_start3A_550 = tpu.memref_squeeze %dma_start3A_549 : memref<1x2x128xi32, #tpu.memory_space<vmem>> -> memref<2x128xi32, #tpu.memory_space<vmem>>
        %dma_start3A_551 = arith.constant 0 : i32
        %dma_start3A_552 = arith.constant 0 : i32
        %dma_start3A_553 = tpu.memref_slice %arg6[%add3A_546, %dma_start3A_551, %dma_start3A_552] : memref<2528x2x128xi32, #tpu.memory_space<hbm>> -> memref<1x2x128xi32, #tpu.memory_space<hbm>>
        %dma_start3A_554 = tpu.memref_squeeze %dma_start3A_553 : memref<1x2x128xi32, #tpu.memory_space<hbm>> -> memref<2x128xi32, #tpu.memory_space<hbm>>
        %dma_start3A_555 = arith.constant 0 : i32
        %dma_start3A_556 = arith.constant 0 : i32
        %dma_start3A_557 = tpu.memref_slice %arg8[%rem3A_492, %dma_start3A_555, %dma_start3A_556] : memref<3x2x128xi32, #tpu.memory_space<vmem>> -> memref<1x2x128xi32, #tpu.memory_space<vmem>>
        %dma_start3A_558 = tpu.memref_squeeze %dma_start3A_557 : memref<1x2x128xi32, #tpu.memory_space<vmem>> -> memref<2x128xi32, #tpu.memory_space<vmem>>
        %dma_start3A_559 = arith.constant 0 : i32
        %dma_start3A_560 = arith.constant 0 : i32
        %dma_start3A_561 = tpu.memref_slice %arg6[%add3A_546, %dma_start3A_559, %dma_start3A_560] : memref<2528x2x128xi32, #tpu.memory_space<hbm>> -> memref<1x2x128xi32, #tpu.memory_space<hbm>>
        %dma_start3A_562 = tpu.memref_squeeze %dma_start3A_561 : memref<1x2x128xi32, #tpu.memory_space<hbm>> -> memref<2x128xi32, #tpu.memory_space<hbm>>
        tpu.enqueue_dma source(%dma_start3A_562 : memref<2x128xi32, #tpu.memory_space<hbm>>) target(%dma_start3A_558 : memref<2x128xi32, #tpu.memory_space<vmem>>) target_semaphore(%arg11 : memref<!tpu.dma_semaphore, #tpu.memory_space<semaphore_mem>>)
      } else {
      }
      %add3A_496 = arith.constant 1 : i32
      %add3A_497 = arith.addi %while3A_480, %add3A_496 : i32
      %mul3A_498 = arith.constant 16 : i32
      %mul3A_499 = arith.muli %mul3A_498, %add3A_497 : i32
      %add3A_500 = arith.addi %select_n3A_409, %mul3A_499 : i32
      %dma_wait3A_501 = arith.constant 0 : i32
      %dma_wait3A_502 = arith.constant 0 : i32
      %dma_wait3A_503 = tpu.memref_slice %arg8[%rem3A_488, %dma_wait3A_501, %dma_wait3A_502] : memref<3x2x128xi32, #tpu.memory_space<vmem>> -> memref<1x2x128xi32, #tpu.memory_space<vmem>>
      %dma_wait3A_504 = tpu.memref_squeeze %dma_wait3A_503 : memref<1x2x128xi32, #tpu.memory_space<vmem>> -> memref<2x128xi32, #tpu.memory_space<vmem>>
      %dma_wait3A_505 = arith.constant 0 : i32
      %dma_wait3A_506 = arith.constant 0 : i32
      %dma_wait3A_507 = tpu.memref_slice %arg6[%add3A_500, %dma_wait3A_505, %dma_wait3A_506] : memref<2528x2x128xi32, #tpu.memory_space<hbm>> -> memref<1x2x128xi32, #tpu.memory_space<hbm>>
      %dma_wait3A_508 = tpu.memref_squeeze %dma_wait3A_507 : memref<1x2x128xi32, #tpu.memory_space<hbm>> -> memref<2x128xi32, #tpu.memory_space<hbm>>
      %dma_wait3A_509 = arith.constant 0 : i32
      %dma_wait3A_510 = arith.constant 0 : i32
      %dma_wait3A_511 = tpu.memref_slice %arg8[%rem3A_488, %dma_wait3A_509, %dma_wait3A_510] : memref<3x2x128xi32, #tpu.memory_space<vmem>> -> memref<1x2x128xi32, #tpu.memory_space<vmem>>
      %dma_wait3A_512 = tpu.memref_squeeze %dma_wait3A_511 : memref<1x2x128xi32, #tpu.memory_space<vmem>> -> memref<2x128xi32, #tpu.memory_space<vmem>>
      %dma_wait3A_513 = arith.constant 0 : i32
      %dma_wait3A_514 = arith.constant 0 : i32
      %dma_wait3A_515 = tpu.memref_slice %arg6[%add3A_500, %dma_wait3A_513, %dma_wait3A_514] : memref<2528x2x128xi32, #tpu.memory_space<hbm>> -> memref<1x2x128xi32, #tpu.memory_space<hbm>>
      %dma_wait3A_516 = tpu.memref_squeeze %dma_wait3A_515 : memref<1x2x128xi32, #tpu.memory_space<hbm>> -> memref<2x128xi32, #tpu.memory_space<hbm>>
      tpu.wait_dma2 semaphore(%arg11 : memref<!tpu.dma_semaphore, #tpu.memory_space<semaphore_mem>>) src(%dma_wait3A_516 : memref<2x128xi32, #tpu.memory_space<hbm>>) dst(%dma_wait3A_512 : memref<2x128xi32, #tpu.memory_space<vmem>>)
      %dma_start3A_517 = arith.constant 0 : i32
      %dma_start3A_518 = arith.constant 0 : i32
      %dma_start3A_519 = arith.constant 0 : i32
      %dma_start3A_520 = tpu.memref_slice %arg9[%sub3A_484, %dma_start3A_518, %dma_start3A_519] : memref<2x128x128xf32, #tpu.memory_space<vmem>> -> memref<1x128x128xf32, #tpu.memory_space<vmem>>
      %dma_start3A_521 = tpu.memref_squeeze %dma_start3A_520 : memref<1x128x128xf32, #tpu.memory_space<vmem>> -> memref<128x128xf32, #tpu.memory_space<vmem>>
      %dma_start3A_522 = arith.constant 0 : i32
      %dma_start3A_523 = tpu.memref_slice %arg8[%rem3A_488, %dma_start3A_517, %dma_start3A_522] : memref<3x2x128xi32, #tpu.memory_space<vmem>> -> memref<1x1x128xi32, #tpu.memory_space<vmem>>
      %dma_start3A_524 = tpu.memref_squeeze %dma_start3A_523 : memref<1x1x128xi32, #tpu.memory_space<vmem>> -> memref<128xi32, #tpu.memory_space<vmem>>
      %dma_start3A_525 = arith.constant 0 : i32
      %dma_start3A_526 = arith.constant 0 : i32
      %dma_start3A_527 = tpu.memref_slice %arg5[%dma_start3A_525, %dma_start3A_526] : memref<10000x128xf32, #tpu.memory_space<hbm>> -> memref<10000x128xf32, #tpu.memory_space<hbm>>
      tpu.enqueue_indirect_dma source(%dma_start3A_527 : memref<10000x128xf32, #tpu.memory_space<hbm>>) target(%dma_start3A_521 : memref<128x128xf32, #tpu.memory_space<vmem>>) offsets(%dma_start3A_524 : memref<128xi32, #tpu.memory_space<vmem>>) semaphore(%arg12 : memref<!tpu.dma_semaphore, #tpu.memory_space<semaphore_mem>>)
      %dma_wait3A_528 = arith.constant 0 : i32
      %dma_wait3A_529 = arith.constant 0 : i32
      %dma_wait3A_530 = arith.constant 0 : i32
      %dma_wait3A_531 = tpu.memref_slice %arg9[%rem3A_482, %dma_wait3A_529, %dma_wait3A_530] : memref<2x128x128xf32, #tpu.memory_space<vmem>> -> memref<1x128x128xf32, #tpu.memory_space<vmem>>
      %dma_wait3A_532 = tpu.memref_squeeze %dma_wait3A_531 : memref<1x128x128xf32, #tpu.memory_space<vmem>> -> memref<128x128xf32, #tpu.memory_space<vmem>>
      %dma_wait3A_533 = arith.constant 0 : i32
      %dma_wait3A_534 = tpu.memref_slice %arg8[%rem3A_488, %dma_wait3A_528, %dma_wait3A_533] : memref<3x2x128xi32, #tpu.memory_space<vmem>> -> memref<1x1x128xi32, #tpu.memory_space<vmem>>
      %dma_wait3A_535 = tpu.memref_squeeze %dma_wait3A_534 : memref<1x1x128xi32, #tpu.memory_space<vmem>> -> memref<128xi32, #tpu.memory_space<vmem>>
      %dma_wait3A_536 = arith.constant 0 : i32
      %dma_wait3A_537 = arith.constant 0 : i32
      %dma_wait3A_538 = tpu.memref_slice %arg5[%dma_wait3A_536, %dma_wait3A_537] : memref<10000x128xf32, #tpu.memory_space<hbm>> -> memref<10000x128xf32, #tpu.memory_space<hbm>>
      tpu.wait_indirect_dma semaphore(%arg12 : memref<!tpu.dma_semaphore, #tpu.memory_space<semaphore_mem>>) src(%dma_wait3A_538 : memref<10000x128xf32, #tpu.memory_space<hbm>>) dst(%dma_wait3A_532 : memref<128x128xf32, #tpu.memory_space<vmem>>)
      %rem3A_539 = arith.constant 3 : i32
      %rem3A_540 = arith.remsi %while3A_480, %rem3A_539 : i32
      %run_scoped3A_541 = arith.constant 1 : i32
      "tpu.region"() ({
        %run_scoped3A_542 = tpu.sem_alloc : memref<!tpu.dma_semaphore, #tpu.memory_space<semaphore_mem>>
        %dma_start3A_543 = arith.constant 0 : i32
        %dma_start3A_544 = arith.constant 0 : i32
        %dma_start3A_545 = tpu.memref_slice %arg9[%rem3A_482, %dma_start3A_543, %dma_start3A_544] : memref<2x128x128xf32, #tpu.memory_space<vmem>> -> memref<1x128x128xf32, #tpu.memory_space<vmem>>
        %dma_start3A_546 = tpu.memref_squeeze %dma_start3A_545 : memref<1x128x128xf32, #tpu.memory_space<vmem>> -> memref<128x128xf32, #tpu.memory_space<vmem>>
        %dma_start3A_547 = arith.constant 0 : i32
        %dma_start3A_548 = tpu.memref_slice %arg8[%rem3A_540, %run_scoped3A_541, %dma_start3A_547] : memref<3x2x128xi32, #tpu.memory_space<vmem>> -> memref<1x1x128xi32, #tpu.memory_space<vmem>>
        %dma_start3A_549 = tpu.memref_squeeze %dma_start3A_548 : memref<1x1x128xi32, #tpu.memory_space<vmem>> -> memref<128xi32, #tpu.memory_space<vmem>>
        %dma_start3A_550 = arith.constant 0 : i32
        %dma_start3A_551 = arith.constant 0 : i32
        %dma_start3A_552 = tpu.memref_slice %arg14[%dma_start3A_550, %dma_start3A_551] : memref<10240x128xf32, #tpu.memory_space<vmem_shared>> -> memref<10240x128xf32, #tpu.memory_space<vmem_shared>>
        tpu.enqueue_indirect_dma source(%dma_start3A_546 : memref<128x128xf32, #tpu.memory_space<vmem>>) target(%dma_start3A_552 : memref<10240x128xf32, #tpu.memory_space<vmem_shared>>) offsets(%dma_start3A_549 : memref<128xi32, #tpu.memory_space<vmem>>) semaphore(%run_scoped3A_542 : memref<!tpu.dma_semaphore, #tpu.memory_space<semaphore_mem>>) {add = true}
        %dma_wait3A_553 = arith.constant 0 : i32
        %dma_wait3A_554 = arith.constant 0 : i32
        %dma_wait3A_555 = tpu.memref_slice %arg9[%rem3A_482, %dma_wait3A_553, %dma_wait3A_554] : memref<2x128x128xf32, #tpu.memory_space<vmem>> -> memref<1x128x128xf32, #tpu.memory_space<vmem>>
        %dma_wait3A_556 = tpu.memref_squeeze %dma_wait3A_555 : memref<1x128x128xf32, #tpu.memory_space<vmem>> -> memref<128x128xf32, #tpu.memory_space<vmem>>
        %dma_wait3A_557 = arith.constant 0 : i32
        %dma_wait3A_558 = tpu.memref_slice %arg8[%rem3A_540, %run_scoped3A_541, %dma_wait3A_557] : memref<3x2x128xi32, #tpu.memory_space<vmem>> -> memref<1x1x128xi32, #tpu.memory_space<vmem>>
        %dma_wait3A_559 = tpu.memref_squeeze %dma_wait3A_558 : memref<1x1x128xi32, #tpu.memory_space<vmem>> -> memref<128xi32, #tpu.memory_space<vmem>>
        %dma_wait3A_560 = arith.constant 0 : i32
        %dma_wait3A_561 = arith.constant 0 : i32
        %dma_wait3A_562 = tpu.memref_slice %arg14[%dma_wait3A_560, %dma_wait3A_561] : memref<10240x128xf32, #tpu.memory_space<vmem_shared>> -> memref<10240x128xf32, #tpu.memory_space<vmem_shared>>
        tpu.wait_indirect_dma semaphore(%run_scoped3A_542 : memref<!tpu.dma_semaphore, #tpu.memory_space<semaphore_mem>>) src(%dma_wait3A_556 : memref<128x128xf32, #tpu.memory_space<vmem>>) dst(%dma_wait3A_562 : memref<10240x128xf32, #tpu.memory_space<vmem_shared>>)
        tpu.yield
      }) : () -> ()
    }
    %while3A_454 = arith.constant 1 : i32
    scf.for %while3A_480 = %while3A_452 to %while3A_448 step %while3A_454  : i32 {
      %rem3A_481 = arith.constant 2 : i32
      %rem3A_482 = arith.remsi %while3A_480, %rem3A_481 : i32
      %sub3A_483 = arith.constant 1 : i32
      %sub3A_484 = arith.subi %sub3A_483, %rem3A_482 : i32
      %add3A_485 = arith.constant 1 : i32
      %add3A_486 = arith.addi %while3A_480, %add3A_485 : i32
      %rem3A_487 = arith.constant 3 : i32
      %rem3A_488 = arith.remsi %add3A_486, %rem3A_487 : i32
      %add3A_489 = arith.constant 2 : i32
      %add3A_490 = arith.addi %while3A_480, %add3A_489 : i32
      %rem3A_491 = arith.constant 3 : i32
      %rem3A_492 = arith.remsi %add3A_490, %rem3A_491 : i32
      %add3A_493 = arith.constant 2 : i32
      %add3A_494 = arith.addi %while3A_480, %add3A_493 : i32
      %lt3A = arith.cmpi slt, %add3A_494, %select_n3A_404 : i32
      %convert_element_type3A = arith.extui %lt3A : i1 to i32
      %cond3A = arith.constant 0 : i32
      %cond3A_495 = arith.cmpi ne, %convert_element_type3A, %cond3A : i32
      scf.if %cond3A_495 {
        %add3A_542 = arith.constant 2 : i32
        %add3A_543 = arith.addi %while3A_480, %add3A_542 : i32
        %mul3A_544 = arith.constant 16 : i32
        %mul3A_545 = arith.muli %mul3A_544, %add3A_543 : i32
        %add3A_546 = arith.addi %select_n3A_409, %mul3A_545 : i32
        %dma_start3A_547 = arith.constant 0 : i32
        %dma_start3A_548 = arith.constant 0 : i32
        %dma_start3A_549 = tpu.memref_slice %arg8[%rem3A_492, %dma_start3A_547, %dma_start3A_548] : memref<3x2x128xi32, #tpu.memory_space<vmem>> -> memref<1x2x128xi32, #tpu.memory_space<vmem>>
        %dma_start3A_550 = tpu.memref_squeeze %dma_start3A_549 : memref<1x2x128xi32, #tpu.memory_space<vmem>> -> memref<2x128xi32, #tpu.memory_space<vmem>>
        %dma_start3A_551 = arith.constant 0 : i32
        %dma_start3A_552 = arith.constant 0 : i32
        %dma_start3A_553 = tpu.memref_slice %arg6[%add3A_546, %dma_start3A_551, %dma_start3A_552] : memref<2528x2x128xi32, #tpu.memory_space<hbm>> -> memref<1x2x128xi32, #tpu.memory_space<hbm>>
        %dma_start3A_554 = tpu.memref_squeeze %dma_start3A_553 : memref<1x2x128xi32, #tpu.memory_space<hbm>> -> memref<2x128xi32, #tpu.memory_space<hbm>>
        %dma_start3A_555 = arith.constant 0 : i32
        %dma_start3A_556 = arith.constant 0 : i32
        %dma_start3A_557 = tpu.memref_slice %arg8[%rem3A_492, %dma_start3A_555, %dma_start3A_556] : memref<3x2x128xi32, #tpu.memory_space<vmem>> -> memref<1x2x128xi32, #tpu.memory_space<vmem>>
        %dma_start3A_558 = tpu.memref_squeeze %dma_start3A_557 : memref<1x2x128xi32, #tpu.memory_space<vmem>> -> memref<2x128xi32, #tpu.memory_space<vmem>>
        %dma_start3A_559 = arith.constant 0 : i32
        %dma_start3A_560 = arith.constant 0 : i32
        %dma_start3A_561 = tpu.memref_slice %arg6[%add3A_546, %dma_start3A_559, %dma_start3A_560] : memref<2528x2x128xi32, #tpu.memory_space<hbm>> -> memref<1x2x128xi32, #tpu.memory_space<hbm>>
        %dma_start3A_562 = tpu.memref_squeeze %dma_start3A_561 : memref<1x2x128xi32, #tpu.memory_space<hbm>> -> memref<2x128xi32, #tpu.memory_space<hbm>>
        tpu.enqueue_dma source(%dma_start3A_562 : memref<2x128xi32, #tpu.memory_space<hbm>>) target(%dma_start3A_558 : memref<2x128xi32, #tpu.memory_space<vmem>>) target_semaphore(%arg11 : memref<!tpu.dma_semaphore, #tpu.memory_space<semaphore_mem>>)
      } else {
      }
      %add3A_496 = arith.constant 1 : i32
      %add3A_497 = arith.addi %while3A_480, %add3A_496 : i32
      %mul3A_498 = arith.constant 16 : i32
      %mul3A_499 = arith.muli %mul3A_498, %add3A_497 : i32
      %add3A_500 = arith.addi %select_n3A_409, %mul3A_499 : i32
      %dma_wait3A_501 = arith.constant 0 : i32
      %dma_wait3A_502 = arith.constant 0 : i32
      %dma_wait3A_503 = tpu.memref_slice %arg8[%rem3A_488, %dma_wait3A_501, %dma_wait3A_502] : memref<3x2x128xi32, #tpu.memory_space<vmem>> -> memref<1x2x128xi32, #tpu.memory_space<vmem>>
      %dma_wait3A_504 = tpu.memref_squeeze %dma_wait3A_503 : memref<1x2x128xi32, #tpu.memory_space<vmem>> -> memref<2x128xi32, #tpu.memory_space<vmem>>
      %dma_wait3A_505 = arith.constant 0 : i32
      %dma_wait3A_506 = arith.constant 0 : i32
      %dma_wait3A_507 = tpu.memref_slice %arg6[%add3A_500, %dma_wait3A_505, %dma_wait3A_506] : memref<2528x2x128xi32, #tpu.memory_space<hbm>> -> memref<1x2x128xi32, #tpu.memory_space<hbm>>
      %dma_wait3A_508 = tpu.memref_squeeze %dma_wait3A_507 : memref<1x2x128xi32, #tpu.memory_space<hbm>> -> memref<2x128xi32, #tpu.memory_space<hbm>>
      %dma_wait3A_509 = arith.constant 0 : i32
      %dma_wait3A_510 = arith.constant 0 : i32
      %dma_wait3A_511 = tpu.memref_slice %arg8[%rem3A_488, %dma_wait3A_509, %dma_wait3A_510] : memref<3x2x128xi32, #tpu.memory_space<vmem>> -> memref<1x2x128xi32, #tpu.memory_space<vmem>>
      %dma_wait3A_512 = tpu.memref_squeeze %dma_wait3A_511 : memref<1x2x128xi32, #tpu.memory_space<vmem>> -> memref<2x128xi32, #tpu.memory_space<vmem>>
      %dma_wait3A_513 = arith.constant 0 : i32
      %dma_wait3A_514 = arith.constant 0 : i32
      %dma_wait3A_515 = tpu.memref_slice %arg6[%add3A_500, %dma_wait3A_513, %dma_wait3A_514] : memref<2528x2x128xi32, #tpu.memory_space<hbm>> -> memref<1x2x128xi32, #tpu.memory_space<hbm>>
      %dma_wait3A_516 = tpu.memref_squeeze %dma_wait3A_515 : memref<1x2x128xi32, #tpu.memory_space<hbm>> -> memref<2x128xi32, #tpu.memory_space<hbm>>
      tpu.wait_dma2 semaphore(%arg11 : memref<!tpu.dma_semaphore, #tpu.memory_space<semaphore_mem>>) src(%dma_wait3A_516 : memref<2x128xi32, #tpu.memory_space<hbm>>) dst(%dma_wait3A_512 : memref<2x128xi32, #tpu.memory_space<vmem>>)
      %dma_start3A_517 = arith.constant 0 : i32
      %dma_start3A_518 = arith.constant 0 : i32
      %dma_start3A_519 = arith.constant 0 : i32
      %dma_start3A_520 = tpu.memref_slice %arg9[%sub3A_484, %dma_start3A_518, %dma_start3A_519] : memref<2x128x128xf32, #tpu.memory_space<vmem>> -> memref<1x128x128xf32, #tpu.memory_space<vmem>>
      %dma_start3A_521 = tpu.memref_squeeze %dma_start3A_520 : memref<1x128x128xf32, #tpu.memory_space<vmem>> -> memref<128x128xf32, #tpu.memory_space<vmem>>
      %dma_start3A_522 = arith.constant 0 : i32
      %dma_start3A_523 = tpu.memref_slice %arg8[%rem3A_488, %dma_start3A_517, %dma_start3A_522] : memref<3x2x128xi32, #tpu.memory_space<vmem>> -> memref<1x1x128xi32, #tpu.memory_space<vmem>>
      %dma_start3A_524 = tpu.memref_squeeze %dma_start3A_523 : memref<1x1x128xi32, #tpu.memory_space<vmem>> -> memref<128xi32, #tpu.memory_space<vmem>>
      %dma_start3A_525 = arith.constant 0 : i32
      %dma_start3A_526 = arith.constant 0 : i32
      %dma_start3A_527 = tpu.memref_slice %arg5[%dma_start3A_525, %dma_start3A_526] : memref<10000x128xf32, #tpu.memory_space<hbm>> -> memref<10000x128xf32, #tpu.memory_space<hbm>>
      tpu.enqueue_indirect_dma source(%dma_start3A_527 : memref<10000x128xf32, #tpu.memory_space<hbm>>) target(%dma_start3A_521 : memref<128x128xf32, #tpu.memory_space<vmem>>) offsets(%dma_start3A_524 : memref<128xi32, #tpu.memory_space<vmem>>) semaphore(%arg12 : memref<!tpu.dma_semaphore, #tpu.memory_space<semaphore_mem>>)
      %dma_wait3A_528 = arith.constant 0 : i32
      %dma_wait3A_529 = arith.constant 0 : i32
      %dma_wait3A_530 = arith.constant 0 : i32
      %dma_wait3A_531 = tpu.memref_slice %arg9[%rem3A_482, %dma_wait3A_529, %dma_wait3A_530] : memref<2x128x128xf32, #tpu.memory_space<vmem>> -> memref<1x128x128xf32, #tpu.memory_space<vmem>>
      %dma_wait3A_532 = tpu.memref_squeeze %dma_wait3A_531 : memref<1x128x128xf32, #tpu.memory_space<vmem>> -> memref<128x128xf32, #tpu.memory_space<vmem>>
      %dma_wait3A_533 = arith.constant 0 : i32
      %dma_wait3A_534 = tpu.memref_slice %arg8[%rem3A_488, %dma_wait3A_528, %dma_wait3A_533] : memref<3x2x128xi32, #tpu.memory_space<vmem>> -> memref<1x1x128xi32, #tpu.memory_space<vmem>>
      %dma_wait3A_535 = tpu.memref_squeeze %dma_wait3A_534 : memref<1x1x128xi32, #tpu.memory_space<vmem>> -> memref<128xi32, #tpu.memory_space<vmem>>
      %dma_wait3A_536 = arith.constant 0 : i32
      %dma_wait3A_537 = arith.constant 0 : i32
      %dma_wait3A_538 = tpu.memref_slice %arg5[%dma_wait3A_536, %dma_wait3A_537] : memref<10000x128xf32, #tpu.memory_space<hbm>> -> memref<10000x128xf32, #tpu.memory_space<hbm>>
      tpu.wait_indirect_dma semaphore(%arg12 : memref<!tpu.dma_semaphore, #tpu.memory_space<semaphore_mem>>) src(%dma_wait3A_538 : memref<10000x128xf32, #tpu.memory_space<hbm>>) dst(%dma_wait3A_532 : memref<128x128xf32, #tpu.memory_space<vmem>>)
      %rem3A_539 = arith.constant 3 : i32
      %rem3A_540 = arith.remsi %while3A_480, %rem3A_539 : i32
      %run_scoped3A_541 = arith.constant 1 : i32
      "tpu.region"() ({
        %run_scoped3A_542 = tpu.sem_alloc : memref<!tpu.dma_semaphore, #tpu.memory_space<semaphore_mem>>
        %dma_start3A_543 = arith.constant 0 : i32
        %dma_start3A_544 = arith.constant 0 : i32
        %dma_start3A_545 = tpu.memref_slice %arg9[%rem3A_482, %dma_start3A_543, %dma_start3A_544] : memref<2x128x128xf32, #tpu.memory_space<vmem>> -> memref<1x128x128xf32, #tpu.memory_space<vmem>>
        %dma_start3A_546 = tpu.memref_squeeze %dma_start3A_545 : memref<1x128x128xf32, #tpu.memory_space<vmem>> -> memref<128x128xf32, #tpu.memory_space<vmem>>
        %dma_start3A_547 = arith.constant 0 : i32
        %dma_start3A_548 = tpu.memref_slice %arg8[%rem3A_540, %run_scoped3A_541, %dma_start3A_547] : memref<3x2x128xi32, #tpu.memory_space<vmem>> -> memref<1x1x128xi32, #tpu.memory_space<vmem>>
        %dma_start3A_549 = tpu.memref_squeeze %dma_start3A_548 : memref<1x1x128xi32, #tpu.memory_space<vmem>> -> memref<128xi32, #tpu.memory_space<vmem>>
        %dma_start3A_550 = arith.constant 0 : i32
        %dma_start3A_551 = arith.constant 0 : i32
        %dma_start3A_552 = tpu.memref_slice %arg14[%dma_start3A_550, %dma_start3A_551] : memref<10240x128xf32, #tpu.memory_space<vmem_shared>> -> memref<10240x128xf32, #tpu.memory_space<vmem_shared>>
        tpu.enqueue_indirect_dma source(%dma_start3A_546 : memref<128x128xf32, #tpu.memory_space<vmem>>) target(%dma_start3A_552 : memref<10240x128xf32, #tpu.memory_space<vmem_shared>>) offsets(%dma_start3A_549 : memref<128xi32, #tpu.memory_space<vmem>>) semaphore(%run_scoped3A_542 : memref<!tpu.dma_semaphore, #tpu.memory_space<semaphore_mem>>) {add = true}
        %dma_wait3A_553 = arith.constant 0 : i32
        %dma_wait3A_554 = arith.constant 0 : i32
        %dma_wait3A_555 = tpu.memref_slice %arg9[%rem3A_482, %dma_wait3A_553, %dma_wait3A_554] : memref<2x128x128xf32, #tpu.memory_space<vmem>> -> memref<1x128x128xf32, #tpu.memory_space<vmem>>
        %dma_wait3A_556 = tpu.memref_squeeze %dma_wait3A_555 : memref<1x128x128xf32, #tpu.memory_space<vmem>> -> memref<128x128xf32, #tpu.memory_space<vmem>>
        %dma_wait3A_557 = arith.constant 0 : i32
        %dma_wait3A_558 = tpu.memref_slice %arg8[%rem3A_540, %run_scoped3A_541, %dma_wait3A_557] : memref<3x2x128xi32, #tpu.memory_space<vmem>> -> memref<1x1x128xi32, #tpu.memory_space<vmem>>
        %dma_wait3A_559 = tpu.memref_squeeze %dma_wait3A_558 : memref<1x1x128xi32, #tpu.memory_space<vmem>> -> memref<128xi32, #tpu.memory_space<vmem>>
        %dma_wait3A_560 = arith.constant 0 : i32
        %dma_wait3A_561 = arith.constant 0 : i32
        %dma_wait3A_562 = tpu.memref_slice %arg14[%dma_wait3A_560, %dma_wait3A_561] : memref<10240x128xf32, #tpu.memory_space<vmem_shared>> -> memref<10240x128xf32, #tpu.memory_space<vmem_shared>>
        tpu.wait_indirect_dma semaphore(%run_scoped3A_542 : memref<!tpu.dma_semaphore, #tpu.memory_space<semaphore_mem>>) src(%dma_wait3A_556 : memref<128x128xf32, #tpu.memory_space<vmem>>) dst(%dma_wait3A_562 : memref<10240x128xf32, #tpu.memory_space<vmem_shared>>)
        tpu.yield
      }) : () -> ()
    }
    %sub3A_455 = arith.constant 1 : i32
    %sub3A_456 = arith.subi %select_n3A_404, %sub3A_455 : i32
    %rem3A_457 = arith.constant 2 : i32
    %rem3A_458 = arith.remsi %sub3A_456, %rem3A_457 : i32
    %rem3A_459 = arith.constant 3 : i32
    %rem3A_460 = arith.remsi %sub3A_456, %rem3A_459 : i32
    %dma_wait3A_461 = arith.constant 0 : i32
    %dma_wait3A_462 = arith.constant 0 : i32
    %dma_wait3A_463 = arith.constant 0 : i32
    %dma_wait3A_464 = tpu.memref_slice %arg9[%rem3A_458, %dma_wait3A_462, %dma_wait3A_463] : memref<2x128x128xf32, #tpu.memory_space<vmem>> -> memref<1x128x128xf32, #tpu.memory_space<vmem>>
    %dma_wait3A_465 = tpu.memref_squeeze %dma_wait3A_464 : memref<1x128x128xf32, #tpu.memory_space<vmem>> -> memref<128x128xf32, #tpu.memory_space<vmem>>
    %dma_wait3A_466 = arith.constant 0 : i32
    %dma_wait3A_467 = tpu.memref_slice %arg8[%rem3A_460, %dma_wait3A_461, %dma_wait3A_466] : memref<3x2x128xi32, #tpu.memory_space<vmem>> -> memref<1x1x128xi32, #tpu.memory_space<vmem>>
    %dma_wait3A_468 = tpu.memref_squeeze %dma_wait3A_467 : memref<1x1x128xi32, #tpu.memory_space<vmem>> -> memref<128xi32, #tpu.memory_space<vmem>>
    %dma_wait3A_469 = arith.constant 0 : i32
    %dma_wait3A_470 = arith.constant 0 : i32
    %dma_wait3A_471 = tpu.memref_slice %arg5[%dma_wait3A_469, %dma_wait3A_470] : memref<10000x128xf32, #tpu.memory_space<hbm>> -> memref<10000x128xf32, #tpu.memory_space<hbm>>
    tpu.wait_indirect_dma semaphore(%arg12 : memref<!tpu.dma_semaphore, #tpu.memory_space<semaphore_mem>>) src(%dma_wait3A_471 : memref<10000x128xf32, #tpu.memory_space<hbm>>) dst(%dma_wait3A_465 : memref<128x128xf32, #tpu.memory_space<vmem>>)
    %run_scoped3A_472 = arith.constant 1 : i32
    "tpu.region"() ({
      %run_scoped3A_480 = tpu.sem_alloc : memref<!tpu.dma_semaphore, #tpu.memory_space<semaphore_mem>>
      %dma_start3A_481 = arith.constant 0 : i32
      %dma_start3A_482 = arith.constant 0 : i32
      %dma_start3A_483 = tpu.memref_slice %arg9[%rem3A_458, %dma_start3A_481, %dma_start3A_482] : memref<2x128x128xf32, #tpu.memory_space<vmem>> -> memref<1x128x128xf32, #tpu.memory_space<vmem>>
      %dma_start3A_484 = tpu.memref_squeeze %dma_start3A_483 : memref<1x128x128xf32, #tpu.memory_space<vmem>> -> memref<128x128xf32, #tpu.memory_space<vmem>>
      %dma_start3A_485 = arith.constant 0 : i32
      %dma_start3A_486 = tpu.memref_slice %arg8[%rem3A_460, %run_scoped3A_472, %dma_start3A_485] : memref<3x2x128xi32, #tpu.memory_space<vmem>> -> memref<1x1x128xi32, #tpu.memory_space<vmem>>
      %dma_start3A_487 = tpu.memref_squeeze %dma_start3A_486 : memref<1x1x128xi32, #tpu.memory_space<vmem>> -> memref<128xi32, #tpu.memory_space<vmem>>
      %dma_start3A_488 = arith.constant 0 : i32
      %dma_start3A_489 = arith.constant 0 : i32
      %dma_start3A_490 = tpu.memref_slice %arg14[%dma_start3A_488, %dma_start3A_489] : memref<10240x128xf32, #tpu.memory_space<vmem_shared>> -> memref<10240x128xf32, #tpu.memory_space<vmem_shared>>
      tpu.enqueue_indirect_dma source(%dma_start3A_484 : memref<128x128xf32, #tpu.memory_space<vmem>>) target(%dma_start3A_490 : memref<10240x128xf32, #tpu.memory_space<vmem_shared>>) offsets(%dma_start3A_487 : memref<128xi32, #tpu.memory_space<vmem>>) semaphore(%run_scoped3A_480 : memref<!tpu.dma_semaphore, #tpu.memory_space<semaphore_mem>>) {add = true}
      %dma_wait3A_491 = arith.constant 0 : i32
      %dma_wait3A_492 = arith.constant 0 : i32
      %dma_wait3A_493 = tpu.memref_slice %arg9[%rem3A_458, %dma_wait3A_491, %dma_wait3A_492] : memref<2x128x128xf32, #tpu.memory_space<vmem>> -> memref<1x128x128xf32, #tpu.memory_space<vmem>>
      %dma_wait3A_494 = tpu.memref_squeeze %dma_wait3A_493 : memref<1x128x128xf32, #tpu.memory_space<vmem>> -> memref<128x128xf32, #tpu.memory_space<vmem>>
      %dma_wait3A_495 = arith.constant 0 : i32
      %dma_wait3A_496 = tpu.memref_slice %arg8[%rem3A_460, %run_scoped3A_472, %dma_wait3A_495] : memref<3x2x128xi32, #tpu.memory_space<vmem>> -> memref<1x1x128xi32, #tpu.memory_space<vmem>>
      %dma_wait3A_497 = tpu.memref_squeeze %dma_wait3A_496 : memref<1x1x128xi32, #tpu.memory_space<vmem>> -> memref<128xi32, #tpu.memory_space<vmem>>
      %dma_wait3A_498 = arith.constant 0 : i32
      %dma_wait3A_499 = arith.constant 0 : i32
      %dma_wait3A_500 = tpu.memref_slice %arg14[%dma_wait3A_498, %dma_wait3A_499] : memref<10240x128xf32, #tpu.memory_space<vmem_shared>> -> memref<10240x128xf32, #tpu.memory_space<vmem_shared>>
      tpu.wait_indirect_dma semaphore(%run_scoped3A_480 : memref<!tpu.dma_semaphore, #tpu.memory_space<semaphore_mem>>) src(%dma_wait3A_494 : memref<128x128xf32, #tpu.memory_space<vmem>>) dst(%dma_wait3A_500 : memref<10240x128xf32, #tpu.memory_space<vmem_shared>>)
      tpu.yield
    }) : () -> ()
    %barrier3A_473 = arith.constant 0 : index
    tpu.barrier barrier_id(%barrier3A_473)
    %mul3A_474 = arith.constant 640 : i32
    %mul3A_475 = arith.muli %arg1, %mul3A_474 : i32
    %mul3A_476 = arith.constant 640 : i32
    %mul3A_477 = arith.muli %arg1, %mul3A_476 : i32
    %run_scoped3A_478 = arith.constant 3 : i32
    "tpu.region"() ({
      %run_scoped3A_480 = tpu.sem_alloc : memref<!tpu.dma_semaphore, #tpu.memory_space<semaphore_mem>>
      %dma_start3A_481 = arith.constant 0 : i32
      %dma_start3A_482 = tpu.memref_slice %arg7[%run_scoped3A_478, %arg0, %mul3A_477, %dma_start3A_481] : memref<4x2x10240x128xf32, #tpu.memory_space<hbm>> -> memref<1x1x640x128xf32, #tpu.memory_space<hbm>>
      %dma_start3A_483 = tpu.memref_squeeze %dma_start3A_482 : memref<1x1x640x128xf32, #tpu.memory_space<hbm>> -> memref<640x128xf32, #tpu.memory_space<hbm>>
      %dma_start3A_484 = arith.constant 0 : i32
      %dma_start3A_485 = tpu.memref_slice %arg14[%mul3A_475, %dma_start3A_484] : memref<10240x128xf32, #tpu.memory_space<vmem_shared>> -> memref<640x128xf32, #tpu.memory_space<vmem_shared>>
      tpu.enqueue_dma source(%dma_start3A_485 : memref<640x128xf32, #tpu.memory_space<vmem_shared>>) target(%dma_start3A_483 : memref<640x128xf32, #tpu.memory_space<hbm>>) target_semaphore(%run_scoped3A_480 : memref<!tpu.dma_semaphore, #tpu.memory_space<semaphore_mem>>)
      %dma_wait3A_486 = arith.constant 0 : i32
      %dma_wait3A_487 = tpu.memref_slice %arg7[%run_scoped3A_478, %arg0, %mul3A_477, %dma_wait3A_486] : memref<4x2x10240x128xf32, #tpu.memory_space<hbm>> -> memref<1x1x640x128xf32, #tpu.memory_space<hbm>>
      %dma_wait3A_488 = tpu.memref_squeeze %dma_wait3A_487 : memref<1x1x640x128xf32, #tpu.memory_space<hbm>> -> memref<640x128xf32, #tpu.memory_space<hbm>>
      %dma_wait3A_489 = arith.constant 0 : i32
      %dma_wait3A_490 = tpu.memref_slice %arg14[%mul3A_475, %dma_wait3A_489] : memref<10240x128xf32, #tpu.memory_space<vmem_shared>> -> memref<640x128xf32, #tpu.memory_space<vmem_shared>>
      tpu.wait_dma2 semaphore(%run_scoped3A_480 : memref<!tpu.dma_semaphore, #tpu.memory_space<semaphore_mem>>) src(%dma_wait3A_490 : memref<640x128xf32, #tpu.memory_space<vmem_shared>>) dst(%dma_wait3A_488 : memref<640x128xf32, #tpu.memory_space<hbm>>)
      tpu.yield
    }) : () -> ()
    %barrier3A_479 = arith.constant 0 : index
    tpu.barrier barrier_id(%barrier3A_479)
    return
  }
}

#map = affine_map<(d0, d1) -> (0, 0, 0)>
#map1 = affine_map<(d0, d1) -> (0, 0)>
module attributes {stable_mosaic.version = 14 : i64} {
  func.func @_deg_body(%arg0: i32, %arg1: i32, %arg2: memref<2528x2x128xi32, #tpu.memory_space<hbm>>, %arg3: memref<2x10240xf32, #tpu.memory_space<hbm>>, %arg4: memref<79x2x128xi32, #tpu.memory_space<vmem>>, %arg5: memref<128xf32, #tpu.memory_space<vmem>>, %arg6: memref<640xf32, #tpu.memory_space<vmem>>, %arg7: memref<!tpu.dma_semaphore, #tpu.memory_space<semaphore_mem>>, %arg8: memref<10240xf32, #tpu.memory_space<vmem_shared>>) attributes {dimension_semantics = [#tpu.dimension_semantics<core_parallel>, #tpu.dimension_semantics<subcore_parallel>], iteration_bounds = array<i64: 2, 16>, scalar_prefetch = 0 : i64, scratch_operands = 5 : i64, tpu.core_type = #tpu.core_type<sc_vector_subcore>, window_params = [{transform_indices = #map}, {transform_indices = #map1}]} {
    %mul3A = arith.constant 16 : i32
    %mul3A_0 = arith.muli %arg0, %mul3A : i32
    %add3A = arith.addi %mul3A_0, %arg1 : i32
    %broadcast_in_dim3A = arith.constant 1.000000e+00 : f32
    %broadcast_in_dim3A_1 = vector.broadcast %broadcast_in_dim3A : f32 to vector<16xf32>
    %swap3A = arith.constant 0 : index
    %swap3A_2 = tpu.vector_load %arg5[%swap3A] {strides = array<i32>} : memref<128xf32, #tpu.memory_space<vmem>>, vector<16xf32>,
    %swap3A_3 = vector.shape_cast %swap3A_2 : vector<16xf32> to vector<16xf32>
    %swap3A_4 = vector.shape_cast %broadcast_in_dim3A_1 : vector<16xf32> to vector<16xf32>
    tpu.vector_store %arg5[%swap3A], %swap3A_4 {strides = array<i32>} : memref<128xf32, #tpu.memory_space<vmem>>, vector<16xf32>,
    %broadcast_in_dim3A_5 = arith.constant 1.000000e+00 : f32
    %broadcast_in_dim3A_6 = vector.broadcast %broadcast_in_dim3A_5 : f32 to vector<16xf32>
    %swap3A_7 = arith.constant 16 : index
    %swap3A_8 = tpu.vector_load %arg5[%swap3A_7] {strides = array<i32>} : memref<128xf32, #tpu.memory_space<vmem>>, vector<16xf32>,
    %swap3A_9 = vector.shape_cast %swap3A_8 : vector<16xf32> to vector<16xf32>
    %swap3A_10 = vector.shape_cast %broadcast_in_dim3A_6 : vector<16xf32> to vector<16xf32>
    tpu.vector_store %arg5[%swap3A_7], %swap3A_10 {strides = array<i32>} : memref<128xf32, #tpu.memory_space<vmem>>, vector<16xf32>,
    %broadcast_in_dim3A_11 = arith.constant 1.000000e+00 : f32
    %broadcast_in_dim3A_12 = vector.broadcast %broadcast_in_dim3A_11 : f32 to vector<16xf32>
    %swap3A_13 = arith.constant 32 : index
    %swap3A_14 = tpu.vector_load %arg5[%swap3A_13] {strides = array<i32>} : memref<128xf32, #tpu.memory_space<vmem>>, vector<16xf32>,
    %swap3A_15 = vector.shape_cast %swap3A_14 : vector<16xf32> to vector<16xf32>
    %swap3A_16 = vector.shape_cast %broadcast_in_dim3A_12 : vector<16xf32> to vector<16xf32>
    tpu.vector_store %arg5[%swap3A_13], %swap3A_16 {strides = array<i32>} : memref<128xf32, #tpu.memory_space<vmem>>, vector<16xf32>,
    %broadcast_in_dim3A_17 = arith.constant 1.000000e+00 : f32
    %broadcast_in_dim3A_18 = vector.broadcast %broadcast_in_dim3A_17 : f32 to vector<16xf32>
    %swap3A_19 = arith.constant 48 : index
    %swap3A_20 = tpu.vector_load %arg5[%swap3A_19] {strides = array<i32>} : memref<128xf32, #tpu.memory_space<vmem>>, vector<16xf32>,
    %swap3A_21 = vector.shape_cast %swap3A_20 : vector<16xf32> to vector<16xf32>
    %swap3A_22 = vector.shape_cast %broadcast_in_dim3A_18 : vector<16xf32> to vector<16xf32>
    tpu.vector_store %arg5[%swap3A_19], %swap3A_22 {strides = array<i32>} : memref<128xf32, #tpu.memory_space<vmem>>, vector<16xf32>,
    %broadcast_in_dim3A_23 = arith.constant 1.000000e+00 : f32
    %broadcast_in_dim3A_24 = vector.broadcast %broadcast_in_dim3A_23 : f32 to vector<16xf32>
    %swap3A_25 = arith.constant 64 : index
    %swap3A_26 = tpu.vector_load %arg5[%swap3A_25] {strides = array<i32>} : memref<128xf32, #tpu.memory_space<vmem>>, vector<16xf32>,
    %swap3A_27 = vector.shape_cast %swap3A_26 : vector<16xf32> to vector<16xf32>
    %swap3A_28 = vector.shape_cast %broadcast_in_dim3A_24 : vector<16xf32> to vector<16xf32>
    tpu.vector_store %arg5[%swap3A_25], %swap3A_28 {strides = array<i32>} : memref<128xf32, #tpu.memory_space<vmem>>, vector<16xf32>,
    %broadcast_in_dim3A_29 = arith.constant 1.000000e+00 : f32
    %broadcast_in_dim3A_30 = vector.broadcast %broadcast_in_dim3A_29 : f32 to vector<16xf32>
    %swap3A_31 = arith.constant 80 : index
    %swap3A_32 = tpu.vector_load %arg5[%swap3A_31] {strides = array<i32>} : memref<128xf32, #tpu.memory_space<vmem>>, vector<16xf32>,
    %swap3A_33 = vector.shape_cast %swap3A_32 : vector<16xf32> to vector<16xf32>
    %swap3A_34 = vector.shape_cast %broadcast_in_dim3A_30 : vector<16xf32> to vector<16xf32>
    tpu.vector_store %arg5[%swap3A_31], %swap3A_34 {strides = array<i32>} : memref<128xf32, #tpu.memory_space<vmem>>, vector<16xf32>,
    %broadcast_in_dim3A_35 = arith.constant 1.000000e+00 : f32
    %broadcast_in_dim3A_36 = vector.broadcast %broadcast_in_dim3A_35 : f32 to vector<16xf32>
    %swap3A_37 = arith.constant 96 : index
    %swap3A_38 = tpu.vector_load %arg5[%swap3A_37] {strides = array<i32>} : memref<128xf32, #tpu.memory_space<vmem>>, vector<16xf32>,
    %swap3A_39 = vector.shape_cast %swap3A_38 : vector<16xf32> to vector<16xf32>
    %swap3A_40 = vector.shape_cast %broadcast_in_dim3A_36 : vector<16xf32> to vector<16xf32>
    tpu.vector_store %arg5[%swap3A_37], %swap3A_40 {strides = array<i32>} : memref<128xf32, #tpu.memory_space<vmem>>, vector<16xf32>,
    %broadcast_in_dim3A_41 = arith.constant 1.000000e+00 : f32
    %broadcast_in_dim3A_42 = vector.broadcast %broadcast_in_dim3A_41 : f32 to vector<16xf32>
    %swap3A_43 = arith.constant 112 : index
    %swap3A_44 = tpu.vector_load %arg5[%swap3A_43] {strides = array<i32>} : memref<128xf32, #tpu.memory_space<vmem>>, vector<16xf32>,
    %swap3A_45 = vector.shape_cast %swap3A_44 : vector<16xf32> to vector<16xf32>
    %swap3A_46 = vector.shape_cast %broadcast_in_dim3A_42 : vector<16xf32> to vector<16xf32>
    tpu.vector_store %arg5[%swap3A_43], %swap3A_46 {strides = array<i32>} : memref<128xf32, #tpu.memory_space<vmem>>, vector<16xf32>,
    %broadcast_in_dim3A_47 = arith.constant 0.000000e+00 : f32
    %broadcast_in_dim3A_48 = vector.broadcast %broadcast_in_dim3A_47 : f32 to vector<16xf32>
    %swap3A_49 = arith.constant 0 : index
    %swap3A_50 = tpu.vector_load %arg6[%swap3A_49] {strides = array<i32>} : memref<640xf32, #tpu.memory_space<vmem>>, vector<16xf32>,
    %swap3A_51 = vector.shape_cast %swap3A_50 : vector<16xf32> to vector<16xf32>
    %swap3A_52 = vector.shape_cast %broadcast_in_dim3A_48 : vector<16xf32> to vector<16xf32>
    tpu.vector_store %arg6[%swap3A_49], %swap3A_52 {strides = array<i32>} : memref<640xf32, #tpu.memory_space<vmem>>, vector<16xf32>,
    %broadcast_in_dim3A_53 = arith.constant 0.000000e+00 : f32
    %broadcast_in_dim3A_54 = vector.broadcast %broadcast_in_dim3A_53 : f32 to vector<16xf32>
    %swap3A_55 = arith.constant 16 : index
    %swap3A_56 = tpu.vector_load %arg6[%swap3A_55] {strides = array<i32>} : memref<640xf32, #tpu.memory_space<vmem>>, vector<16xf32>,
    %swap3A_57 = vector.shape_cast %swap3A_56 : vector<16xf32> to vector<16xf32>
    %swap3A_58 = vector.shape_cast %broadcast_in_dim3A_54 : vector<16xf32> to vector<16xf32>
    tpu.vector_store %arg6[%swap3A_55], %swap3A_58 {strides = array<i32>} : memref<640xf32, #tpu.memory_space<vmem>>, vector<16xf32>,
    %broadcast_in_dim3A_59 = arith.constant 0.000000e+00 : f32
    %broadcast_in_dim3A_60 = vector.broadcast %broadcast_in_dim3A_59 : f32 to vector<16xf32>
    %swap3A_61 = arith.constant 32 : index
    %swap3A_62 = tpu.vector_load %arg6[%swap3A_61] {strides = array<i32>} : memref<640xf32, #tpu.memory_space<vmem>>, vector<16xf32>,
    %swap3A_63 = vector.shape_cast %swap3A_62 : vector<16xf32> to vector<16xf32>
    %swap3A_64 = vector.shape_cast %broadcast_in_dim3A_60 : vector<16xf32> to vector<16xf32>
    tpu.vector_store %arg6[%swap3A_61], %swap3A_64 {strides = array<i32>} : memref<640xf32, #tpu.memory_space<vmem>>, vector<16xf32>,
    %broadcast_in_dim3A_65 = arith.constant 0.000000e+00 : f32
    %broadcast_in_dim3A_66 = vector.broadcast %broadcast_in_dim3A_65 : f32 to vector<16xf32>
    %swap3A_67 = arith.constant 48 : index
    %swap3A_68 = tpu.vector_load %arg6[%swap3A_67] {strides = array<i32>} : memref<640xf32, #tpu.memory_space<vmem>>, vector<16xf32>,
    %swap3A_69 = vector.shape_cast %swap3A_68 : vector<16xf32> to vector<16xf32>
    %swap3A_70 = vector.shape_cast %broadcast_in_dim3A_66 : vector<16xf32> to vector<16xf32>
    tpu.vector_store %arg6[%swap3A_67], %swap3A_70 {strides = array<i32>} : memref<640xf32, #tpu.memory_space<vmem>>, vector<16xf32>,
    %broadcast_in_dim3A_71 = arith.constant 0.000000e+00 : f32
    %broadcast_in_dim3A_72 = vector.broadcast %broadcast_in_dim3A_71 : f32 to vector<16xf32>
    %swap3A_73 = arith.constant 64 : index
    %swap3A_74 = tpu.vector_load %arg6[%swap3A_73] {strides = array<i32>} : memref<640xf32, #tpu.memory_space<vmem>>, vector<16xf32>,
    %swap3A_75 = vector.shape_cast %swap3A_74 : vector<16xf32> to vector<16xf32>
    %swap3A_76 = vector.shape_cast %broadcast_in_dim3A_72 : vector<16xf32> to vector<16xf32>
    tpu.vector_store %arg6[%swap3A_73], %swap3A_76 {strides = array<i32>} : memref<640xf32, #tpu.memory_space<vmem>>, vector<16xf32>,
    %broadcast_in_dim3A_77 = arith.constant 0.000000e+00 : f32
    %broadcast_in_dim3A_78 = vector.broadcast %broadcast_in_dim3A_77 : f32 to vector<16xf32>
    %swap3A_79 = arith.constant 80 : index
    %swap3A_80 = tpu.vector_load %arg6[%swap3A_79] {strides = array<i32>} : memref<640xf32, #tpu.memory_space<vmem>>, vector<16xf32>,
    %swap3A_81 = vector.shape_cast %swap3A_80 : vector<16xf32> to vector<16xf32>
    %swap3A_82 = vector.shape_cast %broadcast_in_dim3A_78 : vector<16xf32> to vector<16xf32>
    tpu.vector_store %arg6[%swap3A_79], %swap3A_82 {strides = array<i32>} : memref<640xf32, #tpu.memory_space<vmem>>, vector<16xf32>,
    %broadcast_in_dim3A_83 = arith.constant 0.000000e+00 : f32
    %broadcast_in_dim3A_84 = vector.broadcast %broadcast_in_dim3A_83 : f32 to vector<16xf32>
    %swap3A_85 = arith.constant 96 : index
    %swap3A_86 = tpu.vector_load %arg6[%swap3A_85] {strides = array<i32>} : memref<640xf32, #tpu.memory_space<vmem>>, vector<16xf32>,
    %swap3A_87 = vector.shape_cast %swap3A_86 : vector<16xf32> to vector<16xf32>
    %swap3A_88 = vector.shape_cast %broadcast_in_dim3A_84 : vector<16xf32> to vector<16xf32>
    tpu.vector_store %arg6[%swap3A_85], %swap3A_88 {strides = array<i32>} : memref<640xf32, #tpu.memory_space<vmem>>, vector<16xf32>,
    %broadcast_in_dim3A_89 = arith.constant 0.000000e+00 : f32
    %broadcast_in_dim3A_90 = vector.broadcast %broadcast_in_dim3A_89 : f32 to vector<16xf32>
    %swap3A_91 = arith.constant 112 : index
    %swap3A_92 = tpu.vector_load %arg6[%swap3A_91] {strides = array<i32>} : memref<640xf32, #tpu.memory_space<vmem>>, vector<16xf32>,
    %swap3A_93 = vector.shape_cast %swap3A_92 : vector<16xf32> to vector<16xf32>
    %swap3A_94 = vector.shape_cast %broadcast_in_dim3A_90 : vector<16xf32> to vector<16xf32>
    tpu.vector_store %arg6[%swap3A_91], %swap3A_94 {strides = array<i32>} : memref<640xf32, #tpu.memory_space<vmem>>, vector<16xf32>,
    %broadcast_in_dim3A_95 = arith.constant 0.000000e+00 : f32
    %broadcast_in_dim3A_96 = vector.broadcast %broadcast_in_dim3A_95 : f32 to vector<16xf32>
    %swap3A_97 = arith.constant 128 : index
    %swap3A_98 = tpu.vector_load %arg6[%swap3A_97] {strides = array<i32>} : memref<640xf32, #tpu.memory_space<vmem>>, vector<16xf32>,
    %swap3A_99 = vector.shape_cast %swap3A_98 : vector<16xf32> to vector<16xf32>
    %swap3A_100 = vector.shape_cast %broadcast_in_dim3A_96 : vector<16xf32> to vector<16xf32>
    tpu.vector_store %arg6[%swap3A_97], %swap3A_100 {strides = array<i32>} : memref<640xf32, #tpu.memory_space<vmem>>, vector<16xf32>,
    %broadcast_in_dim3A_101 = arith.constant 0.000000e+00 : f32
    %broadcast_in_dim3A_102 = vector.broadcast %broadcast_in_dim3A_101 : f32 to vector<16xf32>
    %swap3A_103 = arith.constant 144 : index
    %swap3A_104 = tpu.vector_load %arg6[%swap3A_103] {strides = array<i32>} : memref<640xf32, #tpu.memory_space<vmem>>, vector<16xf32>,
    %swap3A_105 = vector.shape_cast %swap3A_104 : vector<16xf32> to vector<16xf32>
    %swap3A_106 = vector.shape_cast %broadcast_in_dim3A_102 : vector<16xf32> to vector<16xf32>
    tpu.vector_store %arg6[%swap3A_103], %swap3A_106 {strides = array<i32>} : memref<640xf32, #tpu.memory_space<vmem>>, vector<16xf32>,
    %broadcast_in_dim3A_107 = arith.constant 0.000000e+00 : f32
    %broadcast_in_dim3A_108 = vector.broadcast %broadcast_in_dim3A_107 : f32 to vector<16xf32>
    %swap3A_109 = arith.constant 160 : index
    %swap3A_110 = tpu.vector_load %arg6[%swap3A_109] {strides = array<i32>} : memref<640xf32, #tpu.memory_space<vmem>>, vector<16xf32>,
    %swap3A_111 = vector.shape_cast %swap3A_110 : vector<16xf32> to vector<16xf32>
    %swap3A_112 = vector.shape_cast %broadcast_in_dim3A_108 : vector<16xf32> to vector<16xf32>
    tpu.vector_store %arg6[%swap3A_109], %swap3A_112 {strides = array<i32>} : memref<640xf32, #tpu.memory_space<vmem>>, vector<16xf32>,
    %broadcast_in_dim3A_113 = arith.constant 0.000000e+00 : f32
    %broadcast_in_dim3A_114 = vector.broadcast %broadcast_in_dim3A_113 : f32 to vector<16xf32>
    %swap3A_115 = arith.constant 176 : index
    %swap3A_116 = tpu.vector_load %arg6[%swap3A_115] {strides = array<i32>} : memref<640xf32, #tpu.memory_space<vmem>>, vector<16xf32>,
    %swap3A_117 = vector.shape_cast %swap3A_116 : vector<16xf32> to vector<16xf32>
    %swap3A_118 = vector.shape_cast %broadcast_in_dim3A_114 : vector<16xf32> to vector<16xf32>
    tpu.vector_store %arg6[%swap3A_115], %swap3A_118 {strides = array<i32>} : memref<640xf32, #tpu.memory_space<vmem>>, vector<16xf32>,
    %broadcast_in_dim3A_119 = arith.constant 0.000000e+00 : f32
    %broadcast_in_dim3A_120 = vector.broadcast %broadcast_in_dim3A_119 : f32 to vector<16xf32>
    %swap3A_121 = arith.constant 192 : index
    %swap3A_122 = tpu.vector_load %arg6[%swap3A_121] {strides = array<i32>} : memref<640xf32, #tpu.memory_space<vmem>>, vector<16xf32>,
    %swap3A_123 = vector.shape_cast %swap3A_122 : vector<16xf32> to vector<16xf32>
    %swap3A_124 = vector.shape_cast %broadcast_in_dim3A_120 : vector<16xf32> to vector<16xf32>
    tpu.vector_store %arg6[%swap3A_121], %swap3A_124 {strides = array<i32>} : memref<640xf32, #tpu.memory_space<vmem>>, vector<16xf32>,
    %broadcast_in_dim3A_125 = arith.constant 0.000000e+00 : f32
    %broadcast_in_dim3A_126 = vector.broadcast %broadcast_in_dim3A_125 : f32 to vector<16xf32>
    %swap3A_127 = arith.constant 208 : index
    %swap3A_128 = tpu.vector_load %arg6[%swap3A_127] {strides = array<i32>} : memref<640xf32, #tpu.memory_space<vmem>>, vector<16xf32>,
    %swap3A_129 = vector.shape_cast %swap3A_128 : vector<16xf32> to vector<16xf32>
    %swap3A_130 = vector.shape_cast %broadcast_in_dim3A_126 : vector<16xf32> to vector<16xf32>
    tpu.vector_store %arg6[%swap3A_127], %swap3A_130 {strides = array<i32>} : memref<640xf32, #tpu.memory_space<vmem>>, vector<16xf32>,
    %broadcast_in_dim3A_131 = arith.constant 0.000000e+00 : f32
    %broadcast_in_dim3A_132 = vector.broadcast %broadcast_in_dim3A_131 : f32 to vector<16xf32>
    %swap3A_133 = arith.constant 224 : index
    %swap3A_134 = tpu.vector_load %arg6[%swap3A_133] {strides = array<i32>} : memref<640xf32, #tpu.memory_space<vmem>>, vector<16xf32>,
    %swap3A_135 = vector.shape_cast %swap3A_134 : vector<16xf32> to vector<16xf32>
    %swap3A_136 = vector.shape_cast %broadcast_in_dim3A_132 : vector<16xf32> to vector<16xf32>
    tpu.vector_store %arg6[%swap3A_133], %swap3A_136 {strides = array<i32>} : memref<640xf32, #tpu.memory_space<vmem>>, vector<16xf32>,
    %broadcast_in_dim3A_137 = arith.constant 0.000000e+00 : f32
    %broadcast_in_dim3A_138 = vector.broadcast %broadcast_in_dim3A_137 : f32 to vector<16xf32>
    %swap3A_139 = arith.constant 240 : index
    %swap3A_140 = tpu.vector_load %arg6[%swap3A_139] {strides = array<i32>} : memref<640xf32, #tpu.memory_space<vmem>>, vector<16xf32>,
    %swap3A_141 = vector.shape_cast %swap3A_140 : vector<16xf32> to vector<16xf32>
    %swap3A_142 = vector.shape_cast %broadcast_in_dim3A_138 : vector<16xf32> to vector<16xf32>
    tpu.vector_store %arg6[%swap3A_139], %swap3A_142 {strides = array<i32>} : memref<640xf32, #tpu.memory_space<vmem>>, vector<16xf32>,
    %broadcast_in_dim3A_143 = arith.constant 0.000000e+00 : f32
    %broadcast_in_dim3A_144 = vector.broadcast %broadcast_in_dim3A_143 : f32 to vector<16xf32>
    %swap3A_145 = arith.constant 256 : index
    %swap3A_146 = tpu.vector_load %arg6[%swap3A_145] {strides = array<i32>} : memref<640xf32, #tpu.memory_space<vmem>>, vector<16xf32>,
    %swap3A_147 = vector.shape_cast %swap3A_146 : vector<16xf32> to vector<16xf32>
    %swap3A_148 = vector.shape_cast %broadcast_in_dim3A_144 : vector<16xf32> to vector<16xf32>
    tpu.vector_store %arg6[%swap3A_145], %swap3A_148 {strides = array<i32>} : memref<640xf32, #tpu.memory_space<vmem>>, vector<16xf32>,
    %broadcast_in_dim3A_149 = arith.constant 0.000000e+00 : f32
    %broadcast_in_dim3A_150 = vector.broadcast %broadcast_in_dim3A_149 : f32 to vector<16xf32>
    %swap3A_151 = arith.constant 272 : index
    %swap3A_152 = tpu.vector_load %arg6[%swap3A_151] {strides = array<i32>} : memref<640xf32, #tpu.memory_space<vmem>>, vector<16xf32>,
    %swap3A_153 = vector.shape_cast %swap3A_152 : vector<16xf32> to vector<16xf32>
    %swap3A_154 = vector.shape_cast %broadcast_in_dim3A_150 : vector<16xf32> to vector<16xf32>
    tpu.vector_store %arg6[%swap3A_151], %swap3A_154 {strides = array<i32>} : memref<640xf32, #tpu.memory_space<vmem>>, vector<16xf32>,
    %broadcast_in_dim3A_155 = arith.constant 0.000000e+00 : f32
    %broadcast_in_dim3A_156 = vector.broadcast %broadcast_in_dim3A_155 : f32 to vector<16xf32>
    %swap3A_157 = arith.constant 288 : index
    %swap3A_158 = tpu.vector_load %arg6[%swap3A_157] {strides = array<i32>} : memref<640xf32, #tpu.memory_space<vmem>>, vector<16xf32>,
    %swap3A_159 = vector.shape_cast %swap3A_158 : vector<16xf32> to vector<16xf32>
    %swap3A_160 = vector.shape_cast %broadcast_in_dim3A_156 : vector<16xf32> to vector<16xf32>
    tpu.vector_store %arg6[%swap3A_157], %swap3A_160 {strides = array<i32>} : memref<640xf32, #tpu.memory_space<vmem>>, vector<16xf32>,
    %broadcast_in_dim3A_161 = arith.constant 0.000000e+00 : f32
    %broadcast_in_dim3A_162 = vector.broadcast %broadcast_in_dim3A_161 : f32 to vector<16xf32>
    %swap3A_163 = arith.constant 304 : index
    %swap3A_164 = tpu.vector_load %arg6[%swap3A_163] {strides = array<i32>} : memref<640xf32, #tpu.memory_space<vmem>>, vector<16xf32>,
    %swap3A_165 = vector.shape_cast %swap3A_164 : vector<16xf32> to vector<16xf32>
    %swap3A_166 = vector.shape_cast %broadcast_in_dim3A_162 : vector<16xf32> to vector<16xf32>
    tpu.vector_store %arg6[%swap3A_163], %swap3A_166 {strides = array<i32>} : memref<640xf32, #tpu.memory_space<vmem>>, vector<16xf32>,
    %broadcast_in_dim3A_167 = arith.constant 0.000000e+00 : f32
    %broadcast_in_dim3A_168 = vector.broadcast %broadcast_in_dim3A_167 : f32 to vector<16xf32>
    %swap3A_169 = arith.constant 320 : index
    %swap3A_170 = tpu.vector_load %arg6[%swap3A_169] {strides = array<i32>} : memref<640xf32, #tpu.memory_space<vmem>>, vector<16xf32>,
    %swap3A_171 = vector.shape_cast %swap3A_170 : vector<16xf32> to vector<16xf32>
    %swap3A_172 = vector.shape_cast %broadcast_in_dim3A_168 : vector<16xf32> to vector<16xf32>
    tpu.vector_store %arg6[%swap3A_169], %swap3A_172 {strides = array<i32>} : memref<640xf32, #tpu.memory_space<vmem>>, vector<16xf32>,
    %broadcast_in_dim3A_173 = arith.constant 0.000000e+00 : f32
    %broadcast_in_dim3A_174 = vector.broadcast %broadcast_in_dim3A_173 : f32 to vector<16xf32>
    %swap3A_175 = arith.constant 336 : index
    %swap3A_176 = tpu.vector_load %arg6[%swap3A_175] {strides = array<i32>} : memref<640xf32, #tpu.memory_space<vmem>>, vector<16xf32>,
    %swap3A_177 = vector.shape_cast %swap3A_176 : vector<16xf32> to vector<16xf32>
    %swap3A_178 = vector.shape_cast %broadcast_in_dim3A_174 : vector<16xf32> to vector<16xf32>
    tpu.vector_store %arg6[%swap3A_175], %swap3A_178 {strides = array<i32>} : memref<640xf32, #tpu.memory_space<vmem>>, vector<16xf32>,
    %broadcast_in_dim3A_179 = arith.constant 0.000000e+00 : f32
    %broadcast_in_dim3A_180 = vector.broadcast %broadcast_in_dim3A_179 : f32 to vector<16xf32>
    %swap3A_181 = arith.constant 352 : index
    %swap3A_182 = tpu.vector_load %arg6[%swap3A_181] {strides = array<i32>} : memref<640xf32, #tpu.memory_space<vmem>>, vector<16xf32>,
    %swap3A_183 = vector.shape_cast %swap3A_182 : vector<16xf32> to vector<16xf32>
    %swap3A_184 = vector.shape_cast %broadcast_in_dim3A_180 : vector<16xf32> to vector<16xf32>
    tpu.vector_store %arg6[%swap3A_181], %swap3A_184 {strides = array<i32>} : memref<640xf32, #tpu.memory_space<vmem>>, vector<16xf32>,
    %broadcast_in_dim3A_185 = arith.constant 0.000000e+00 : f32
    %broadcast_in_dim3A_186 = vector.broadcast %broadcast_in_dim3A_185 : f32 to vector<16xf32>
    %swap3A_187 = arith.constant 368 : index
    %swap3A_188 = tpu.vector_load %arg6[%swap3A_187] {strides = array<i32>} : memref<640xf32, #tpu.memory_space<vmem>>, vector<16xf32>,
    %swap3A_189 = vector.shape_cast %swap3A_188 : vector<16xf32> to vector<16xf32>
    %swap3A_190 = vector.shape_cast %broadcast_in_dim3A_186 : vector<16xf32> to vector<16xf32>
    tpu.vector_store %arg6[%swap3A_187], %swap3A_190 {strides = array<i32>} : memref<640xf32, #tpu.memory_space<vmem>>, vector<16xf32>,
    %broadcast_in_dim3A_191 = arith.constant 0.000000e+00 : f32
    %broadcast_in_dim3A_192 = vector.broadcast %broadcast_in_dim3A_191 : f32 to vector<16xf32>
    %swap3A_193 = arith.constant 384 : index
    %swap3A_194 = tpu.vector_load %arg6[%swap3A_193] {strides = array<i32>} : memref<640xf32, #tpu.memory_space<vmem>>, vector<16xf32>,
    %swap3A_195 = vector.shape_cast %swap3A_194 : vector<16xf32> to vector<16xf32>
    %swap3A_196 = vector.shape_cast %broadcast_in_dim3A_192 : vector<16xf32> to vector<16xf32>
    tpu.vector_store %arg6[%swap3A_193], %swap3A_196 {strides = array<i32>} : memref<640xf32, #tpu.memory_space<vmem>>, vector<16xf32>,
    %broadcast_in_dim3A_197 = arith.constant 0.000000e+00 : f32
    %broadcast_in_dim3A_198 = vector.broadcast %broadcast_in_dim3A_197 : f32 to vector<16xf32>
    %swap3A_199 = arith.constant 400 : index
    %swap3A_200 = tpu.vector_load %arg6[%swap3A_199] {strides = array<i32>} : memref<640xf32, #tpu.memory_space<vmem>>, vector<16xf32>,
    %swap3A_201 = vector.shape_cast %swap3A_200 : vector<16xf32> to vector<16xf32>
    %swap3A_202 = vector.shape_cast %broadcast_in_dim3A_198 : vector<16xf32> to vector<16xf32>
    tpu.vector_store %arg6[%swap3A_199], %swap3A_202 {strides = array<i32>} : memref<640xf32, #tpu.memory_space<vmem>>, vector<16xf32>,
    %broadcast_in_dim3A_203 = arith.constant 0.000000e+00 : f32
    %broadcast_in_dim3A_204 = vector.broadcast %broadcast_in_dim3A_203 : f32 to vector<16xf32>
    %swap3A_205 = arith.constant 416 : index
    %swap3A_206 = tpu.vector_load %arg6[%swap3A_205] {strides = array<i32>} : memref<640xf32, #tpu.memory_space<vmem>>, vector<16xf32>,
    %swap3A_207 = vector.shape_cast %swap3A_206 : vector<16xf32> to vector<16xf32>
    %swap3A_208 = vector.shape_cast %broadcast_in_dim3A_204 : vector<16xf32> to vector<16xf32>
    tpu.vector_store %arg6[%swap3A_205], %swap3A_208 {strides = array<i32>} : memref<640xf32, #tpu.memory_space<vmem>>, vector<16xf32>,
    %broadcast_in_dim3A_209 = arith.constant 0.000000e+00 : f32
    %broadcast_in_dim3A_210 = vector.broadcast %broadcast_in_dim3A_209 : f32 to vector<16xf32>
    %swap3A_211 = arith.constant 432 : index
    %swap3A_212 = tpu.vector_load %arg6[%swap3A_211] {strides = array<i32>} : memref<640xf32, #tpu.memory_space<vmem>>, vector<16xf32>,
    %swap3A_213 = vector.shape_cast %swap3A_212 : vector<16xf32> to vector<16xf32>
    %swap3A_214 = vector.shape_cast %broadcast_in_dim3A_210 : vector<16xf32> to vector<16xf32>
    tpu.vector_store %arg6[%swap3A_211], %swap3A_214 {strides = array<i32>} : memref<640xf32, #tpu.memory_space<vmem>>, vector<16xf32>,
    %broadcast_in_dim3A_215 = arith.constant 0.000000e+00 : f32
    %broadcast_in_dim3A_216 = vector.broadcast %broadcast_in_dim3A_215 : f32 to vector<16xf32>
    %swap3A_217 = arith.constant 448 : index
    %swap3A_218 = tpu.vector_load %arg6[%swap3A_217] {strides = array<i32>} : memref<640xf32, #tpu.memory_space<vmem>>, vector<16xf32>,
    %swap3A_219 = vector.shape_cast %swap3A_218 : vector<16xf32> to vector<16xf32>
    %swap3A_220 = vector.shape_cast %broadcast_in_dim3A_216 : vector<16xf32> to vector<16xf32>
    tpu.vector_store %arg6[%swap3A_217], %swap3A_220 {strides = array<i32>} : memref<640xf32, #tpu.memory_space<vmem>>, vector<16xf32>,
    %broadcast_in_dim3A_221 = arith.constant 0.000000e+00 : f32
    %broadcast_in_dim3A_222 = vector.broadcast %broadcast_in_dim3A_221 : f32 to vector<16xf32>
    %swap3A_223 = arith.constant 464 : index
    %swap3A_224 = tpu.vector_load %arg6[%swap3A_223] {strides = array<i32>} : memref<640xf32, #tpu.memory_space<vmem>>, vector<16xf32>,
    %swap3A_225 = vector.shape_cast %swap3A_224 : vector<16xf32> to vector<16xf32>
    %swap3A_226 = vector.shape_cast %broadcast_in_dim3A_222 : vector<16xf32> to vector<16xf32>
    tpu.vector_store %arg6[%swap3A_223], %swap3A_226 {strides = array<i32>} : memref<640xf32, #tpu.memory_space<vmem>>, vector<16xf32>,
    %broadcast_in_dim3A_227 = arith.constant 0.000000e+00 : f32
    %broadcast_in_dim3A_228 = vector.broadcast %broadcast_in_dim3A_227 : f32 to vector<16xf32>
    %swap3A_229 = arith.constant 480 : index
    %swap3A_230 = tpu.vector_load %arg6[%swap3A_229] {strides = array<i32>} : memref<640xf32, #tpu.memory_space<vmem>>, vector<16xf32>,
    %swap3A_231 = vector.shape_cast %swap3A_230 : vector<16xf32> to vector<16xf32>
    %swap3A_232 = vector.shape_cast %broadcast_in_dim3A_228 : vector<16xf32> to vector<16xf32>
    tpu.vector_store %arg6[%swap3A_229], %swap3A_232 {strides = array<i32>} : memref<640xf32, #tpu.memory_space<vmem>>, vector<16xf32>,
    %broadcast_in_dim3A_233 = arith.constant 0.000000e+00 : f32
    %broadcast_in_dim3A_234 = vector.broadcast %broadcast_in_dim3A_233 : f32 to vector<16xf32>
    %swap3A_235 = arith.constant 496 : index
    %swap3A_236 = tpu.vector_load %arg6[%swap3A_235] {strides = array<i32>} : memref<640xf32, #tpu.memory_space<vmem>>, vector<16xf32>,
    %swap3A_237 = vector.shape_cast %swap3A_236 : vector<16xf32> to vector<16xf32>
    %swap3A_238 = vector.shape_cast %broadcast_in_dim3A_234 : vector<16xf32> to vector<16xf32>
    tpu.vector_store %arg6[%swap3A_235], %swap3A_238 {strides = array<i32>} : memref<640xf32, #tpu.memory_space<vmem>>, vector<16xf32>,
    %broadcast_in_dim3A_239 = arith.constant 0.000000e+00 : f32
    %broadcast_in_dim3A_240 = vector.broadcast %broadcast_in_dim3A_239 : f32 to vector<16xf32>
    %swap3A_241 = arith.constant 512 : index
    %swap3A_242 = tpu.vector_load %arg6[%swap3A_241] {strides = array<i32>} : memref<640xf32, #tpu.memory_space<vmem>>, vector<16xf32>,
    %swap3A_243 = vector.shape_cast %swap3A_242 : vector<16xf32> to vector<16xf32>
    %swap3A_244 = vector.shape_cast %broadcast_in_dim3A_240 : vector<16xf32> to vector<16xf32>
    tpu.vector_store %arg6[%swap3A_241], %swap3A_244 {strides = array<i32>} : memref<640xf32, #tpu.memory_space<vmem>>, vector<16xf32>,
    %broadcast_in_dim3A_245 = arith.constant 0.000000e+00 : f32
    %broadcast_in_dim3A_246 = vector.broadcast %broadcast_in_dim3A_245 : f32 to vector<16xf32>
    %swap3A_247 = arith.constant 528 : index
    %swap3A_248 = tpu.vector_load %arg6[%swap3A_247] {strides = array<i32>} : memref<640xf32, #tpu.memory_space<vmem>>, vector<16xf32>,
    %swap3A_249 = vector.shape_cast %swap3A_248 : vector<16xf32> to vector<16xf32>
    %swap3A_250 = vector.shape_cast %broadcast_in_dim3A_246 : vector<16xf32> to vector<16xf32>
    tpu.vector_store %arg6[%swap3A_247], %swap3A_250 {strides = array<i32>} : memref<640xf32, #tpu.memory_space<vmem>>, vector<16xf32>,
    %broadcast_in_dim3A_251 = arith.constant 0.000000e+00 : f32
    %broadcast_in_dim3A_252 = vector.broadcast %broadcast_in_dim3A_251 : f32 to vector<16xf32>
    %swap3A_253 = arith.constant 544 : index
    %swap3A_254 = tpu.vector_load %arg6[%swap3A_253] {strides = array<i32>} : memref<640xf32, #tpu.memory_space<vmem>>, vector<16xf32>,
    %swap3A_255 = vector.shape_cast %swap3A_254 : vector<16xf32> to vector<16xf32>
    %swap3A_256 = vector.shape_cast %broadcast_in_dim3A_252 : vector<16xf32> to vector<16xf32>
    tpu.vector_store %arg6[%swap3A_253], %swap3A_256 {strides = array<i32>} : memref<640xf32, #tpu.memory_space<vmem>>, vector<16xf32>,
    %broadcast_in_dim3A_257 = arith.constant 0.000000e+00 : f32
    %broadcast_in_dim3A_258 = vector.broadcast %broadcast_in_dim3A_257 : f32 to vector<16xf32>
    %swap3A_259 = arith.constant 560 : index
    %swap3A_260 = tpu.vector_load %arg6[%swap3A_259] {strides = array<i32>} : memref<640xf32, #tpu.memory_space<vmem>>, vector<16xf32>,
    %swap3A_261 = vector.shape_cast %swap3A_260 : vector<16xf32> to vector<16xf32>
    %swap3A_262 = vector.shape_cast %broadcast_in_dim3A_258 : vector<16xf32> to vector<16xf32>
    tpu.vector_store %arg6[%swap3A_259], %swap3A_262 {strides = array<i32>} : memref<640xf32, #tpu.memory_space<vmem>>, vector<16xf32>,
    %broadcast_in_dim3A_263 = arith.constant 0.000000e+00 : f32
    %broadcast_in_dim3A_264 = vector.broadcast %broadcast_in_dim3A_263 : f32 to vector<16xf32>
    %swap3A_265 = arith.constant 576 : index
    %swap3A_266 = tpu.vector_load %arg6[%swap3A_265] {strides = array<i32>} : memref<640xf32, #tpu.memory_space<vmem>>, vector<16xf32>,
    %swap3A_267 = vector.shape_cast %swap3A_266 : vector<16xf32> to vector<16xf32>
    %swap3A_268 = vector.shape_cast %broadcast_in_dim3A_264 : vector<16xf32> to vector<16xf32>
    tpu.vector_store %arg6[%swap3A_265], %swap3A_268 {strides = array<i32>} : memref<640xf32, #tpu.memory_space<vmem>>, vector<16xf32>,
    %broadcast_in_dim3A_269 = arith.constant 0.000000e+00 : f32
    %broadcast_in_dim3A_270 = vector.broadcast %broadcast_in_dim3A_269 : f32 to vector<16xf32>
    %swap3A_271 = arith.constant 592 : index
    %swap3A_272 = tpu.vector_load %arg6[%swap3A_271] {strides = array<i32>} : memref<640xf32, #tpu.memory_space<vmem>>, vector<16xf32>,
    %swap3A_273 = vector.shape_cast %swap3A_272 : vector<16xf32> to vector<16xf32>
    %swap3A_274 = vector.shape_cast %broadcast_in_dim3A_270 : vector<16xf32> to vector<16xf32>
    tpu.vector_store %arg6[%swap3A_271], %swap3A_274 {strides = array<i32>} : memref<640xf32, #tpu.memory_space<vmem>>, vector<16xf32>,
    %broadcast_in_dim3A_275 = arith.constant 0.000000e+00 : f32
    %broadcast_in_dim3A_276 = vector.broadcast %broadcast_in_dim3A_275 : f32 to vector<16xf32>
    %swap3A_277 = arith.constant 608 : index
    %swap3A_278 = tpu.vector_load %arg6[%swap3A_277] {strides = array<i32>} : memref<640xf32, #tpu.memory_space<vmem>>, vector<16xf32>,
    %swap3A_279 = vector.shape_cast %swap3A_278 : vector<16xf32> to vector<16xf32>
    %swap3A_280 = vector.shape_cast %broadcast_in_dim3A_276 : vector<16xf32> to vector<16xf32>
    tpu.vector_store %arg6[%swap3A_277], %swap3A_280 {strides = array<i32>} : memref<640xf32, #tpu.memory_space<vmem>>, vector<16xf32>,
    %broadcast_in_dim3A_281 = arith.constant 0.000000e+00 : f32
    %broadcast_in_dim3A_282 = vector.broadcast %broadcast_in_dim3A_281 : f32 to vector<16xf32>
    %swap3A_283 = arith.constant 624 : index
    %swap3A_284 = tpu.vector_load %arg6[%swap3A_283] {strides = array<i32>} : memref<640xf32, #tpu.memory_space<vmem>>, vector<16xf32>,
    %swap3A_285 = vector.shape_cast %swap3A_284 : vector<16xf32> to vector<16xf32>
    %swap3A_286 = vector.shape_cast %broadcast_in_dim3A_282 : vector<16xf32> to vector<16xf32>
    tpu.vector_store %arg6[%swap3A_283], %swap3A_286 {strides = array<i32>} : memref<640xf32, #tpu.memory_space<vmem>>, vector<16xf32>,
    %mul3A_287 = arith.constant 640 : i32
    %mul3A_288 = arith.muli %arg1, %mul3A_287 : i32
    "tpu.region"() ({
      %run_scoped3A = tpu.sem_alloc : memref<!tpu.dma_semaphore, #tpu.memory_space<semaphore_mem>>
      %dma_start3A = tpu.memref_slice %arg8[%mul3A_288] : memref<10240xf32, #tpu.memory_space<vmem_shared>> -> memref<640xf32, #tpu.memory_space<vmem_shared>>
      %dma_start3A_307 = tpu.memref_slice %arg8[%mul3A_288] : memref<10240xf32, #tpu.memory_space<vmem_shared>> -> memref<640xf32, #tpu.memory_space<vmem_shared>>
      tpu.enqueue_dma source(%arg6 : memref<640xf32, #tpu.memory_space<vmem>>) target(%dma_start3A_307 : memref<640xf32, #tpu.memory_space<vmem_shared>>) target_semaphore(%run_scoped3A : memref<!tpu.dma_semaphore, #tpu.memory_space<semaphore_mem>>)
      %dma_wait3A = tpu.memref_slice %arg8[%mul3A_288] : memref<10240xf32, #tpu.memory_space<vmem_shared>> -> memref<640xf32, #tpu.memory_space<vmem_shared>>
      %dma_wait3A_308 = tpu.memref_slice %arg8[%mul3A_288] : memref<10240xf32, #tpu.memory_space<vmem_shared>> -> memref<640xf32, #tpu.memory_space<vmem_shared>>
      tpu.wait_dma2 semaphore(%run_scoped3A : memref<!tpu.dma_semaphore, #tpu.memory_space<semaphore_mem>>) src(%arg6 : memref<640xf32, #tpu.memory_space<vmem>>) dst(%dma_wait3A_308 : memref<640xf32, #tpu.memory_space<vmem_shared>>)
      tpu.yield
    }) : () -> ()
    %mul3A_289 = arith.constant 79 : i32
    %mul3A_290 = arith.muli %add3A, %mul3A_289 : i32
    "tpu.region"() ({
      %run_scoped3A = tpu.sem_alloc : memref<!tpu.dma_semaphore, #tpu.memory_space<semaphore_mem>>
      %dma_start3A = arith.constant 0 : i32
      %dma_start3A_307 = arith.constant 0 : i32
      %dma_start3A_308 = tpu.memref_slice %arg2[%mul3A_290, %dma_start3A, %dma_start3A_307] : memref<2528x2x128xi32, #tpu.memory_space<hbm>> -> memref<79x2x128xi32, #tpu.memory_space<hbm>>
      %dma_start3A_309 = arith.constant 0 : i32
      %dma_start3A_310 = arith.constant 0 : i32
      %dma_start3A_311 = tpu.memref_slice %arg2[%mul3A_290, %dma_start3A_309, %dma_start3A_310] : memref<2528x2x128xi32, #tpu.memory_space<hbm>> -> memref<79x2x128xi32, #tpu.memory_space<hbm>>
      tpu.enqueue_dma source(%dma_start3A_311 : memref<79x2x128xi32, #tpu.memory_space<hbm>>) target(%arg4 : memref<79x2x128xi32, #tpu.memory_space<vmem>>) target_semaphore(%run_scoped3A : memref<!tpu.dma_semaphore, #tpu.memory_space<semaphore_mem>>)
      %dma_wait3A = arith.constant 0 : i32
      %dma_wait3A_312 = arith.constant 0 : i32
      %dma_wait3A_313 = tpu.memref_slice %arg2[%mul3A_290, %dma_wait3A, %dma_wait3A_312] : memref<2528x2x128xi32, #tpu.memory_space<hbm>> -> memref<79x2x128xi32, #tpu.memory_space<hbm>>
      %dma_wait3A_314 = arith.constant 0 : i32
      %dma_wait3A_315 = arith.constant 0 : i32
      %dma_wait3A_316 = tpu.memref_slice %arg2[%mul3A_290, %dma_wait3A_314, %dma_wait3A_315] : memref<2528x2x128xi32, #tpu.memory_space<hbm>> -> memref<79x2x128xi32, #tpu.memory_space<hbm>>
      tpu.wait_dma2 semaphore(%run_scoped3A : memref<!tpu.dma_semaphore, #tpu.memory_space<semaphore_mem>>) src(%dma_wait3A_316 : memref<79x2x128xi32, #tpu.memory_space<hbm>>) dst(%arg4 : memref<79x2x128xi32, #tpu.memory_space<vmem>>)
      tpu.yield
    }) : () -> ()
    %barrier3A = arith.constant 0 : index
    tpu.barrier barrier_id(%barrier3A)
    %scan3A = arith.constant 0 : i32
    %scan3A_291 = arith.constant 0 : i32
    %scan3A_292 = arith.constant 79 : i32
    %scan3A_293 = arith.addi %scan3A_291, %scan3A_292 : i32
    %scan3A_294 = arith.constant 1 : i32
    scf.for %scan3A_307 = %scan3A_291 to %scan3A_293 step %scan3A_294  : i32 {
      %dma_start3A = arith.constant 1 : i32
      %dma_start3A_308 = arith.constant 0 : i32
      %dma_start3A_309 = tpu.memref_slice %arg4[%scan3A_307, %dma_start3A, %dma_start3A_308] : memref<79x2x128xi32, #tpu.memory_space<vmem>> -> memref<1x1x128xi32, #tpu.memory_space<vmem>>
      %dma_start3A_310 = tpu.memref_squeeze %dma_start3A_309 : memref<1x1x128xi32, #tpu.memory_space<vmem>> -> memref<128xi32, #tpu.memory_space<vmem>>
      %dma_start3A_311 = arith.constant 0 : i32
      %dma_start3A_312 = tpu.memref_slice %arg8[%dma_start3A_311] : memref<10240xf32, #tpu.memory_space<vmem_shared>> -> memref<10240xf32, #tpu.memory_space<vmem_shared>>
      tpu.enqueue_indirect_dma source(%arg5 : memref<128xf32, #tpu.memory_space<vmem>>) target(%dma_start3A_312 : memref<10240xf32, #tpu.memory_space<vmem_shared>>) offsets(%dma_start3A_310 : memref<128xi32, #tpu.memory_space<vmem>>) semaphore(%arg7 : memref<!tpu.dma_semaphore, #tpu.memory_space<semaphore_mem>>) {add = true}
    }
    %scan3A_295 = arith.constant 79 : i32
    %scan3A_296 = arith.constant 0 : i32
    %scan3A_297 = arith.constant 0 : i32
    %scan3A_298 = arith.constant 79 : i32
    %scan3A_299 = arith.addi %scan3A_297, %scan3A_298 : i32
    %scan3A_300 = arith.constant 1 : i32
    scf.for %scan3A_307 = %scan3A_297 to %scan3A_299 step %scan3A_300  : i32 {
      %dma_wait3A = arith.constant 1 : i32
      %dma_wait3A_308 = arith.constant 0 : i32
      %dma_wait3A_309 = tpu.memref_slice %arg4[%scan3A_307, %dma_wait3A, %dma_wait3A_308] : memref<79x2x128xi32, #tpu.memory_space<vmem>> -> memref<1x1x128xi32, #tpu.memory_space<vmem>>
      %dma_wait3A_310 = tpu.memref_squeeze %dma_wait3A_309 : memref<1x1x128xi32, #tpu.memory_space<vmem>> -> memref<128xi32, #tpu.memory_space<vmem>>
      %dma_wait3A_311 = arith.constant 0 : i32
      %dma_wait3A_312 = tpu.memref_slice %arg8[%dma_wait3A_311] : memref<10240xf32, #tpu.memory_space<vmem_shared>> -> memref<10240xf32, #tpu.memory_space<vmem_shared>>
      tpu.wait_indirect_dma semaphore(%arg7 : memref<!tpu.dma_semaphore, #tpu.memory_space<semaphore_mem>>) src(%arg5 : memref<128xf32, #tpu.memory_space<vmem>>) dst(%dma_wait3A_312 : memref<10240xf32, #tpu.memory_space<vmem_shared>>)
    }
    %scan3A_301 = arith.constant 79 : i32
    %barrier3A_302 = arith.constant 0 : index
    tpu.barrier barrier_id(%barrier3A_302)
    %mul3A_303 = arith.constant 640 : i32
    %mul3A_304 = arith.muli %arg1, %mul3A_303 : i32
    %mul3A_305 = arith.constant 640 : i32
    %mul3A_306 = arith.muli %arg1, %mul3A_305 : i32
    "tpu.region"() ({
      %run_scoped3A = tpu.sem_alloc : memref<!tpu.dma_semaphore, #tpu.memory_space<semaphore_mem>>
      %dma_start3A = tpu.memref_slice %arg3[%arg0, %mul3A_306] : memref<2x10240xf32, #tpu.memory_space<hbm>> -> memref<1x640xf32, #tpu.memory_space<hbm>>
      %dma_start3A_307 = tpu.memref_squeeze %dma_start3A : memref<1x640xf32, #tpu.memory_space<hbm>> -> memref<640xf32, #tpu.memory_space<hbm>>
      %dma_start3A_308 = tpu.memref_slice %arg8[%mul3A_304] : memref<10240xf32, #tpu.memory_space<vmem_shared>> -> memref<640xf32, #tpu.memory_space<vmem_shared>>
      tpu.enqueue_dma source(%dma_start3A_308 : memref<640xf32, #tpu.memory_space<vmem_shared>>) target(%dma_start3A_307 : memref<640xf32, #tpu.memory_space<hbm>>) target_semaphore(%run_scoped3A : memref<!tpu.dma_semaphore, #tpu.memory_space<semaphore_mem>>)
      %dma_wait3A = tpu.memref_slice %arg3[%arg0, %mul3A_306] : memref<2x10240xf32, #tpu.memory_space<hbm>> -> memref<1x640xf32, #tpu.memory_space<hbm>>
      %dma_wait3A_309 = tpu.memref_squeeze %dma_wait3A : memref<1x640xf32, #tpu.memory_space<hbm>> -> memref<640xf32, #tpu.memory_space<hbm>>
      %dma_wait3A_310 = tpu.memref_slice %arg8[%mul3A_304] : memref<10240xf32, #tpu.memory_space<vmem_shared>> -> memref<640xf32, #tpu.memory_space<vmem_shared>>
      tpu.wait_dma2 semaphore(%run_scoped3A : memref<!tpu.dma_semaphore, #tpu.memory_space<semaphore_mem>>) src(%dma_wait3A_310 : memref<640xf32, #tpu.memory_space<vmem_shared>>) dst(%dma_wait3A_309 : memref<640xf32, #tpu.memory_space<hbm>>)
      tpu.yield
    }) : () -> ()
    return
  }
}

module attributes {stable_mosaic.version = 14 : i64} {
  func.func @_tc1_body(%arg0: i32, %arg1: memref<2x1000x1xf32, #tpu.memory_space<vmem>>, %arg2: memref<1000x128xf32, #tpu.memory_space<vmem>>, %arg3: memref<128x128xf32, #tpu.memory_space<vmem>>, %arg4: memref<1x128xf32, #tpu.memory_space<vmem>>, %arg5: memref<1000x1xf32, #tpu.memory_space<vmem>>, %arg6: memref<1000x128xf32, #tpu.memory_space<vmem>>) attributes {dimension_semantics = [#tpu.dimension_semantics<arbitrary>], iteration_bounds = array<i64: 10>, scalar_prefetch = 0 : i64, scratch_operands = 0 : i64, tpu.core_type = #tpu.core_type<tc>, window_params = [{transform_indices = @transform_0, window_bounds = array<i64: 2, 1000, 1>}, {transform_indices = @transform_1, window_bounds = array<i64: 1000, 128>}, {pipeline_mode = #tpu.pipeline_mode<synchronous>, transform_indices = @transform_2, window_bounds = array<i64: 128, 128>}, {pipeline_mode = #tpu.pipeline_mode<synchronous>, transform_indices = @transform_3, window_bounds = array<i64: 1, 128>}, {transform_indices = @transform_4, window_bounds = array<i64: 1000, 1>}, {transform_indices = @transform_5, window_bounds = array<i64: 1000, 128>}]} {
    %get3A = arith.constant 0 : index
    %get3A_0 = arith.constant 0 : index
    %get3A_1 = arith.constant 0 : index
    %get3A_2 = vector.load %arg1[%get3A, %get3A_0, %get3A_1] : memref<2x1000x1xf32, #tpu.memory_space<vmem>>, vector<1x1000x1xf32>
    %get3A_3 = vector.shape_cast %get3A_2 : vector<1x1000x1xf32> to vector<1000x1xf32>
    %get3A_4 = arith.constant 1 : index
    %get3A_5 = arith.constant 0 : index
    %get3A_6 = arith.constant 0 : index
    %get3A_7 = vector.load %arg1[%get3A_4, %get3A_5, %get3A_6] : memref<2x1000x1xf32, #tpu.memory_space<vmem>>, vector<1x1000x1xf32>
    %get3A_8 = vector.shape_cast %get3A_7 : vector<1x1000x1xf32> to vector<1000x1xf32>
    %add3A = arith.addf %get3A_3, %get3A_8 : vector<1000x1xf32>
    %add3A_9 = arith.constant 1.000000e+00 : f32
    %add3A_10 = vector.broadcast %add3A_9 : f32 to vector<1000x1xf32>
    %add3A_11 = arith.addf %add3A, %add3A_10 : vector<1000x1xf32>
    %rsqrt3A = math.rsqrt %add3A_11 : vector<1000x1xf32>
    %swap3A = arith.constant 0 : index
    %swap3A_12 = arith.constant 0 : index
    %swap3A_13 = vector.load %arg5[%swap3A, %swap3A_12] : memref<1000x1xf32, #tpu.memory_space<vmem>>, vector<1000x1xf32>
    tpu.vector_store %arg5[%swap3A, %swap3A_12], %rsqrt3A {strides = array<i32>} : memref<1000x1xf32, #tpu.memory_space<vmem>>, vector<1000x1xf32>,
    %get3A_14 = arith.constant 0 : index
    %get3A_15 = arith.constant 0 : index
    %get3A_16 = vector.load %arg2[%get3A_14, %get3A_15] : memref<1000x128xf32, #tpu.memory_space<vmem>>, vector<1000x128xf32>
    %get3A_17 = arith.constant 0 : index
    %get3A_18 = arith.constant 0 : index
    %get3A_19 = vector.load %arg3[%get3A_17, %get3A_18] : memref<128x128xf32, #tpu.memory_space<vmem>>, vector<128x128xf32>
    %dot_general3A = arith.constant dense<0.000000e+00> : vector<1000x128xf32>
    %dot_general3A_20 = tpu.matmul %get3A_16, %get3A_19, %dot_general3A {dimension_numbers = #tpu.dot_dimension_numbers<[1], [0], [0], [1], [0, 0, 1, 1], [], []>, precision = #tpu.contract_precision<fp32>, transpose_lhs_hint = false} : vector<1000x128xf32>, vector<128x128xf32>, vector<1000x128xf32> -> vector<1000x128xf32>
    %get3A_21 = arith.constant 0 : index
    %get3A_22 = arith.constant 0 : index
    %get3A_23 = vector.load %arg4[%get3A_21, %get3A_22] : memref<1x128xf32, #tpu.memory_space<vmem>>, vector<1x128xf32>
    %add3A_24 = vector.broadcast %get3A_23 : vector<1x128xf32> to vector<1000x128xf32>
    %add3A_25 = arith.addf %dot_general3A_20, %add3A_24 : vector<1000x128xf32>
    %mul3A = vector.broadcast %rsqrt3A : vector<1000x1xf32> to vector<1000x128xf32>
    %mul3A_26 = arith.mulf %add3A_25, %mul3A : vector<1000x128xf32>
    %swap3A_27 = arith.constant 0 : index
    %swap3A_28 = arith.constant 0 : index
    %swap3A_29 = vector.load %arg6[%swap3A_27, %swap3A_28] : memref<1000x128xf32, #tpu.memory_space<vmem>>, vector<1000x128xf32>
    tpu.vector_store %arg6[%swap3A_27, %swap3A_28], %mul3A_26 {strides = array<i32>} : memref<1000x128xf32, #tpu.memory_space<vmem>>, vector<1000x128xf32>,
    return
  }
  func.func @transform_0(%arg0: i32) -> (i32, i32, i32) {
    %c0_i32 = arith.constant 0 : i32
    %c0_i32_0 = arith.constant 0 : i32
    %c0_i32_1 = arith.constant 0 : i32
    return %c0_i32, %arg0, %c0_i32_0 : i32, i32, i32
  }
  func.func @transform_1(%arg0: i32) -> (i32, i32) {
    %c0_i32 = arith.constant 0 : i32
    %c0_i32_0 = arith.constant 0 : i32
    return %arg0, %c0_i32 : i32, i32
  }
  func.func @transform_2(%arg0: i32) -> (i32, i32) {
    %c0_i32 = arith.constant 0 : i32
    %c0_i32_0 = arith.constant 0 : i32
    %c0_i32_1 = arith.constant 0 : i32
    return %c0_i32, %c0_i32_0 : i32, i32
  }
  func.func @transform_3(%arg0: i32) -> (i32, i32) {
    %c0_i32 = arith.constant 0 : i32
    %c0_i32_0 = arith.constant 0 : i32
    %c0_i32_1 = arith.constant 0 : i32
    return %c0_i32, %c0_i32_0 : i32, i32
  }
  func.func @transform_4(%arg0: i32) -> (i32, i32) {
    %c0_i32 = arith.constant 0 : i32
    %c0_i32_0 = arith.constant 0 : i32
    return %arg0, %c0_i32 : i32, i32
  }
  func.func @transform_5(%arg0: i32) -> (i32, i32) {
    %c0_i32 = arith.constant 0 : i32
    %c0_i32_0 = arith.constant 0 : i32
    return %arg0, %c0_i32 : i32, i32
  }
}

module attributes {stable_mosaic.version = 14 : i64} {
  func.func @_tc2_body(%arg0: i32, %arg1: memref<2x1000x128xf32, #tpu.memory_space<vmem>>, %arg2: memref<1000x128xf32, #tpu.memory_space<vmem>>, %arg3: memref<1000x1xf32, #tpu.memory_space<vmem>>, %arg4: memref<128x128xf32, #tpu.memory_space<vmem>>, %arg5: memref<1x128xf32, #tpu.memory_space<vmem>>, %arg6: memref<4x1000x128xf32, #tpu.memory_space<vmem>>, %arg7: memref<4x8x128xf32, #tpu.memory_space<vmem>>) attributes {dimension_semantics = [#tpu.dimension_semantics<arbitrary>], iteration_bounds = array<i64: 10>, scalar_prefetch = 0 : i64, scratch_operands = 0 : i64, tpu.core_type = #tpu.core_type<tc>, window_params = [{transform_indices = @transform_0, window_bounds = array<i64: 2, 1000, 128>}, {transform_indices = @transform_1, window_bounds = array<i64: 1000, 128>}, {transform_indices = @transform_2, window_bounds = array<i64: 1000, 1>}, {pipeline_mode = #tpu.pipeline_mode<synchronous>, transform_indices = @transform_3, window_bounds = array<i64: 128, 128>}, {pipeline_mode = #tpu.pipeline_mode<synchronous>, transform_indices = @transform_4, window_bounds = array<i64: 1, 128>}, {transform_indices = @transform_5, window_bounds = array<i64: 4, 1000, 128>}, {pipeline_mode = #tpu.pipeline_mode<synchronous>, transform_indices = @transform_6, window_bounds = array<i64: 4, 8, 128>}]} {
    %eq3A = arith.constant 0 : i32
    %eq3A_0 = arith.cmpi eq, %arg0, %eq3A : i32
    %convert_element_type3A = arith.extui %eq3A_0 : i1 to i32
    %cond3A = arith.constant 0 : i32
    %cond3A_1 = arith.cmpi ne, %convert_element_type3A, %cond3A : i32
    scf.if %cond3A_1 {
      %broadcast_in_dim3A_204 = arith.constant 0.000000e+00 : f32
      %broadcast_in_dim3A_205 = vector.broadcast %broadcast_in_dim3A_204 : f32 to vector<4x8x128xf32>
      %swap3A_206 = arith.constant 0 : index
      %swap3A_207 = arith.constant 0 : index
      %swap3A_208 = arith.constant 0 : index
      %swap3A_209 = vector.load %arg7[%swap3A_206, %swap3A_207, %swap3A_208] : memref<4x8x128xf32, #tpu.memory_space<vmem>>, vector<4x8x128xf32>
      tpu.vector_store %arg7[%swap3A_206, %swap3A_207, %swap3A_208], %broadcast_in_dim3A_205 {strides = array<i32>} : memref<4x8x128xf32, #tpu.memory_space<vmem>>, vector<4x8x128xf32>,
    } else {
    }
    %get3A = arith.constant 0 : index
    %get3A_2 = arith.constant 0 : index
    %get3A_3 = vector.load %arg3[%get3A, %get3A_2] : memref<1000x1xf32, #tpu.memory_space<vmem>>, vector<1000x1xf32>
    %get3A_4 = arith.constant 0 : index
    %get3A_5 = arith.constant 0 : index
    %get3A_6 = arith.constant 0 : index
    %get3A_7 = vector.load %arg1[%get3A_4, %get3A_5, %get3A_6] : memref<2x1000x128xf32, #tpu.memory_space<vmem>>, vector<1x1000x128xf32>
    %get3A_8 = vector.shape_cast %get3A_7 : vector<1x1000x128xf32> to vector<1000x128xf32>
    %get3A_9 = arith.constant 1 : index
    %get3A_10 = arith.constant 0 : index
    %get3A_11 = arith.constant 0 : index
    %get3A_12 = vector.load %arg1[%get3A_9, %get3A_10, %get3A_11] : memref<2x1000x128xf32, #tpu.memory_space<vmem>>, vector<1x1000x128xf32>
    %get3A_13 = vector.shape_cast %get3A_12 : vector<1x1000x128xf32> to vector<1000x128xf32>
    %add3A = arith.addf %get3A_8, %get3A_13 : vector<1000x128xf32>
    %get3A_14 = arith.constant 0 : index
    %get3A_15 = arith.constant 0 : index
    %get3A_16 = vector.load %arg2[%get3A_14, %get3A_15] : memref<1000x128xf32, #tpu.memory_space<vmem>>, vector<1000x128xf32>
    %add3A_17 = arith.addf %add3A, %get3A_16 : vector<1000x128xf32>
    %mul3A = vector.broadcast %get3A_3 : vector<1000x1xf32> to vector<1000x128xf32>
    %mul3A_18 = arith.mulf %mul3A, %add3A_17 : vector<1000x128xf32>
    %broadcast_in_dim3A = arith.constant 0.000000e+00 : f32
    %broadcast_in_dim3A_19 = vector.broadcast %broadcast_in_dim3A : f32 to vector<1000x128xf32>
    %sub3A = arith.subf %mul3A_18, %broadcast_in_dim3A_19 : vector<1000x128xf32>
    %mul3A_20 = arith.constant 5.000000e-01 : f32
    %mul3A_21 = vector.broadcast %mul3A_20 : f32 to vector<1000x128xf32>
    %mul3A_22 = arith.mulf %sub3A, %mul3A_21 : vector<1000x128xf32>
    %add3A_23 = arith.addf %broadcast_in_dim3A_19, %mul3A_22 : vector<1000x128xf32>
    %ge3A = arith.constant 1.000000e+00 : f32
    %ge3A_24 = vector.broadcast %ge3A : f32 to vector<1000x128xf32>
    %ge3A_25 = arith.cmpf oge, %add3A_23, %ge3A_24 : vector<1000x128xf32>
    %convert_element_type3A_26 = arith.extui %ge3A_25 : vector<1000x128xi1> to vector<1000x128xi32>
    %convert_element_type3A_27 = arith.sitofp %convert_element_type3A_26 : vector<1000x128xi32> to vector<1000x128xf32>
    %sub3A_28 = arith.subf %add3A_23, %convert_element_type3A_27 : vector<1000x128xf32>
    %get3A_29 = arith.constant 0 : index
    %get3A_30 = arith.constant 0 : index
    %get3A_31 = vector.load %arg4[%get3A_29, %get3A_30] : memref<128x128xf32, #tpu.memory_space<vmem>>, vector<128x128xf32>
    %dot_general3A = arith.constant dense<0.000000e+00> : vector<1000x128xf32>
    %dot_general3A_32 = tpu.matmul %convert_element_type3A_27, %get3A_31, %dot_general3A {dimension_numbers = #tpu.dot_dimension_numbers<[1], [0], [0], [1], [0, 0, 1, 1], [], []>, precision = #tpu.contract_precision<fp32>, transpose_lhs_hint = false} : vector<1000x128xf32>, vector<128x128xf32>, vector<1000x128xf32> -> vector<1000x128xf32>
    %get3A_33 = arith.constant 0 : index
    %get3A_34 = arith.constant 0 : index
    %get3A_35 = vector.load %arg5[%get3A_33, %get3A_34] : memref<1x128xf32, #tpu.memory_space<vmem>>, vector<1x128xf32>
    %add3A_36 = vector.broadcast %get3A_35 : vector<1x128xf32> to vector<1000x128xf32>
    %add3A_37 = arith.addf %dot_general3A_32, %add3A_36 : vector<1000x128xf32>
    %mul3A_38 = vector.broadcast %get3A_3 : vector<1000x1xf32> to vector<1000x128xf32>
    %mul3A_39 = arith.mulf %add3A_37, %mul3A_38 : vector<1000x128xf32>
    %swap3A = arith.constant 0 : index
    %swap3A_40 = arith.constant 0 : index
    %swap3A_41 = arith.constant 0 : index
    %swap3A_42 = vector.load %arg6[%swap3A, %swap3A_40, %swap3A_41] : memref<4x1000x128xf32, #tpu.memory_space<vmem>>, vector<1x1000x128xf32>
    %swap3A_43 = vector.shape_cast %swap3A_42 : vector<1x1000x128xf32> to vector<1000x128xf32>
    %swap3A_44 = vector.shape_cast %mul3A_39 : vector<1000x128xf32> to vector<1x1000x128xf32>
    tpu.vector_store %arg6[%swap3A, %swap3A_40, %swap3A_41], %swap3A_44 {strides = array<i32>} : memref<4x1000x128xf32, #tpu.memory_space<vmem>>, vector<1x1000x128xf32>,
    %get3A_45 = arith.constant 0 : index
    %get3A_46 = arith.constant 0 : index
    %get3A_47 = arith.constant 0 : index
    %get3A_48 = vector.load %arg7[%get3A_45, %get3A_46, %get3A_47] : memref<4x8x128xf32, #tpu.memory_space<vmem>>, vector<1x8x128xf32>
    %get3A_49 = vector.shape_cast %get3A_48 : vector<1x8x128xf32> to vector<8x128xf32>
    %abs3A = math.absf %mul3A_39 : vector<1000x128xf32>
    %reduce_max3A = vector.shape_cast %abs3A : vector<1000x128xf32> to vector<1x1000x128xf32>
    %reduce_max3A_50 = arith.constant dense<0xFF800000> : vector<1xf32>
    %reduce_max3A_51 = vector.multi_reduction <maximumf>, %reduce_max3A, %reduce_max3A_50 [1, 2] : vector<1x1000x128xf32> to vector<1xf32>
    %reduce_max3A_52 = vector.shape_cast %reduce_max3A_51 : vector<1xf32> to vector<1x1x1xf32>
    %reduce_max3A_53 = vector.extract %reduce_max3A_52[0, 0, 0] : f32 from vector<1x1x1xf32>
    %max3A = vector.broadcast %reduce_max3A_53 : f32 to vector<8x128xf32>
    %max3A_54 = arith.maximumf %get3A_49, %max3A : vector<8x128xf32>
    %swap3A_55 = arith.constant 0 : index
    %swap3A_56 = arith.constant 0 : index
    %swap3A_57 = arith.constant 0 : index
    %swap3A_58 = vector.load %arg7[%swap3A_55, %swap3A_56, %swap3A_57] : memref<4x8x128xf32, #tpu.memory_space<vmem>>, vector<1x8x128xf32>
    %swap3A_59 = vector.shape_cast %swap3A_58 : vector<1x8x128xf32> to vector<8x128xf32>
    %swap3A_60 = vector.shape_cast %max3A_54 : vector<8x128xf32> to vector<1x8x128xf32>
    tpu.vector_store %arg7[%swap3A_55, %swap3A_56, %swap3A_57], %swap3A_60 {strides = array<i32>} : memref<4x8x128xf32, #tpu.memory_space<vmem>>, vector<1x8x128xf32>,
    %sub3A_61 = arith.subf %mul3A_18, %sub3A_28 : vector<1000x128xf32>
    %mul3A_62 = arith.constant 5.000000e-01 : f32
    %mul3A_63 = vector.broadcast %mul3A_62 : f32 to vector<1000x128xf32>
    %mul3A_64 = arith.mulf %sub3A_61, %mul3A_63 : vector<1000x128xf32>
    %add3A_65 = arith.addf %sub3A_28, %mul3A_64 : vector<1000x128xf32>
    %ge3A_66 = arith.constant 1.000000e+00 : f32
    %ge3A_67 = vector.broadcast %ge3A_66 : f32 to vector<1000x128xf32>
    %ge3A_68 = arith.cmpf oge, %add3A_65, %ge3A_67 : vector<1000x128xf32>
    %convert_element_type3A_69 = arith.extui %ge3A_68 : vector<1000x128xi1> to vector<1000x128xi32>
    %convert_element_type3A_70 = arith.sitofp %convert_element_type3A_69 : vector<1000x128xi32> to vector<1000x128xf32>
    %sub3A_71 = arith.subf %add3A_65, %convert_element_type3A_70 : vector<1000x128xf32>
    %get3A_72 = arith.constant 0 : index
    %get3A_73 = arith.constant 0 : index
    %get3A_74 = vector.load %arg4[%get3A_72, %get3A_73] : memref<128x128xf32, #tpu.memory_space<vmem>>, vector<128x128xf32>
    %dot_general3A_75 = arith.constant dense<0.000000e+00> : vector<1000x128xf32>
    %dot_general3A_76 = tpu.matmul %convert_element_type3A_70, %get3A_74, %dot_general3A_75 {dimension_numbers = #tpu.dot_dimension_numbers<[1], [0], [0], [1], [0, 0, 1, 1], [], []>, precision = #tpu.contract_precision<fp32>, transpose_lhs_hint = false} : vector<1000x128xf32>, vector<128x128xf32>, vector<1000x128xf32> -> vector<1000x128xf32>
    %get3A_77 = arith.constant 0 : index
    %get3A_78 = arith.constant 0 : index
    %get3A_79 = vector.load %arg5[%get3A_77, %get3A_78] : memref<1x128xf32, #tpu.memory_space<vmem>>, vector<1x128xf32>
    %add3A_80 = vector.broadcast %get3A_79 : vector<1x128xf32> to vector<1000x128xf32>
    %add3A_81 = arith.addf %dot_general3A_76, %add3A_80 : vector<1000x128xf32>
    %mul3A_82 = vector.broadcast %get3A_3 : vector<1000x1xf32> to vector<1000x128xf32>
    %mul3A_83 = arith.mulf %add3A_81, %mul3A_82 : vector<1000x128xf32>
    %swap3A_84 = arith.constant 1 : index
    %swap3A_85 = arith.constant 0 : index
    %swap3A_86 = arith.constant 0 : index
    %swap3A_87 = vector.load %arg6[%swap3A_84, %swap3A_85, %swap3A_86] : memref<4x1000x128xf32, #tpu.memory_space<vmem>>, vector<1x1000x128xf32>
    %swap3A_88 = vector.shape_cast %swap3A_87 : vector<1x1000x128xf32> to vector<1000x128xf32>
    %swap3A_89 = vector.shape_cast %mul3A_83 : vector<1000x128xf32> to vector<1x1000x128xf32>
    tpu.vector_store %arg6[%swap3A_84, %swap3A_85, %swap3A_86], %swap3A_89 {strides = array<i32>} : memref<4x1000x128xf32, #tpu.memory_space<vmem>>, vector<1x1000x128xf32>,
    %get3A_90 = arith.constant 1 : index
    %get3A_91 = arith.constant 0 : index
    %get3A_92 = arith.constant 0 : index
    %get3A_93 = vector.load %arg7[%get3A_90, %get3A_91, %get3A_92] : memref<4x8x128xf32, #tpu.memory_space<vmem>>, vector<1x8x128xf32>
    %get3A_94 = vector.shape_cast %get3A_93 : vector<1x8x128xf32> to vector<8x128xf32>
    %abs3A_95 = math.absf %mul3A_83 : vector<1000x128xf32>
    %reduce_max3A_96 = vector.shape_cast %abs3A_95 : vector<1000x128xf32> to vector<1x1000x128xf32>
    %reduce_max3A_97 = arith.constant dense<0xFF800000> : vector<1xf32>
    %reduce_max3A_98 = vector.multi_reduction <maximumf>, %reduce_max3A_96, %reduce_max3A_97 [1, 2] : vector<1x1000x128xf32> to vector<1xf32>
    %reduce_max3A_99 = vector.shape_cast %reduce_max3A_98 : vector<1xf32> to vector<1x1x1xf32>
    %reduce_max3A_100 = vector.extract %reduce_max3A_99[0, 0, 0] : f32 from vector<1x1x1xf32>
    %max3A_101 = vector.broadcast %reduce_max3A_100 : f32 to vector<8x128xf32>
    %max3A_102 = arith.maximumf %get3A_94, %max3A_101 : vector<8x128xf32>
    %swap3A_103 = arith.constant 1 : index
    %swap3A_104 = arith.constant 0 : index
    %swap3A_105 = arith.constant 0 : index
    %swap3A_106 = vector.load %arg7[%swap3A_103, %swap3A_104, %swap3A_105] : memref<4x8x128xf32, #tpu.memory_space<vmem>>, vector<1x8x128xf32>
    %swap3A_107 = vector.shape_cast %swap3A_106 : vector<1x8x128xf32> to vector<8x128xf32>
    %swap3A_108 = vector.shape_cast %max3A_102 : vector<8x128xf32> to vector<1x8x128xf32>
    tpu.vector_store %arg7[%swap3A_103, %swap3A_104, %swap3A_105], %swap3A_108 {strides = array<i32>} : memref<4x8x128xf32, #tpu.memory_space<vmem>>, vector<1x8x128xf32>,
    %sub3A_109 = arith.subf %mul3A_18, %sub3A_71 : vector<1000x128xf32>
    %mul3A_110 = arith.constant 5.000000e-01 : f32
    %mul3A_111 = vector.broadcast %mul3A_110 : f32 to vector<1000x128xf32>
    %mul3A_112 = arith.mulf %sub3A_109, %mul3A_111 : vector<1000x128xf32>
    %add3A_113 = arith.addf %sub3A_71, %mul3A_112 : vector<1000x128xf32>
    %ge3A_114 = arith.constant 1.000000e+00 : f32
    %ge3A_115 = vector.broadcast %ge3A_114 : f32 to vector<1000x128xf32>
    %ge3A_116 = arith.cmpf oge, %add3A_113, %ge3A_115 : vector<1000x128xf32>
    %convert_element_type3A_117 = arith.extui %ge3A_116 : vector<1000x128xi1> to vector<1000x128xi32>
    %convert_element_type3A_118 = arith.sitofp %convert_element_type3A_117 : vector<1000x128xi32> to vector<1000x128xf32>
    %sub3A_119 = arith.subf %add3A_113, %convert_element_type3A_118 : vector<1000x128xf32>
    %get3A_120 = arith.constant 0 : index
    %get3A_121 = arith.constant 0 : index
    %get3A_122 = vector.load %arg4[%get3A_120, %get3A_121] : memref<128x128xf32, #tpu.memory_space<vmem>>, vector<128x128xf32>
    %dot_general3A_123 = arith.constant dense<0.000000e+00> : vector<1000x128xf32>
    %dot_general3A_124 = tpu.matmul %convert_element_type3A_118, %get3A_122, %dot_general3A_123 {dimension_numbers = #tpu.dot_dimension_numbers<[1], [0], [0], [1], [0, 0, 1, 1], [], []>, precision = #tpu.contract_precision<fp32>, transpose_lhs_hint = false} : vector<1000x128xf32>, vector<128x128xf32>, vector<1000x128xf32> -> vector<1000x128xf32>
    %get3A_125 = arith.constant 0 : index
    %get3A_126 = arith.constant 0 : index
    %get3A_127 = vector.load %arg5[%get3A_125, %get3A_126] : memref<1x128xf32, #tpu.memory_space<vmem>>, vector<1x128xf32>
    %add3A_128 = vector.broadcast %get3A_127 : vector<1x128xf32> to vector<1000x128xf32>
    %add3A_129 = arith.addf %dot_general3A_124, %add3A_128 : vector<1000x128xf32>
    %mul3A_130 = vector.broadcast %get3A_3 : vector<1000x1xf32> to vector<1000x128xf32>
    %mul3A_131 = arith.mulf %add3A_129, %mul3A_130 : vector<1000x128xf32>
    %swap3A_132 = arith.constant 2 : index
    %swap3A_133 = arith.constant 0 : index
    %swap3A_134 = arith.constant 0 : index
    %swap3A_135 = vector.load %arg6[%swap3A_132, %swap3A_133, %swap3A_134] : memref<4x1000x128xf32, #tpu.memory_space<vmem>>, vector<1x1000x128xf32>
    %swap3A_136 = vector.shape_cast %swap3A_135 : vector<1x1000x128xf32> to vector<1000x128xf32>
    %swap3A_137 = vector.shape_cast %mul3A_131 : vector<1000x128xf32> to vector<1x1000x128xf32>
    tpu.vector_store %arg6[%swap3A_132, %swap3A_133, %swap3A_134], %swap3A_137 {strides = array<i32>} : memref<4x1000x128xf32, #tpu.memory_space<vmem>>, vector<1x1000x128xf32>,
    %get3A_138 = arith.constant 2 : index
    %get3A_139 = arith.constant 0 : index
    %get3A_140 = arith.constant 0 : index
    %get3A_141 = vector.load %arg7[%get3A_138, %get3A_139, %get3A_140] : memref<4x8x128xf32, #tpu.memory_space<vmem>>, vector<1x8x128xf32>
    %get3A_142 = vector.shape_cast %get3A_141 : vector<1x8x128xf32> to vector<8x128xf32>
    %abs3A_143 = math.absf %mul3A_131 : vector<1000x128xf32>
    %reduce_max3A_144 = vector.shape_cast %abs3A_143 : vector<1000x128xf32> to vector<1x1000x128xf32>
    %reduce_max3A_145 = arith.constant dense<0xFF800000> : vector<1xf32>
    %reduce_max3A_146 = vector.multi_reduction <maximumf>, %reduce_max3A_144, %reduce_max3A_145 [1, 2] : vector<1x1000x128xf32> to vector<1xf32>
    %reduce_max3A_147 = vector.shape_cast %reduce_max3A_146 : vector<1xf32> to vector<1x1x1xf32>
    %reduce_max3A_148 = vector.extract %reduce_max3A_147[0, 0, 0] : f32 from vector<1x1x1xf32>
    %max3A_149 = vector.broadcast %reduce_max3A_148 : f32 to vector<8x128xf32>
    %max3A_150 = arith.maximumf %get3A_142, %max3A_149 : vector<8x128xf32>
    %swap3A_151 = arith.constant 2 : index
    %swap3A_152 = arith.constant 0 : index
    %swap3A_153 = arith.constant 0 : index
    %swap3A_154 = vector.load %arg7[%swap3A_151, %swap3A_152, %swap3A_153] : memref<4x8x128xf32, #tpu.memory_space<vmem>>, vector<1x8x128xf32>
    %swap3A_155 = vector.shape_cast %swap3A_154 : vector<1x8x128xf32> to vector<8x128xf32>
    %swap3A_156 = vector.shape_cast %max3A_150 : vector<8x128xf32> to vector<1x8x128xf32>
    tpu.vector_store %arg7[%swap3A_151, %swap3A_152, %swap3A_153], %swap3A_156 {strides = array<i32>} : memref<4x8x128xf32, #tpu.memory_space<vmem>>, vector<1x8x128xf32>,
    %sub3A_157 = arith.subf %mul3A_18, %sub3A_119 : vector<1000x128xf32>
    %mul3A_158 = arith.constant 5.000000e-01 : f32
    %mul3A_159 = vector.broadcast %mul3A_158 : f32 to vector<1000x128xf32>
    %mul3A_160 = arith.mulf %sub3A_157, %mul3A_159 : vector<1000x128xf32>
    %add3A_161 = arith.addf %sub3A_119, %mul3A_160 : vector<1000x128xf32>
    %ge3A_162 = arith.constant 1.000000e+00 : f32
    %ge3A_163 = vector.broadcast %ge3A_162 : f32 to vector<1000x128xf32>
    %ge3A_164 = arith.cmpf oge, %add3A_161, %ge3A_163 : vector<1000x128xf32>
    %convert_element_type3A_165 = arith.extui %ge3A_164 : vector<1000x128xi1> to vector<1000x128xi32>
    %convert_element_type3A_166 = arith.sitofp %convert_element_type3A_165 : vector<1000x128xi32> to vector<1000x128xf32>
    %get3A_167 = arith.constant 0 : index
    %get3A_168 = arith.constant 0 : index
    %get3A_169 = vector.load %arg4[%get3A_167, %get3A_168] : memref<128x128xf32, #tpu.memory_space<vmem>>, vector<128x128xf32>
    %dot_general3A_170 = arith.constant dense<0.000000e+00> : vector<1000x128xf32>
    %dot_general3A_171 = tpu.matmul %convert_element_type3A_166, %get3A_169, %dot_general3A_170 {dimension_numbers = #tpu.dot_dimension_numbers<[1], [0], [0], [1], [0, 0, 1, 1], [], []>, precision = #tpu.contract_precision<fp32>, transpose_lhs_hint = false} : vector<1000x128xf32>, vector<128x128xf32>, vector<1000x128xf32> -> vector<1000x128xf32>
    %get3A_172 = arith.constant 0 : index
    %get3A_173 = arith.constant 0 : index
    %get3A_174 = vector.load %arg5[%get3A_172, %get3A_173] : memref<1x128xf32, #tpu.memory_space<vmem>>, vector<1x128xf32>
    %add3A_175 = vector.broadcast %get3A_174 : vector<1x128xf32> to vector<1000x128xf32>
    %add3A_176 = arith.addf %dot_general3A_171, %add3A_175 : vector<1000x128xf32>
    %mul3A_177 = vector.broadcast %get3A_3 : vector<1000x1xf32> to vector<1000x128xf32>
    %mul3A_178 = arith.mulf %add3A_176, %mul3A_177 : vector<1000x128xf32>
    %swap3A_179 = arith.constant 3 : index
    %swap3A_180 = arith.constant 0 : index
    %swap3A_181 = arith.constant 0 : index
    %swap3A_182 = vector.load %arg6[%swap3A_179, %swap3A_180, %swap3A_181] : memref<4x1000x128xf32, #tpu.memory_space<vmem>>, vector<1x1000x128xf32>
    %swap3A_183 = vector.shape_cast %swap3A_182 : vector<1x1000x128xf32> to vector<1000x128xf32>
    %swap3A_184 = vector.shape_cast %mul3A_178 : vector<1000x128xf32> to vector<1x1000x128xf32>
    tpu.vector_store %arg6[%swap3A_179, %swap3A_180, %swap3A_181], %swap3A_184 {strides = array<i32>} : memref<4x1000x128xf32, #tpu.memory_space<vmem>>, vector<1x1000x128xf32>,
    %get3A_185 = arith.constant 3 : index
    %get3A_186 = arith.constant 0 : index
    %get3A_187 = arith.constant 0 : index
    %get3A_188 = vector.load %arg7[%get3A_185, %get3A_186, %get3A_187] : memref<4x8x128xf32, #tpu.memory_space<vmem>>, vector<1x8x128xf32>
    %get3A_189 = vector.shape_cast %get3A_188 : vector<1x8x128xf32> to vector<8x128xf32>
    %abs3A_190 = math.absf %mul3A_178 : vector<1000x128xf32>
    %reduce_max3A_191 = vector.shape_cast %abs3A_190 : vector<1000x128xf32> to vector<1x1000x128xf32>
    %reduce_max3A_192 = arith.constant dense<0xFF800000> : vector<1xf32>
    %reduce_max3A_193 = vector.multi_reduction <maximumf>, %reduce_max3A_191, %reduce_max3A_192 [1, 2] : vector<1x1000x128xf32> to vector<1xf32>
    %reduce_max3A_194 = vector.shape_cast %reduce_max3A_193 : vector<1xf32> to vector<1x1x1xf32>
    %reduce_max3A_195 = vector.extract %reduce_max3A_194[0, 0, 0] : f32 from vector<1x1x1xf32>
    %max3A_196 = vector.broadcast %reduce_max3A_195 : f32 to vector<8x128xf32>
    %max3A_197 = arith.maximumf %get3A_189, %max3A_196 : vector<8x128xf32>
    %swap3A_198 = arith.constant 3 : index
    %swap3A_199 = arith.constant 0 : index
    %swap3A_200 = arith.constant 0 : index
    %swap3A_201 = vector.load %arg7[%swap3A_198, %swap3A_199, %swap3A_200] : memref<4x8x128xf32, #tpu.memory_space<vmem>>, vector<1x8x128xf32>
    %swap3A_202 = vector.shape_cast %swap3A_201 : vector<1x8x128xf32> to vector<8x128xf32>
    %swap3A_203 = vector.shape_cast %max3A_197 : vector<8x128xf32> to vector<1x8x128xf32>
    tpu.vector_store %arg7[%swap3A_198, %swap3A_199, %swap3A_200], %swap3A_203 {strides = array<i32>} : memref<4x8x128xf32, #tpu.memory_space<vmem>>, vector<1x8x128xf32>,
    return
  }
  func.func @transform_0(%arg0: i32) -> (i32, i32, i32) {
    %c0_i32 = arith.constant 0 : i32
    %c0_i32_0 = arith.constant 0 : i32
    %c0_i32_1 = arith.constant 0 : i32
    return %c0_i32, %arg0, %c0_i32_0 : i32, i32, i32
  }
  func.func @transform_1(%arg0: i32) -> (i32, i32) {
    %c0_i32 = arith.constant 0 : i32
    %c0_i32_0 = arith.constant 0 : i32
    return %arg0, %c0_i32 : i32, i32
  }
  func.func @transform_2(%arg0: i32) -> (i32, i32) {
    %c0_i32 = arith.constant 0 : i32
    %c0_i32_0 = arith.constant 0 : i32
    return %arg0, %c0_i32 : i32, i32
  }
  func.func @transform_3(%arg0: i32) -> (i32, i32) {
    %c0_i32 = arith.constant 0 : i32
    %c0_i32_0 = arith.constant 0 : i32
    %c0_i32_1 = arith.constant 0 : i32
    return %c0_i32, %c0_i32_0 : i32, i32
  }
  func.func @transform_4(%arg0: i32) -> (i32, i32) {
    %c0_i32 = arith.constant 0 : i32
    %c0_i32_0 = arith.constant 0 : i32
    %c0_i32_1 = arith.constant 0 : i32
    return %c0_i32, %c0_i32_0 : i32, i32
  }
  func.func @transform_5(%arg0: i32) -> (i32, i32, i32) {
    %c0_i32 = arith.constant 0 : i32
    %c0_i32_0 = arith.constant 0 : i32
    %c0_i32_1 = arith.constant 0 : i32
    return %c0_i32, %arg0, %c0_i32_0 : i32, i32, i32
  }
  func.func @transform_6(%arg0: i32) -> (i32, i32, i32) {
    %c0_i32 = arith.constant 0 : i32
    %c0_i32_0 = arith.constant 0 : i32
    %c0_i32_1 = arith.constant 0 : i32
    %c0_i32_2 = arith.constant 0 : i32
    return %c0_i32, %c0_i32_0, %c0_i32_1 : i32, i32, i32
  }
}

module attributes {stable_mosaic.version = 14 : i64} {
  func.func @body(%arg0: i32, %arg1: memref<4x1000x128xf32, #tpu.memory_space<vmem>>, %arg2: memref<1000x1xf32, #tpu.memory_space<vmem>>, %arg3: memref<128x128xf32, #tpu.memory_space<vmem>>, %arg4: memref<1x128xf32, #tpu.memory_space<vmem>>, %arg5: memref<1000x128xf32, #tpu.memory_space<vmem>>) attributes {dimension_semantics = [#tpu.dimension_semantics<arbitrary>], iteration_bounds = array<i64: 10>, scalar_prefetch = 0 : i64, scratch_operands = 0 : i64, tpu.core_type = #tpu.core_type<tc>, window_params = [{transform_indices = @transform_0, window_bounds = array<i64: 4, 1000, 128>}, {transform_indices = @transform_1, window_bounds = array<i64: 1000, 1>}, {pipeline_mode = #tpu.pipeline_mode<synchronous>, transform_indices = @transform_2, window_bounds = array<i64: 128, 128>}, {pipeline_mode = #tpu.pipeline_mode<synchronous>, transform_indices = @transform_3, window_bounds = array<i64: 1, 128>}, {transform_indices = @transform_4, window_bounds = array<i64: 1000, 128>}]} {
    %get3A = arith.constant 0 : index
    %get3A_0 = arith.constant 0 : index
    %get3A_1 = vector.load %arg2[%get3A, %get3A_0] : memref<1000x1xf32, #tpu.memory_space<vmem>>, vector<1000x1xf32>
    %broadcast_in_dim3A = arith.constant 0.000000e+00 : f32
    %broadcast_in_dim3A_2 = vector.broadcast %broadcast_in_dim3A : f32 to vector<1000x128xf32>
    %broadcast_in_dim3A_3 = arith.constant 0.000000e+00 : f32
    %broadcast_in_dim3A_4 = vector.broadcast %broadcast_in_dim3A_3 : f32 to vector<1000x128xf32>
    %get3A_5 = arith.constant 0 : index
    %get3A_6 = arith.constant 0 : index
    %get3A_7 = arith.constant 0 : index
    %get3A_8 = vector.load %arg1[%get3A_5, %get3A_6, %get3A_7] : memref<4x1000x128xf32, #tpu.memory_space<vmem>>, vector<1x1000x128xf32>
    %get3A_9 = vector.shape_cast %get3A_8 : vector<1x1000x128xf32> to vector<1000x128xf32>
    %mul3A = vector.broadcast %get3A_1 : vector<1000x1xf32> to vector<1000x128xf32>
    %mul3A_10 = arith.mulf %mul3A, %get3A_9 : vector<1000x128xf32>
    %sub3A = arith.subf %mul3A_10, %broadcast_in_dim3A_2 : vector<1000x128xf32>
    %mul3A_11 = arith.constant 5.000000e-01 : f32
    %mul3A_12 = vector.broadcast %mul3A_11 : f32 to vector<1000x128xf32>
    %mul3A_13 = arith.mulf %sub3A, %mul3A_12 : vector<1000x128xf32>
    %add3A = arith.addf %broadcast_in_dim3A_2, %mul3A_13 : vector<1000x128xf32>
    %ge3A = arith.constant 1.000000e+00 : f32
    %ge3A_14 = vector.broadcast %ge3A : f32 to vector<1000x128xf32>
    %ge3A_15 = arith.cmpf oge, %add3A, %ge3A_14 : vector<1000x128xf32>
    %convert_element_type3A = arith.extui %ge3A_15 : vector<1000x128xi1> to vector<1000x128xi32>
    %convert_element_type3A_16 = arith.sitofp %convert_element_type3A : vector<1000x128xi32> to vector<1000x128xf32>
    %sub3A_17 = arith.subf %add3A, %convert_element_type3A_16 : vector<1000x128xf32>
    %add3A_18 = arith.addf %broadcast_in_dim3A_4, %convert_element_type3A_16 : vector<1000x128xf32>
    %get3A_19 = arith.constant 1 : index
    %get3A_20 = arith.constant 0 : index
    %get3A_21 = arith.constant 0 : index
    %get3A_22 = vector.load %arg1[%get3A_19, %get3A_20, %get3A_21] : memref<4x1000x128xf32, #tpu.memory_space<vmem>>, vector<1x1000x128xf32>
    %get3A_23 = vector.shape_cast %get3A_22 : vector<1x1000x128xf32> to vector<1000x128xf32>
    %mul3A_24 = vector.broadcast %get3A_1 : vector<1000x1xf32> to vector<1000x128xf32>
    %mul3A_25 = arith.mulf %mul3A_24, %get3A_23 : vector<1000x128xf32>
    %sub3A_26 = arith.subf %mul3A_25, %sub3A_17 : vector<1000x128xf32>
    %mul3A_27 = arith.constant 5.000000e-01 : f32
    %mul3A_28 = vector.broadcast %mul3A_27 : f32 to vector<1000x128xf32>
    %mul3A_29 = arith.mulf %sub3A_26, %mul3A_28 : vector<1000x128xf32>
    %add3A_30 = arith.addf %sub3A_17, %mul3A_29 : vector<1000x128xf32>
    %ge3A_31 = arith.constant 1.000000e+00 : f32
    %ge3A_32 = vector.broadcast %ge3A_31 : f32 to vector<1000x128xf32>
    %ge3A_33 = arith.cmpf oge, %add3A_30, %ge3A_32 : vector<1000x128xf32>
    %convert_element_type3A_34 = arith.extui %ge3A_33 : vector<1000x128xi1> to vector<1000x128xi32>
    %convert_element_type3A_35 = arith.sitofp %convert_element_type3A_34 : vector<1000x128xi32> to vector<1000x128xf32>
    %sub3A_36 = arith.subf %add3A_30, %convert_element_type3A_35 : vector<1000x128xf32>
    %add3A_37 = arith.addf %add3A_18, %convert_element_type3A_35 : vector<1000x128xf32>
    %get3A_38 = arith.constant 2 : index
    %get3A_39 = arith.constant 0 : index
    %get3A_40 = arith.constant 0 : index
    %get3A_41 = vector.load %arg1[%get3A_38, %get3A_39, %get3A_40] : memref<4x1000x128xf32, #tpu.memory_space<vmem>>, vector<1x1000x128xf32>
    %get3A_42 = vector.shape_cast %get3A_41 : vector<1x1000x128xf32> to vector<1000x128xf32>
    %mul3A_43 = vector.broadcast %get3A_1 : vector<1000x1xf32> to vector<1000x128xf32>
    %mul3A_44 = arith.mulf %mul3A_43, %get3A_42 : vector<1000x128xf32>
    %sub3A_45 = arith.subf %mul3A_44, %sub3A_36 : vector<1000x128xf32>
    %mul3A_46 = arith.constant 5.000000e-01 : f32
    %mul3A_47 = vector.broadcast %mul3A_46 : f32 to vector<1000x128xf32>
    %mul3A_48 = arith.mulf %sub3A_45, %mul3A_47 : vector<1000x128xf32>
    %add3A_49 = arith.addf %sub3A_36, %mul3A_48 : vector<1000x128xf32>
    %ge3A_50 = arith.constant 1.000000e+00 : f32
    %ge3A_51 = vector.broadcast %ge3A_50 : f32 to vector<1000x128xf32>
    %ge3A_52 = arith.cmpf oge, %add3A_49, %ge3A_51 : vector<1000x128xf32>
    %convert_element_type3A_53 = arith.extui %ge3A_52 : vector<1000x128xi1> to vector<1000x128xi32>
    %convert_element_type3A_54 = arith.sitofp %convert_element_type3A_53 : vector<1000x128xi32> to vector<1000x128xf32>
    %sub3A_55 = arith.subf %add3A_49, %convert_element_type3A_54 : vector<1000x128xf32>
    %add3A_56 = arith.addf %add3A_37, %convert_element_type3A_54 : vector<1000x128xf32>
    %get3A_57 = arith.constant 3 : index
    %get3A_58 = arith.constant 0 : index
    %get3A_59 = arith.constant 0 : index
    %get3A_60 = vector.load %arg1[%get3A_57, %get3A_58, %get3A_59] : memref<4x1000x128xf32, #tpu.memory_space<vmem>>, vector<1x1000x128xf32>
    %get3A_61 = vector.shape_cast %get3A_60 : vector<1x1000x128xf32> to vector<1000x128xf32>
    %mul3A_62 = vector.broadcast %get3A_1 : vector<1000x1xf32> to vector<1000x128xf32>
    %mul3A_63 = arith.mulf %mul3A_62, %get3A_61 : vector<1000x128xf32>
    %sub3A_64 = arith.subf %mul3A_63, %sub3A_55 : vector<1000x128xf32>
    %mul3A_65 = arith.constant 5.000000e-01 : f32
    %mul3A_66 = vector.broadcast %mul3A_65 : f32 to vector<1000x128xf32>
    %mul3A_67 = arith.mulf %sub3A_64, %mul3A_66 : vector<1000x128xf32>
    %add3A_68 = arith.addf %sub3A_55, %mul3A_67 : vector<1000x128xf32>
    %ge3A_69 = arith.constant 1.000000e+00 : f32
    %ge3A_70 = vector.broadcast %ge3A_69 : f32 to vector<1000x128xf32>
    %ge3A_71 = arith.cmpf oge, %add3A_68, %ge3A_70 : vector<1000x128xf32>
    %convert_element_type3A_72 = arith.extui %ge3A_71 : vector<1000x128xi1> to vector<1000x128xi32>
    %convert_element_type3A_73 = arith.sitofp %convert_element_type3A_72 : vector<1000x128xi32> to vector<1000x128xf32>
    %add3A_74 = arith.addf %add3A_56, %convert_element_type3A_73 : vector<1000x128xf32>
    %mul3A_75 = arith.constant 2.500000e-01 : f32
    %mul3A_76 = vector.broadcast %mul3A_75 : f32 to vector<1000x128xf32>
    %mul3A_77 = arith.mulf %add3A_74, %mul3A_76 : vector<1000x128xf32>
    %get3A_78 = arith.constant 0 : index
    %get3A_79 = arith.constant 0 : index
    %get3A_80 = vector.load %arg3[%get3A_78, %get3A_79] : memref<128x128xf32, #tpu.memory_space<vmem>>, vector<128x128xf32>
    %dot_general3A = arith.constant dense<0.000000e+00> : vector<1000x128xf32>
    %dot_general3A_81 = tpu.matmul %mul3A_77, %get3A_80, %dot_general3A {dimension_numbers = #tpu.dot_dimension_numbers<[1], [0], [0], [1], [0, 0, 1, 1], [], []>, precision = #tpu.contract_precision<fp32>, transpose_lhs_hint = false} : vector<1000x128xf32>, vector<128x128xf32>, vector<1000x128xf32> -> vector<1000x128xf32>
    %get3A_82 = arith.constant 0 : index
    %get3A_83 = arith.constant 0 : index
    %get3A_84 = vector.load %arg4[%get3A_82, %get3A_83] : memref<1x128xf32, #tpu.memory_space<vmem>>, vector<1x128xf32>
    %add3A_85 = vector.broadcast %get3A_84 : vector<1x128xf32> to vector<1000x128xf32>
    %add3A_86 = arith.addf %dot_general3A_81, %add3A_85 : vector<1000x128xf32>
    %swap3A = arith.constant 0 : index
    %swap3A_87 = arith.constant 0 : index
    %swap3A_88 = vector.load %arg5[%swap3A, %swap3A_87] : memref<1000x128xf32, #tpu.memory_space<vmem>>, vector<1000x128xf32>
    tpu.vector_store %arg5[%swap3A, %swap3A_87], %add3A_86 {strides = array<i32>} : memref<1000x128xf32, #tpu.memory_space<vmem>>, vector<1000x128xf32>,
    return
  }
  func.func @transform_0(%arg0: i32) -> (i32, i32, i32) {
    %c0_i32 = arith.constant 0 : i32
    %c0_i32_0 = arith.constant 0 : i32
    %c0_i32_1 = arith.constant 0 : i32
    return %c0_i32, %arg0, %c0_i32_0 : i32, i32, i32
  }
  func.func @transform_1(%arg0: i32) -> (i32, i32) {
    %c0_i32 = arith.constant 0 : i32
    %c0_i32_0 = arith.constant 0 : i32
    return %arg0, %c0_i32 : i32, i32
  }
  func.func @transform_2(%arg0: i32) -> (i32, i32) {
    %c0_i32 = arith.constant 0 : i32
    %c0_i32_0 = arith.constant 0 : i32
    %c0_i32_1 = arith.constant 0 : i32
    return %c0_i32, %c0_i32_0 : i32, i32
  }
  func.func @transform_3(%arg0: i32) -> (i32, i32) {
    %c0_i32 = arith.constant 0 : i32
    %c0_i32_0 = arith.constant 0 : i32
    %c0_i32_1 = arith.constant 0 : i32
    return %c0_i32, %c0_i32_0 : i32, i32
  }
  func.func @transform_4(%arg0: i32) -> (i32, i32) {
    %c0_i32 = arith.constant 0 : i32
    %c0_i32_0 = arith.constant 0 : i32
    return %arg0, %c0_i32 : i32, i32
  }
}

module attributes {stable_mosaic.version = 14 : i64} {
  func.func @body(%arg0: i32, %arg1: memref<4x2x1000x128xf32, #tpu.memory_space<vmem>>, %arg2: memref<4x1000x128xf32, #tpu.memory_space<vmem>>, %arg3: memref<1000x1xf32, #tpu.memory_space<vmem>>, %arg4: memref<128x128xf32, #tpu.memory_space<vmem>>, %arg5: memref<1x128xf32, #tpu.memory_space<vmem>>, %arg6: memref<1000x128xf32, #tpu.memory_space<vmem>>) attributes {dimension_semantics = [#tpu.dimension_semantics<arbitrary>], iteration_bounds = array<i64: 10>, scalar_prefetch = 0 : i64, scratch_operands = 0 : i64, tpu.core_type = #tpu.core_type<tc>, window_params = [{transform_indices = @transform_0, window_bounds = array<i64: 4, 2, 1000, 128>}, {transform_indices = @transform_1, window_bounds = array<i64: 4, 1000, 128>}, {transform_indices = @transform_2, window_bounds = array<i64: 1000, 1>}, {pipeline_mode = #tpu.pipeline_mode<synchronous>, transform_indices = @transform_3, window_bounds = array<i64: 128, 128>}, {pipeline_mode = #tpu.pipeline_mode<synchronous>, transform_indices = @transform_4, window_bounds = array<i64: 1, 128>}, {transform_indices = @transform_5, window_bounds = array<i64: 1000, 128>}]} {
    %get3A = arith.constant 0 : index
    %get3A_0 = arith.constant 0 : index
    %get3A_1 = vector.load %arg3[%get3A, %get3A_0] : memref<1000x1xf32, #tpu.memory_space<vmem>>, vector<1000x1xf32>
    %broadcast_in_dim3A = arith.constant 0.000000e+00 : f32
    %broadcast_in_dim3A_2 = vector.broadcast %broadcast_in_dim3A : f32 to vector<1000x128xf32>
    %broadcast_in_dim3A_3 = arith.constant 0.000000e+00 : f32
    %broadcast_in_dim3A_4 = vector.broadcast %broadcast_in_dim3A_3 : f32 to vector<1000x128xf32>
    %get3A_5 = arith.constant 0 : index
    %get3A_6 = arith.constant 0 : index
    %get3A_7 = arith.constant 0 : index
    %get3A_8 = arith.constant 0 : index
    %get3A_9 = vector.load %arg1[%get3A_5, %get3A_6, %get3A_7, %get3A_8] : memref<4x2x1000x128xf32, #tpu.memory_space<vmem>>, vector<1x1x1000x128xf32>
    %get3A_10 = vector.shape_cast %get3A_9 : vector<1x1x1000x128xf32> to vector<1000x128xf32>
    %get3A_11 = arith.constant 0 : index
    %get3A_12 = arith.constant 1 : index
    %get3A_13 = arith.constant 0 : index
    %get3A_14 = arith.constant 0 : index
    %get3A_15 = vector.load %arg1[%get3A_11, %get3A_12, %get3A_13, %get3A_14] : memref<4x2x1000x128xf32, #tpu.memory_space<vmem>>, vector<1x1x1000x128xf32>
    %get3A_16 = vector.shape_cast %get3A_15 : vector<1x1x1000x128xf32> to vector<1000x128xf32>
    %add3A = arith.addf %get3A_10, %get3A_16 : vector<1000x128xf32>
    %get3A_17 = arith.constant 0 : index
    %get3A_18 = arith.constant 0 : index
    %get3A_19 = arith.constant 0 : index
    %get3A_20 = vector.load %arg2[%get3A_17, %get3A_18, %get3A_19] : memref<4x1000x128xf32, #tpu.memory_space<vmem>>, vector<1x1000x128xf32>
    %get3A_21 = vector.shape_cast %get3A_20 : vector<1x1000x128xf32> to vector<1000x128xf32>
    %add3A_22 = arith.addf %add3A, %get3A_21 : vector<1000x128xf32>
    %mul3A = vector.broadcast %get3A_1 : vector<1000x1xf32> to vector<1000x128xf32>
    %mul3A_23 = arith.mulf %mul3A, %add3A_22 : vector<1000x128xf32>
    %sub3A = arith.subf %mul3A_23, %broadcast_in_dim3A_2 : vector<1000x128xf32>
    %mul3A_24 = arith.constant 5.000000e-01 : f32
    %mul3A_25 = vector.broadcast %mul3A_24 : f32 to vector<1000x128xf32>
    %mul3A_26 = arith.mulf %sub3A, %mul3A_25 : vector<1000x128xf32>
    %add3A_27 = arith.addf %broadcast_in_dim3A_2, %mul3A_26 : vector<1000x128xf32>
    %ge3A = arith.constant 1.000000e+00 : f32
    %ge3A_28 = vector.broadcast %ge3A : f32 to vector<1000x128xf32>
    %ge3A_29 = arith.cmpf oge, %add3A_27, %ge3A_28 : vector<1000x128xf32>
    %convert_element_type3A = arith.extui %ge3A_29 : vector<1000x128xi1> to vector<1000x128xi32>
    %convert_element_type3A_30 = arith.sitofp %convert_element_type3A : vector<1000x128xi32> to vector<1000x128xf32>
    %sub3A_31 = arith.subf %add3A_27, %convert_element_type3A_30 : vector<1000x128xf32>
    %add3A_32 = arith.addf %broadcast_in_dim3A_4, %convert_element_type3A_30 : vector<1000x128xf32>
    %get3A_33 = arith.constant 1 : index
    %get3A_34 = arith.constant 0 : index
    %get3A_35 = arith.constant 0 : index
    %get3A_36 = arith.constant 0 : index
    %get3A_37 = vector.load %arg1[%get3A_33, %get3A_34, %get3A_35, %get3A_36] : memref<4x2x1000x128xf32, #tpu.memory_space<vmem>>, vector<1x1x1000x128xf32>
    %get3A_38 = vector.shape_cast %get3A_37 : vector<1x1x1000x128xf32> to vector<1000x128xf32>
    %get3A_39 = arith.constant 1 : index
    %get3A_40 = arith.constant 1 : index
    %get3A_41 = arith.constant 0 : index
    %get3A_42 = arith.constant 0 : index
    %get3A_43 = vector.load %arg1[%get3A_39, %get3A_40, %get3A_41, %get3A_42] : memref<4x2x1000x128xf32, #tpu.memory_space<vmem>>, vector<1x1x1000x128xf32>
    %get3A_44 = vector.shape_cast %get3A_43 : vector<1x1x1000x128xf32> to vector<1000x128xf32>
    %add3A_45 = arith.addf %get3A_38, %get3A_44 : vector<1000x128xf32>
    %get3A_46 = arith.constant 1 : index
    %get3A_47 = arith.constant 0 : index
    %get3A_48 = arith.constant 0 : index
    %get3A_49 = vector.load %arg2[%get3A_46, %get3A_47, %get3A_48] : memref<4x1000x128xf32, #tpu.memory_space<vmem>>, vector<1x1000x128xf32>
    %get3A_50 = vector.shape_cast %get3A_49 : vector<1x1000x128xf32> to vector<1000x128xf32>
    %add3A_51 = arith.addf %add3A_45, %get3A_50 : vector<1000x128xf32>
    %mul3A_52 = vector.broadcast %get3A_1 : vector<1000x1xf32> to vector<1000x128xf32>
    %mul3A_53 = arith.mulf %mul3A_52, %add3A_51 : vector<1000x128xf32>
    %sub3A_54 = arith.subf %mul3A_53, %sub3A_31 : vector<1000x128xf32>
    %mul3A_55 = arith.constant 5.000000e-01 : f32
    %mul3A_56 = vector.broadcast %mul3A_55 : f32 to vector<1000x128xf32>
    %mul3A_57 = arith.mulf %sub3A_54, %mul3A_56 : vector<1000x128xf32>
    %add3A_58 = arith.addf %sub3A_31, %mul3A_57 : vector<1000x128xf32>
    %ge3A_59 = arith.constant 1.000000e+00 : f32
    %ge3A_60 = vector.broadcast %ge3A_59 : f32 to vector<1000x128xf32>
    %ge3A_61 = arith.cmpf oge, %add3A_58, %ge3A_60 : vector<1000x128xf32>
    %convert_element_type3A_62 = arith.extui %ge3A_61 : vector<1000x128xi1> to vector<1000x128xi32>
    %convert_element_type3A_63 = arith.sitofp %convert_element_type3A_62 : vector<1000x128xi32> to vector<1000x128xf32>
    %sub3A_64 = arith.subf %add3A_58, %convert_element_type3A_63 : vector<1000x128xf32>
    %add3A_65 = arith.addf %add3A_32, %convert_element_type3A_63 : vector<1000x128xf32>
    %get3A_66 = arith.constant 2 : index
    %get3A_67 = arith.constant 0 : index
    %get3A_68 = arith.constant 0 : index
    %get3A_69 = arith.constant 0 : index
    %get3A_70 = vector.load %arg1[%get3A_66, %get3A_67, %get3A_68, %get3A_69] : memref<4x2x1000x128xf32, #tpu.memory_space<vmem>>, vector<1x1x1000x128xf32>
    %get3A_71 = vector.shape_cast %get3A_70 : vector<1x1x1000x128xf32> to vector<1000x128xf32>
    %get3A_72 = arith.constant 2 : index
    %get3A_73 = arith.constant 1 : index
    %get3A_74 = arith.constant 0 : index
    %get3A_75 = arith.constant 0 : index
    %get3A_76 = vector.load %arg1[%get3A_72, %get3A_73, %get3A_74, %get3A_75] : memref<4x2x1000x128xf32, #tpu.memory_space<vmem>>, vector<1x1x1000x128xf32>
    %get3A_77 = vector.shape_cast %get3A_76 : vector<1x1x1000x128xf32> to vector<1000x128xf32>
    %add3A_78 = arith.addf %get3A_71, %get3A_77 : vector<1000x128xf32>
    %get3A_79 = arith.constant 2 : index
    %get3A_80 = arith.constant 0 : index
    %get3A_81 = arith.constant 0 : index
    %get3A_82 = vector.load %arg2[%get3A_79, %get3A_80, %get3A_81] : memref<4x1000x128xf32, #tpu.memory_space<vmem>>, vector<1x1000x128xf32>
    %get3A_83 = vector.shape_cast %get3A_82 : vector<1x1000x128xf32> to vector<1000x128xf32>
    %add3A_84 = arith.addf %add3A_78, %get3A_83 : vector<1000x128xf32>
    %mul3A_85 = vector.broadcast %get3A_1 : vector<1000x1xf32> to vector<1000x128xf32>
    %mul3A_86 = arith.mulf %mul3A_85, %add3A_84 : vector<1000x128xf32>
    %sub3A_87 = arith.subf %mul3A_86, %sub3A_64 : vector<1000x128xf32>
    %mul3A_88 = arith.constant 5.000000e-01 : f32
    %mul3A_89 = vector.broadcast %mul3A_88 : f32 to vector<1000x128xf32>
    %mul3A_90 = arith.mulf %sub3A_87, %mul3A_89 : vector<1000x128xf32>
    %add3A_91 = arith.addf %sub3A_64, %mul3A_90 : vector<1000x128xf32>
    %ge3A_92 = arith.constant 1.000000e+00 : f32
    %ge3A_93 = vector.broadcast %ge3A_92 : f32 to vector<1000x128xf32>
    %ge3A_94 = arith.cmpf oge, %add3A_91, %ge3A_93 : vector<1000x128xf32>
    %convert_element_type3A_95 = arith.extui %ge3A_94 : vector<1000x128xi1> to vector<1000x128xi32>
    %convert_element_type3A_96 = arith.sitofp %convert_element_type3A_95 : vector<1000x128xi32> to vector<1000x128xf32>
    %sub3A_97 = arith.subf %add3A_91, %convert_element_type3A_96 : vector<1000x128xf32>
    %add3A_98 = arith.addf %add3A_65, %convert_element_type3A_96 : vector<1000x128xf32>
    %get3A_99 = arith.constant 3 : index
    %get3A_100 = arith.constant 0 : index
    %get3A_101 = arith.constant 0 : index
    %get3A_102 = arith.constant 0 : index
    %get3A_103 = vector.load %arg1[%get3A_99, %get3A_100, %get3A_101, %get3A_102] : memref<4x2x1000x128xf32, #tpu.memory_space<vmem>>, vector<1x1x1000x128xf32>
    %get3A_104 = vector.shape_cast %get3A_103 : vector<1x1x1000x128xf32> to vector<1000x128xf32>
    %get3A_105 = arith.constant 3 : index
    %get3A_106 = arith.constant 1 : index
    %get3A_107 = arith.constant 0 : index
    %get3A_108 = arith.constant 0 : index
    %get3A_109 = vector.load %arg1[%get3A_105, %get3A_106, %get3A_107, %get3A_108] : memref<4x2x1000x128xf32, #tpu.memory_space<vmem>>, vector<1x1x1000x128xf32>
    %get3A_110 = vector.shape_cast %get3A_109 : vector<1x1x1000x128xf32> to vector<1000x128xf32>
    %add3A_111 = arith.addf %get3A_104, %get3A_110 : vector<1000x128xf32>
    %get3A_112 = arith.constant 3 : index
    %get3A_113 = arith.constant 0 : index
    %get3A_114 = arith.constant 0 : index
    %get3A_115 = vector.load %arg2[%get3A_112, %get3A_113, %get3A_114] : memref<4x1000x128xf32, #tpu.memory_space<vmem>>, vector<1x1000x128xf32>
    %get3A_116 = vector.shape_cast %get3A_115 : vector<1x1000x128xf32> to vector<1000x128xf32>
    %add3A_117 = arith.addf %add3A_111, %get3A_116 : vector<1000x128xf32>
    %mul3A_118 = vector.broadcast %get3A_1 : vector<1000x1xf32> to vector<1000x128xf32>
    %mul3A_119 = arith.mulf %mul3A_118, %add3A_117 : vector<1000x128xf32>
    %sub3A_120 = arith.subf %mul3A_119, %sub3A_97 : vector<1000x128xf32>
    %mul3A_121 = arith.constant 5.000000e-01 : f32
    %mul3A_122 = vector.broadcast %mul3A_121 : f32 to vector<1000x128xf32>
    %mul3A_123 = arith.mulf %sub3A_120, %mul3A_122 : vector<1000x128xf32>
    %add3A_124 = arith.addf %sub3A_97, %mul3A_123 : vector<1000x128xf32>
    %ge3A_125 = arith.constant 1.000000e+00 : f32
    %ge3A_126 = vector.broadcast %ge3A_125 : f32 to vector<1000x128xf32>
    %ge3A_127 = arith.cmpf oge, %add3A_124, %ge3A_126 : vector<1000x128xf32>
    %convert_element_type3A_128 = arith.extui %ge3A_127 : vector<1000x128xi1> to vector<1000x128xi32>
    %convert_element_type3A_129 = arith.sitofp %convert_element_type3A_128 : vector<1000x128xi32> to vector<1000x128xf32>
    %add3A_130 = arith.addf %add3A_98, %convert_element_type3A_129 : vector<1000x128xf32>
    %mul3A_131 = arith.constant 2.500000e-01 : f32
    %mul3A_132 = vector.broadcast %mul3A_131 : f32 to vector<1000x128xf32>
    %mul3A_133 = arith.mulf %add3A_130, %mul3A_132 : vector<1000x128xf32>
    %get3A_134 = arith.constant 0 : index
    %get3A_135 = arith.constant 0 : index
    %get3A_136 = vector.load %arg4[%get3A_134, %get3A_135] : memref<128x128xf32, #tpu.memory_space<vmem>>, vector<128x128xf32>
    %dot_general3A = arith.constant dense<0.000000e+00> : vector<1000x128xf32>
    %dot_general3A_137 = tpu.matmul %mul3A_133, %get3A_136, %dot_general3A {dimension_numbers = #tpu.dot_dimension_numbers<[1], [0], [0], [1], [0, 0, 1, 1], [], []>, precision = #tpu.contract_precision<fp32>, transpose_lhs_hint = false} : vector<1000x128xf32>, vector<128x128xf32>, vector<1000x128xf32> -> vector<1000x128xf32>
    %get3A_138 = arith.constant 0 : index
    %get3A_139 = arith.constant 0 : index
    %get3A_140 = vector.load %arg5[%get3A_138, %get3A_139] : memref<1x128xf32, #tpu.memory_space<vmem>>, vector<1x128xf32>
    %add3A_141 = vector.broadcast %get3A_140 : vector<1x128xf32> to vector<1000x128xf32>
    %add3A_142 = arith.addf %dot_general3A_137, %add3A_141 : vector<1000x128xf32>
    %swap3A = arith.constant 0 : index
    %swap3A_143 = arith.constant 0 : index
    %swap3A_144 = vector.load %arg6[%swap3A, %swap3A_143] : memref<1000x128xf32, #tpu.memory_space<vmem>>, vector<1000x128xf32>
    tpu.vector_store %arg6[%swap3A, %swap3A_143], %add3A_142 {strides = array<i32>} : memref<1000x128xf32, #tpu.memory_space<vmem>>, vector<1000x128xf32>,
    return
  }
  func.func @transform_0(%arg0: i32) -> (i32, i32, i32, i32) {
    %c0_i32 = arith.constant 0 : i32
    %c0_i32_0 = arith.constant 0 : i32
    %c0_i32_1 = arith.constant 0 : i32
    %c0_i32_2 = arith.constant 0 : i32
    return %c0_i32, %c0_i32_0, %arg0, %c0_i32_1 : i32, i32, i32, i32
  }
  func.func @transform_1(%arg0: i32) -> (i32, i32, i32) {
    %c0_i32 = arith.constant 0 : i32
    %c0_i32_0 = arith.constant 0 : i32
    %c0_i32_1 = arith.constant 0 : i32
    return %c0_i32, %arg0, %c0_i32_0 : i32, i32, i32
  }
  func.func @transform_2(%arg0: i32) -> (i32, i32) {
    %c0_i32 = arith.constant 0 : i32
    %c0_i32_0 = arith.constant 0 : i32
    return %arg0, %c0_i32 : i32, i32
  }
  func.func @transform_3(%arg0: i32) -> (i32, i32) {
    %c0_i32 = arith.constant 0 : i32
    %c0_i32_0 = arith.constant 0 : i32
    %c0_i32_1 = arith.constant 0 : i32
    return %c0_i32, %c0_i32_0 : i32, i32
  }
  func.func @transform_4(%arg0: i32) -> (i32, i32) {
    %c0_i32 = arith.constant 0 : i32
    %c0_i32_0 = arith.constant 0 : i32
    %c0_i32_1 = arith.constant 0 : i32
    return %c0_i32, %c0_i32_0 : i32, i32
  }
  func.func @transform_5(%arg0: i32) -> (i32, i32) {
    %c0_i32 = arith.constant 0 : i32
    %c0_i32_0 = arith.constant 0 : i32
    return %arg0, %c0_i32 : i32, i32
  }
}

</mosaic_0001>

<sc_bundles>
// kernel: branch_1_fun.4.cloned.1.call-start
scs
__scs_entry_jumppad:
0x0: {  	(pc) =	sbr.rel $0x88, $3  }
0x1: {  	(tag) =	ssettag $0x0;
	lr =	simm.s32 $0x1  }
0x2: {  	[smem:$0x3F99] =	sst lr;
	_ =	strace $0xD0000000  }
0x3: {  	_ = 	snop  }
0x4: {  	_ = 	snop  }
0x5: {  	_ = 	snop  }
0x6: {  	_ = 	snop  }
0x7: {  	_ = 	snop  }
__scs_overlays_trampoline_lowered:
0x8: {  	[smem:$0x3FA8] =	sst s0  }
0x9: {  	[smem:$0x3FA9] =	sst s1  }
0xa: {  	[smem:$0x3FAA] =	sst s2  }
0xb: {  	[smem:$0x3FAB] =	sst s3  }
0xc: {  	[smem:$0x3FAC] =	sst s4  }
0xd: {  	[smem:$0x3FAD] =	sst s5  }
0xe: {  	[smem:$0x3FAE] =	sst s6  }
0xf: {  	[smem:$0x3FAF] =	sst s7  }
0x10: {  	[smem:$0x3FB0] =	sst s8  }
0x11: {  	[smem:$0x3FB1] =	sst s9;
	s0 =	simm.s32 @!p0 $0x0  }
0x12: {  	s1 =	sld [smem:$0x3F97];
	s0 =	simm.s32 @p0 $0x1  }
0x13: {  	[smem:$0x3FB2] =	sst s0;
	s0 =	simm.s32 @!p1 $0x0  }
0x14: {  	s2 =	sld [smem:$0x3F96];
	s0 =	simm.s32 @p1 $0x1  }
0x15: {  	[smem:$0x3FB3] =	sst s0;
	s0 =	simm.s32 @!p2 $0x0  }
0x16: {  	s3 =	sld [smem:$0x3FDB];
	s0 =	simm.s32 @p2 $0x1  }
0x17: {  	s4 =	simm.s32 $0x1BF5;
	[smem:$0x3FB5] =	sst s0  }
0x18: {  	s0 =	sld [smem:$0x3F98];
	_ =	swait.ge [sflag:s4], $0x0  }
0x19: {  	s7 =	sld [smem:$0x3F99]  }
0x1a: {  	s8 =	sadd.s32 $0xFFFFE003, lr  }
0x1b: {  	s9 =	sadd.s32 $0xFFFFFEF7, lr;
	s5 =	simm.s32 $0xFFFFFFFF;
	p2 =	slt.u32 s8, $0xFFFFF086  }
0x1c: {  	p1 =	slt.u32 s9, $0xF7A;
	s5 =	simm.s32 @!p2 $0x0  }
0x1d: {  	s5 =	simm.s32 @p1 $0x1;
	p0 =	seq.s32 s7, s2  }
0x1e: {  	s7 =	smul.u32 @!p0 $0xF7A, s2;
	p2 =	seq.s32 @!p0 s5, $0x0  }
0x1f: {  	s9 =	smul.u32 $0xF7A, s1;
	s8 =	simm.s32 @!p0 $0x1BF5;
	p2 =	por !p2, p0  }
0x20: {  	[sflag:s8] =	ssyncset.s32 @!p0 $0xFFFFF086;
	s6 =	sadd.s32 @!p0 s3, s7;
	s7 =	simm.s32 @!p0 $0x108  }
0x21: {  	s3 =	sadd.s32 s3, s9;
	s6 =	sadd.s32 @!p0 $0x88, s6;
	s7 =	simm.s32 @p2 $0x1082  }
0x22: {  	[simem:s7], [sflag:s8] =	dma.local @!p0 [hbm:s6], $0xF7A  }
0x23: {  	s9 =	sor.u32 $0xD0000000, s2;
	s6 =	simm.s32 $0x108;
	_ =	swait.ge @!p0 [sflag:s8], $0x0  }
0x24: {  	s3 =	sadd.s32 $0x88, s3;
	s6 =	simm.s32 @!p1 $0x1082;
	[sflag:s4] =	ssyncset.s32 $0xFFFFF086  }
0x25: {  	[simem:s6], [sflag:s4] =	dma.local [hbm:s3], $0xF7A  }
0x26: {  	[smem:$0x3F99] =	sst s1;
	(tag) =	ssettag s2;
	_ =	strace s9  }
0x27: {  	s1 =	sld [smem:$0x3FA9]  }
0x28: {  	s2 =	sld [smem:$0x3FAA]  }
0x29: {  	s4 =	sld [smem:$0x3FAC]  }
0x2a: {  	p0 =	seq.s32 s5, $0x0;
	s5 =	sld [smem:$0x3FAD]  }
0x2b: {  	s6 =	sld [smem:$0x3FAE]  }
0x2c: {  	s7 =	sld [smem:$0x3FAF]  }
0x2d: {  	s3 =	simm.s32 $0x108;
	s8 =	sld [smem:$0x3FB0]  }
0x2e: {  	s3 =	simm.s32 @!p0 $0x1082;
	s9 =	sld [smem:$0x3FB1]  }
0x2f: {  	lr =	sadd.s32 s0, s3;
	s0 =	sld [smem:$0x3FA8]  }
0x30: {  	s3 =	sld [smem:$0x3FAB]  }
0x31: {  	[smem:$0x3FB4] =	sst s10  }
0x32: {  	s10 =	sld [smem:$0x3FB2];
	_ =	sdelay $0x3  }
0x33: {  	p0 =	seq.s32 s10, $0x1;
	s10 =	sld [smem:$0x3FB4];
	_ =	sdelay $0x3  }
0x34: {  	[smem:$0x3FB4] =	sst s10  }
0x35: {  	s10 =	sld [smem:$0x3FB3];
	_ =	sdelay $0x3  }
0x36: {  	p1 =	seq.s32 s10, $0x1;
	s10 =	sld [smem:$0x3FB4];
	_ =	sdelay $0x3  }
0x37: {  	[smem:$0x3FB4] =	sst s10  }
0x38: {  	s10 =	sld [smem:$0x3FB5]  }
0x39: {  	_ = 	snop;
	(pc) =	sbr.ind lr, $3  }
0x3a: {  	_ = 	snop  }
0x3b: {  	_ = 	snop  }
0x3c: {  	p2 =	seq.s32 s10, $0x1;
	s10 =	sld [smem:$0x3FB4]  }
0x3d: {  	_ =	shalt  }
0x3e: {  	_ =	shalt  }
0x3f: {  	_ =	shalt  }
0x40: {  	_ =	shalt  }
0x41: {  	_ =	shalt  }
0x42: {  	_ =	shalt  }
0x43: {  	_ =	shalt  }
0x44: {  	_ =	shalt  }
0x45: {  	_ =	shalt  }
0x46: {  	_ =	shalt  }
0x47: {  	_ =	shalt  }
0x48: {  	_ =	shalt  }
0x49: {  	_ =	shalt  }
0x4a: {  	_ =	shalt  }
0x4b: {  	_ =	shalt  }
0x4c: {  	_ =	shalt  }
0x4d: {  	_ =	shalt  }
0x4e: {  	_ =	shalt  }
0x4f: {  	_ =	shalt  }
0x50: {  	_ =	shalt  }
0x51: {  	_ =	shalt  }
0x52: {  	_ =	shalt  }
0x53: {  	_ =	shalt  }
0x54: {  	_ =	shalt  }
0x55: {  	_ =	shalt  }
0x56: {  	_ =	shalt  }
0x57: {  	_ =	shalt  }
0x58: {  	_ =	shalt  }
0x59: {  	_ =	shalt  }
0x5a: {  	_ =	shalt  }
0x5b: {  	_ =	shalt  }
0x5c: {  	_ =	shalt  }
0x5d: {  	_ =	shalt  }
0x5e: {  	_ =	shalt  }
0x5f: {  	_ =	shalt  }
0x60: {  	_ =	shalt  }
0x61: {  	_ =	shalt  }
0x62: {  	_ =	shalt  }
0x63: {  	_ =	shalt  }
0x64: {  	_ =	shalt  }
0x65: {  	_ =	shalt  }
0x66: {  	_ =	shalt  }
0x67: {  	_ =	shalt  }
0x68: {  	_ =	shalt  }
0x69: {  	_ =	shalt  }
0x6a: {  	_ =	shalt  }
0x6b: {  	_ =	shalt  }
0x6c: {  	_ =	shalt  }
0x6d: {  	_ =	shalt  }
0x6e: {  	_ =	shalt  }
0x6f: {  	_ =	shalt  }
0x70: {  	_ =	shalt  }
0x71: {  	_ =	shalt  }
0x72: {  	_ =	shalt  }
0x73: {  	_ =	shalt  }
0x74: {  	_ =	shalt  }
0x75: {  	_ =	shalt  }
0x76: {  	_ =	shalt  }
0x77: {  	_ =	shalt  }
0x78: {  	_ =	shalt  }
0x79: {  	_ =	shalt  }
0x7a: {  	_ =	shalt  }
0x7b: {  	_ =	shalt  }
0x7c: {  	_ =	shalt  }
0x7d: {  	_ =	shalt  }
0x7e: {  	_ =	shalt  }
0x7f: {  	_ =	shalt  }
0x80: {  	_ =	shalt  }
0x81: {  	_ =	shalt  }
0x82: {  	_ =	shalt  }
0x83: {  	_ =	shalt  }
0x84: {  	_ =	shalt  }
0x85: {  	_ =	shalt  }
0x86: {  	_ =	shalt  }
0x87: {  	_ =	shalt  }
.Lfunc_end0:
.L_simem_size_0:
called_computation_lowered:
.L_overlay_start_0:
0x88: {  	s2 =	sld [smem:$0x3FD9]  }
0x89: {  	s3 =	sld [smem:$0x3FFE];
	_ =	sdelay $0x1  }
0x8a: {  	s1 =	srdreg.scid  }
0x8b: {  	s0 =	sand.u32 $0x1, s1  }
0x8c: {  	s17 =	sshll.u32 s0, $0xA;
	s2 =	sadd.s32 s3, s2  }
0x8d: {  	s2 =	sadd.s32 s2, s17  }
0x8e: {  	[smem:$0x3FC0] =	sst s2  }
0x8f: {  	_ = 	snop  }
0x90: {  	s2 =	sld [smem:$0x3FD0];
	(tm) =	ssettm $0x1  }
0x91: {  	s18 =	sld [smem:$0x3FFB];
	_ =	sdelay $0x3  }
0x92: {  	_ =	strace s18  }
0x93: {  	s3 =	sld [smem:$0x3FFC];
	_ =	sdelay $0x3  }
0x94: {  	_ =	strace s3  }
0x95: {  	s3 =	sld [smem:$0x3FFD];
	_ =	sdelay $0x3  }
0x96: {  	_ =	strace s3  }
0x97: {  	_ =	strace $0x8FFFFFFF  }
0x98: {  	s19 =	sld [smem:$0x3FDB];
	_ =	sdelay $0x1  }
0x99: {  	s4 =	simm.s32 $_scs_section_size  }
0x9a: {  	s5 =	simm.s32 $_size__tile_overlayer_lowered;
	s6 =	simm.s32 $_tile_overlayer_lowered  }
0x9b: {  	s22 =	simm.s32 $0x1BFF;
	s21 =	sshll.u32 s6, $0x1;
	s3 =	sadd.s32 s4, s19  }
0x9c: {  	s7 =	simm.s32 $0x0;
	s20 =	sshll.u32 s5, $0x1;
	s5 =	sadd.s32 s21, s3  }
0x9d: {  	[timem:s7], [sflag:s22] =	dma.local [hbm:s5], s20  }
0x9e: {  	_ =	swait.ge [sflag:s22], s20  }
0x9f: {  	s4 =	ssub.s32 $0x0, s20;
	[sflag:s22] =	ssyncset.done $0x0  }
0xa0: {  	[sflag:s22] =	ssyncadd.s32 s4;
	_ =	sdelay $0x1  }
0xa1: {  	s23 =	simm.s32 $0x1B8B  }
0xa2: {  	_ =	swait.ge [sflag:s23], $0x1  }
0xa3: {  	[sflag:s23] =	ssyncset.done $0x0  }
0xa4: {  	s25 =	simm.s32 $0x1B8E;
	s24 =	sld [smem:$0x3FFE];
	[sflag:s23] =	ssyncadd.s32 $0xFFFFFFFF  }
0xa5: {  	s26 =	simm.s32 $execute0_lowered;
	[smem:$0x3FD2] =	sst s25  }
0xa6: {  	s5 =	sshll.u32 s26, $0x1;
	_ =	strace $0x80000046;
	[dreg:$0x1] =	wrdreg $0xFFFFFFFF  }
0xa7: {  	s28 =	simm.s32 $_size_execute0_lowered;
	s3 =	sadd.s32 s3, s5;
	[dreg:$0x0] =	wrdreg $0x0  }
0xa8: {  	s5 =	sshll.u32 s28, $0x1;
	[dreg:$0x2] =	wrdreg s3  }
0xa9: {  	[dreg:$0x3] =	wrdreg s5  }
0xaa: {  	[dreg:$0x4] =	wrdreg $0xC0  }
0xab: {  	_ =	task [dreg:s7], $0x5FFFF  }
0xac: {  	[dreg:$0x1] =	wrdreg $0xFFFFFFFF  }
0xad: {  	[dreg:$0x0] =	wrdreg $0x60  }
0xae: {  	[dreg:$0x2] =	wrdreg s24  }
0xaf: {  	[dreg:$0x3] =	wrdreg s2  }
0xb0: {  	[dreg:$0x4] =	wrdreg $0xA3000  }
0xb1: {  	[dreg:$0x5] =	wrdreg $0x9  }
0xb2: {  	_ =	task.clear_ibuf [dreg:s7], $0x6FFFF;
	_ =	strace $0x90000046  }
0xb3: {  	s29 =	simm.s32 $0x9;
	_ =	strace $0x80000048  }
0xb4: {  	_ =	swait.ge [sflag:s29], $0x1  }
0xb5: {  	[sflag:s29] =	ssyncadd.s32 $0xFFFFFFFF  }
0xb6: {  	_ =	strace $0x90000048  }
0xb7: {  	_ =	sfence  }
0xb8: {  	s30 =	sld [smem:$0x0];
	_ =	sdelay $0x2  }
0xb9: {  	s31 =	sshll.u32 s1, $0xD;
	s1 =	sshrl.u32 s1, $0x2  }
0xba: {  	s3 =	sand.u32 $0x4000, s31;
	s1 =	sadd.s32 s1, s30  }
0xbb: {  	s0 =	sor.u32 s3, s0;
	s1 =	sshll.u32 s1, $0x11  }
0xbc: {  	s0 =	sor.u32 s1, s0  }
0xbd: {  	s0 =	sadd.s32 $0x8F2B, s0  }
0xbe: {  	[sflag:s0] =	ssyncadd.remote.s32 $0x1  }
0xbf: {  	_ =	sfence.sel $0xFFFF  }
0xc0: {  	[dreg:$0x0] =	wrdreg $0xFFFFFFFF;
	(pc) =	sbr.abs _section_cstart, $3  }
0xc1: {  	[dreg:$0x1] =	wrdreg $0xFFFFFFFF  }
0xc2: {  	_ =	task.clear_ibuf [dreg:s7], $0x2FFFF;
	_ =	strace $0x9FFFFFFF  }
0xc3: {  	(tm) =	ssettm $0x7FFFFFFF  }
tec
execute0_lowered:
.L_overlay_start_1:
0x0: {  	(tag) =	ssettag $0x1  }
0x1: {  	s0 =	rddreg [dreg:$0x0]  }
0x2: {  	s1 =	rddreg [dreg:$0x1]  }
0x3: {  	s2 =	rddreg [dreg:$0x2];
	s23 =	simm.s32 $0x0  }
0x4: {  	s4 =	srdreg.scid;
	s3 =	stileid.u32;
	s7 =	simm.s32 $0x6D  }
0x5: {  	s31 =	simm.s32 $0x3;
	[smem:$0x7FF] =	sst s23;
	s5 =	sadd.s32 $0x102600, s0  }
0x6: {  	s6 =	sadd.s32 $0xDB400, s0;
	s4 =	sand.u32 $0x1, s4;
	s12 =	smul.u32 $0x50000, s3  }
0x7: {  	s10 =	sor.u32 $0x6D0, s3;
	s11 =	smul.u32 $0x14000, s3;
	s8 =	sadd.s32 $0xB4200, s0  }
0x8: {  	_ =	strace $0x80000047;
	p0 =	seq.s32 s4, $0x0;
	s12 =	sshrl.u32 s12, $0x2  }
0x9: {  	s9 =	smul.u32 $0x140000, s4;
	s4 =	ssub.s32 $0x2, s4;
	s29 =	sadd.s32 s12, s2  }
0xa: {  	s21 =	sshrl.u32 s4, $0x1;
	s24 =	sadd.s32 $0xA000, s29;
	[dreg:$0x5] =	wrdreg s29  }
0xb: {  	s4 =	ssub.s32 s4, s21;
	s28 =	sadd.s32 $0xC000, s29;
	[dreg:$0xa] =	wrdreg s24  }
0xc: {  	s10 =	smov.u32 @p0 s3;
	s20 =	smax.u32 s4, $0x1;
	[dreg:$0xb] =	wrdreg s28  }
0xd: {  	s7 =	simm.s32 @!p0 $0x31;
	s12 =	sadd.s32 $0x2000, s29;
	[dreg:$0x13] =	wrdreg s20  }
0xe: {  	s11 =	sadd.s32 s11, s9;
	s17 =	sadd.s32 $0x4000, s29;
	[dreg:$0x6] =	wrdreg s12  }
0xf: {  	s10 =	sshll.u32 s10, $0x5;
	s25 =	sadd.s32 $0x6000, s29;
	[dreg:$0x7] =	wrdreg s17  }
0x10: {  	s10 =	sadd.s32 s10, s0;
	s26 =	sadd.s32 $0x8000, s29;
	[dreg:$0x8] =	wrdreg s25  }
0x11: {  	s9 =	sadd.s32 $0xFFFFFFFF, s7;
	s14 =	sadd.s32 $0x4200, s10;
	[dreg:$0x9] =	wrdreg s26  }
0x12: {  	s11 =	sshrl.u32 s11, $0x3;
	s21 =	sadd.s32 $0x4400, s10;
	[dreg:$0xd] =	wrdreg s14  }
0x13: {  	s13 =	smul.u32 $0x56, s9;
	s24 =	sadd.s32 $0x10000, s29;
	[dreg:$0x14] =	wrdreg s21  }
0x14: {  	s0 =	sadd.s32 s11, s0;
	s28 =	sadd.s32 $0x12000, s29;
	[dreg:$0x16] =	wrdreg s24  }
0x15: {  	s13 =	sshrl.u32 s13, $0x8;
	s15 =	sadd.s32 $0x129800, s0;
	[dreg:$0x17] =	wrdreg s28  }
0x16: {  	s18 =	sadd.s32 $0x179800, s0;
	s22 =	smul.u32 $0x3, s13;
	[dreg:$0xe] =	wrdreg s15  }
0x17: {  	s30 =	simm.s32 $0x300;
	s19 =	sadd.s32 $0x1C9800, s0;
	[dreg:$0x10] =	wrdreg s18  }
0x18: {  	s0 =	sadd.s32 $0x219800, s0;
	[dreg:$0x11] =	wrdreg s19;
	s11 =	ssub.s32 s9, s22  }
0x19: {  	s13 =	sadd.s32 $0x4000, s10;
	[dreg:$0x12] =	wrdreg s0;
	s11 =	sand.u32 $0xFF, s11  }
0x1a: {  	[dreg:$0xc] =	wrdreg s13;
	s22 =	sadd.s32 $0xE000, s29;
	s11 =	sshll.u32 s11, $0x8  }
0x1b: {  	s4 =	simm.s32 $0x1;
	[dreg:$0x15] =	wrdreg s22;
	s16 =	sor.u32 $0x80, s11  }
0x1c: {  	v0 =	vimm.f32 $0.0e+00;
	s21 =	simm.s32 $0x2;
	s19 =	simm.s32 $0x80;
	[dreg:$0xf] =	wrdreg s16  }
.LBB2_1:
0x1d: {  	[dreg:$0x4] =	wrdreg s23;
	s0 =	simm.s32 $0x0;
	s10 =	simm.s32 $0x200  }
.LBB2_2:
0x1e: {  	p0 =	sne.s32 s10, $0x7E00;
	[tilespmem:s0+$0x8370] =	vst v0  }
0x1f: {  	[tilespmem:s0+$0x8300] =	vst v0  }
0x20: {  	[tilespmem:s0+$0x8310] =	vst v0  }
.Ltmp0:
0x21: {  	[tilespmem:s0+$0x8320] =	vst v0;
	(pc) =	sbr.rel @p0 .LBB2_2-.Ltmp0, $4  }
0x22: {  	[tilespmem:s0+$0x8330] =	vst v0  }
0x23: {  	[tilespmem:s0+$0x8340] =	vst v0  }
0x24: {  	[tilespmem:s0+$0x8350] =	vst v0  }
0x25: {  	[tilespmem:s0+$0x8360] =	vst v0;
	s0 =	sshra.s32 s10, $0x2;
	s10 =	sadd.s32 $0x200, s10  }
0x26: {  	[tilespmem:s0+$0x8370] =	vst v0  }
0x27: {  	[tilespmem:s0+$0x8300] =	vst v0  }
0x28: {  	[tilespmem:s0+$0x8310] =	vst v0  }
0x29: {  	[tilespmem:s0+$0x8320] =	vst v0  }
0x2a: {  	[tilespmem:s0+$0x8330] =	vst v0  }
0x2b: {  	[tilespmem:s0+$0x8340] =	vst v0  }
0x2c: {  	[tilespmem:s0+$0x8350] =	vst v0  }
0x2d: {  	[tilespmem:s0+$0x8360] =	vst v0;
	s3 =	simm.s32 $0x8300  }
0x2e: {  	[spmem:s29] =	stream.linear.scatter [tilespmem:s3], [sflag:$0x3], $0x2000, $0x38;
	[tilespmem:$0x1E300] =	vst v63  }
0x2f: {  	_ =	swait.ge [sflag:s31], $0x2000  }
0x30: {  	[sflag:s31] =	ssyncset.done $0x0  }
0x31: {  	s10 =	rddreg [dreg:$0x6];
	[sflag:s31] =	ssyncadd.s32 $0xFFFFE000  }
0x32: {  	[spmem:s10] =	stream.linear.scatter [tilespmem:s3], [sflag:$0x3], $0x2000, $0x38;
	[tilespmem:$0x1E300] =	vst v63  }
0x33: {  	_ =	swait.ge [sflag:s31], $0x2000  }
0x34: {  	[sflag:s31] =	ssyncset.done $0x0  }
0x35: {  	[sflag:s31] =	ssyncadd.s32 $0xFFFFE000  }
0x36: {  	[spmem:s17] =	stream.linear.scatter [tilespmem:s3], [sflag:$0x3], $0x2000, $0x38;
	[tilespmem:$0x1E300] =	vst v63  }
0x37: {  	_ =	swait.ge [sflag:s31], $0x2000  }
0x38: {  	[sflag:s31] =	ssyncset.done $0x0  }
0x39: {  	[sflag:s31] =	ssyncadd.s32 $0xFFFFE000  }
0x3a: {  	[spmem:s25] =	stream.linear.scatter [tilespmem:s3], [sflag:$0x3], $0x2000, $0x38;
	[tilespmem:$0x1E300] =	vst v63  }
0x3b: {  	_ =	swait.ge [sflag:s31], $0x2000  }
0x3c: {  	[sflag:s31] =	ssyncset.done $0x0  }
0x3d: {  	[sflag:s31] =	ssyncadd.s32 $0xFFFFE000  }
0x3e: {  	[spmem:s26] =	stream.linear.scatter [tilespmem:s3], [sflag:$0x3], $0x2000, $0x38;
	[tilespmem:$0x1E300] =	vst v63  }
0x3f: {  	_ =	swait.ge [sflag:s31], $0x2000  }
0x40: {  	[sflag:s31] =	ssyncset.done $0x0  }
0x41: {  	s18 =	rddreg [dreg:$0xa];
	[sflag:s31] =	ssyncadd.s32 $0xFFFFE000  }
0x42: {  	[spmem:s18] =	stream.linear.scatter [tilespmem:s3], [sflag:$0x3], $0x2000, $0x38;
	[tilespmem:$0x1E300] =	vst v63  }
0x43: {  	_ =	swait.ge [sflag:s31], $0x2000  }
0x44: {  	[sflag:s31] =	ssyncset.done $0x0  }
0x45: {  	s20 =	rddreg [dreg:$0xb];
	[sflag:s31] =	ssyncadd.s32 $0xFFFFE000  }
0x46: {  	[spmem:s20] =	stream.linear.scatter [tilespmem:s3], [sflag:$0x3], $0x2000, $0x38;
	[tilespmem:$0x1E300] =	vst v63  }
0x47: {  	_ =	swait.ge [sflag:s31], $0x2000  }
0x48: {  	[sflag:s31] =	ssyncset.done $0x0  }
0x49: {  	s22 =	rddreg [dreg:$0x15];
	[sflag:s31] =	ssyncadd.s32 $0xFFFFE000  }
0x4a: {  	[spmem:s22] =	stream.linear.scatter [tilespmem:s3], [sflag:$0x3], $0x2000, $0x38;
	[tilespmem:$0x1E300] =	vst v63  }
0x4b: {  	_ =	swait.ge [sflag:s31], $0x2000  }
0x4c: {  	[sflag:s31] =	ssyncset.done $0x0  }
0x4d: {  	s23 =	rddreg [dreg:$0x16];
	[sflag:s31] =	ssyncadd.s32 $0xFFFFE000  }
0x4e: {  	[spmem:s23] =	stream.linear.scatter [tilespmem:s3], [sflag:$0x3], $0x2000, $0x38;
	[tilespmem:$0x1E300] =	vst v63  }
0x4f: {  	_ =	swait.ge [sflag:s31], $0x2000  }
0x50: {  	[sflag:s31] =	ssyncset.done $0x0  }
0x51: {  	s24 =	rddreg [dreg:$0x17];
	[sflag:s31] =	ssyncadd.s32 $0xFFFFE000  }
0x52: {  	[spmem:s24] =	stream.linear.scatter [tilespmem:s3], [sflag:$0x3], $0x2000, $0x38;
	[tilespmem:$0x1E300] =	vst v63  }
0x53: {  	_ =	swait.ge [sflag:s31], $0x2000  }
0x54: {  	s28 =	simm.s32 $0x0;
	s11 =	simm.s32 $0x80;
	[sflag:s31] =	ssyncset.done $0x0  }
0x55: {  	s14 =	simm.s32 $0x200;
	s15 =	simm.s32 $0x2;
	[sflag:s31] =	ssyncadd.s32 $0xFFFFE000  }
0x56: {  	s13 =	simm.s32 $0x1;
	s12 =	simm.s32 $0x1;
	[bflag:$0x0] =	sbarrier.arrive $0xFFFF  }
0x57: {  	p1 =	sne.s32 s9, $0x1;
	p0 =	por $0x0, $0x0;
	s25 =	rddreg [dreg:$0xc]  }
0x58: {  	[tilespmem:s28], [sflag:$0x3] =	stream.linear.gather [hbm4b:s25+s28], $0x100, $0x38;
	[tilespmem:$0x1E300] =	vst v63  }
0x59: {  	p2 =	por $0x0, $0x0;
	s18 =	simm.s32 $0x100;
	_ =	swait.ge [sflag:s31], $0x100  }
0x5a: {  	s20 =	simm.s32 $0x1;
	s22 =	simm.s32 $0x80;
	[sflag:s31] =	ssyncset.done $0x0  }
.Ltmp1:
0x5b: {  	s23 =	simm.s32 $0x200;
	[sflag:s31] =	ssyncadd.s32 $0xFFFFFF00;
	(pc) =	sbr.rel @!p1 .LBB2_8-.Ltmp1, $4  }
0x5c: {  	[tilespmem:s30], [sflag:$0x2] =	stream.indirect.gather [hbm4b:s5+s11], $0x80, s28, s11, $0xb8;
	[tilespmem:$0x1E300] =	vst v63  }
0x5d: {  	s24 =	simm.s32 $0x100;
	s25 =	simm.s32 $0x2;
	s26 =	rddreg [dreg:$0xd]  }
0x5e: {  	[tilespmem:s24], [sflag:$0x1] =	stream.linear.gather [hbm4b:s26+s28], $0x100, $0x38;
	[tilespmem:$0x1E300] =	vst v63  }
0x5f: {  	s0 =	rddreg [dreg:$0x14];
	s30 =	smov.u32 s10;
	s26 =	simm.s32 $0x0  }
0x60: {  	s0 =	smulhi.u32 $0xAAAAAAAB, s15  }
0x61: {  	s10 =	smulhi.u32 $0xAAAAAAAB, s13  }
0x62: {  	s17 =	simm.s32 $0x2;
	s18 =	smulhi.u32 $0xAAAAAAAB, s28  }
0x63: {  	p2 =	sle.u32 s7, $0x2;
	s3 =	rddreg [dreg:$0x14];
	s0 =	sshrl.u32 s0, $0x1  }
0x64: {  	p3 =	sne.s32 s9, $0x2;
	s28 =	sand.u32 $0x1, s28;
	s0 =	smul.u32 $0xFFFFF400, s0  }
0x65: {  	s22 =	simm.s32 $0x180;
	s23 =	simm.s32 $0x300;
	s25 =	simm.s32 $0x3  }
0x66: {  	s20 =	simm.s32 @!p2 $0x0;
	s10 =	sshrl.u32 s10, $0x1;
	s0 =	sshra.s32 s0, $0x2  }
0x67: {  	s18 =	sshrl.u32 s18, $0x1;
	s26 =	smul.u32 $0xFFFFF400, s10;
	s0 =	sadd.s32 $0x200, s0  }
0x68: {  	[tilespmem:s0], [sflag:$0x1] =	stream.linear.gather @!p2 [hbm4b:s3+s20], $0x100, $0x38;
	[tilespmem:$0x1E300] =	vst v63  }
0x69: {  	s10 =	sshll.u32 s28, $0xE;
	s18 =	smul.u32 $0xFFFFF400, s18;
	_ =	swait.ge [sflag:s4], $0x100  }
0x6a: {  	s29 =	sxor.u32 $0x4300, s10;
	s0 =	sshra.s32 s26, $0x2;
	[sflag:s4] =	ssyncset.done $0x0  }
0x6b: {  	s10 =	sor.u32 $0x300, s10;
	s0 =	sadd.s32 $0x100, s0;
	[sflag:s4] =	ssyncadd.s32 $0xFFFFFF00  }
0x6c: {  	[tilespmem:s29], [sflag:$0x2] =	stream.indirect.gather [hbm4b:s5+s19], $0x80, s0, s19, $0xb8;
	[tilespmem:$0x1E300] =	vst v63  }
.Ltmp2:
0x6d: {  	s30 =	sshra.s32 s18, $0x2;
	_ =	swait.ge [sflag:s21], $0x4000;
	(pc) =	sbr.rel @!p3 .LBB2_5-.Ltmp2, $4  }
0x6e: {  	s18 =	simm.s32 $0x200;
	s20 =	simm.s32 $0x2;
	[sflag:s21] =	ssyncset.done $0x0  }
0x6f: {  	p2 =	por $0x1, $0x1;
	s0 =	sadd.s32 $0x80, s30;
	[sflag:s21] =	ssyncadd.s32 $0xFFFFC000  }
0x70: {  	[spmem:s2] =	stream.indirect.scatter.add.f32 [tilespmem:s10], [sflag:$0x3], $0x80, s0, s19, $0xb8;
	[tilespmem:$0x1E300] =	vst v63  }
0x71: {  	s26 =	simm.s32 $0x1;
	s0 =	sadd.s32 $0x200, s3;
	_ =	swait.ge [sflag:s31], $0x4000  }
.LBB2_6:
0x72: {  	s10 =	smulhi.u32 $0xAAAAAAAB, s25;
	[sflag:s31] =	ssyncset.done $0x0;
	s28 =	smov.u32 s26  }
0x73: {  	s26 =	smov.u32 s17;
	s17 =	sadd.s32 $0x1, s17;
	s3 =	smov.u32 s22  }
0x74: {  	p3 =	sne.s32 s9, s17;
	[sflag:s31] =	ssyncadd.s32 $0xFFFFC000  }
0x75: {  	s10 =	sshrl.u32 s10, $0x1  }
0x76: {  	s10 =	smul.u32 $0xFFFFF400, s10  }
0x77: {  	s29 =	smulhi.u32 $0xAAAAAAAB, s20;
	s22 =	sadd.s32 $0x100, s22;
	s30 =	sadd.s32 $0x2, s28  }
0x78: {  	s16 =	smulhi.u32 $0xAAAAAAAB, s28;
	p4 =	sge.u32 s30, s7;
	s10 =	sshra.s32 s10, $0x2  }
0x79: {  	s29 =	sshrl.u32 s29, $0x1;
	s30 =	simm.s32 @!p4 $0x0;
	s10 =	sadd.s32 s10, s23  }
0x7a: {  	[tilespmem:s10], [sflag:$0x1] =	stream.linear.gather @!p4 [hbm4b:s0+s30], $0x100, $0x38;
	[tilespmem:$0x1E300] =	vst v63  }
0x7b: {  	s28 =	sand.u32 $0x1, s28;
	s10 =	smul.u32 $0xFFFFF400, s29;
	_ =	swait.ge [sflag:s4], $0x100  }
0x7c: {  	s28 =	sshll.u32 s28, $0xE;
	s16 =	sshrl.u32 s16, $0x1;
	[sflag:s4] =	ssyncset.done $0x0  }
0x7d: {  	s29 =	sxor.u32 $0x4300, s28;
	s10 =	sshra.s32 s10, $0x2;
	[sflag:s4] =	ssyncadd.s32 $0xFFFFFF00  }
0x7e: {  	s20 =	sadd.s32 $0x1, s20;
	s16 =	smul.u32 $0xFFFFF400, s16;
	s10 =	sadd.s32 s10, s18  }
0x7f: {  	[tilespmem:s29], [sflag:$0x2] =	stream.indirect.gather [hbm4b:s5+s19], $0x80, s10, s19, $0xb8;
	[tilespmem:$0x1E300] =	vst v63  }
.Ltmp3:
0x80: {  	s10 =	sshra.s32 s16, $0x2;
	_ =	swait.ge [sflag:s21], $0x4000;
	(pc) =	sbr.rel @p3 .LBB2_6-.Ltmp3, $4  }
0x81: {  	s3 =	sadd.s32 s10, s3;
	s10 =	sor.u32 $0x300, s28;
	[sflag:s21] =	ssyncset.done $0x0  }
0x82: {  	s23 =	sadd.s32 $0x100, s23;
	s18 =	sadd.s32 $0x100, s18;
	[sflag:s21] =	ssyncadd.s32 $0xFFFFC000  }
0x83: {  	[spmem:s2] =	stream.indirect.scatter.add.f32 [tilespmem:s10], [sflag:$0x3], $0x80, s3, s19, $0xb8;
	[tilespmem:$0x1E300] =	vst v63  }
0x84: {  	s25 =	sadd.s32 $0x1, s25;
	s0 =	sadd.s32 $0x200, s0;
	_ =	swait.ge [sflag:s31], $0x4000  }
0x85: {  	s29 =	rddreg [dreg:$0x5]  }
0x86: {  	s30 =	rddreg [dreg:$0x6]  }
0x87: {  	s17 =	rddreg [dreg:$0x7];
	s28 =	simm.s32 $0x0  }
.LBB2_8:
0x88: {  	s3 =	smulhi.u32 $0xAAAAAAAB, s25;
	_ =	sdelay $0x1  }
0x89: {  	s3 =	sshrl.u32 s3, $0x1  }
0x8a: {  	s3 =	smul.u32 $0xFFFFF400, s3  }
0x8b: {  	[sflag:s31] =	ssyncset.done @p2 $0x0;
	s10 =	sadd.s32 $0x2, s26;
	s25 =	smulhi.u32 $0xAAAAAAAB, s20  }
0x8c: {  	p3 =	sge.u32 s10, s7;
	[sflag:s31] =	ssyncadd.s32 @p2 $0xFFFFC000;
	s3 =	sshra.s32 s3, $0x2  }
0x8d: {  	s16 =	simm.s32 @!p3 $0x0;
	s20 =	sshrl.u32 s25, $0x1;
	s3 =	sadd.s32 s3, s23  }
0x8e: {  	[tilespmem:s3], [sflag:$0x1] =	stream.linear.gather @!p3 [hbm4b:s0+s16], $0x100, $0x38;
	[tilespmem:$0x1E300] =	vst v63  }
0x8f: {  	s25 =	sand.u32 $0x1, s26;
	s0 =	smul.u32 $0xFFFFF400, s20  }
0x90: {  	s10 =	sshll.u32 s25, $0xE;
	s23 =	smulhi.u32 $0xAAAAAAAB, s26;
	_ =	swait.ge [sflag:s4], $0x100  }
0x91: {  	s26 =	sxor.u32 $0x4300, s10;
	[sflag:s4] =	ssyncset.done $0x0;
	s0 =	sshra.s32 s0, $0x2  }
0x92: {  	s3 =	sshrl.u32 s23, $0x1;
	[sflag:s4] =	ssyncadd.s32 $0xFFFFFF00;
	s0 =	sadd.s32 s0, s18  }
0x93: {  	[tilespmem:s26], [sflag:$0x2] =	stream.indirect.gather [hbm4b:s5+s19], $0x80, s0, s19, $0xb8;
	[tilespmem:$0x1E300] =	vst v63  }
0x94: {  	s0 =	smul.u32 $0xFFFFF400, s3  }
0x95: {  	_ =	swait.ge [sflag:s21], $0x4000  }
0x96: {  	s0 =	sshra.s32 s0, $0x2;
	[sflag:s21] =	ssyncset.done $0x0  }
0x97: {  	s10 =	sor.u32 $0x300, s10;
	s0 =	sadd.s32 s0, s22;
	[sflag:s21] =	ssyncadd.s32 $0xFFFFC000  }
0x98: {  	[spmem:s2] =	stream.indirect.scatter.add.f32 [tilespmem:s10], [sflag:$0x3], $0x80, s0, s19, $0xb8;
	[tilespmem:$0x1E300] =	vst v63  }
0x99: {  	_ =	swait.ge [sflag:s31], $0x4000  }
0x9a: {  	[sflag:s31] =	ssyncset.done $0x0  }
0x9b: {  	[sflag:s31] =	ssyncadd.s32 $0xFFFFC000  }
0x9c: {  	_ =	swait.ge [sflag:s15], $0x4000  }
0x9d: {  	[sflag:s15] =	ssyncset.done $0x0  }
0x9e: {  	s10 =	simm.s32 $0x300;
	s16 =	rddreg [dreg:$0xf];
	[sflag:s15] =	ssyncadd.s32 $0xFFFFC000  }
0x9f: {  	[spmem:s2] =	stream.indirect.scatter.add.f32 [tilespmem:s10], [sflag:$0x3], $0x80, s16, s11, $0xb8;
	[tilespmem:$0x1E300] =	vst v63  }
0xa0: {  	_ =	swait.ge [sflag:s31], $0x4000  }
0xa1: {  	[sflag:s31] =	ssyncset.done $0x0  }
0xa2: {  	s18 =	stileid.u32;
	[sflag:s31] =	ssyncadd.s32 $0xFFFFC000  }
0xa3: {  	s0 =	sshll.u32 s18, $0x6;
	[bflag:$0x0] =	sbarrier.arrive $0xFFFF  }
0xa4: {  	s20 =	sor.u32 $0x1C03, s0;
	s23 =	rddreg [dreg:$0xe]  }
0xa5: {  	s22 =	sshrl.u32 s29, $0x3;
	[dreg:$0x18] =	wrdreg s20  }
0xa6: {  	[dreg:$0x19] =	wrdreg s22  }
0xa7: {  	[hbm:s23], [sflag:s20] =	dma.local [spmem:s22], $0x2800  }
0xa8: {  	_ =	swait.ge [sflag:s31], $0x2800  }
0xa9: {  	[sflag:s31] =	ssyncset.done $0x0  }
0xaa: {  	[sflag:s31] =	ssyncadd.s32 $0xFFFFD800  }
0xab: {  	s3 =	simm.s32 $0x8300;
	[bflag:$0x0] =	sbarrier.arrive $0xFFFF  }
0xac: {  	[spmem:s29] =	stream.linear.scatter [tilespmem:s3], [sflag:$0x3], $0x2000, $0x38;
	[tilespmem:$0x1E300] =	vst v63  }
0xad: {  	_ =	swait.ge [sflag:s31], $0x2000  }
0xae: {  	[sflag:s31] =	ssyncset.done $0x0  }
0xaf: {  	[sflag:s31] =	ssyncadd.s32 $0xFFFFE000  }
0xb0: {  	[spmem:s30] =	stream.linear.scatter [tilespmem:s3], [sflag:$0x3], $0x2000, $0x38;
	[tilespmem:$0x1E300] =	vst v63  }
0xb1: {  	_ =	swait.ge [sflag:s31], $0x2000  }
0xb2: {  	[sflag:s31] =	ssyncset.done $0x0  }
0xb3: {  	[sflag:s31] =	ssyncadd.s32 $0xFFFFE000  }
0xb4: {  	[spmem:s17] =	stream.linear.scatter [tilespmem:s3], [sflag:$0x3], $0x2000, $0x38;
	[tilespmem:$0x1E300] =	vst v63  }
0xb5: {  	_ =	swait.ge [sflag:s31], $0x2000  }
0xb6: {  	[sflag:s31] =	ssyncset.done $0x0  }
0xb7: {  	s22 =	rddreg [dreg:$0x8];
	[sflag:s31] =	ssyncadd.s32 $0xFFFFE000  }
0xb8: {  	[spmem:s22] =	stream.linear.scatter [tilespmem:s3], [sflag:$0x3], $0x2000, $0x38;
	[tilespmem:$0x1E300] =	vst v63  }
0xb9: {  	_ =	swait.ge [sflag:s31], $0x2000  }
0xba: {  	[sflag:s31] =	ssyncset.done $0x0  }
0xbb: {  	s23 =	rddreg [dreg:$0x9];
	[sflag:s31] =	ssyncadd.s32 $0xFFFFE000  }
0xbc: {  	[spmem:s23] =	stream.linear.scatter [tilespmem:s3], [sflag:$0x3], $0x2000, $0x38;
	[tilespmem:$0x1E300] =	vst v63  }
0xbd: {  	_ =	swait.ge [sflag:s31], $0x2000  }
0xbe: {  	[sflag:s31] =	ssyncset.done $0x0  }
0xbf: {  	s25 =	rddreg [dreg:$0xa];
	[sflag:s31] =	ssyncadd.s32 $0xFFFFE000  }
0xc0: {  	[spmem:s25] =	stream.linear.scatter [tilespmem:s3], [sflag:$0x3], $0x2000, $0x38;
	[tilespmem:$0x1E300] =	vst v63  }
0xc1: {  	_ =	swait.ge [sflag:s31], $0x2000  }
0xc2: {  	[sflag:s31] =	ssyncset.done $0x0  }
0xc3: {  	s26 =	rddreg [dreg:$0xb];
	[sflag:s31] =	ssyncadd.s32 $0xFFFFE000  }
0xc4: {  	[spmem:s26] =	stream.linear.scatter [tilespmem:s3], [sflag:$0x3], $0x2000, $0x38;
	[tilespmem:$0x1E300] =	vst v63  }
0xc5: {  	_ =	swait.ge [sflag:s31], $0x2000  }
0xc6: {  	[sflag:s31] =	ssyncset.done $0x0  }
0xc7: {  	s16 =	rddreg [dreg:$0x15];
	[sflag:s31] =	ssyncadd.s32 $0xFFFFE000  }
0xc8: {  	[spmem:s16] =	stream.linear.scatter [tilespmem:s3], [sflag:$0x3], $0x2000, $0x38;
	[tilespmem:$0x1E300] =	vst v63  }
0xc9: {  	_ =	swait.ge [sflag:s31], $0x2000  }
0xca: {  	[sflag:s31] =	ssyncset.done $0x0  }
0xcb: {  	s18 =	rddreg [dreg:$0x16];
	[sflag:s31] =	ssyncadd.s32 $0xFFFFE000  }
0xcc: {  	[spmem:s18] =	stream.linear.scatter [tilespmem:s3], [sflag:$0x3], $0x2000, $0x38;
	[tilespmem:$0x1E300] =	vst v63  }
0xcd: {  	_ =	swait.ge [sflag:s31], $0x2000  }
0xce: {  	[sflag:s31] =	ssyncset.done $0x0  }
0xcf: {  	s20 =	rddreg [dreg:$0x17];
	[sflag:s31] =	ssyncadd.s32 $0xFFFFE000  }
0xd0: {  	[spmem:s20] =	stream.linear.scatter [tilespmem:s3], [sflag:$0x3], $0x2000, $0x38;
	[tilespmem:$0x1E300] =	vst v63  }
0xd1: {  	_ =	swait.ge [sflag:s31], $0x2000  }
0xd2: {  	[sflag:s31] =	ssyncset.done $0x0  }
0xd3: {  	[sflag:s31] =	ssyncadd.s32 $0xFFFFE000  }
0xd4: {  	[bflag:$0x0] =	sbarrier.arrive $0xFFFF  }
0xd5: {  	s25 =	rddreg [dreg:$0xc]  }
0xd6: {  	[tilespmem:s28], [sflag:$0x3] =	stream.linear.gather [hbm4b:s25+s28], $0x100, $0x38;
	[tilespmem:$0x1E300] =	vst v63  }
0xd7: {  	_ =	swait.ge [sflag:s31], $0x100  }
.Ltmp4:
0xd8: {  	[sflag:s31] =	ssyncset.done $0x0;
	(pc) =	sbr.rel @!p1 .LBB2_9-.Ltmp4, $4  }
0xd9: {  	[sflag:s31] =	ssyncadd.s32 $0xFFFFFF00  }
0xda: {  	[tilespmem:s10], [sflag:$0x2] =	stream.indirect.gather [hbm4b:s6+s11], $0x80, s28, s11, $0xb8;
	[tilespmem:$0x1E300] =	vst v63  }
0xdb: {  	s16 =	simm.s32 $0x0;
	s26 =	rddreg [dreg:$0xd]  }
0xdc: {  	[tilespmem:s24], [sflag:$0x1] =	stream.linear.gather [hbm4b:s26+s28], $0x100, $0x38;
	[tilespmem:$0x1E300] =	vst v63  }
0xdd: {  	s0 =	smulhi.u32 $0xAAAAAAAB, s15  }
0xde: {  	s3 =	smulhi.u32 $0xAAAAAAAB, s13  }
0xdf: {  	s26 =	smov.u32 s17;
	s10 =	smulhi.u32 $0xAAAAAAAB, s16  }
0xe0: {  	p0 =	sle.u32 s7, $0x2;
	s15 =	rddreg [dreg:$0x14];
	s0 =	sshrl.u32 s0, $0x1  }
0xe1: {  	s17 =	simm.s32 $0x2;
	s24 =	sand.u32 $0x1, s16;
	s0 =	smul.u32 $0xFFFFF400, s0  }
0xe2: {  	p1 =	sne.s32 s9, $0x2;
	s13 =	simm.s32 $0x2;
	s14 =	simm.s32 $0x300  }
0xe3: {  	s11 =	simm.s32 @!p0 $0x0;
	s3 =	sshrl.u32 s3, $0x1;
	s0 =	sshra.s32 s0, $0x2  }
0xe4: {  	s10 =	sshrl.u32 s10, $0x1;
	s20 =	smul.u32 $0xFFFFF400, s3;
	s0 =	sadd.s32 $0x200, s0  }
0xe5: {  	[tilespmem:s0], [sflag:$0x1] =	stream.linear.gather @!p0 [hbm4b:s15+s11], $0x100, $0x38;
	[tilespmem:$0x1E300] =	vst v63  }
0xe6: {  	s3 =	sshll.u32 s24, $0xE;
	s10 =	smul.u32 $0xFFFFF400, s10;
	_ =	swait.ge [sflag:s4], $0x100  }
0xe7: {  	s24 =	simm.s32 $0x200;
	s0 =	sshra.s32 s20, $0x2;
	[sflag:s4] =	ssyncset.done $0x0  }
0xe8: {  	s25 =	sxor.u32 $0x4300, s3;
	s0 =	sadd.s32 $0x100, s0;
	[sflag:s4] =	ssyncadd.s32 $0xFFFFFF00  }
0xe9: {  	[tilespmem:s25], [sflag:$0x2] =	stream.indirect.gather [hbm4b:s6+s19], $0x80, s0, s19, $0xb8;
	[tilespmem:$0x1E300] =	vst v63  }
.Ltmp5:
0xea: {  	s3 =	sor.u32 $0x300, s3;
	_ =	swait.ge [sflag:s21], $0x4000;
	(pc) =	sbr.rel @!p1 .LBB2_11-.Ltmp5, $4  }
0xeb: {  	s28 =	sshra.s32 s10, $0x2;
	s11 =	simm.s32 $0x180;
	[sflag:s21] =	ssyncset.done $0x0  }
0xec: {  	p0 =	por $0x1, $0x1;
	s0 =	sadd.s32 $0x80, s28;
	[sflag:s21] =	ssyncadd.s32 $0xFFFFC000  }
0xed: {  	[spmem:s2] =	stream.indirect.scatter.add.f32 [tilespmem:s3], [sflag:$0x3], $0x80, s0, s19, $0xb8;
	[tilespmem:$0x1E300] =	vst v63  }
0xee: {  	s0 =	sadd.s32 $0x200, s15;
	s15 =	simm.s32 $0x3;
	_ =	swait.ge [sflag:s31], $0x4000  }
.LBB2_12:
0xef: {  	s3 =	smulhi.u32 $0xAAAAAAAB, s15;
	[sflag:s31] =	ssyncset.done $0x0;
	s10 =	smov.u32 s12  }
0xf0: {  	s12 =	smov.u32 s17;
	s17 =	sadd.s32 $0x1, s17;
	s16 =	smov.u32 s11  }
0xf1: {  	p1 =	sne.s32 s9, s17;
	[sflag:s31] =	ssyncadd.s32 $0xFFFFC000  }
0xf2: {  	s3 =	sshrl.u32 s3, $0x1  }
0xf3: {  	s3 =	smul.u32 $0xFFFFF400, s3  }
0xf4: {  	s18 =	smulhi.u32 $0xAAAAAAAB, s13;
	s11 =	sadd.s32 $0x100, s11;
	s20 =	sadd.s32 $0x2, s10  }
0xf5: {  	s25 =	smulhi.u32 $0xAAAAAAAB, s10;
	p2 =	sge.u32 s20, s7;
	s3 =	sshra.s32 s3, $0x2  }
0xf6: {  	s18 =	sshrl.u32 s18, $0x1;
	s20 =	simm.s32 @!p2 $0x0;
	s3 =	sadd.s32 s3, s14  }
0xf7: {  	[tilespmem:s3], [sflag:$0x1] =	stream.linear.gather @!p2 [hbm4b:s0+s20], $0x100, $0x38;
	[tilespmem:$0x1E300] =	vst v63  }
0xf8: {  	s10 =	sand.u32 $0x1, s10;
	s3 =	smul.u32 $0xFFFFF400, s18;
	_ =	swait.ge [sflag:s4], $0x100  }
0xf9: {  	s10 =	sshll.u32 s10, $0xE;
	s18 =	sshrl.u32 s25, $0x1;
	[sflag:s4] =	ssyncset.done $0x0  }
0xfa: {  	s20 =	sxor.u32 $0x4300, s10;
	s3 =	sshra.s32 s3, $0x2;
	[sflag:s4] =	ssyncadd.s32 $0xFFFFFF00  }
0xfb: {  	s13 =	sadd.s32 $0x1, s13;
	s18 =	smul.u32 $0xFFFFF400, s18;
	s3 =	sadd.s32 s3, s24  }
0xfc: {  	[tilespmem:s20], [sflag:$0x2] =	stream.indirect.gather [hbm4b:s6+s19], $0x80, s3, s19, $0xb8;
	[tilespmem:$0x1E300] =	vst v63  }
.Ltmp6:
0xfd: {  	s3 =	sshra.s32 s18, $0x2;
	_ =	swait.ge [sflag:s21], $0x4000;
	(pc) =	sbr.rel @p1 .LBB2_12-.Ltmp6, $4  }
0xfe: {  	s10 =	sor.u32 $0x300, s10;
	s3 =	sadd.s32 s3, s16;
	[sflag:s21] =	ssyncset.done $0x0  }
0xff: {  	s14 =	sadd.s32 $0x100, s14;
	s24 =	sadd.s32 $0x100, s24;
	[sflag:s21] =	ssyncadd.s32 $0xFFFFC000  }
0x100: {  	[spmem:s2] =	stream.indirect.scatter.add.f32 [tilespmem:s10], [sflag:$0x3], $0x80, s3, s19, $0xb8;
	[tilespmem:$0x1E300] =	vst v63  }
0x101: {  	s15 =	sadd.s32 $0x1, s15;
	s0 =	sadd.s32 $0x200, s0;
	_ =	swait.ge [sflag:s31], $0x4000  }
0x102: {  	s16 =	smov.u32 s12;
	s17 =	smov.u32 s26  }
.LBB2_14:
0x103: {  	s3 =	smulhi.u32 $0xAAAAAAAB, s15;
	_ =	sdelay $0x1  }
0x104: {  	s10 =	smulhi.u32 $0xAAAAAAAB, s13;
	s3 =	sshrl.u32 s3, $0x1  }
0x105: {  	[sflag:s31] =	ssyncset.done @p0 $0x0;
	s12 =	sadd.s32 $0x2, s16;
	s3 =	smul.u32 $0xFFFFF400, s3  }
0x106: {  	s26 =	smulhi.u32 $0xAAAAAAAB, s16;
	[sflag:s31] =	ssyncadd.s32 @p0 $0xFFFFC000;
	p0 =	sge.u32 s12, s7  }
0x107: {  	s10 =	sshrl.u32 s10, $0x1;
	s12 =	simm.s32 @!p0 $0x0;
	s3 =	sshra.s32 s3, $0x2  }
0x108: {  	s18 =	sshrl.u32 s26, $0x1;
	s15 =	smul.u32 $0xFFFFF400, s10;
	s3 =	sadd.s32 s3, s14  }
0x109: {  	[tilespmem:s3], [sflag:$0x1] =	stream.linear.gather @!p0 [hbm4b:s0+s12], $0x100, $0x38;
	[tilespmem:$0x1E300] =	vst v63  }
0x10a: {  	s16 =	sand.u32 $0x1, s16;
	s10 =	smul.u32 $0xFFFFF400, s18;
	_ =	swait.ge [sflag:s4], $0x100  }
0x10b: {  	s3 =	sshll.u32 s16, $0xE;
	s0 =	sshra.s32 s15, $0x2;
	[sflag:s4] =	ssyncset.done $0x0  }
0x10c: {  	s20 =	sxor.u32 $0x4300, s3;
	s0 =	sadd.s32 s0, s24;
	[sflag:s4] =	ssyncadd.s32 $0xFFFFFF00  }
0x10d: {  	[tilespmem:s20], [sflag:$0x2] =	stream.indirect.gather [hbm4b:s6+s19], $0x80, s0, s19, $0xb8;
	[tilespmem:$0x1E300] =	vst v63  }
0x10e: {  	_ =	swait.ge [sflag:s21], $0x4000  }
0x10f: {  	s24 =	sshra.s32 s10, $0x2;
	[sflag:s21] =	ssyncset.done $0x0  }
0x110: {  	s3 =	sor.u32 $0x300, s3;
	s0 =	sadd.s32 s24, s11;
	[sflag:s21] =	ssyncadd.s32 $0xFFFFC000  }
0x111: {  	[spmem:s2] =	stream.indirect.scatter.add.f32 [tilespmem:s3], [sflag:$0x3], $0x80, s0, s19, $0xb8;
	[tilespmem:$0x1E300] =	vst v63  }
0x112: {  	_ =	swait.ge [sflag:s31], $0x4000  }
0x113: {  	[sflag:s31] =	ssyncset.done $0x0  }
0x114: {  	s11 =	simm.s32 $0x2;
	[sflag:s31] =	ssyncadd.s32 $0xFFFFC000  }
0x115: {  	_ =	swait.ge [sflag:s11], $0x4000  }
0x116: {  	s26 =	simm.s32 $0x300;
	[sflag:s11] =	ssyncset.done $0x0  }
0x117: {  	s24 =	simm.s32 $0x80;
	s25 =	rddreg [dreg:$0xf];
	[sflag:s11] =	ssyncadd.s32 $0xFFFFC000  }
0x118: {  	[spmem:s2] =	stream.indirect.scatter.add.f32 [tilespmem:s26], [sflag:$0x3], $0x80, s25, s24, $0xb8;
	[tilespmem:$0x1E300] =	vst v63  }
0x119: {  	_ =	swait.ge [sflag:s31], $0x4000  }
0x11a: {  	[sflag:s31] =	ssyncset.done $0x0  }
0x11b: {  	[sflag:s31] =	ssyncadd.s32 $0xFFFFC000  }
0x11c: {  	[bflag:$0x0] =	sbarrier.arrive $0xFFFF  }
0x11d: {  	s13 =	rddreg [dreg:$0x10]  }
0x11e: {  	s14 =	rddreg [dreg:$0x18]  }
0x11f: {  	s15 =	rddreg [dreg:$0x19]  }
0x120: {  	[hbm:s13], [sflag:s14] =	dma.local [spmem:s15], $0x2800  }
0x121: {  	_ =	swait.ge [sflag:s31], $0x2800  }
0x122: {  	[sflag:s31] =	ssyncset.done $0x0  }
0x123: {  	[sflag:s31] =	ssyncadd.s32 $0xFFFFD800  }
0x124: {  	s16 =	simm.s32 $0x8300;
	[bflag:$0x0] =	sbarrier.arrive $0xFFFF  }
0x125: {  	[spmem:s29] =	stream.linear.scatter [tilespmem:s16], [sflag:$0x3], $0x2000, $0x38;
	[tilespmem:$0x1E300] =	vst v63  }
0x126: {  	_ =	swait.ge [sflag:s31], $0x2000  }
0x127: {  	[sflag:s31] =	ssyncset.done $0x0  }
0x128: {  	[sflag:s31] =	ssyncadd.s32 $0xFFFFE000  }
0x129: {  	[spmem:s30] =	stream.linear.scatter [tilespmem:s16], [sflag:$0x3], $0x2000, $0x38;
	[tilespmem:$0x1E300] =	vst v63  }
0x12a: {  	_ =	swait.ge [sflag:s31], $0x2000  }
0x12b: {  	[sflag:s31] =	ssyncset.done $0x0  }
0x12c: {  	[sflag:s31] =	ssyncadd.s32 $0xFFFFE000  }
0x12d: {  	[spmem:s17] =	stream.linear.scatter [tilespmem:s16], [sflag:$0x3], $0x2000, $0x38;
	[tilespmem:$0x1E300] =	vst v63  }
0x12e: {  	_ =	swait.ge [sflag:s31], $0x2000  }
0x12f: {  	[sflag:s31] =	ssyncset.done $0x0  }
0x130: {  	[sflag:s31] =	ssyncadd.s32 $0xFFFFE000  }
0x131: {  	[spmem:s22] =	stream.linear.scatter [tilespmem:s16], [sflag:$0x3], $0x2000, $0x38;
	[tilespmem:$0x1E300] =	vst v63  }
0x132: {  	_ =	swait.ge [sflag:s31], $0x2000  }
0x133: {  	[sflag:s31] =	ssyncset.done $0x0  }
0x134: {  	[sflag:s31] =	ssyncadd.s32 $0xFFFFE000  }
0x135: {  	[spmem:s23] =	stream.linear.scatter [tilespmem:s16], [sflag:$0x3], $0x2000, $0x38;
	[tilespmem:$0x1E300] =	vst v63  }
0x136: {  	_ =	swait.ge [sflag:s31], $0x2000  }
0x137: {  	[sflag:s31] =	ssyncset.done $0x0  }
0x138: {  	s17 =	rddreg [dreg:$0xa];
	[sflag:s31] =	ssyncadd.s32 $0xFFFFE000  }
0x139: {  	[spmem:s17] =	stream.linear.scatter [tilespmem:s16], [sflag:$0x3], $0x2000, $0x38;
	[tilespmem:$0x1E300] =	vst v63  }
0x13a: {  	_ =	swait.ge [sflag:s31], $0x2000  }
0x13b: {  	[sflag:s31] =	ssyncset.done $0x0  }
0x13c: {  	s18 =	rddreg [dreg:$0xb];
	[sflag:s31] =	ssyncadd.s32 $0xFFFFE000  }
0x13d: {  	[spmem:s18] =	stream.linear.scatter [tilespmem:s16], [sflag:$0x3], $0x2000, $0x38;
	[tilespmem:$0x1E300] =	vst v63  }
0x13e: {  	_ =	swait.ge [sflag:s31], $0x2000  }
0x13f: {  	[sflag:s31] =	ssyncset.done $0x0  }
0x140: {  	s20 =	rddreg [dreg:$0x15];
	[sflag:s31] =	ssyncadd.s32 $0xFFFFE000  }
0x141: {  	[spmem:s20] =	stream.linear.scatter [tilespmem:s16], [sflag:$0x3], $0x2000, $0x38;
	[tilespmem:$0x1E300] =	vst v63  }
0x142: {  	_ =	swait.ge [sflag:s31], $0x2000  }
0x143: {  	[sflag:s31] =	ssyncset.done $0x0  }
0x144: {  	s22 =	rddreg [dreg:$0x16];
	[sflag:s31] =	ssyncadd.s32 $0xFFFFE000  }
0x145: {  	[spmem:s22] =	stream.linear.scatter [tilespmem:s16], [sflag:$0x3], $0x2000, $0x38;
	[tilespmem:$0x1E300] =	vst v63  }
0x146: {  	_ =	swait.ge [sflag:s31], $0x2000  }
0x147: {  	[sflag:s31] =	ssyncset.done $0x0  }
0x148: {  	s23 =	rddreg [dreg:$0x17];
	[sflag:s31] =	ssyncadd.s32 $0xFFFFE000  }
0x149: {  	[spmem:s23] =	stream.linear.scatter [tilespmem:s16], [sflag:$0x3], $0x2000, $0x38;
	[tilespmem:$0x1E300] =	vst v63  }
0x14a: {  	_ =	swait.ge [sflag:s31], $0x2000  }
0x14b: {  	[sflag:s31] =	ssyncset.done $0x0  }
0x14c: {  	p1 =	sne.s32 s9, $0x1;
	[sflag:s31] =	ssyncadd.s32 $0xFFFFE000  }
0x14d: {  	s28 =	simm.s32 $0x200;
	p2 =	por $0x0, $0x0;
	[bflag:$0x0] =	sbarrier.arrive $0xFFFF  }
0x14e: {  	s12 =	simm.s32 $0x1;
	s22 =	simm.s32 $0x0;
	s25 =	rddreg [dreg:$0xc]  }
0x14f: {  	[tilespmem:s22], [sflag:$0x3] =	stream.linear.gather [hbm4b:s25+s22], $0x100, $0x38;
	[tilespmem:$0x1E300] =	vst v63  }
0x150: {  	p0 =	por $0x0, $0x0;
	s10 =	simm.s32 $0x2;
	_ =	swait.ge [sflag:s31], $0x100  }
0x151: {  	s0 =	simm.s32 $0x0;
	s13 =	simm.s32 $0x100;
	[sflag:s31] =	ssyncset.done $0x0  }
.Ltmp7:
0x152: {  	s15 =	simm.s32 $0x200;
	[sflag:s31] =	ssyncadd.s32 $0xFFFFFF00;
	(pc) =	sbr.rel @!p1 .LBB2_19-.Ltmp7, $4  }
0x153: {  	[tilespmem:s26], [sflag:$0x2] =	stream.indirect.gather [hbm4b:s8+s24], $0x80, s22, s24, $0xb8;
	[tilespmem:$0x1E300] =	vst v63  }
0x154: {  	s14 =	simm.s32 $0x1;
	s17 =	simm.s32 $0x80;
	s26 =	rddreg [dreg:$0xd]  }
0x155: {  	[tilespmem:s13], [sflag:$0x1] =	stream.linear.gather [hbm4b:s26+s22], $0x100, $0x38;
	[tilespmem:$0x1E300] =	vst v63  }
0x156: {  	s20 =	simm.s32 $0x100;
	s25 =	rddreg [dreg:$0x14];
	s26 =	simm.s32 $0x1  }
0x157: {  	s0 =	smulhi.u32 $0xAAAAAAAB, s11  }
0x158: {  	s3 =	smulhi.u32 $0xAAAAAAAB, s14  }
0x159: {  	s18 =	simm.s32 $0x2;
	s10 =	smulhi.u32 $0xAAAAAAAB, s22  }
0x15a: {  	p2 =	sle.u32 s7, $0x2;
	s16 =	rddreg [dreg:$0x14];
	s0 =	sshrl.u32 s0, $0x1  }
0x15b: {  	p3 =	sne.s32 s9, $0x2;
	s26 =	sand.u32 $0x1, s22;
	s0 =	smul.u32 $0xFFFFF400, s0  }
0x15c: {  	s28 =	simm.s32 $0x300;
	s20 =	simm.s32 $0x200;
	s17 =	simm.s32 @!p2 $0x0  }
0x15d: {  	s3 =	sshrl.u32 s3, $0x1;
	s10 =	sshrl.u32 s10, $0x1;
	s0 =	sshra.s32 s0, $0x2  }
0x15e: {  	s25 =	smul.u32 $0xFFFFF400, s3;
	s3 =	sshll.u32 s26, $0xE;
	s0 =	sadd.s32 $0x200, s0  }
0x15f: {  	[tilespmem:s0], [sflag:$0x1] =	stream.linear.gather @!p2 [hbm4b:s16+s17], $0x100, $0x38;
	[tilespmem:$0x1E300] =	vst v63  }
0x160: {  	s10 =	smul.u32 $0xFFFFF400, s10;
	s26 =	simm.s32 $0x2;
	_ =	swait.ge [sflag:s4], $0x100  }
0x161: {  	s29 =	sxor.u32 $0x4300, s3;
	s0 =	sshra.s32 s25, $0x2;
	[sflag:s4] =	ssyncset.done $0x0  }
0x162: {  	s3 =	sor.u32 $0x300, s3;
	s0 =	sadd.s32 $0x100, s0;
	[sflag:s4] =	ssyncadd.s32 $0xFFFFFF00  }
0x163: {  	[tilespmem:s29], [sflag:$0x2] =	stream.indirect.gather [hbm4b:s8+s19], $0x80, s0, s19, $0xb8;
	[tilespmem:$0x1E300] =	vst v63  }
.Ltmp8:
0x164: {  	s30 =	sshra.s32 s10, $0x2;
	_ =	swait.ge [sflag:s21], $0x4000;
	(pc) =	sbr.rel @!p3 .LBB2_16-.Ltmp8, $4  }
0x165: {  	s10 =	simm.s32 $0x3;
	s17 =	simm.s32 $0x180;
	[sflag:s21] =	ssyncset.done $0x0  }
0x166: {  	s25 =	sadd.s32 $0x200, s16;
	s0 =	sadd.s32 $0x80, s30;
	[sflag:s21] =	ssyncadd.s32 $0xFFFFC000  }
0x167: {  	[spmem:s2] =	stream.indirect.scatter.add.f32 [tilespmem:s3], [sflag:$0x3], $0x80, s0, s19, $0xb8;
	[tilespmem:$0x1E300] =	vst v63  }
0x168: {  	p2 =	por $0x1, $0x1;
	s0 =	simm.s32 $0x1;
	_ =	swait.ge [sflag:s31], $0x4000  }
.LBB2_17:
0x169: {  	s3 =	smulhi.u32 $0xAAAAAAAB, s10;
	[sflag:s31] =	ssyncset.done $0x0;
	s29 =	smov.u32 s0  }
0x16a: {  	s0 =	smov.u32 s18;
	s18 =	sadd.s32 $0x1, s18;
	s30 =	smov.u32 s17  }
0x16b: {  	p3 =	sne.s32 s9, s18;
	[sflag:s31] =	ssyncadd.s32 $0xFFFFC000  }
0x16c: {  	s3 =	sshrl.u32 s3, $0x1  }
0x16d: {  	s3 =	smul.u32 $0xFFFFF400, s3  }
0x16e: {  	s22 =	smulhi.u32 $0xAAAAAAAB, s26;
	s17 =	sadd.s32 $0x100, s17;
	s23 =	sadd.s32 $0x2, s29  }
0x16f: {  	s16 =	smulhi.u32 $0xAAAAAAAB, s29;
	p4 =	sge.u32 s23, s7;
	s3 =	sshra.s32 s3, $0x2  }
0x170: {  	s22 =	sshrl.u32 s22, $0x1;
	s23 =	simm.s32 @!p4 $0x0;
	s3 =	sadd.s32 s3, s28  }
0x171: {  	[tilespmem:s3], [sflag:$0x1] =	stream.linear.gather @!p4 [hbm4b:s25+s23], $0x100, $0x38;
	[tilespmem:$0x1E300] =	vst v63  }
0x172: {  	s3 =	smul.u32 $0xFFFFF400, s22;
	s22 =	sand.u32 $0x1, s29;
	_ =	swait.ge [sflag:s4], $0x100  }
0x173: {  	s16 =	sshrl.u32 s16, $0x1;
	s22 =	sshll.u32 s22, $0xE;
	[sflag:s4] =	ssyncset.done $0x0  }
0x174: {  	s3 =	sshra.s32 s3, $0x2;
	s23 =	sxor.u32 $0x4300, s22;
	[sflag:s4] =	ssyncadd.s32 $0xFFFFFF00  }
0x175: {  	s26 =	sadd.s32 $0x1, s26;
	s16 =	smul.u32 $0xFFFFF400, s16;
	s3 =	sadd.s32 s3, s20  }
0x176: {  	[tilespmem:s23], [sflag:$0x2] =	stream.indirect.gather [hbm4b:s8+s19], $0x80, s3, s19, $0xb8;
	[tilespmem:$0x1E300] =	vst v63  }
.Ltmp9:
0x177: {  	s3 =	sshra.s32 s16, $0x2;
	_ =	swait.ge [sflag:s21], $0x4000;
	(pc) =	sbr.rel @p3 .LBB2_17-.Ltmp9, $4  }
0x178: {  	s16 =	sor.u32 $0x300, s22;
	s3 =	sadd.s32 s3, s30;
	[sflag:s21] =	ssyncset.done $0x0  }
0x179: {  	s28 =	sadd.s32 $0x100, s28;
	s20 =	sadd.s32 $0x100, s20;
	[sflag:s21] =	ssyncadd.s32 $0xFFFFC000  }
0x17a: {  	[spmem:s2] =	stream.indirect.scatter.add.f32 [tilespmem:s16], [sflag:$0x3], $0x80, s3, s19, $0xb8;
	[tilespmem:$0x1E300] =	vst v63  }
0x17b: {  	s10 =	sadd.s32 $0x1, s10;
	s25 =	sadd.s32 $0x200, s25;
	_ =	swait.ge [sflag:s31], $0x4000  }
0x17c: {  	s29 =	rddreg [dreg:$0x5]  }
0x17d: {  	s30 =	rddreg [dreg:$0x6];
	s22 =	simm.s32 $0x0  }
.LBB2_19:
0x17e: {  	s3 =	smulhi.u32 $0xAAAAAAAB, s10;
	_ =	sdelay $0x1  }
0x17f: {  	s3 =	sshrl.u32 s3, $0x1  }
0x180: {  	s3 =	smul.u32 $0xFFFFF400, s3  }
0x181: {  	[sflag:s31] =	ssyncset.done @p2 $0x0;
	s16 =	sadd.s32 $0x2, s0;
	s18 =	smulhi.u32 $0xAAAAAAAB, s26  }
0x182: {  	p3 =	sge.u32 s16, s7;
	[sflag:s31] =	ssyncadd.s32 @p2 $0xFFFFC000;
	s3 =	sshra.s32 s3, $0x2  }
0x183: {  	s16 =	simm.s32 @!p3 $0x0;
	s23 =	sshrl.u32 s18, $0x1;
	s3 =	sadd.s32 s3, s28  }
0x184: {  	[tilespmem:s3], [sflag:$0x1] =	stream.linear.gather @!p3 [hbm4b:s25+s16], $0x100, $0x38;
	[tilespmem:$0x1E300] =	vst v63  }
0x185: {  	s26 =	sand.u32 $0x1, s0;
	s3 =	smul.u32 $0xFFFFF400, s23  }
0x186: {  	s25 =	smulhi.u32 $0xAAAAAAAB, s0;
	s0 =	sshll.u32 s26, $0xE;
	_ =	swait.ge [sflag:s4], $0x100  }
0x187: {  	s28 =	sxor.u32 $0x4300, s0;
	[sflag:s4] =	ssyncset.done $0x0;
	s3 =	sshra.s32 s3, $0x2  }
0x188: {  	s10 =	sshrl.u32 s25, $0x1;
	[sflag:s4] =	ssyncadd.s32 $0xFFFFFF00;
	s3 =	sadd.s32 s3, s20  }
0x189: {  	[tilespmem:s28], [sflag:$0x2] =	stream.indirect.gather [hbm4b:s8+s19], $0x80, s3, s19, $0xb8;
	[tilespmem:$0x1E300] =	vst v63  }
0x18a: {  	s3 =	smul.u32 $0xFFFFF400, s10  }
0x18b: {  	_ =	swait.ge [sflag:s21], $0x4000  }
0x18c: {  	s3 =	sshra.s32 s3, $0x2;
	[sflag:s21] =	ssyncset.done $0x0  }
0x18d: {  	s0 =	sor.u32 $0x300, s0;
	s3 =	sadd.s32 s3, s17;
	[sflag:s21] =	ssyncadd.s32 $0xFFFFC000  }
0x18e: {  	[spmem:s2] =	stream.indirect.scatter.add.f32 [tilespmem:s0], [sflag:$0x3], $0x80, s3, s19, $0xb8;
	[tilespmem:$0x1E300] =	vst v63  }
0x18f: {  	_ =	swait.ge [sflag:s31], $0x4000  }
0x190: {  	[sflag:s31] =	ssyncset.done $0x0  }
0x191: {  	[sflag:s31] =	ssyncadd.s32 $0xFFFFC000  }
0x192: {  	_ =	swait.ge [sflag:s11], $0x4000  }
0x193: {  	[sflag:s11] =	ssyncset.done $0x0  }
0x194: {  	s10 =	simm.s32 $0x300;
	s16 =	rddreg [dreg:$0xf];
	[sflag:s11] =	ssyncadd.s32 $0xFFFFC000  }
0x195: {  	[spmem:s2] =	stream.indirect.scatter.add.f32 [tilespmem:s10], [sflag:$0x3], $0x80, s16, s24, $0xb8;
	[tilespmem:$0x1E300] =	vst v63  }
0x196: {  	_ =	swait.ge [sflag:s31], $0x4000  }
0x197: {  	[sflag:s31] =	ssyncset.done $0x0  }
0x198: {  	[sflag:s31] =	ssyncadd.s32 $0xFFFFC000  }
0x199: {  	[bflag:$0x0] =	sbarrier.arrive $0xFFFF  }
0x19a: {  	s17 =	rddreg [dreg:$0x11]  }
0x19b: {  	s18 =	rddreg [dreg:$0x18]  }
0x19c: {  	s20 =	rddreg [dreg:$0x19]  }
0x19d: {  	[hbm:s17], [sflag:s18] =	dma.local [spmem:s20], $0x2800  }
0x19e: {  	_ =	swait.ge [sflag:s31], $0x2800  }
0x19f: {  	[sflag:s31] =	ssyncset.done $0x0  }
0x1a0: {  	[sflag:s31] =	ssyncadd.s32 $0xFFFFD800  }
0x1a1: {  	s3 =	simm.s32 $0x8300;
	[bflag:$0x0] =	sbarrier.arrive $0xFFFF  }
0x1a2: {  	[spmem:s29] =	stream.linear.scatter [tilespmem:s3], [sflag:$0x3], $0x2000, $0x38;
	[tilespmem:$0x1E300] =	vst v63  }
0x1a3: {  	_ =	swait.ge [sflag:s31], $0x2000  }
0x1a4: {  	[sflag:s31] =	ssyncset.done $0x0  }
0x1a5: {  	[sflag:s31] =	ssyncadd.s32 $0xFFFFE000  }
0x1a6: {  	[spmem:s30] =	stream.linear.scatter [tilespmem:s3], [sflag:$0x3], $0x2000, $0x38;
	[tilespmem:$0x1E300] =	vst v63  }
0x1a7: {  	_ =	swait.ge [sflag:s31], $0x2000  }
0x1a8: {  	[sflag:s31] =	ssyncset.done $0x0  }
0x1a9: {  	s17 =	rddreg [dreg:$0x7];
	[sflag:s31] =	ssyncadd.s32 $0xFFFFE000  }
0x1aa: {  	[spmem:s17] =	stream.linear.scatter [tilespmem:s3], [sflag:$0x3], $0x2000, $0x38;
	[tilespmem:$0x1E300] =	vst v63  }
0x1ab: {  	_ =	swait.ge [sflag:s31], $0x2000  }
0x1ac: {  	[sflag:s31] =	ssyncset.done $0x0  }
0x1ad: {  	s25 =	rddreg [dreg:$0x8];
	[sflag:s31] =	ssyncadd.s32 $0xFFFFE000  }
0x1ae: {  	[spmem:s25] =	stream.linear.scatter [tilespmem:s3], [sflag:$0x3], $0x2000, $0x38;
	[tilespmem:$0x1E300] =	vst v63  }
0x1af: {  	_ =	swait.ge [sflag:s31], $0x2000  }
0x1b0: {  	[sflag:s31] =	ssyncset.done $0x0  }
0x1b1: {  	s26 =	rddreg [dreg:$0x9];
	[sflag:s31] =	ssyncadd.s32 $0xFFFFE000  }
0x1b2: {  	[spmem:s26] =	stream.linear.scatter [tilespmem:s3], [sflag:$0x3], $0x2000, $0x38;
	[tilespmem:$0x1E300] =	vst v63  }
0x1b3: {  	_ =	swait.ge [sflag:s31], $0x2000  }
0x1b4: {  	[sflag:s31] =	ssyncset.done $0x0  }
0x1b5: {  	s23 =	rddreg [dreg:$0xa];
	[sflag:s31] =	ssyncadd.s32 $0xFFFFE000  }
0x1b6: {  	[spmem:s23] =	stream.linear.scatter [tilespmem:s3], [sflag:$0x3], $0x2000, $0x38;
	[tilespmem:$0x1E300] =	vst v63  }
0x1b7: {  	_ =	swait.ge [sflag:s31], $0x2000  }
0x1b8: {  	[sflag:s31] =	ssyncset.done $0x0  }
0x1b9: {  	s28 =	rddreg [dreg:$0xb];
	[sflag:s31] =	ssyncadd.s32 $0xFFFFE000  }
0x1ba: {  	[spmem:s28] =	stream.linear.scatter [tilespmem:s3], [sflag:$0x3], $0x2000, $0x38;
	[tilespmem:$0x1E300] =	vst v63  }
0x1bb: {  	_ =	swait.ge [sflag:s31], $0x2000  }
0x1bc: {  	[sflag:s31] =	ssyncset.done $0x0  }
0x1bd: {  	s16 =	rddreg [dreg:$0x15];
	[sflag:s31] =	ssyncadd.s32 $0xFFFFE000  }
0x1be: {  	[spmem:s16] =	stream.linear.scatter [tilespmem:s3], [sflag:$0x3], $0x2000, $0x38;
	[tilespmem:$0x1E300] =	vst v63  }
0x1bf: {  	_ =	swait.ge [sflag:s31], $0x2000  }
0x1c0: {  	[sflag:s31] =	ssyncset.done $0x0  }
0x1c1: {  	s18 =	rddreg [dreg:$0x16];
	[sflag:s31] =	ssyncadd.s32 $0xFFFFE000  }
0x1c2: {  	[spmem:s18] =	stream.linear.scatter [tilespmem:s3], [sflag:$0x3], $0x2000, $0x38;
	[tilespmem:$0x1E300] =	vst v63  }
0x1c3: {  	_ =	swait.ge [sflag:s31], $0x2000  }
0x1c4: {  	[sflag:s31] =	ssyncset.done $0x0  }
0x1c5: {  	s20 =	rddreg [dreg:$0x17];
	[sflag:s31] =	ssyncadd.s32 $0xFFFFE000  }
0x1c6: {  	[spmem:s20] =	stream.linear.scatter [tilespmem:s3], [sflag:$0x3], $0x2000, $0x38;
	[tilespmem:$0x1E300] =	vst v63  }
0x1c7: {  	_ =	swait.ge [sflag:s31], $0x2000  }
0x1c8: {  	[sflag:s31] =	ssyncset.done $0x0  }
0x1c9: {  	[sflag:s31] =	ssyncadd.s32 $0xFFFFE000  }
0x1ca: {  	[bflag:$0x0] =	sbarrier.arrive $0xFFFF  }
0x1cb: {  	s23 =	rddreg [dreg:$0xc]  }
0x1cc: {  	[tilespmem:s22], [sflag:$0x3] =	stream.linear.gather [hbm4b:s23+s22], $0x100, $0x38;
	[tilespmem:$0x1E300] =	vst v63  }
0x1cd: {  	_ =	swait.ge [sflag:s31], $0x100  }
.Ltmp10:
0x1ce: {  	[sflag:s31] =	ssyncset.done $0x0;
	(pc) =	sbr.rel @!p1 .LBB2_20-.Ltmp10, $4  }
0x1cf: {  	[sflag:s31] =	ssyncadd.s32 $0xFFFFFF00  }
0x1d0: {  	[tilespmem:s10], [sflag:$0x2] =	stream.indirect.gather [hbm4b:s1+s24], $0x80, s22, s24, $0xb8;
	[tilespmem:$0x1E300] =	vst v63  }
0x1d1: {  	s30 =	simm.s32 $0x300;
	s28 =	rddreg [dreg:$0xd]  }
0x1d2: {  	[tilespmem:s13], [sflag:$0x1] =	stream.linear.gather [hbm4b:s28+s22], $0x100, $0x38;
	[tilespmem:$0x1E300] =	vst v63  }
0x1d3: {  	s0 =	smulhi.u32 $0xAAAAAAAB, s11  }
0x1d4: {  	s3 =	smulhi.u32 $0xAAAAAAAB, s14  }
0x1d5: {  	s28 =	smov.u32 s17;
	s10 =	smulhi.u32 $0xAAAAAAAB, s22;
	s0 =	sshrl.u32 s0, $0x1  }
0x1d6: {  	p0 =	sle.u32 s7, $0x2;
	s16 =	rddreg [dreg:$0x14];
	s0 =	smul.u32 $0xFFFFF400, s0  }
0x1d7: {  	s17 =	simm.s32 $0x2;
	s20 =	sand.u32 $0x1, s22;
	p1 =	sne.s32 s9, $0x2  }
0x1d8: {  	s24 =	simm.s32 $0x180;
	s3 =	sshrl.u32 s3, $0x1;
	s0 =	sshra.s32 s0, $0x2  }
0x1d9: {  	s11 =	simm.s32 @!p0 $0x0;
	s18 =	smul.u32 $0xFFFFF400, s3;
	s0 =	sadd.s32 $0x200, s0  }
0x1da: {  	[tilespmem:s0], [sflag:$0x1] =	stream.linear.gather @!p0 [hbm4b:s16+s11], $0x100, $0x38;
	[tilespmem:$0x1E300] =	vst v63  }
0x1db: {  	s10 =	sshrl.u32 s10, $0x1;
	s3 =	sshll.u32 s20, $0xE;
	_ =	swait.ge [sflag:s4], $0x100  }
0x1dc: {  	s10 =	smul.u32 $0xFFFFF400, s10;
	s0 =	sshra.s32 s18, $0x2;
	[sflag:s4] =	ssyncset.done $0x0  }
0x1dd: {  	s22 =	sxor.u32 $0x4300, s3;
	s0 =	sadd.s32 $0x100, s0;
	[sflag:s4] =	ssyncadd.s32 $0xFFFFFF00  }
0x1de: {  	[tilespmem:s22], [sflag:$0x2] =	stream.indirect.gather [hbm4b:s1+s19], $0x80, s0, s19, $0xb8;
	[tilespmem:$0x1E300] =	vst v63  }
0x1df: {  	s14 =	simm.s32 $0x2;
	s15 =	simm.s32 $0x300;
	_ =	swait.ge [sflag:s21], $0x4000  }
.Ltmp11:
0x1e0: {  	s23 =	sshra.s32 s10, $0x2;
	[sflag:s21] =	ssyncset.done $0x0;
	(pc) =	sbr.rel @!p1 .LBB2_22-.Ltmp11, $4  }
0x1e1: {  	s3 =	sor.u32 $0x300, s3;
	s0 =	sadd.s32 $0x80, s23;
	[sflag:s21] =	ssyncadd.s32 $0xFFFFC000  }
0x1e2: {  	[spmem:s2] =	stream.indirect.scatter.add.f32 [tilespmem:s3], [sflag:$0x3], $0x80, s0, s19, $0xb8;
	[tilespmem:$0x1E300] =	vst v63  }
0x1e3: {  	s13 =	simm.s32 $0x200;
	s11 =	simm.s32 $0x3;
	_ =	swait.ge [sflag:s31], $0x4000  }
0x1e4: {  	p0 =	por $0x1, $0x1;
	s0 =	sadd.s32 $0x200, s16;
	s23 =	rddreg [dreg:$0x4]  }
.LBB2_23:
0x1e5: {  	s3 =	smulhi.u32 $0xAAAAAAAB, s11;
	[sflag:s31] =	ssyncset.done $0x0;
	s10 =	smov.u32 s12  }
0x1e6: {  	s12 =	smov.u32 s17;
	s17 =	sadd.s32 $0x1, s17;
	s16 =	smov.u32 s24  }
0x1e7: {  	p1 =	sne.s32 s9, s17;
	[sflag:s31] =	ssyncadd.s32 $0xFFFFC000  }
0x1e8: {  	s3 =	sshrl.u32 s3, $0x1  }
0x1e9: {  	s3 =	smul.u32 $0xFFFFF400, s3  }
0x1ea: {  	s18 =	smulhi.u32 $0xAAAAAAAB, s14;
	s24 =	sadd.s32 $0x100, s24;
	s20 =	sadd.s32 $0x2, s10  }
0x1eb: {  	s22 =	smulhi.u32 $0xAAAAAAAB, s10;
	p2 =	sge.u32 s20, s7;
	s3 =	sshra.s32 s3, $0x2  }
0x1ec: {  	s18 =	sshrl.u32 s18, $0x1;
	s20 =	simm.s32 @!p2 $0x0;
	s3 =	sadd.s32 s3, s15  }
0x1ed: {  	[tilespmem:s3], [sflag:$0x1] =	stream.linear.gather @!p2 [hbm4b:s0+s20], $0x100, $0x38;
	[tilespmem:$0x1E300] =	vst v63  }
0x1ee: {  	s10 =	sand.u32 $0x1, s10;
	s3 =	smul.u32 $0xFFFFF400, s18;
	_ =	swait.ge [sflag:s4], $0x100  }
0x1ef: {  	s10 =	sshll.u32 s10, $0xE;
	s18 =	sshrl.u32 s22, $0x1;
	[sflag:s4] =	ssyncset.done $0x0  }
0x1f0: {  	s20 =	sxor.u32 $0x4300, s10;
	s3 =	sshra.s32 s3, $0x2;
	[sflag:s4] =	ssyncadd.s32 $0xFFFFFF00  }
0x1f1: {  	s14 =	sadd.s32 $0x1, s14;
	s18 =	smul.u32 $0xFFFFF400, s18;
	s3 =	sadd.s32 s3, s13  }
0x1f2: {  	[tilespmem:s20], [sflag:$0x2] =	stream.indirect.gather [hbm4b:s1+s19], $0x80, s3, s19, $0xb8;
	[tilespmem:$0x1E300] =	vst v63  }
.Ltmp12:
0x1f3: {  	s3 =	sshra.s32 s18, $0x2;
	_ =	swait.ge [sflag:s21], $0x4000;
	(pc) =	sbr.rel @p1 .LBB2_23-.Ltmp12, $4  }
0x1f4: {  	s10 =	sor.u32 $0x300, s10;
	s3 =	sadd.s32 s3, s16;
	[sflag:s21] =	ssyncset.done $0x0  }
0x1f5: {  	s15 =	sadd.s32 $0x100, s15;
	s13 =	sadd.s32 $0x100, s13;
	[sflag:s21] =	ssyncadd.s32 $0xFFFFC000  }
0x1f6: {  	[spmem:s2] =	stream.indirect.scatter.add.f32 [tilespmem:s10], [sflag:$0x3], $0x80, s3, s19, $0xb8;
	[tilespmem:$0x1E300] =	vst v63  }
0x1f7: {  	s11 =	sadd.s32 $0x1, s11;
	s0 =	sadd.s32 $0x200, s0;
	_ =	swait.ge [sflag:s31], $0x4000  }
0x1f8: {  	s22 =	smov.u32 s12;
	s17 =	smov.u32 s28  }
.LBB2_25:
0x1f9: {  	s3 =	smulhi.u32 $0xAAAAAAAB, s11;
	_ =	sdelay $0x1  }
0x1fa: {  	s10 =	smulhi.u32 $0xAAAAAAAB, s14;
	s3 =	sshrl.u32 s3, $0x1  }
0x1fb: {  	[sflag:s31] =	ssyncset.done @p0 $0x0;
	s28 =	sadd.s32 $0x2, s22;
	s3 =	smul.u32 $0xFFFFF400, s3  }
0x1fc: {  	s12 =	smulhi.u32 $0xAAAAAAAB, s22;
	[sflag:s31] =	ssyncadd.s32 @p0 $0xFFFFC000;
	p0 =	sge.u32 s28, s7  }
0x1fd: {  	s10 =	sshrl.u32 s10, $0x1;
	s11 =	simm.s32 @!p0 $0x0;
	s3 =	sshra.s32 s3, $0x2  }
0x1fe: {  	s14 =	sshrl.u32 s12, $0x1;
	s10 =	smul.u32 $0xFFFFF400, s10;
	s3 =	sadd.s32 s3, s15  }
0x1ff: {  	[tilespmem:s3], [sflag:$0x1] =	stream.linear.gather @!p0 [hbm4b:s0+s11], $0x100, $0x38;
	[tilespmem:$0x1E300] =	vst v63  }
0x200: {  	s11 =	sand.u32 $0x1, s22;
	s0 =	sshra.s32 s10, $0x2;
	_ =	swait.ge [sflag:s4], $0x100  }
0x201: {  	s10 =	smul.u32 $0xFFFFF400, s14;
	s3 =	sshll.u32 s11, $0xE;
	[sflag:s4] =	ssyncset.done $0x0  }
0x202: {  	s0 =	sadd.s32 s0, s13;
	s15 =	sxor.u32 $0x4300, s3;
	[sflag:s4] =	ssyncadd.s32 $0xFFFFFF00  }
0x203: {  	[tilespmem:s15], [sflag:$0x2] =	stream.indirect.gather [hbm4b:s1+s19], $0x80, s0, s19, $0xb8;
	[tilespmem:$0x1E300] =	vst v63  }
0x204: {  	_ =	swait.ge [sflag:s21], $0x4000  }
0x205: {  	s16 =	sshra.s32 s10, $0x2;
	[sflag:s21] =	ssyncset.done $0x0  }
0x206: {  	s3 =	sor.u32 $0x300, s3;
	s0 =	sadd.s32 s16, s24;
	[sflag:s21] =	ssyncadd.s32 $0xFFFFC000  }
0x207: {  	[spmem:s2] =	stream.indirect.scatter.add.f32 [tilespmem:s3], [sflag:$0x3], $0x80, s0, s19, $0xb8;
	[tilespmem:$0x1E300] =	vst v63  }
0x208: {  	_ =	swait.ge [sflag:s31], $0x4000  }
0x209: {  	[sflag:s31] =	ssyncset.done $0x0  }
0x20a: {  	[sflag:s31] =	ssyncadd.s32 $0xFFFFC000  }
0x20b: {  	_ =	swait.ge [sflag:s21], $0x4000  }
0x20c: {  	[sflag:s21] =	ssyncset.done $0x0  }
0x20d: {  	s18 =	rddreg [dreg:$0xf];
	[sflag:s21] =	ssyncadd.s32 $0xFFFFC000  }
0x20e: {  	[spmem:s2] =	stream.indirect.scatter.add.f32 [tilespmem:s30], [sflag:$0x3], $0x80, s18, s19, $0xb8;
	[tilespmem:$0x1E300] =	vst v63  }
0x20f: {  	_ =	swait.ge [sflag:s31], $0x4000  }
0x210: {  	[sflag:s31] =	ssyncset.done $0x0  }
0x211: {  	[sflag:s31] =	ssyncadd.s32 $0xFFFFC000  }
0x212: {  	[bflag:$0x0] =	sbarrier.arrive $0xFFFF  }
0x213: {  	s20 =	rddreg [dreg:$0x12]  }
0x214: {  	s22 =	rddreg [dreg:$0x18]  }
0x215: {  	s24 =	rddreg [dreg:$0x19]  }
0x216: {  	[hbm:s20], [sflag:s22] =	dma.local [spmem:s24], $0x2800  }
0x217: {  	_ =	swait.ge [sflag:s31], $0x2800  }
0x218: {  	s23 =	sadd.s32 $0x1, s23;
	s28 =	rddreg [dreg:$0x13]  }
0x219: {  	p0 =	sne.s32 s23, s28  }
.Ltmp13:
0x21a: {  	_ = 	snop;
	(pc) =	sbr.rel @p0 .LBB2_1-.Ltmp13, $4  }
.Ltmp14:
0x21b: {  	[sflag:s31] =	ssyncset.done $0x0;
	(pc) =	sbr.rel @!p0 .LBB2_26-.Ltmp14, $4  }
0x21c: {  	[sflag:s31] =	ssyncadd.s32 $0xFFFFD800  }
0x21d: {  	[bflag:$0x0] =	sbarrier.arrive $0xFFFF  }
0x21e: {  	_ = 	snop  }
0x21f: {  	_ = 	snop  }
.LBB2_9:
.Ltmp15:
0x220: {  	(pc) =	sbr.rel .LBB2_14-.Ltmp15, $2  }
0x221: {  	_ =	sdelay $0x2  }
0x222: {  	s0 =	rddreg [dreg:$0x14]  }
.LBB2_20:
.Ltmp16:
0x223: {  	(pc) =	sbr.rel .LBB2_25-.Ltmp16, $3  }
0x224: {  	_ =	sdelay $0x1  }
0x225: {  	s0 =	rddreg [dreg:$0x14]  }
0x226: {  	s23 =	rddreg [dreg:$0x4]  }
.LBB2_5:
.Ltmp17:
0x227: {  	(pc) =	sbr.rel .LBB2_8-.Ltmp17, $4  }
0x228: {  	_ = 	snop  }
0x229: {  	s29 =	rddreg [dreg:$0x5]  }
0x22a: {  	s30 =	rddreg [dreg:$0x6]  }
0x22b: {  	s26 =	simm.s32 $0x1;
	s17 =	rddreg [dreg:$0x7];
	s28 =	simm.s32 $0x0  }
.LBB2_11:
.Ltmp18:
0x22c: {  	(pc) =	sbr.rel .LBB2_14-.Ltmp18, $2  }
0x22d: {  	_ =	sdelay $0x2  }
0x22e: {  	s16 =	simm.s32 $0x1;
	s17 =	smov.u32 s26  }
.LBB2_16:
.Ltmp19:
0x22f: {  	(pc) =	sbr.rel .LBB2_19-.Ltmp19, $3  }
0x230: {  	_ =	sdelay $0x1  }
0x231: {  	s29 =	rddreg [dreg:$0x5]  }
0x232: {  	s0 =	simm.s32 $0x1;
	s30 =	rddreg [dreg:$0x6];
	s22 =	simm.s32 $0x0  }
.LBB2_22:
.Ltmp20:
0x233: {  	(pc) =	sbr.rel .LBB2_25-.Ltmp20, $2  }
0x234: {  	_ =	sdelay $0x2  }
0x235: {  	s22 =	simm.s32 $0x1;
	s17 =	smov.u32 s28  }
.LBB2_26:
0x236: {  	_ =	sfence.sel $0x180000  }
0x237: {  	[bflag:$0x0] =	sbarrier.arrive $0xFFFF  }
0x238: {  	_ =	strace $0x90000047  }
0x239: {  	s0 =	stileid.u32;
	[bflag:$0x2] =	sbarrier.arrive $0xFFFF  }
0x23a: {  	p0 =	sne.s32 s0, $0x0;
	s0 =	rddreg [dreg:$0x3]  }
0x23b: {  	s0 =	sadd.s32 @!p0 $0x100000, s0  }
0x23c: {  	[sflag:s0] =	ssyncadd.tile.s32 @!p0 $0x1;
	_ =	shalt  }
.Lfunc_end2:
_tile_overlayer_lowered:
.L_overlay_start_2:
0x23d: {  	(tag) =	ssettag $0x2  }
0x23e: {  	s0 =	rddreg [dreg:$0x0];
	s2 =	stileid.u32  }
0x23f: {  	s1 =	rddreg [dreg:$0x1];
	p0 =	sne.s32 s2, $0x0  }
0x240: {  	s3 =	rddreg [dreg:$0x2];
	[bflag:$0x3] =	sbarrier.arrive $0xFFFF;
	s2 =	simm.s32 @!p0 $0x1C03  }
0x241: {  	[timem:s3], [sflag:s2] =	dma.local @!p0 [hbm:s0], s1  }
0x242: {  	s0 =	simm.s32 @!p0 $0x3  }
0x243: {  	_ =	swait.ge @!p0 [sflag:s0], s1  }
0x244: {  	s1 =	ssub.s32 @!p0 $0x0, s1;
	[sflag:s0] =	ssyncset.done @!p0 $0x0  }
0x245: {  	[sflag:s0] =	ssyncadd.s32 @!p0 s1  }
0x246: {  	[bflag:$0x3] =	sbarrier.arrive $0xFFFF  }
0x247: {  	_ =	shalt  }

// kernel: kernel.6.cloned.1.call-start
scs
__scs_entry_jumppad:
0x0: {  	(pc) =	sbr.rel $0x88, $3  }
0x1: {  	(tag) =	ssettag $0x0;
	lr =	simm.s32 $0x1  }
0x2: {  	[smem:$0x3F99] =	sst lr;
	_ =	strace $0xD0000000  }
0x3: {  	_ = 	snop  }
0x4: {  	_ = 	snop  }
0x5: {  	_ = 	snop  }
0x6: {  	_ = 	snop  }
0x7: {  	_ = 	snop  }
__scs_overlays_trampoline_lowered:
0x8: {  	[smem:$0x3FA8] =	sst s0  }
0x9: {  	[smem:$0x3FA9] =	sst s1  }
0xa: {  	[smem:$0x3FAA] =	sst s2  }
0xb: {  	[smem:$0x3FAB] =	sst s3  }
0xc: {  	[smem:$0x3FAC] =	sst s4  }
0xd: {  	[smem:$0x3FAD] =	sst s5  }
0xe: {  	[smem:$0x3FAE] =	sst s6  }
0xf: {  	[smem:$0x3FAF] =	sst s7  }
0x10: {  	[smem:$0x3FB0] =	sst s8  }
0x11: {  	[smem:$0x3FB1] =	sst s9;
	s0 =	simm.s32 @!p0 $0x0  }
0x12: {  	s1 =	sld [smem:$0x3F97];
	s0 =	simm.s32 @p0 $0x1  }
0x13: {  	[smem:$0x3FB2] =	sst s0;
	s0 =	simm.s32 @!p1 $0x0  }
0x14: {  	s2 =	sld [smem:$0x3F96];
	s0 =	simm.s32 @p1 $0x1  }
0x15: {  	[smem:$0x3FB3] =	sst s0;
	s0 =	simm.s32 @!p2 $0x0  }
0x16: {  	s3 =	sld [smem:$0x3FDB];
	s0 =	simm.s32 @p2 $0x1  }
0x17: {  	s4 =	simm.s32 $0x1BF5;
	[smem:$0x3FB5] =	sst s0  }
0x18: {  	s0 =	sld [smem:$0x3F98];
	_ =	swait.ge [sflag:s4], $0x0  }
0x19: {  	s7 =	sld [smem:$0x3F99]  }
0x1a: {  	s8 =	sadd.s32 $0xFFFFE003, lr  }
0x1b: {  	s9 =	sadd.s32 $0xFFFFFEF7, lr;
	s5 =	simm.s32 $0xFFFFFFFF;
	p2 =	slt.u32 s8, $0xFFFFF086  }
0x1c: {  	p1 =	slt.u32 s9, $0xF7A;
	s5 =	simm.s32 @!p2 $0x0  }
0x1d: {  	s5 =	simm.s32 @p1 $0x1;
	p0 =	seq.s32 s7, s2  }
0x1e: {  	s7 =	smul.u32 @!p0 $0xF7A, s2;
	p2 =	seq.s32 @!p0 s5, $0x0  }
0x1f: {  	s9 =	smul.u32 $0xF7A, s1;
	s8 =	simm.s32 @!p0 $0x1BF5;
	p2 =	por !p2, p0  }
0x20: {  	[sflag:s8] =	ssyncset.s32 @!p0 $0xFFFFF086;
	s6 =	sadd.s32 @!p0 s3, s7;
	s7 =	simm.s32 @!p0 $0x108  }
0x21: {  	s3 =	sadd.s32 s3, s9;
	s6 =	sadd.s32 @!p0 $0x88, s6;
	s7 =	simm.s32 @p2 $0x1082  }
0x22: {  	[simem:s7], [sflag:s8] =	dma.local @!p0 [hbm:s6], $0xF7A  }
0x23: {  	s9 =	sor.u32 $0xD0000000, s2;
	s6 =	simm.s32 $0x108;
	_ =	swait.ge @!p0 [sflag:s8], $0x0  }
0x24: {  	s3 =	sadd.s32 $0x88, s3;
	s6 =	simm.s32 @!p1 $0x1082;
	[sflag:s4] =	ssyncset.s32 $0xFFFFF086  }
0x25: {  	[simem:s6], [sflag:s4] =	dma.local [hbm:s3], $0xF7A  }
0x26: {  	[smem:$0x3F99] =	sst s1;
	(tag) =	ssettag s2;
	_ =	strace s9  }
0x27: {  	s1 =	sld [smem:$0x3FA9]  }
0x28: {  	s2 =	sld [smem:$0x3FAA]  }
0x29: {  	s4 =	sld [smem:$0x3FAC]  }
0x2a: {  	p0 =	seq.s32 s5, $0x0;
	s5 =	sld [smem:$0x3FAD]  }
0x2b: {  	s6 =	sld [smem:$0x3FAE]  }
0x2c: {  	s7 =	sld [smem:$0x3FAF]  }
0x2d: {  	s3 =	simm.s32 $0x108;
	s8 =	sld [smem:$0x3FB0]  }
0x2e: {  	s3 =	simm.s32 @!p0 $0x1082;
	s9 =	sld [smem:$0x3FB1]  }
0x2f: {  	lr =	sadd.s32 s0, s3;
	s0 =	sld [smem:$0x3FA8]  }
0x30: {  	s3 =	sld [smem:$0x3FAB]  }
0x31: {  	[smem:$0x3FB4] =	sst s10  }
0x32: {  	s10 =	sld [smem:$0x3FB2];
	_ =	sdelay $0x3  }
0x33: {  	p0 =	seq.s32 s10, $0x1;
	s10 =	sld [smem:$0x3FB4];
	_ =	sdelay $0x3  }
0x34: {  	[smem:$0x3FB4] =	sst s10  }
0x35: {  	s10 =	sld [smem:$0x3FB3];
	_ =	sdelay $0x3  }
0x36: {  	p1 =	seq.s32 s10, $0x1;
	s10 =	sld [smem:$0x3FB4];
	_ =	sdelay $0x3  }
0x37: {  	[smem:$0x3FB4] =	sst s10  }
0x38: {  	s10 =	sld [smem:$0x3FB5]  }
0x39: {  	_ = 	snop;
	(pc) =	sbr.ind lr, $3  }
0x3a: {  	_ = 	snop  }
0x3b: {  	_ = 	snop  }
0x3c: {  	p2 =	seq.s32 s10, $0x1;
	s10 =	sld [smem:$0x3FB4]  }
0x3d: {  	_ =	shalt  }
0x3e: {  	_ =	shalt  }
0x3f: {  	_ =	shalt  }
0x40: {  	_ =	shalt  }
0x41: {  	_ =	shalt  }
0x42: {  	_ =	shalt  }
0x43: {  	_ =	shalt  }
0x44: {  	_ =	shalt  }
0x45: {  	_ =	shalt  }
0x46: {  	_ =	shalt  }
0x47: {  	_ =	shalt  }
0x48: {  	_ =	shalt  }
0x49: {  	_ =	shalt  }
0x4a: {  	_ =	shalt  }
0x4b: {  	_ =	shalt  }
0x4c: {  	_ =	shalt  }
0x4d: {  	_ =	shalt  }
0x4e: {  	_ =	shalt  }
0x4f: {  	_ =	shalt  }
0x50: {  	_ =	shalt  }
0x51: {  	_ =	shalt  }
0x52: {  	_ =	shalt  }
0x53: {  	_ =	shalt  }
0x54: {  	_ =	shalt  }
0x55: {  	_ =	shalt  }
0x56: {  	_ =	shalt  }
0x57: {  	_ =	shalt  }
0x58: {  	_ =	shalt  }
0x59: {  	_ =	shalt  }
0x5a: {  	_ =	shalt  }
0x5b: {  	_ =	shalt  }
0x5c: {  	_ =	shalt  }
0x5d: {  	_ =	shalt  }
0x5e: {  	_ =	shalt  }
0x5f: {  	_ =	shalt  }
0x60: {  	_ =	shalt  }
0x61: {  	_ =	shalt  }
0x62: {  	_ =	shalt  }
0x63: {  	_ =	shalt  }
0x64: {  	_ =	shalt  }
0x65: {  	_ =	shalt  }
0x66: {  	_ =	shalt  }
0x67: {  	_ =	shalt  }
0x68: {  	_ =	shalt  }
0x69: {  	_ =	shalt  }
0x6a: {  	_ =	shalt  }
0x6b: {  	_ =	shalt  }
0x6c: {  	_ =	shalt  }
0x6d: {  	_ =	shalt  }
0x6e: {  	_ =	shalt  }
0x6f: {  	_ =	shalt  }
0x70: {  	_ =	shalt  }
0x71: {  	_ =	shalt  }
0x72: {  	_ =	shalt  }
0x73: {  	_ =	shalt  }
0x74: {  	_ =	shalt  }
0x75: {  	_ =	shalt  }
0x76: {  	_ =	shalt  }
0x77: {  	_ =	shalt  }
0x78: {  	_ =	shalt  }
0x79: {  	_ =	shalt  }
0x7a: {  	_ =	shalt  }
0x7b: {  	_ =	shalt  }
0x7c: {  	_ =	shalt  }
0x7d: {  	_ =	shalt  }
0x7e: {  	_ =	shalt  }
0x7f: {  	_ =	shalt  }
0x80: {  	_ =	shalt  }
0x81: {  	_ =	shalt  }
0x82: {  	_ =	shalt  }
0x83: {  	_ =	shalt  }
0x84: {  	_ =	shalt  }
0x85: {  	_ =	shalt  }
0x86: {  	_ =	shalt  }
0x87: {  	_ =	shalt  }
.Lfunc_end0:
.L_simem_size_0:
called_computation.1_lowered:
.L_overlay_start_0:
0x88: {  	s2 =	sld [smem:$0x3FD9]  }
0x89: {  	s3 =	sld [smem:$0x3FFE];
	_ =	sdelay $0x1  }
0x8a: {  	s1 =	srdreg.scid  }
0x8b: {  	s0 =	sand.u32 $0x1, s1  }
0x8c: {  	s17 =	sshll.u32 s0, $0xA;
	s2 =	sadd.s32 s3, s2  }
0x8d: {  	s2 =	sadd.s32 s2, s17  }
0x8e: {  	[smem:$0x3FC0] =	sst s2  }
0x8f: {  	_ = 	snop  }
0x90: {  	s2 =	sld [smem:$0x3FD0];
	(tm) =	ssettm $0x1  }
0x91: {  	s18 =	sld [smem:$0x3FFB];
	_ =	sdelay $0x3  }
0x92: {  	_ =	strace s18  }
0x93: {  	s3 =	sld [smem:$0x3FFC];
	_ =	sdelay $0x3  }
0x94: {  	_ =	strace s3  }
0x95: {  	s3 =	sld [smem:$0x3FFD];
	_ =	sdelay $0x3  }
0x96: {  	_ =	strace s3  }
0x97: {  	_ =	strace $0x8FFFFFFF  }
0x98: {  	s19 =	sld [smem:$0x3FDB];
	_ =	sdelay $0x1  }
0x99: {  	s4 =	simm.s32 $_scs_section_size  }
0x9a: {  	s5 =	simm.s32 $_size__tile_overlayer_lowered;
	s6 =	simm.s32 $_tile_overlayer_lowered  }
0x9b: {  	s22 =	simm.s32 $0x1BFF;
	s21 =	sshll.u32 s6, $0x1;
	s3 =	sadd.s32 s4, s19  }
0x9c: {  	s7 =	simm.s32 $0x0;
	s20 =	sshll.u32 s5, $0x1;
	s5 =	sadd.s32 s21, s3  }
0x9d: {  	[timem:s7], [sflag:s22] =	dma.local [hbm:s5], s20  }
0x9e: {  	_ =	swait.ge [sflag:s22], s20  }
0x9f: {  	s4 =	ssub.s32 $0x0, s20;
	[sflag:s22] =	ssyncset.done $0x0  }
0xa0: {  	[sflag:s22] =	ssyncadd.s32 s4;
	_ =	sdelay $0x1  }
0xa1: {  	s23 =	simm.s32 $0x1B8B  }
0xa2: {  	_ =	swait.ge [sflag:s23], $0x1  }
0xa3: {  	[sflag:s23] =	ssyncset.done $0x0  }
0xa4: {  	s25 =	simm.s32 $0x1B8E;
	s24 =	sld [smem:$0x3FFE];
	[sflag:s23] =	ssyncadd.s32 $0xFFFFFFFF  }
0xa5: {  	s26 =	simm.s32 $execute0_lowered;
	[smem:$0x3FD2] =	sst s25  }
0xa6: {  	s5 =	sshll.u32 s26, $0x1;
	_ =	strace $0x80000049;
	[dreg:$0x1] =	wrdreg $0xFFFFFFFF  }
0xa7: {  	s28 =	simm.s32 $_size_execute0_lowered;
	s3 =	sadd.s32 s3, s5;
	[dreg:$0x0] =	wrdreg $0x0  }
0xa8: {  	s5 =	sshll.u32 s28, $0x1;
	[dreg:$0x2] =	wrdreg s3  }
0xa9: {  	[dreg:$0x3] =	wrdreg s5  }
0xaa: {  	[dreg:$0x4] =	wrdreg $0xC0  }
0xab: {  	_ =	task [dreg:s7], $0x5FFFF  }
0xac: {  	[dreg:$0x1] =	wrdreg $0xFFFFFFFF  }
0xad: {  	[dreg:$0x0] =	wrdreg $0x60  }
0xae: {  	[dreg:$0x2] =	wrdreg s24  }
0xaf: {  	[dreg:$0x3] =	wrdreg s2  }
0xb0: {  	[dreg:$0x4] =	wrdreg $0x52000  }
0xb1: {  	[dreg:$0x5] =	wrdreg $0x9  }
0xb2: {  	_ =	task.clear_ibuf [dreg:s7], $0x6FFFF;
	_ =	strace $0x90000049  }
0xb3: {  	s29 =	simm.s32 $0x9;
	_ =	strace $0x8000004B  }
0xb4: {  	_ =	swait.ge [sflag:s29], $0x1  }
0xb5: {  	[sflag:s29] =	ssyncadd.s32 $0xFFFFFFFF  }
0xb6: {  	_ =	strace $0x9000004B  }
0xb7: {  	_ =	sfence  }
0xb8: {  	s30 =	sld [smem:$0x0];
	_ =	sdelay $0x2  }
0xb9: {  	s31 =	sshll.u32 s1, $0xD;
	s1 =	sshrl.u32 s1, $0x2  }
0xba: {  	s3 =	sand.u32 $0x4000, s31;
	s1 =	sadd.s32 s1, s30  }
0xbb: {  	s0 =	sor.u32 s3, s0;
	s1 =	sshll.u32 s1, $0x11  }
0xbc: {  	s0 =	sor.u32 s1, s0  }
0xbd: {  	s0 =	sadd.s32 $0x8F2B, s0  }
0xbe: {  	[sflag:s0] =	ssyncadd.remote.s32 $0x1  }
0xbf: {  	_ =	sfence.sel $0xFFFF  }
0xc0: {  	[dreg:$0x0] =	wrdreg $0xFFFFFFFF;
	(pc) =	sbr.abs _section_cstart, $3  }
0xc1: {  	[dreg:$0x1] =	wrdreg $0xFFFFFFFF  }
0xc2: {  	_ =	task.clear_ibuf [dreg:s7], $0x2FFFF;
	_ =	strace $0x9FFFFFFF  }
0xc3: {  	(tm) =	ssettm $0x7FFFFFFF  }
tec
execute0_lowered:
.L_overlay_start_1:
0x0: {  	(tag) =	ssettag $0x1  }
0x1: {  	s4 =	rddreg [dreg:$0x0]  }
0x2: {  	s0 =	srdreg.scid;
	s6 =	rddreg [dreg:$0x1]  }
0x3: {  	s2 =	rddreg [dreg:$0x2];
	s1 =	stileid.u32  }
0x4: {  	s3 =	simm.s32 $0x0;
	s11 =	simm.s32 $0x4F00;
	s12 =	simm.s32 $0x1  }
0x5: {  	s15 =	simm.s32 $0x20;
	s16 =	simm.s32 $0x10;
	s17 =	simm.s32 $0x0  }
0x6: {  	s5 =	sand.u32 $0x1, s0;
	s0 =	rddreg [dreg:$0x3];
	s8 =	smul.u32 $0x500, s1  }
0x7: {  	[smem:$0x7FF] =	sst s3;
	s10 =	smul.u32 $0xA00, s1;
	s13 =	sshll.u32 s1, $0x6  }
0x8: {  	s7 =	sshll.u32 s5, $0x4;
	_ =	strace $0x8000004A;
	s9 =	ssub.s32 $0x2, s5  }
0x9: {  	s5 =	sshll.u32 s5, $0x7;
	s13 =	sor.u32 $0x1C02, s13;
	s7 =	sor.u32 s1, s7  }
0xa: {  	s28 =	sshrl.u32 s9, $0x1;
	s5 =	sor.u32 s5, s8;
	s30 =	sshrl.u32 s10, $0x2  }
0xb: {  	s8 =	simm.s32 $0x4F80;
	s10 =	simm.s32 $0x80;
	s7 =	smul.u32 $0x9E0, s7  }
0xc: {  	s29 =	ssub.s32 s9, s28;
	s31 =	sshrl.u32 s5, $0x3;
	s9 =	simm.s32 $0x2  }
0xd: {  	s6 =	sadd.s32 s6, s31;
	s7 =	sadd.s32 s7, s4;
	s4 =	sadd.s32 s30, s2  }
0xe: {  	v0 =	vimm.f32 $1.000000000e+00;
	v1 =	vimm.f32 $0.0e+00;
	s5 =	sadd.s32 $0x4000, s7;
	s7 =	smax.u32 s29, $0x1;
	s14 =	sshrl.u32 s4, $0x3  }
.LBB2_1:
0xf: {  	[tilespmem:$0x4F00] =	vst v0  }
0x10: {  	[tilespmem:$0x4F10] =	vst v0  }
0x11: {  	[tilespmem:$0x4F20] =	vst v0  }
0x12: {  	[tilespmem:$0x4F30] =	vst v0  }
0x13: {  	[tilespmem:$0x4F40] =	vst v0  }
0x14: {  	[tilespmem:$0x4F50] =	vst v0  }
0x15: {  	[tilespmem:$0x4F60] =	vst v0  }
0x16: {  	[tilespmem:$0x4F70] =	vst v0  }
0x17: {  	[tilespmem:$0x4F80] =	vst v1  }
0x18: {  	[tilespmem:$0x4F90] =	vst v1  }
0x19: {  	[tilespmem:$0x4FA0] =	vst v1  }
0x1a: {  	[tilespmem:$0x4FB0] =	vst v1  }
0x1b: {  	[tilespmem:$0x4FC0] =	vst v1  }
0x1c: {  	[tilespmem:$0x4FD0] =	vst v1  }
0x1d: {  	[tilespmem:$0x4FE0] =	vst v1  }
0x1e: {  	[tilespmem:$0x4FF0] =	vst v1  }
0x1f: {  	[tilespmem:$0x5000] =	vst v1  }
0x20: {  	[tilespmem:$0x5010] =	vst v1  }
0x21: {  	[tilespmem:$0x5020] =	vst v1  }
0x22: {  	[tilespmem:$0x5030] =	vst v1  }
0x23: {  	[tilespmem:$0x5040] =	vst v1  }
0x24: {  	[tilespmem:$0x5050] =	vst v1  }
0x25: {  	[tilespmem:$0x5060] =	vst v1  }
0x26: {  	[tilespmem:$0x5070] =	vst v1  }
0x27: {  	[tilespmem:$0x5080] =	vst v1  }
0x28: {  	[tilespmem:$0x5090] =	vst v1  }
0x29: {  	[tilespmem:$0x50A0] =	vst v1  }
0x2a: {  	[tilespmem:$0x50B0] =	vst v1  }
0x2b: {  	[tilespmem:$0x50C0] =	vst v1  }
0x2c: {  	[tilespmem:$0x50D0] =	vst v1  }
0x2d: {  	[tilespmem:$0x50E0] =	vst v1  }
0x2e: {  	[tilespmem:$0x50F0] =	vst v1  }
0x2f: {  	[tilespmem:$0x5100] =	vst v1  }
0x30: {  	[tilespmem:$0x5110] =	vst v1  }
0x31: {  	[tilespmem:$0x5120] =	vst v1  }
0x32: {  	[tilespmem:$0x5130] =	vst v1  }
0x33: {  	[tilespmem:$0x5140] =	vst v1  }
0x34: {  	[tilespmem:$0x5150] =	vst v1  }
0x35: {  	[tilespmem:$0x5160] =	vst v1  }
0x36: {  	[tilespmem:$0x5170] =	vst v1  }
0x37: {  	[tilespmem:$0x5180] =	vst v1  }
0x38: {  	[tilespmem:$0x5190] =	vst v1  }
0x39: {  	[tilespmem:$0x51A0] =	vst v1  }
0x3a: {  	[tilespmem:$0x51B0] =	vst v1  }
0x3b: {  	[tilespmem:$0x51C0] =	vst v1  }
0x3c: {  	[tilespmem:$0x51D0] =	vst v1  }
0x3d: {  	[tilespmem:$0x51E0] =	vst v1  }
0x3e: {  	[tilespmem:$0x51F0] =	vst v1  }
0x3f: {  	[spmem:s4] =	stream.linear.scatter [tilespmem:s8], [sflag:$0x2], $0x280, $0x38;
	[tilespmem:$0x5480] =	vst v63  }
0x40: {  	_ =	swait.ge [sflag:s9], $0x280  }
0x41: {  	[sflag:s9] =	ssyncset.done $0x0  }
0x42: {  	[sflag:s9] =	ssyncadd.s32 $0xFFFFFD80  }
0x43: {  	[tilespmem:s3], [sflag:$0x2] =	stream.linear.gather [hbm4b:s5+s3], $0x4F00, $0x38;
	[tilespmem:$0x5480] =	vst v63  }
0x44: {  	_ =	swait.ge [sflag:s9], $0x4F00  }
0x45: {  	[sflag:s9] =	ssyncset.done $0x0  }
0x46: {  	[sflag:s9] =	ssyncadd.s32 $0xFFFFB100  }
0x47: {  	s18 =	simm.s32 $0x200;
	[bflag:$0x0] =	sbarrier.arrive $0xFFFF  }
.LBB2_2:
0x48: {  	p0 =	sne.s32 s18, $0x13A00  }
.Ltmp0:
0x49: {  	_ = 	snop;
	(pc) =	sbr.rel @p0 .LBB2_2-.Ltmp0, $3  }
0x4a: {  	_ =	sdelay $0x1  }
0x4b: {  	s19 =	sshra.s32 s18, $0x2;
	s18 =	sadd.s32 $0x400, s18  }
0x4c: {  	[spmem:s2] =	stream.indirect.scatter.add.f32 [tilespmem:s11], [sflag:$0x1], $0x1, s19, s10, $0xb8;
	[tilespmem:$0x5480] =	vst v63  }
0x4d: {  	_ =	swait.ge [sflag:s12], $0x80  }
0x4e: {  	s18 =	simm.s32 $0x4E;
	[sflag:s12] =	ssyncset.done $0x0  }
.LBB2_4:
0x4f: {  	p0 =	sne.s32 s18, $0x1;
	s18 =	sadd.s32 $0xFFFFFFFF, s18;
	[sflag:s12] =	ssyncadd.s32 $0xFFFFFF80  }
.Ltmp1:
0x50: {  	(pc) =	sbr.rel @p0 .LBB2_4-.Ltmp1, $3  }
0x51: {  	_ =	sdelay $0x1  }
0x52: {  	_ =	swait.ge [sflag:s12], $0x80  }
0x53: {  	[sflag:s12] =	ssyncset.done $0x0  }
0x54: {  	s17 =	sadd.s32 $0x1, s17  }
0x55: {  	[sflag:s12] =	ssyncadd.s32 $0xFFFFFF80;
	p0 =	sne.s32 s17, s7  }
.Ltmp2:
0x56: {  	[bflag:$0x0] =	sbarrier.arrive $0xFFFF;
	(pc) =	sbr.rel @p0 .LBB2_1-.Ltmp2, $4  }
0x57: {  	[hbm:s6@s15], [sflag:s13] =	dma.strided [spmem:s14@s16], $0x50, s12, $0x10   }
0x58: {  	_ =	swait.ge [sflag:s9], $0x50  }
0x59: {  	[sflag:s9] =	ssyncset.done $0x0  }
0x5a: {  	[sflag:s9] =	ssyncadd.s32 $0xFFFFFFB0  }
0x5b: {  	_ =	sfence.sel $0x180000  }
0x5c: {  	[bflag:$0x0] =	sbarrier.arrive $0xFFFF  }
0x5d: {  	p0 =	sne.s32 s1, $0x0;
	_ =	strace $0x9000004A  }
0x5e: {  	s0 =	sadd.s32 @!p0 $0x100000, s0;
	[bflag:$0x2] =	sbarrier.arrive $0xFFFF  }
0x5f: {  	[sflag:s0] =	ssyncadd.tile.s32 @!p0 $0x1;
	_ =	shalt  }
.Lfunc_end2:
_tile_overlayer_lowered:
.L_overlay_start_2:
0x60: {  	(tag) =	ssettag $0x2  }
0x61: {  	s0 =	rddreg [dreg:$0x0];
	s2 =	stileid.u32  }
0x62: {  	s1 =	rddreg [dreg:$0x1];
	p0 =	sne.s32 s2, $0x0  }
0x63: {  	s3 =	rddreg [dreg:$0x2];
	[bflag:$0x3] =	sbarrier.arrive $0xFFFF;
	s2 =	simm.s32 @!p0 $0x1C02  }
0x64: {  	[timem:s3], [sflag:s2] =	dma.local @!p0 [hbm:s0], s1  }
0x65: {  	s0 =	simm.s32 @!p0 $0x2  }
0x66: {  	_ =	swait.ge @!p0 [sflag:s0], s1  }
0x67: {  	s1 =	ssub.s32 @!p0 $0x0, s1;
	[sflag:s0] =	ssyncset.done @!p0 $0x0  }
0x68: {  	[sflag:s0] =	ssyncadd.s32 @!p0 s1  }
0x69: {  	[bflag:$0x3] =	sbarrier.arrive $0xFFFF  }
0x6a: {  	_ =	shalt  }

// kernel: kernel.9.cloned.1.call-start
scs
__scs_entry_jumppad:
0x0: {  	(pc) =	sbr.rel $0x88, $3  }
0x1: {  	(tag) =	ssettag $0x0;
	lr =	simm.s32 $0x1  }
0x2: {  	[smem:$0x3F99] =	sst lr;
	_ =	strace $0xD0000000  }
0x3: {  	_ = 	snop  }
0x4: {  	_ = 	snop  }
0x5: {  	_ = 	snop  }
0x6: {  	_ = 	snop  }
0x7: {  	_ = 	snop  }
__scs_overlays_trampoline_lowered:
0x8: {  	[smem:$0x3FA8] =	sst s0  }
0x9: {  	[smem:$0x3FA9] =	sst s1  }
0xa: {  	[smem:$0x3FAA] =	sst s2  }
0xb: {  	[smem:$0x3FAB] =	sst s3  }
0xc: {  	[smem:$0x3FAC] =	sst s4  }
0xd: {  	[smem:$0x3FAD] =	sst s5  }
0xe: {  	[smem:$0x3FAE] =	sst s6  }
0xf: {  	[smem:$0x3FAF] =	sst s7  }
0x10: {  	[smem:$0x3FB0] =	sst s8  }
0x11: {  	[smem:$0x3FB1] =	sst s9;
	s0 =	simm.s32 @!p0 $0x0  }
0x12: {  	s1 =	sld [smem:$0x3F97];
	s0 =	simm.s32 @p0 $0x1  }
0x13: {  	[smem:$0x3FB2] =	sst s0;
	s0 =	simm.s32 @!p1 $0x0  }
0x14: {  	s2 =	sld [smem:$0x3F96];
	s0 =	simm.s32 @p1 $0x1  }
0x15: {  	[smem:$0x3FB3] =	sst s0;
	s0 =	simm.s32 @!p2 $0x0  }
0x16: {  	s3 =	sld [smem:$0x3FDB];
	s0 =	simm.s32 @p2 $0x1  }
0x17: {  	s4 =	simm.s32 $0x1BF5;
	[smem:$0x3FB5] =	sst s0  }
0x18: {  	s0 =	sld [smem:$0x3F98];
	_ =	swait.ge [sflag:s4], $0x0  }
0x19: {  	s7 =	sld [smem:$0x3F99]  }
0x1a: {  	s8 =	sadd.s32 $0xFFFFE003, lr  }
0x1b: {  	s9 =	sadd.s32 $0xFFFFFEF7, lr;
	s5 =	simm.s32 $0xFFFFFFFF;
	p2 =	slt.u32 s8, $0xFFFFF086  }
0x1c: {  	p1 =	slt.u32 s9, $0xF7A;
	s5 =	simm.s32 @!p2 $0x0  }
0x1d: {  	s5 =	simm.s32 @p1 $0x1;
	p0 =	seq.s32 s7, s2  }
0x1e: {  	s7 =	smul.u32 @!p0 $0xF7A, s2;
	p2 =	seq.s32 @!p0 s5, $0x0  }
0x1f: {  	s9 =	smul.u32 $0xF7A, s1;
	s8 =	simm.s32 @!p0 $0x1BF5;
	p2 =	por !p2, p0  }
0x20: {  	[sflag:s8] =	ssyncset.s32 @!p0 $0xFFFFF086;
	s6 =	sadd.s32 @!p0 s3, s7;
	s7 =	simm.s32 @!p0 $0x108  }
0x21: {  	s3 =	sadd.s32 s3, s9;
	s6 =	sadd.s32 @!p0 $0x88, s6;
	s7 =	simm.s32 @p2 $0x1082  }
0x22: {  	[simem:s7], [sflag:s8] =	dma.local @!p0 [hbm:s6], $0xF7A  }
0x23: {  	s9 =	sor.u32 $0xD0000000, s2;
	s6 =	simm.s32 $0x108;
	_ =	swait.ge @!p0 [sflag:s8], $0x0  }
0x24: {  	s3 =	sadd.s32 $0x88, s3;
	s6 =	simm.s32 @!p1 $0x1082;
	[sflag:s4] =	ssyncset.s32 $0xFFFFF086  }
0x25: {  	[simem:s6], [sflag:s4] =	dma.local [hbm:s3], $0xF7A  }
0x26: {  	[smem:$0x3F99] =	sst s1;
	(tag) =	ssettag s2;
	_ =	strace s9  }
0x27: {  	s1 =	sld [smem:$0x3FA9]  }
0x28: {  	s2 =	sld [smem:$0x3FAA]  }
0x29: {  	s4 =	sld [smem:$0x3FAC]  }
0x2a: {  	p0 =	seq.s32 s5, $0x0;
	s5 =	sld [smem:$0x3FAD]  }
0x2b: {  	s6 =	sld [smem:$0x3FAE]  }
0x2c: {  	s7 =	sld [smem:$0x3FAF]  }
0x2d: {  	s3 =	simm.s32 $0x108;
	s8 =	sld [smem:$0x3FB0]  }
0x2e: {  	s3 =	simm.s32 @!p0 $0x1082;
	s9 =	sld [smem:$0x3FB1]  }
0x2f: {  	lr =	sadd.s32 s0, s3;
	s0 =	sld [smem:$0x3FA8]  }
0x30: {  	s3 =	sld [smem:$0x3FAB]  }
0x31: {  	[smem:$0x3FB4] =	sst s10  }
0x32: {  	s10 =	sld [smem:$0x3FB2];
	_ =	sdelay $0x3  }
0x33: {  	p0 =	seq.s32 s10, $0x1;
	s10 =	sld [smem:$0x3FB4];
	_ =	sdelay $0x3  }
0x34: {  	[smem:$0x3FB4] =	sst s10  }
0x35: {  	s10 =	sld [smem:$0x3FB3];
	_ =	sdelay $0x3  }
0x36: {  	p1 =	seq.s32 s10, $0x1;
	s10 =	sld [smem:$0x3FB4];
	_ =	sdelay $0x3  }
0x37: {  	[smem:$0x3FB4] =	sst s10  }
0x38: {  	s10 =	sld [smem:$0x3FB5]  }
0x39: {  	_ = 	snop;
	(pc) =	sbr.ind lr, $3  }
0x3a: {  	_ = 	snop  }
0x3b: {  	_ = 	snop  }
0x3c: {  	p2 =	seq.s32 s10, $0x1;
	s10 =	sld [smem:$0x3FB4]  }
0x3d: {  	_ =	shalt  }
0x3e: {  	_ =	shalt  }
0x3f: {  	_ =	shalt  }
0x40: {  	_ =	shalt  }
0x41: {  	_ =	shalt  }
0x42: {  	_ =	shalt  }
0x43: {  	_ =	shalt  }
0x44: {  	_ =	shalt  }
0x45: {  	_ =	shalt  }
0x46: {  	_ =	shalt  }
0x47: {  	_ =	shalt  }
0x48: {  	_ =	shalt  }
0x49: {  	_ =	shalt  }
0x4a: {  	_ =	shalt  }
0x4b: {  	_ =	shalt  }
0x4c: {  	_ =	shalt  }
0x4d: {  	_ =	shalt  }
0x4e: {  	_ =	shalt  }
0x4f: {  	_ =	shalt  }
0x50: {  	_ =	shalt  }
0x51: {  	_ =	shalt  }
0x52: {  	_ =	shalt  }
0x53: {  	_ =	shalt  }
0x54: {  	_ =	shalt  }
0x55: {  	_ =	shalt  }
0x56: {  	_ =	shalt  }
0x57: {  	_ =	shalt  }
0x58: {  	_ =	shalt  }
0x59: {  	_ =	shalt  }
0x5a: {  	_ =	shalt  }
0x5b: {  	_ =	shalt  }
0x5c: {  	_ =	shalt  }
0x5d: {  	_ =	shalt  }
0x5e: {  	_ =	shalt  }
0x5f: {  	_ =	shalt  }
0x60: {  	_ =	shalt  }
0x61: {  	_ =	shalt  }
0x62: {  	_ =	shalt  }
0x63: {  	_ =	shalt  }
0x64: {  	_ =	shalt  }
0x65: {  	_ =	shalt  }
0x66: {  	_ =	shalt  }
0x67: {  	_ =	shalt  }
0x68: {  	_ =	shalt  }
0x69: {  	_ =	shalt  }
0x6a: {  	_ =	shalt  }
0x6b: {  	_ =	shalt  }
0x6c: {  	_ =	shalt  }
0x6d: {  	_ =	shalt  }
0x6e: {  	_ =	shalt  }
0x6f: {  	_ =	shalt  }
0x70: {  	_ =	shalt  }
0x71: {  	_ =	shalt  }
0x72: {  	_ =	shalt  }
0x73: {  	_ =	shalt  }
0x74: {  	_ =	shalt  }
0x75: {  	_ =	shalt  }
0x76: {  	_ =	shalt  }
0x77: {  	_ =	shalt  }
0x78: {  	_ =	shalt  }
0x79: {  	_ =	shalt  }
0x7a: {  	_ =	shalt  }
0x7b: {  	_ =	shalt  }
0x7c: {  	_ =	shalt  }
0x7d: {  	_ =	shalt  }
0x7e: {  	_ =	shalt  }
0x7f: {  	_ =	shalt  }
0x80: {  	_ =	shalt  }
0x81: {  	_ =	shalt  }
0x82: {  	_ =	shalt  }
0x83: {  	_ =	shalt  }
0x84: {  	_ =	shalt  }
0x85: {  	_ =	shalt  }
0x86: {  	_ =	shalt  }
0x87: {  	_ =	shalt  }
.Lfunc_end0:
.L_simem_size_0:
called_computation.2_lowered:
.L_overlay_start_0:
0x88: {  	s2 =	sld [smem:$0x3FD9]  }
0x89: {  	s3 =	sld [smem:$0x3FFE];
	_ =	sdelay $0x1  }
0x8a: {  	s1 =	srdreg.scid  }
0x8b: {  	s0 =	sand.u32 $0x1, s1  }
0x8c: {  	s17 =	sshll.u32 s0, $0xA;
	s2 =	sadd.s32 s3, s2  }
0x8d: {  	s2 =	sadd.s32 s2, s17  }
0x8e: {  	[smem:$0x3FC0] =	sst s2  }
0x8f: {  	_ = 	snop  }
0x90: {  	s2 =	sld [smem:$0x3FD0];
	(tm) =	ssettm $0x1  }
0x91: {  	s18 =	sld [smem:$0x3FFB];
	_ =	sdelay $0x3  }
0x92: {  	_ =	strace s18  }
0x93: {  	s3 =	sld [smem:$0x3FFC];
	_ =	sdelay $0x3  }
0x94: {  	_ =	strace s3  }
0x95: {  	s3 =	sld [smem:$0x3FFD];
	_ =	sdelay $0x3  }
0x96: {  	_ =	strace s3  }
0x97: {  	_ =	strace $0x8FFFFFFF  }
0x98: {  	s19 =	sld [smem:$0x3FDB];
	_ =	sdelay $0x1  }
0x99: {  	s4 =	simm.s32 $_scs_section_size  }
0x9a: {  	s5 =	simm.s32 $_size__tile_overlayer_lowered;
	s6 =	simm.s32 $_tile_overlayer_lowered  }
0x9b: {  	s22 =	simm.s32 $0x1BFF;
	s21 =	sshll.u32 s6, $0x1;
	s3 =	sadd.s32 s4, s19  }
0x9c: {  	s7 =	simm.s32 $0x0;
	s20 =	sshll.u32 s5, $0x1;
	s5 =	sadd.s32 s21, s3  }
0x9d: {  	[timem:s7], [sflag:s22] =	dma.local [hbm:s5], s20  }
0x9e: {  	_ =	swait.ge [sflag:s22], s20  }
0x9f: {  	s4 =	ssub.s32 $0x0, s20;
	[sflag:s22] =	ssyncset.done $0x0  }
0xa0: {  	[sflag:s22] =	ssyncadd.s32 s4;
	_ =	sdelay $0x1  }
0xa1: {  	s23 =	simm.s32 $0x1B8B  }
0xa2: {  	_ =	swait.ge [sflag:s23], $0x1  }
0xa3: {  	[sflag:s23] =	ssyncset.done $0x0  }
0xa4: {  	s25 =	simm.s32 $0x1B8E;
	s24 =	sld [smem:$0x3FFE];
	[sflag:s23] =	ssyncadd.s32 $0xFFFFFFFF  }
0xa5: {  	s26 =	simm.s32 $execute0_lowered;
	[smem:$0x3FD2] =	sst s25  }
0xa6: {  	s5 =	sshll.u32 s26, $0x1;
	_ =	strace $0x8000004C;
	[dreg:$0x1] =	wrdreg $0xFFFFFFFF  }
0xa7: {  	s28 =	simm.s32 $_size_execute0_lowered;
	s3 =	sadd.s32 s3, s5;
	[dreg:$0x0] =	wrdreg $0x0  }
0xa8: {  	s5 =	sshll.u32 s28, $0x1;
	[dreg:$0x2] =	wrdreg s3  }
0xa9: {  	[dreg:$0x3] =	wrdreg s5  }
0xaa: {  	[dreg:$0x4] =	wrdreg $0xC0  }
0xab: {  	_ =	task [dreg:s7], $0x5FFFF  }
0xac: {  	[dreg:$0x1] =	wrdreg $0xFFFFFFFF  }
0xad: {  	[dreg:$0x0] =	wrdreg $0x60  }
0xae: {  	[dreg:$0x2] =	wrdreg s2  }
0xaf: {  	[dreg:$0x3] =	wrdreg s24  }
0xb0: {  	[dreg:$0x4] =	wrdreg $0xA3000  }
0xb1: {  	[dreg:$0x5] =	wrdreg $0x9  }
0xb2: {  	_ =	task.clear_ibuf [dreg:s7], $0x6FFFF;
	_ =	strace $0x9000004C  }
0xb3: {  	s29 =	simm.s32 $0x9;
	_ =	strace $0x8000004E  }
0xb4: {  	_ =	swait.ge [sflag:s29], $0x1  }
0xb5: {  	[sflag:s29] =	ssyncadd.s32 $0xFFFFFFFF  }
0xb6: {  	_ =	strace $0x9000004E  }
0xb7: {  	_ =	sfence  }
0xb8: {  	s30 =	sld [smem:$0x0];
	_ =	sdelay $0x2  }
0xb9: {  	s31 =	sshll.u32 s1, $0xD;
	s1 =	sshrl.u32 s1, $0x2  }
0xba: {  	s3 =	sand.u32 $0x4000, s31;
	s1 =	sadd.s32 s1, s30  }
0xbb: {  	s0 =	sor.u32 s3, s0;
	s1 =	sshll.u32 s1, $0x11  }
0xbc: {  	s0 =	sor.u32 s1, s0  }
0xbd: {  	s0 =	sadd.s32 $0x8F2B, s0  }
0xbe: {  	[sflag:s0] =	ssyncadd.remote.s32 $0x1  }
0xbf: {  	_ =	sfence.sel $0xFFFF  }
0xc0: {  	[dreg:$0x0] =	wrdreg $0xFFFFFFFF;
	(pc) =	sbr.abs _section_cstart, $3  }
0xc1: {  	[dreg:$0x1] =	wrdreg $0xFFFFFFFF  }
0xc2: {  	_ =	task.clear_ibuf [dreg:s7], $0x2FFFF;
	_ =	strace $0x9FFFFFFF  }
0xc3: {  	(tm) =	ssettm $0x7FFFFFFF  }
tec
execute0_lowered:
.L_overlay_start_1:
0x0: {  	(tag) =	ssettag $0x1  }
0x1: {  	s1 =	rddreg [dreg:$0x0]  }
0x2: {  	s0 =	rddreg [dreg:$0x1]  }
0x3: {  	s2 =	rddreg [dreg:$0x2];
	s4 =	simm.s32 $0x0;
	s3 =	srdreg.scid  }
0x4: {  	s9 =	stileid.u32;
	s5 =	simm.s32 $0x6D;
	s28 =	simm.s32 $0x80  }
0x5: {  	s29 =	simm.s32 $0x2;
	s3 =	sand.u32 $0x1, s3;
	s8 =	smul.u32 $0x14000, s9  }
0x6: {  	s7 =	sor.u32 $0x6D0, s9;
	p0 =	seq.s32 s3, $0x0;
	s6 =	smul.u32 $0x140000, s3  }
0x7: {  	[smem:$0x7FF] =	sst s4;
	s7 =	smov.u32 @p0 s9;
	s9 =	smul.u32 $0x50000, s9  }
0x8: {  	_ =	strace $0x8000004D;
	s3 =	ssub.s32 $0x2, s3;
	s7 =	sshll.u32 s7, $0x5  }
0x9: {  	s5 =	simm.s32 @!p0 $0x31;
	s11 =	sadd.s32 s7, s0;
	s16 =	sshrl.u32 s9, $0x2  }
0xa: {  	s15 =	sshrl.u32 s3, $0x1;
	s7 =	sadd.s32 s16, s2;
	s31 =	sadd.s32 $0x4000, s11  }
0xb: {  	s8 =	sadd.s32 s8, s6;
	s19 =	sadd.s32 $0x2000, s7;
	[dreg:$0xd] =	wrdreg s31  }
0xc: {  	s6 =	sadd.s32 $0xFFFFFFFF, s5;
	s20 =	sadd.s32 $0x4000, s7;
	[dreg:$0x4] =	wrdreg s19  }
0xd: {  	s3 =	ssub.s32 s3, s15;
	s21 =	sadd.s32 $0x6000, s7;
	[dreg:$0x5] =	wrdreg s20  }
0xe: {  	s8 =	sshrl.u32 s8, $0x3;
	s22 =	sadd.s32 $0x8000, s7;
	[dreg:$0x6] =	wrdreg s21  }
0xf: {  	s10 =	smul.u32 $0x56, s6;
	s23 =	sadd.s32 $0xA000, s7;
	[dreg:$0x7] =	wrdreg s22  }
0x10: {  	s0 =	sadd.s32 s8, s0;
	s24 =	sadd.s32 $0xC000, s7;
	[dreg:$0x8] =	wrdreg s23  }
0x11: {  	s17 =	sshrl.u32 s10, $0x8;
	s25 =	sadd.s32 $0xE000, s7;
	[dreg:$0x9] =	wrdreg s24  }
0x12: {  	s26 =	sadd.s32 $0x10000, s7;
	s18 =	smul.u32 $0x3, s17;
	[dreg:$0xa] =	wrdreg s25  }
0x13: {  	s30 =	sadd.s32 $0x12000, s7;
	s10 =	sadd.s32 $0x4400, s11;
	[dreg:$0xb] =	wrdreg s26  }
0x14: {  	[dreg:$0xc] =	wrdreg s30;
	s20 =	sadd.s32 $0x17C00, s0;
	s8 =	ssub.s32 s6, s18  }
0x15: {  	s21 =	smax.u32 s3, $0x1;
	s23 =	simm.s32 $0x8300;
	s8 =	sand.u32 $0xFF, s8  }
0x16: {  	s24 =	simm.s32 $0x3;
	s25 =	simm.s32 $0x300;
	s8 =	sshll.u32 s8, $0x8  }
0x17: {  	v0 =	vimm.f32 $0.0e+00;
	s26 =	simm.s32 $0x1;
	s18 =	sadd.s32 $0x4200, s11;
	s19 =	sor.u32 $0x80, s8  }
.LBB2_1:
0x18: {  	s0 =	simm.s32 $0x0;
	s3 =	simm.s32 $0x200  }
.LBB2_2:
0x19: {  	p0 =	sne.s32 s3, $0x7E00;
	[tilespmem:s0+$0x8370] =	vst v0  }
0x1a: {  	[tilespmem:s0+$0x8300] =	vst v0  }
0x1b: {  	[tilespmem:s0+$0x8310] =	vst v0  }
.Ltmp0:
0x1c: {  	[tilespmem:s0+$0x8320] =	vst v0;
	(pc) =	sbr.rel @p0 .LBB2_2-.Ltmp0, $4  }
0x1d: {  	[tilespmem:s0+$0x8330] =	vst v0  }
0x1e: {  	[tilespmem:s0+$0x8340] =	vst v0  }
0x1f: {  	[tilespmem:s0+$0x8350] =	vst v0  }
0x20: {  	[tilespmem:s0+$0x8360] =	vst v0;
	s0 =	sshra.s32 s3, $0x2;
	s3 =	sadd.s32 $0x200, s3  }
0x21: {  	[tilespmem:s0+$0x8370] =	vst v0  }
0x22: {  	[tilespmem:s0+$0x8300] =	vst v0  }
0x23: {  	[tilespmem:s0+$0x8310] =	vst v0  }
0x24: {  	[tilespmem:s0+$0x8320] =	vst v0  }
0x25: {  	[tilespmem:s0+$0x8330] =	vst v0  }
0x26: {  	[tilespmem:s0+$0x8340] =	vst v0  }
0x27: {  	[tilespmem:s0+$0x8350] =	vst v0  }
0x28: {  	[tilespmem:s0+$0x8360] =	vst v0  }
0x29: {  	[spmem:s7] =	stream.linear.scatter [tilespmem:s23], [sflag:$0x3], $0x2000, $0x38;
	[tilespmem:$0x1E300] =	vst v63  }
0x2a: {  	_ =	swait.ge [sflag:s24], $0x2000  }
0x2b: {  	[sflag:s24] =	ssyncset.done $0x0  }
0x2c: {  	s8 =	rddreg [dreg:$0x4];
	[sflag:s24] =	ssyncadd.s32 $0xFFFFE000  }
0x2d: {  	[spmem:s8] =	stream.linear.scatter [tilespmem:s23], [sflag:$0x3], $0x2000, $0x38;
	[tilespmem:$0x1E300] =	vst v63  }
0x2e: {  	_ =	swait.ge [sflag:s24], $0x2000  }
0x2f: {  	[sflag:s24] =	ssyncset.done $0x0  }
0x30: {  	s9 =	rddreg [dreg:$0x5];
	[sflag:s24] =	ssyncadd.s32 $0xFFFFE000  }
0x31: {  	[spmem:s9] =	stream.linear.scatter [tilespmem:s23], [sflag:$0x3], $0x2000, $0x38;
	[tilespmem:$0x1E300] =	vst v63  }
0x32: {  	_ =	swait.ge [sflag:s24], $0x2000  }
0x33: {  	[sflag:s24] =	ssyncset.done $0x0  }
0x34: {  	s11 =	rddreg [dreg:$0x6];
	[sflag:s24] =	ssyncadd.s32 $0xFFFFE000  }
0x35: {  	[spmem:s11] =	stream.linear.scatter [tilespmem:s23], [sflag:$0x3], $0x2000, $0x38;
	[tilespmem:$0x1E300] =	vst v63  }
0x36: {  	_ =	swait.ge [sflag:s24], $0x2000  }
0x37: {  	[sflag:s24] =	ssyncset.done $0x0  }
0x38: {  	s12 =	rddreg [dreg:$0x7];
	[sflag:s24] =	ssyncadd.s32 $0xFFFFE000  }
0x39: {  	[spmem:s12] =	stream.linear.scatter [tilespmem:s23], [sflag:$0x3], $0x2000, $0x38;
	[tilespmem:$0x1E300] =	vst v63  }
0x3a: {  	_ =	swait.ge [sflag:s24], $0x2000  }
0x3b: {  	[sflag:s24] =	ssyncset.done $0x0  }
0x3c: {  	s13 =	rddreg [dreg:$0x8];
	[sflag:s24] =	ssyncadd.s32 $0xFFFFE000  }
0x3d: {  	[spmem:s13] =	stream.linear.scatter [tilespmem:s23], [sflag:$0x3], $0x2000, $0x38;
	[tilespmem:$0x1E300] =	vst v63  }
0x3e: {  	_ =	swait.ge [sflag:s24], $0x2000  }
0x3f: {  	[sflag:s24] =	ssyncset.done $0x0  }
0x40: {  	s14 =	rddreg [dreg:$0x9];
	[sflag:s24] =	ssyncadd.s32 $0xFFFFE000  }
0x41: {  	[spmem:s14] =	stream.linear.scatter [tilespmem:s23], [sflag:$0x3], $0x2000, $0x38;
	[tilespmem:$0x1E300] =	vst v63  }
0x42: {  	_ =	swait.ge [sflag:s24], $0x2000  }
0x43: {  	[sflag:s24] =	ssyncset.done $0x0  }
0x44: {  	s15 =	rddreg [dreg:$0xa];
	[sflag:s24] =	ssyncadd.s32 $0xFFFFE000  }
0x45: {  	[spmem:s15] =	stream.linear.scatter [tilespmem:s23], [sflag:$0x3], $0x2000, $0x38;
	[tilespmem:$0x1E300] =	vst v63  }
0x46: {  	_ =	swait.ge [sflag:s24], $0x2000  }
0x47: {  	[sflag:s24] =	ssyncset.done $0x0  }
0x48: {  	s16 =	rddreg [dreg:$0xb];
	[sflag:s24] =	ssyncadd.s32 $0xFFFFE000  }
0x49: {  	[spmem:s16] =	stream.linear.scatter [tilespmem:s23], [sflag:$0x3], $0x2000, $0x38;
	[tilespmem:$0x1E300] =	vst v63  }
0x4a: {  	_ =	swait.ge [sflag:s24], $0x2000  }
0x4b: {  	[sflag:s24] =	ssyncset.done $0x0  }
0x4c: {  	s17 =	rddreg [dreg:$0xc];
	[sflag:s24] =	ssyncadd.s32 $0xFFFFE000  }
0x4d: {  	[spmem:s17] =	stream.linear.scatter [tilespmem:s23], [sflag:$0x3], $0x2000, $0x38;
	[tilespmem:$0x1E300] =	vst v63  }
0x4e: {  	_ =	swait.ge [sflag:s24], $0x2000  }
0x4f: {  	[sflag:s24] =	ssyncset.done $0x0  }
0x50: {  	[sflag:s24] =	ssyncadd.s32 $0xFFFFE000  }
0x51: {  	[bflag:$0x0] =	sbarrier.arrive $0xFFFF  }
0x52: {  	s12 =	simm.s32 $0x0;
	s22 =	rddreg [dreg:$0xd]  }
0x53: {  	[tilespmem:s12], [sflag:$0x3] =	stream.linear.gather [hbm4b:s22+s12], $0x100, $0x38;
	[tilespmem:$0x1E300] =	vst v63  }
0x54: {  	s30 =	simm.s32 $0x80;
	p1 =	sne.s32 s6, $0x1;
	_ =	swait.ge [sflag:s24], $0x100  }
.Ltmp1:
0x55: {  	s31 =	simm.s32 $0x100;
	[sflag:s24] =	ssyncset.done $0x0;
	(pc) =	sbr.rel @!p1 .LBB2_4-.Ltmp1, $4  }
0x56: {  	s3 =	simm.s32 $0x1;
	s0 =	simm.s32 $0x1;
	[sflag:s24] =	ssyncadd.s32 $0xFFFFFF00  }
0x57: {  	[tilespmem:s25], [sflag:$0x2] =	stream.indirect.gather [hbm4b:s1+s30], $0x80, s12, s30, $0xb8;
	[tilespmem:$0x1E300] =	vst v63  }
0x58: {  	p0 =	por $0x0, $0x0;
	s8 =	simm.s32 $0x200;
	s11 =	simm.s32 $0x2  }
0x59: {  	[tilespmem:s31], [sflag:$0x1] =	stream.linear.gather [hbm4b:s18+s12], $0x100, $0x38;
	[tilespmem:$0x1E300] =	vst v63  }
0x5a: {  	s8 =	smulhi.u32 $0xAAAAAAAB, s11  }
0x5b: {  	s3 =	smulhi.u32 $0xAAAAAAAB, s3  }
0x5c: {  	s16 =	smulhi.u32 $0xAAAAAAAB, s12;
	p0 =	sle.u32 s5, $0x2;
	s8 =	sshrl.u32 s8, $0x1  }
0x5d: {  	s17 =	sand.u32 $0x1, s12;
	p1 =	sne.s32 s6, $0x2;
	s8 =	smul.u32 $0xFFFFF400, s8  }
0x5e: {  	s30 =	simm.s32 $0x180;
	s31 =	simm.s32 $0x200;
	s3 =	sshrl.u32 s3, $0x1  }
0x5f: {  	s11 =	sshrl.u32 s16, $0x1;
	s3 =	smul.u32 $0xFFFFF400, s3;
	s8 =	sshra.s32 s8, $0x2  }
0x60: {  	s9 =	simm.s32 @!p0 $0x0;
	s11 =	smul.u32 $0xFFFFF400, s11;
	s8 =	sadd.s32 $0x200, s8  }
0x61: {  	[tilespmem:s8], [sflag:$0x1] =	stream.linear.gather @!p0 [hbm4b:s10+s9], $0x100, $0x38;
	[tilespmem:$0x1E300] =	vst v63  }
0x62: {  	s3 =	sshra.s32 s3, $0x2;
	s11 =	sshra.s32 s11, $0x2;
	_ =	swait.ge [sflag:s26], $0x100  }
0x63: {  	s3 =	sadd.s32 $0x100, s3;
	s8 =	sshll.u32 s17, $0xE;
	[sflag:s26] =	ssyncset.done $0x0  }
0x64: {  	s11 =	sadd.s32 $0x80, s11;
	s22 =	sxor.u32 $0x4300, s8;
	[sflag:s26] =	ssyncadd.s32 $0xFFFFFF00  }
0x65: {  	[tilespmem:s22], [sflag:$0x2] =	stream.indirect.gather [hbm4b:s1+s28], $0x80, s3, s28, $0xb8;
	[tilespmem:$0x1E300] =	vst v63  }
.Ltmp2:
0x66: {  	s9 =	simm.s32 $0x2;
	_ =	swait.ge [sflag:s29], $0x4000;
	(pc) =	sbr.rel @!p1 .LBB2_6-.Ltmp2, $4  }
0x67: {  	p0 =	por $0x1, $0x1;
	s8 =	sor.u32 $0x300, s8;
	[sflag:s29] =	ssyncset.done $0x0  }
0x68: {  	s3 =	simm.s32 $0x2;
	s22 =	sadd.s32 $0x200, s10;
	[sflag:s29] =	ssyncadd.s32 $0xFFFFC000  }
0x69: {  	[spmem:s2] =	stream.indirect.scatter.add.f32 [tilespmem:s8], [sflag:$0x3], $0x80, s11, s28, $0xb8;
	[tilespmem:$0x1E300] =	vst v63  }
0x6a: {  	s8 =	simm.s32 $0x300;
	s11 =	simm.s32 $0x3;
	_ =	swait.ge [sflag:s24], $0x4000  }
.LBB2_7:
0x6b: {  	s12 =	smulhi.u32 $0xAAAAAAAB, s11;
	[sflag:s24] =	ssyncset.done $0x0;
	s13 =	smov.u32 s0  }
0x6c: {  	s0 =	smov.u32 s9;
	s9 =	sadd.s32 $0x1, s9;
	s14 =	smov.u32 s30  }
0x6d: {  	p1 =	sne.s32 s6, s9;
	[sflag:s24] =	ssyncadd.s32 $0xFFFFC000  }
0x6e: {  	s12 =	sshrl.u32 s12, $0x1  }
0x6f: {  	s12 =	smul.u32 $0xFFFFF400, s12  }
0x70: {  	s15 =	smulhi.u32 $0xAAAAAAAB, s3;
	s30 =	sadd.s32 $0x100, s30;
	s16 =	sadd.s32 $0x2, s13  }
0x71: {  	s17 =	smulhi.u32 $0xAAAAAAAB, s13;
	p2 =	sge.u32 s16, s5;
	s12 =	sshra.s32 s12, $0x2  }
0x72: {  	s15 =	sshrl.u32 s15, $0x1;
	s16 =	simm.s32 @!p2 $0x0;
	s12 =	sadd.s32 s12, s8  }
0x73: {  	[tilespmem:s12], [sflag:$0x1] =	stream.linear.gather @!p2 [hbm4b:s22+s16], $0x100, $0x38;
	[tilespmem:$0x1E300] =	vst v63  }
0x74: {  	s13 =	sand.u32 $0x1, s13;
	s12 =	smul.u32 $0xFFFFF400, s15;
	_ =	swait.ge [sflag:s26], $0x100  }
0x75: {  	s13 =	sshll.u32 s13, $0xE;
	s15 =	sshrl.u32 s17, $0x1;
	[sflag:s26] =	ssyncset.done $0x0  }
0x76: {  	s16 =	sxor.u32 $0x4300, s13;
	s12 =	sshra.s32 s12, $0x2;
	[sflag:s26] =	ssyncadd.s32 $0xFFFFFF00  }
0x77: {  	s3 =	sadd.s32 $0x1, s3;
	s15 =	smul.u32 $0xFFFFF400, s15;
	s12 =	sadd.s32 s12, s31  }
0x78: {  	[tilespmem:s16], [sflag:$0x2] =	stream.indirect.gather [hbm4b:s1+s28], $0x80, s12, s28, $0xb8;
	[tilespmem:$0x1E300] =	vst v63  }
.Ltmp3:
0x79: {  	s12 =	sshra.s32 s15, $0x2;
	_ =	swait.ge [sflag:s29], $0x4000;
	(pc) =	sbr.rel @p1 .LBB2_7-.Ltmp3, $4  }
0x7a: {  	s13 =	sor.u32 $0x300, s13;
	s12 =	sadd.s32 s12, s14;
	[sflag:s29] =	ssyncset.done $0x0  }
0x7b: {  	s8 =	sadd.s32 $0x100, s8;
	s31 =	sadd.s32 $0x100, s31;
	[sflag:s29] =	ssyncadd.s32 $0xFFFFC000  }
0x7c: {  	[spmem:s2] =	stream.indirect.scatter.add.f32 [tilespmem:s13], [sflag:$0x3], $0x80, s12, s28, $0xb8;
	[tilespmem:$0x1E300] =	vst v63  }
0x7d: {  	s11 =	sadd.s32 $0x1, s11;
	s22 =	sadd.s32 $0x200, s22;
	_ =	swait.ge [sflag:s24], $0x4000  }
0x7e: {  	s12 =	smov.u32 s0  }
.LBB2_9:
0x7f: {  	s0 =	smulhi.u32 $0xAAAAAAAB, s11;
	_ =	sdelay $0x1  }
0x80: {  	s3 =	smulhi.u32 $0xAAAAAAAB, s3;
	s0 =	sshrl.u32 s0, $0x1  }
0x81: {  	[sflag:s24] =	ssyncset.done @p0 $0x0;
	s9 =	sadd.s32 $0x2, s12;
	s0 =	smul.u32 $0xFFFFF400, s0  }
0x82: {  	s13 =	smulhi.u32 $0xAAAAAAAB, s12;
	s15 =	sand.u32 $0x1, s12;
	[sflag:s24] =	ssyncadd.s32 @p0 $0xFFFFC000  }
0x83: {  	p0 =	sge.u32 s9, s5;
	s3 =	sshrl.u32 s3, $0x1;
	s0 =	sshra.s32 s0, $0x2  }
0x84: {  	s14 =	smul.u32 $0xFFFFF400, s3;
	s0 =	sadd.s32 s0, s8;
	s8 =	simm.s32 @!p0 $0x0  }
0x85: {  	[tilespmem:s0], [sflag:$0x1] =	stream.linear.gather @!p0 [hbm4b:s22+s8], $0x100, $0x38;
	[tilespmem:$0x1E300] =	vst v63  }
0x86: {  	s16 =	sshrl.u32 s13, $0x1;
	s3 =	sshll.u32 s15, $0xE;
	_ =	swait.ge [sflag:s26], $0x100  }
0x87: {  	s17 =	sxor.u32 $0x4300, s3;
	s0 =	sshra.s32 s14, $0x2;
	[sflag:s26] =	ssyncset.done $0x0  }
0x88: {  	s8 =	smul.u32 $0xFFFFF400, s16;
	s0 =	sadd.s32 s0, s31;
	[sflag:s26] =	ssyncadd.s32 $0xFFFFFF00  }
0x89: {  	[tilespmem:s17], [sflag:$0x2] =	stream.indirect.gather [hbm4b:s1+s28], $0x80, s0, s28, $0xb8;
	[tilespmem:$0x1E300] =	vst v63  }
0x8a: {  	_ =	swait.ge [sflag:s29], $0x4000  }
0x8b: {  	s22 =	sshra.s32 s8, $0x2;
	[sflag:s29] =	ssyncset.done $0x0  }
0x8c: {  	s3 =	sor.u32 $0x300, s3;
	s0 =	sadd.s32 s22, s30;
	[sflag:s29] =	ssyncadd.s32 $0xFFFFC000  }
0x8d: {  	[spmem:s2] =	stream.indirect.scatter.add.f32 [tilespmem:s3], [sflag:$0x3], $0x80, s0, s28, $0xb8;
	[tilespmem:$0x1E300] =	vst v63  }
0x8e: {  	_ =	swait.ge [sflag:s24], $0x4000  }
0x8f: {  	[sflag:s24] =	ssyncset.done $0x0  }
0x90: {  	[sflag:s24] =	ssyncadd.s32 $0xFFFFC000  }
0x91: {  	_ =	swait.ge [sflag:s29], $0x4000  }
0x92: {  	[sflag:s29] =	ssyncset.done $0x0  }
0x93: {  	[sflag:s29] =	ssyncadd.s32 $0xFFFFC000  }
0x94: {  	[spmem:s2] =	stream.indirect.scatter.add.f32 [tilespmem:s25], [sflag:$0x3], $0x80, s19, s28, $0xb8;
	[tilespmem:$0x1E300] =	vst v63  }
0x95: {  	_ =	swait.ge [sflag:s24], $0x4000  }
0x96: {  	s4 =	sadd.s32 $0x1, s4;
	s30 =	stileid.u32;
	[sflag:s24] =	ssyncset.done $0x0  }
0x97: {  	p0 =	sne.s32 s4, s21;
	s0 =	sshll.u32 s30, $0x6;
	[sflag:s24] =	ssyncadd.s32 $0xFFFFC000  }
0x98: {  	s31 =	sshrl.u32 s7, $0x3;
	s0 =	sor.u32 $0x1C03, s0;
	[bflag:$0x0] =	sbarrier.arrive $0xFFFF  }
0x99: {  	[hbm:s20], [sflag:s0] =	dma.local [spmem:s31], $0x2800  }
.Ltmp4:
0x9a: {  	_ =	swait.ge [sflag:s24], $0x2800;
	(pc) =	sbr.rel @p0 .LBB2_1-.Ltmp4, $4  }
.Ltmp5:
0x9b: {  	[sflag:s24] =	ssyncset.done $0x0;
	(pc) =	sbr.rel @!p0 .LBB2_10-.Ltmp5, $4  }
0x9c: {  	[sflag:s24] =	ssyncadd.s32 $0xFFFFD800  }
0x9d: {  	[bflag:$0x0] =	sbarrier.arrive $0xFFFF  }
0x9e: {  	_ = 	snop  }
0x9f: {  	_ = 	snop  }
.LBB2_4:
.Ltmp6:
0xa0: {  	(pc) =	sbr.rel .LBB2_9-.Ltmp6, $2  }
0xa1: {  	_ =	sdelay $0x2  }
0xa2: {  	s22 =	smov.u32 s10  }
.LBB2_6:
.Ltmp7:
0xa3: {  	(pc) =	sbr.rel .LBB2_9-.Ltmp7, $2  }
0xa4: {  	_ =	sdelay $0x2  }
0xa5: {  	s12 =	simm.s32 $0x1  }
.LBB2_10:
0xa6: {  	_ =	sfence.sel $0x180000  }
0xa7: {  	[bflag:$0x0] =	sbarrier.arrive $0xFFFF  }
0xa8: {  	_ =	strace $0x9000004D  }
0xa9: {  	s0 =	stileid.u32;
	[bflag:$0x2] =	sbarrier.arrive $0xFFFF  }
0xaa: {  	p0 =	sne.s32 s0, $0x0;
	s0 =	rddreg [dreg:$0x3]  }
0xab: {  	s0 =	sadd.s32 @!p0 $0x100000, s0  }
0xac: {  	[sflag:s0] =	ssyncadd.tile.s32 @!p0 $0x1;
	_ =	shalt  }
.Lfunc_end2:
_tile_overlayer_lowered:
.L_overlay_start_2:
0xad: {  	(tag) =	ssettag $0x2  }
0xae: {  	s0 =	rddreg [dreg:$0x0];
	s2 =	stileid.u32  }
0xaf: {  	s1 =	rddreg [dreg:$0x1];
	p0 =	sne.s32 s2, $0x0  }
0xb0: {  	s3 =	rddreg [dreg:$0x2];
	[bflag:$0x3] =	sbarrier.arrive $0xFFFF;
	s2 =	simm.s32 @!p0 $0x1C03  }
0xb1: {  	[timem:s3], [sflag:s2] =	dma.local @!p0 [hbm:s0], s1  }
0xb2: {  	s0 =	simm.s32 @!p0 $0x3  }
0xb3: {  	_ =	swait.ge @!p0 [sflag:s0], s1  }
0xb4: {  	s1 =	ssub.s32 @!p0 $0x0, s1;
	[sflag:s0] =	ssyncset.done @!p0 $0x0  }
0xb5: {  	[sflag:s0] =	ssyncadd.s32 @!p0 s1  }
0xb6: {  	[bflag:$0x3] =	sbarrier.arrive $0xFFFF  }
0xb7: {  	_ =	shalt  }

</sc_bundles>
